<compile_context>
chip_gen: v7x
topology: tpu7x:2x2x1
jax: 0.10.2.dev20260603
libtpu: 0.0.44.dev20260713+nightly
codegen_flags: <defaults>
</compile_context>

<pallas_src>
import functools

import jax
import jax.numpy as jnp
from jax import lax
from jax.experimental import pallas as pl
from jax.experimental.pallas import tpu as pltpu
from jax.experimental.pallas import tpu_sc as plsc

_LANES = 16
_BB = 128
_UNITS_PER_GROUP = 200


@functools.lru_cache(maxsize=None)
def _build_lookup(n_t: int, n_b: int, v: int, d: int):
    info = plsc.get_sparse_core_info()
    nc, ns = info.num_cores, info.num_subcores
    nw = nc * ns
    n_units = n_t * (n_b // _BB)
    assert n_units % (nw * _UNITS_PER_GROUP) == 0
    units_per_w = n_units // nw
    groups_per_w = units_per_w // _UNITS_PER_GROUP
    btiles = n_b // _BB
    dtiles = d // 8
    slab = 8 * _BB
    mesh = plsc.VectorSubcoreMesh(core_axis_name="c", subcore_axis_name="s")

    @functools.partial(
        pl.kernel,
        mesh=mesh,
        out_type=jax.ShapeDtypeStruct((n_t, dtiles, btiles, slab), jnp.float32),
        scratch_types=[
            pltpu.VMEM((v * d,), jnp.float32),
            pltpu.VMEM((_UNITS_PER_GROUP * _BB,), jnp.int32),
            pltpu.VMEM((2, dtiles * slab), jnp.float32),
            pltpu.SemaphoreType.DMA,
            pltpu.SemaphoreType.DMA,
        ],
        compiler_params=pltpu.CompilerParams(
            use_tc_tiling_on_sc=False, needs_layout_passes=False),
    )
    def lookup(ids_hbm, table_hbm, out_hbm, wt_v, idx_v, blk_v, sem0, sem1):
        wid = lax.axis_index("s") * nc + lax.axis_index("c")
        pltpu.sync_copy(table_hbm, wt_v)
        sems = (sem0, sem1)

        def drain(tb):
            for _ in range(dtiles):
                pltpu.make_async_copy(
                    out_hbm.at[0].at[0].at[0],
                    blk_v.at[tb].at[pl.ds(0, slab)],
                    sems[tb],
                ).wait()

        def unit(u, jl, tb):
            t = u // btiles
            btile = u - t * btiles
            n_sub = (_BB // _LANES) * (d // _LANES)

            @plsc.parallel_loop(0, n_sub, 1, unroll=4)
            def _(i):
                k = i // (d // _LANES)
                di = i % (d // _LANES)
                ids16 = idx_v[pl.ds(jl * _BB + k * _LANES, _LANES)]
                off = di * _LANES
                soff = off * _BB + k * _LANES
                for dd in range(_LANES):
                    val = plsc.load_gather(wt_v, [ids16 + (off + dd) * v])
                    blk_v.at[tb][pl.ds(soff + dd * _BB, _LANES)] = val
            for dt in range(dtiles):
                pltpu.async_copy(
                    blk_v.at[tb].at[pl.ds(dt * slab, slab)],
                    out_hbm.at[t].at[dt].at[btile],
                    sems[tb],
                )

        def group_body(g, carry):
            u0 = wid * units_per_w + g * _UNITS_PER_GROUP
            pltpu.sync_copy(
                ids_hbm.at[pl.ds(u0 * _BB, _UNITS_PER_GROUP * _BB)], idx_v)

            def pair_body(p, carry2):
                for joff in (0, 1):
                    jl = 2 * p + joff

                    @pl.when(jnp.logical_or(g > 0, p > 0))
                    def _():
                        drain(joff)

                    unit(u0 + jl, jl, joff)
                return carry2

            lax.fori_loop(0, _UNITS_PER_GROUP // 2, pair_body, 0)
            return carry

        lax.fori_loop(0, groups_per_w, group_body, 0)
        drain(0)
        drain(1)

    return lookup


def kernel(input_ids, W):
    bsz, seq = input_ids.shape
    v, d = W.shape
    ids_t = input_ids.astype(jnp.int32).T.reshape(-1)
    wt = W.T.reshape(-1)
    out5 = _build_lookup(seq, bsz, v, d)(ids_t, wt)
    out6 = out5.reshape(seq, d // 8, bsz // _BB, 8, _BB)
    out = out6.transpose(2, 4, 0, 1, 3).reshape(bsz, seq, d)
    return out

# --- scband reference (transcript-rebuilt; emitter-appended) ---
"""Pipeline reference for scband-dummy-text-encoder-6055903887507 (READ-ONLY COPY).

The authoritative reference and input builder live on the scoring server;
editing this copy changes nothing except your own understanding.
"""

import jax, jax.numpy as jnp
import numpy as np


def setup_inputs(seed: int = 0) -> dict:
    key = jax.random.key(seed)
    k_ids, k_w = jax.random.split(key)
    # input_ids: int64[4096, 200], values in [0, 32) to match the hardcoded vocab of 32
    input_ids = jax.random.randint(k_ids, (4096, 200), 0, 32)
    # Embedding table from torch.nn.Embedding(32, hidden_size=64)
    W = jax.random.normal(k_w, (32, 64), dtype=jnp.float32)
    return {"input_ids": input_ids, "W": W}


def reference(input_ids, W):
    # DummyTextEncoder.forward: inputs_embeds = self.embedding(input_ids)
    # returns Output(last_hidden_state=inputs_embeds); we return the array itself.
    last_hidden_state = jnp.take(W, input_ids, axis=0)
    return last_hidden_state

if __name__ == "__main__":
    import jax
    _d = setup_inputs()
    print(jax.jit(kernel)(*tuple(_d.values())))

</pallas_src>

<mosaic_0001>
#map = affine_map<(d0, d1) -> (0)>
#map1 = affine_map<(d0, d1) -> (0, 0, 0, 0)>
module attributes {stable_mosaic.version = 14 : i64} {
  func.func @lookup(%arg0: i32, %arg1: i32, %arg2: memref<819200xi32, #tpu.memory_space<hbm>>, %arg3: memref<2048xf32, #tpu.memory_space<hbm>>, %arg4: memref<200x8x32x1024xf32, #tpu.memory_space<hbm>>, %arg5: memref<2048xf32, #tpu.memory_space<vmem>>, %arg6: memref<25600xi32, #tpu.memory_space<vmem>>, %arg7: memref<2x8192xf32, #tpu.memory_space<vmem>>, %arg8: memref<!tpu.dma_semaphore, #tpu.memory_space<semaphore_mem>>, %arg9: memref<!tpu.dma_semaphore, #tpu.memory_space<semaphore_mem>>) attributes {dimension_semantics = [#tpu.dimension_semantics<core_parallel>, #tpu.dimension_semantics<subcore_parallel>], iteration_bounds = array<i64: 2, 16>, scalar_prefetch = 0 : i64, scratch_operands = 5 : i64, tpu.core_type = #tpu.core_type<sc_vector_subcore>, window_params = [{transform_indices = #map}, {transform_indices = #map}, {transform_indices = #map1}]} {
    %mul3A = arith.constant 2 : i32
    %mul3A_0 = arith.muli %arg1, %mul3A : i32
    %add3A = arith.addi %mul3A_0, %arg0 : i32
    "tpu.region"() ({
      %run_scoped3A = tpu.sem_alloc : memref<!tpu.dma_semaphore, #tpu.memory_space<semaphore_mem>>
      tpu.enqueue_dma source(%arg3 : memref<2048xf32, #tpu.memory_space<hbm>>) target(%arg5 : memref<2048xf32, #tpu.memory_space<vmem>>) target_semaphore(%run_scoped3A : memref<!tpu.dma_semaphore, #tpu.memory_space<semaphore_mem>>)
      tpu.wait_dma2 semaphore(%run_scoped3A : memref<!tpu.dma_semaphore, #tpu.memory_space<semaphore_mem>>) src(%arg3 : memref<2048xf32, #tpu.memory_space<hbm>>) dst(%arg5 : memref<2048xf32, #tpu.memory_space<vmem>>)
      tpu.yield
    }) : () -> ()
    %scan3A = arith.constant 0 : i32
    %scan3A_1 = arith.constant 0 : i32
    %mul3A_2 = arith.constant 200 : i32
    %mul3A_3 = arith.muli %add3A, %mul3A_2 : i32
    %mul3A_4 = arith.constant 200 : i32
    %mul3A_5 = arith.muli %scan3A_1, %mul3A_4 : i32
    %add3A_6 = arith.addi %mul3A_3, %mul3A_5 : i32
    %mul3A_7 = arith.constant 128 : i32
    %mul3A_8 = arith.muli %add3A_6, %mul3A_7 : i32
    "tpu.region"() ({
      %run_scoped3A = tpu.sem_alloc : memref<!tpu.dma_semaphore, #tpu.memory_space<semaphore_mem>>
      %dma_start3A = tpu.memref_slice %arg2[%mul3A_8] : memref<819200xi32, #tpu.memory_space<hbm>> -> memref<25600xi32, #tpu.memory_space<hbm>>
      %dma_start3A_623 = tpu.memref_slice %arg2[%mul3A_8] : memref<819200xi32, #tpu.memory_space<hbm>> -> memref<25600xi32, #tpu.memory_space<hbm>>
      tpu.enqueue_dma source(%dma_start3A_623 : memref<25600xi32, #tpu.memory_space<hbm>>) target(%arg6 : memref<25600xi32, #tpu.memory_space<vmem>>) target_semaphore(%run_scoped3A : memref<!tpu.dma_semaphore, #tpu.memory_space<semaphore_mem>>)
      %dma_wait3A_624 = tpu.memref_slice %arg2[%mul3A_8] : memref<819200xi32, #tpu.memory_space<hbm>> -> memref<25600xi32, #tpu.memory_space<hbm>>
      %dma_wait3A_625 = tpu.memref_slice %arg2[%mul3A_8] : memref<819200xi32, #tpu.memory_space<hbm>> -> memref<25600xi32, #tpu.memory_space<hbm>>
      tpu.wait_dma2 semaphore(%run_scoped3A : memref<!tpu.dma_semaphore, #tpu.memory_space<semaphore_mem>>) src(%dma_wait3A_625 : memref<25600xi32, #tpu.memory_space<hbm>>) dst(%arg6 : memref<25600xi32, #tpu.memory_space<vmem>>)
      tpu.yield
    }) : () -> ()
    %scan3A_9 = arith.constant 0 : i32
    %scan3A_10 = arith.constant 0 : i32
    %scan3A_11 = arith.constant 100 : i32
    %scan3A_12 = arith.addi %scan3A_10, %scan3A_11 : i32
    %scan3A_13 = arith.constant 1 : i32
    scf.for %scan3A_623 = %scan3A_10 to %scan3A_12 step %scan3A_13  : i32 {
      %mul3A_624 = arith.constant 2 : i32
      %mul3A_625 = arith.muli %mul3A_624, %scan3A_623 : i32
      %add3A_626 = arith.constant 0 : i32
      %add3A_627 = arith.addi %mul3A_625, %add3A_626 : i32
      %gt3A = arith.constant 0 : i32
      %gt3A_628 = arith.cmpi sgt, %scan3A_1, %gt3A : i32
      %gt3A_629 = arith.constant 0 : i32
      %gt3A_630 = arith.cmpi sgt, %scan3A_623, %gt3A_629 : i32
      %or3A = arith.ori %gt3A_628, %gt3A_630 : i1
      %convert_element_type3A = arith.extui %or3A : i1 to i32
      %cond3A = arith.constant 0 : i32
      %cond3A_631 = arith.cmpi ne, %convert_element_type3A, %cond3A : i32
      scf.if %cond3A_631 {
        %dma_wait3A_1272 = arith.constant 0 : i32
        %dma_wait3A_1273 = arith.constant 0 : i32
        %dma_wait3A_1274 = arith.constant 0 : i32
        %dma_wait3A_1275 = arith.constant 0 : i32
        %dma_wait3A_1276 = arith.constant 0 : i32
        %dma_wait3A_1277 = tpu.memref_slice %arg7[%dma_wait3A_1275, %dma_wait3A_1276] : memref<2x8192xf32, #tpu.memory_space<vmem>> -> memref<1x8192xf32, #tpu.memory_space<vmem>>
        %dma_wait3A_1278 = tpu.memref_squeeze %dma_wait3A_1277 : memref<1x8192xf32, #tpu.memory_space<vmem>> -> memref<8192xf32, #tpu.memory_space<vmem>>
        %dma_wait3A_1279 = arith.constant 0 : i32
        %dma_wait3A_1280 = tpu.memref_slice %dma_wait3A_1278[%dma_wait3A_1279] : memref<8192xf32, #tpu.memory_space<vmem>> -> memref<1024xf32, #tpu.memory_space<vmem>>
        %dma_wait3A_1281 = arith.constant 0 : i32
        %dma_wait3A_1282 = arith.constant 0 : i32
        %dma_wait3A_1283 = arith.constant 0 : i32
        %dma_wait3A_1284 = tpu.memref_slice %arg4[%dma_wait3A_1272, %dma_wait3A_1281, %dma_wait3A_1282, %dma_wait3A_1283] : memref<200x8x32x1024xf32, #tpu.memory_space<hbm>> -> memref<1x8x32x1024xf32, #tpu.memory_space<hbm>>
        %dma_wait3A_1285 = tpu.memref_squeeze %dma_wait3A_1284 : memref<1x8x32x1024xf32, #tpu.memory_space<hbm>> -> memref<8x32x1024xf32, #tpu.memory_space<hbm>>
        %dma_wait3A_1286 = arith.constant 0 : i32
        %dma_wait3A_1287 = arith.constant 0 : i32
        %dma_wait3A_1288 = tpu.memref_slice %dma_wait3A_1285[%dma_wait3A_1273, %dma_wait3A_1286, %dma_wait3A_1287] : memref<8x32x1024xf32, #tpu.memory_space<hbm>> -> memref<1x32x1024xf32, #tpu.memory_space<hbm>>
        %dma_wait3A_1289 = tpu.memref_squeeze %dma_wait3A_1288 : memref<1x32x1024xf32, #tpu.memory_space<hbm>> -> memref<32x1024xf32, #tpu.memory_space<hbm>>
        %dma_wait3A_1290 = arith.constant 0 : i32
        %dma_wait3A_1291 = tpu.memref_slice %dma_wait3A_1289[%dma_wait3A_1274, %dma_wait3A_1290] : memref<32x1024xf32, #tpu.memory_space<hbm>> -> memref<1x1024xf32, #tpu.memory_space<hbm>>
        %dma_wait3A_1292 = tpu.memref_squeeze %dma_wait3A_1291 : memref<1x1024xf32, #tpu.memory_space<hbm>> -> memref<1024xf32, #tpu.memory_space<hbm>>
        %dma_wait3A_1293 = arith.constant 0 : i32
        %dma_wait3A_1294 = tpu.memref_slice %arg7[%dma_wait3A_1275, %dma_wait3A_1293] : memref<2x8192xf32, #tpu.memory_space<vmem>> -> memref<1x8192xf32, #tpu.memory_space<vmem>>
        %dma_wait3A_1295 = tpu.memref_squeeze %dma_wait3A_1294 : memref<1x8192xf32, #tpu.memory_space<vmem>> -> memref<8192xf32, #tpu.memory_space<vmem>>
        %dma_wait3A_1296 = arith.constant 0 : i32
        %dma_wait3A_1297 = tpu.memref_slice %dma_wait3A_1295[%dma_wait3A_1296] : memref<8192xf32, #tpu.memory_space<vmem>> -> memref<1024xf32, #tpu.memory_space<vmem>>
        %dma_wait3A_1298 = arith.constant 0 : i32
        %dma_wait3A_1299 = arith.constant 0 : i32
        %dma_wait3A_1300 = arith.constant 0 : i32
        %dma_wait3A_1301 = tpu.memref_slice %arg4[%dma_wait3A_1272, %dma_wait3A_1298, %dma_wait3A_1299, %dma_wait3A_1300] : memref<200x8x32x1024xf32, #tpu.memory_space<hbm>> -> memref<1x8x32x1024xf32, #tpu.memory_space<hbm>>
        %dma_wait3A_1302 = tpu.memref_squeeze %dma_wait3A_1301 : memref<1x8x32x1024xf32, #tpu.memory_space<hbm>> -> memref<8x32x1024xf32, #tpu.memory_space<hbm>>
        %dma_wait3A_1303 = arith.constant 0 : i32
        %dma_wait3A_1304 = arith.constant 0 : i32
        %dma_wait3A_1305 = tpu.memref_slice %dma_wait3A_1302[%dma_wait3A_1273, %dma_wait3A_1303, %dma_wait3A_1304] : memref<8x32x1024xf32, #tpu.memory_space<hbm>> -> memref<1x32x1024xf32, #tpu.memory_space<hbm>>
        %dma_wait3A_1306 = tpu.memref_squeeze %dma_wait3A_1305 : memref<1x32x1024xf32, #tpu.memory_space<hbm>> -> memref<32x1024xf32, #tpu.memory_space<hbm>>
        %dma_wait3A_1307 = arith.constant 0 : i32
        %dma_wait3A_1308 = tpu.memref_slice %dma_wait3A_1306[%dma_wait3A_1274, %dma_wait3A_1307] : memref<32x1024xf32, #tpu.memory_space<hbm>> -> memref<1x1024xf32, #tpu.memory_space<hbm>>
        %dma_wait3A_1309 = tpu.memref_squeeze %dma_wait3A_1308 : memref<1x1024xf32, #tpu.memory_space<hbm>> -> memref<1024xf32, #tpu.memory_space<hbm>>
        tpu.wait_dma2 semaphore(%arg8 : memref<!tpu.dma_semaphore, #tpu.memory_space<semaphore_mem>>) src(%dma_wait3A_1309 : memref<1024xf32, #tpu.memory_space<hbm>>) dst(%dma_wait3A_1297 : memref<1024xf32, #tpu.memory_space<vmem>>)
        %dma_wait3A_1310 = arith.constant 0 : i32
        %dma_wait3A_1311 = arith.constant 0 : i32
        %dma_wait3A_1312 = arith.constant 0 : i32
        %dma_wait3A_1313 = arith.constant 0 : i32
        %dma_wait3A_1314 = arith.constant 0 : i32
        %dma_wait3A_1315 = tpu.memref_slice %arg7[%dma_wait3A_1313, %dma_wait3A_1314] : memref<2x8192xf32, #tpu.memory_space<vmem>> -> memref<1x8192xf32, #tpu.memory_space<vmem>>
        %dma_wait3A_1316 = tpu.memref_squeeze %dma_wait3A_1315 : memref<1x8192xf32, #tpu.memory_space<vmem>> -> memref<8192xf32, #tpu.memory_space<vmem>>
        %dma_wait3A_1317 = arith.constant 0 : i32
        %dma_wait3A_1318 = tpu.memref_slice %dma_wait3A_1316[%dma_wait3A_1317] : memref<8192xf32, #tpu.memory_space<vmem>> -> memref<1024xf32, #tpu.memory_space<vmem>>
        %dma_wait3A_1319 = arith.constant 0 : i32
        %dma_wait3A_1320 = arith.constant 0 : i32
        %dma_wait3A_1321 = arith.constant 0 : i32
        %dma_wait3A_1322 = tpu.memref_slice %arg4[%dma_wait3A_1310, %dma_wait3A_1319, %dma_wait3A_1320, %dma_wait3A_1321] : memref<200x8x32x1024xf32, #tpu.memory_space<hbm>> -> memref<1x8x32x1024xf32, #tpu.memory_space<hbm>>
        %dma_wait3A_1323 = tpu.memref_squeeze %dma_wait3A_1322 : memref<1x8x32x1024xf32, #tpu.memory_space<hbm>> -> memref<8x32x1024xf32, #tpu.memory_space<hbm>>
        %dma_wait3A_1324 = arith.constant 0 : i32
        %dma_wait3A_1325 = arith.constant 0 : i32
        %dma_wait3A_1326 = tpu.memref_slice %dma_wait3A_1323[%dma_wait3A_1311, %dma_wait3A_1324, %dma_wait3A_1325] : memref<8x32x1024xf32, #tpu.memory_space<hbm>> -> memref<1x32x1024xf32, #tpu.memory_space<hbm>>
        %dma_wait3A_1327 = tpu.memref_squeeze %dma_wait3A_1326 : memref<1x32x1024xf32, #tpu.memory_space<hbm>> -> memref<32x1024xf32, #tpu.memory_space<hbm>>
        %dma_wait3A_1328 = arith.constant 0 : i32
        %dma_wait3A_1329 = tpu.memref_slice %dma_wait3A_1327[%dma_wait3A_1312, %dma_wait3A_1328] : memref<32x1024xf32, #tpu.memory_space<hbm>> -> memref<1x1024xf32, #tpu.memory_space<hbm>>
        %dma_wait3A_1330 = tpu.memref_squeeze %dma_wait3A_1329 : memref<1x1024xf32, #tpu.memory_space<hbm>> -> memref<1024xf32, #tpu.memory_space<hbm>>
        %dma_wait3A_1331 = arith.constant 0 : i32
        %dma_wait3A_1332 = tpu.memref_slice %arg7[%dma_wait3A_1313, %dma_wait3A_1331] : memref<2x8192xf32, #tpu.memory_space<vmem>> -> memref<1x8192xf32, #tpu.memory_space<vmem>>
        %dma_wait3A_1333 = tpu.memref_squeeze %dma_wait3A_1332 : memref<1x8192xf32, #tpu.memory_space<vmem>> -> memref<8192xf32, #tpu.memory_space<vmem>>
        %dma_wait3A_1334 = arith.constant 0 : i32
        %dma_wait3A_1335 = tpu.memref_slice %dma_wait3A_1333[%dma_wait3A_1334] : memref<8192xf32, #tpu.memory_space<vmem>> -> memref<1024xf32, #tpu.memory_space<vmem>>
        %dma_wait3A_1336 = arith.constant 0 : i32
        %dma_wait3A_1337 = arith.constant 0 : i32
        %dma_wait3A_1338 = arith.constant 0 : i32
        %dma_wait3A_1339 = tpu.memref_slice %arg4[%dma_wait3A_1310, %dma_wait3A_1336, %dma_wait3A_1337, %dma_wait3A_1338] : memref<200x8x32x1024xf32, #tpu.memory_space<hbm>> -> memref<1x8x32x1024xf32, #tpu.memory_space<hbm>>
        %dma_wait3A_1340 = tpu.memref_squeeze %dma_wait3A_1339 : memref<1x8x32x1024xf32, #tpu.memory_space<hbm>> -> memref<8x32x1024xf32, #tpu.memory_space<hbm>>
        %dma_wait3A_1341 = arith.constant 0 : i32
        %dma_wait3A_1342 = arith.constant 0 : i32
        %dma_wait3A_1343 = tpu.memref_slice %dma_wait3A_1340[%dma_wait3A_1311, %dma_wait3A_1341, %dma_wait3A_1342] : memref<8x32x1024xf32, #tpu.memory_space<hbm>> -> memref<1x32x1024xf32, #tpu.memory_space<hbm>>
        %dma_wait3A_1344 = tpu.memref_squeeze %dma_wait3A_1343 : memref<1x32x1024xf32, #tpu.memory_space<hbm>> -> memref<32x1024xf32, #tpu.memory_space<hbm>>
        %dma_wait3A_1345 = arith.constant 0 : i32
        %dma_wait3A_1346 = tpu.memref_slice %dma_wait3A_1344[%dma_wait3A_1312, %dma_wait3A_1345] : memref<32x1024xf32, #tpu.memory_space<hbm>> -> memref<1x1024xf32, #tpu.memory_space<hbm>>
        %dma_wait3A_1347 = tpu.memref_squeeze %dma_wait3A_1346 : memref<1x1024xf32, #tpu.memory_space<hbm>> -> memref<1024xf32, #tpu.memory_space<hbm>>
        tpu.wait_dma2 semaphore(%arg8 : memref<!tpu.dma_semaphore, #tpu.memory_space<semaphore_mem>>) src(%dma_wait3A_1347 : memref<1024xf32, #tpu.memory_space<hbm>>) dst(%dma_wait3A_1335 : memref<1024xf32, #tpu.memory_space<vmem>>)
        %dma_wait3A_1348 = arith.constant 0 : i32
        %dma_wait3A_1349 = arith.constant 0 : i32
        %dma_wait3A_1350 = arith.constant 0 : i32
        %dma_wait3A_1351 = arith.constant 0 : i32
        %dma_wait3A_1352 = arith.constant 0 : i32
        %dma_wait3A_1353 = tpu.memref_slice %arg7[%dma_wait3A_1351, %dma_wait3A_1352] : memref<2x8192xf32, #tpu.memory_space<vmem>> -> memref<1x8192xf32, #tpu.memory_space<vmem>>
        %dma_wait3A_1354 = tpu.memref_squeeze %dma_wait3A_1353 : memref<1x8192xf32, #tpu.memory_space<vmem>> -> memref<8192xf32, #tpu.memory_space<vmem>>
        %dma_wait3A_1355 = arith.constant 0 : i32
        %dma_wait3A_1356 = tpu.memref_slice %dma_wait3A_1354[%dma_wait3A_1355] : memref<8192xf32, #tpu.memory_space<vmem>> -> memref<1024xf32, #tpu.memory_space<vmem>>
        %dma_wait3A_1357 = arith.constant 0 : i32
        %dma_wait3A_1358 = arith.constant 0 : i32
        %dma_wait3A_1359 = arith.constant 0 : i32
        %dma_wait3A_1360 = tpu.memref_slice %arg4[%dma_wait3A_1348, %dma_wait3A_1357, %dma_wait3A_1358, %dma_wait3A_1359] : memref<200x8x32x1024xf32, #tpu.memory_space<hbm>> -> memref<1x8x32x1024xf32, #tpu.memory_space<hbm>>
        %dma_wait3A_1361 = tpu.memref_squeeze %dma_wait3A_1360 : memref<1x8x32x1024xf32, #tpu.memory_space<hbm>> -> memref<8x32x1024xf32, #tpu.memory_space<hbm>>
        %dma_wait3A_1362 = arith.constant 0 : i32
        %dma_wait3A_1363 = arith.constant 0 : i32
        %dma_wait3A_1364 = tpu.memref_slice %dma_wait3A_1361[%dma_wait3A_1349, %dma_wait3A_1362, %dma_wait3A_1363] : memref<8x32x1024xf32, #tpu.memory_space<hbm>> -> memref<1x32x1024xf32, #tpu.memory_space<hbm>>
        %dma_wait3A_1365 = tpu.memref_squeeze %dma_wait3A_1364 : memref<1x32x1024xf32, #tpu.memory_space<hbm>> -> memref<32x1024xf32, #tpu.memory_space<hbm>>
        %dma_wait3A_1366 = arith.constant 0 : i32
        %dma_wait3A_1367 = tpu.memref_slice %dma_wait3A_1365[%dma_wait3A_1350, %dma_wait3A_1366] : memref<32x1024xf32, #tpu.memory_space<hbm>> -> memref<1x1024xf32, #tpu.memory_space<hbm>>
        %dma_wait3A_1368 = tpu.memref_squeeze %dma_wait3A_1367 : memref<1x1024xf32, #tpu.memory_space<hbm>> -> memref<1024xf32, #tpu.memory_space<hbm>>
        %dma_wait3A_1369 = arith.constant 0 : i32
        %dma_wait3A_1370 = tpu.memref_slice %arg7[%dma_wait3A_1351, %dma_wait3A_1369] : memref<2x8192xf32, #tpu.memory_space<vmem>> -> memref<1x8192xf32, #tpu.memory_space<vmem>>
        %dma_wait3A_1371 = tpu.memref_squeeze %dma_wait3A_1370 : memref<1x8192xf32, #tpu.memory_space<vmem>> -> memref<8192xf32, #tpu.memory_space<vmem>>
        %dma_wait3A_1372 = arith.constant 0 : i32
        %dma_wait3A_1373 = tpu.memref_slice %dma_wait3A_1371[%dma_wait3A_1372] : memref<8192xf32, #tpu.memory_space<vmem>> -> memref<1024xf32, #tpu.memory_space<vmem>>
        %dma_wait3A_1374 = arith.constant 0 : i32
        %dma_wait3A_1375 = arith.constant 0 : i32
        %dma_wait3A_1376 = arith.constant 0 : i32
        %dma_wait3A_1377 = tpu.memref_slice %arg4[%dma_wait3A_1348, %dma_wait3A_1374, %dma_wait3A_1375, %dma_wait3A_1376] : memref<200x8x32x1024xf32, #tpu.memory_space<hbm>> -> memref<1x8x32x1024xf32, #tpu.memory_space<hbm>>
        %dma_wait3A_1378 = tpu.memref_squeeze %dma_wait3A_1377 : memref<1x8x32x1024xf32, #tpu.memory_space<hbm>> -> memref<8x32x1024xf32, #tpu.memory_space<hbm>>
        %dma_wait3A_1379 = arith.constant 0 : i32
        %dma_wait3A_1380 = arith.constant 0 : i32
        %dma_wait3A_1381 = tpu.memref_slice %dma_wait3A_1378[%dma_wait3A_1349, %dma_wait3A_1379, %dma_wait3A_1380] : memref<8x32x1024xf32, #tpu.memory_space<hbm>> -> memref<1x32x1024xf32, #tpu.memory_space<hbm>>
        %dma_wait3A_1382 = tpu.memref_squeeze %dma_wait3A_1381 : memref<1x32x1024xf32, #tpu.memory_space<hbm>> -> memref<32x1024xf32, #tpu.memory_space<hbm>>
        %dma_wait3A_1383 = arith.constant 0 : i32
        %dma_wait3A_1384 = tpu.memref_slice %dma_wait3A_1382[%dma_wait3A_1350, %dma_wait3A_1383] : memref<32x1024xf32, #tpu.memory_space<hbm>> -> memref<1x1024xf32, #tpu.memory_space<hbm>>
        %dma_wait3A_1385 = tpu.memref_squeeze %dma_wait3A_1384 : memref<1x1024xf32, #tpu.memory_space<hbm>> -> memref<1024xf32, #tpu.memory_space<hbm>>
        tpu.wait_dma2 semaphore(%arg8 : memref<!tpu.dma_semaphore, #tpu.memory_space<semaphore_mem>>) src(%dma_wait3A_1385 : memref<1024xf32, #tpu.memory_space<hbm>>) dst(%dma_wait3A_1373 : memref<1024xf32, #tpu.memory_space<vmem>>)
        %dma_wait3A_1386 = arith.constant 0 : i32
        %dma_wait3A_1387 = arith.constant 0 : i32
        %dma_wait3A_1388 = arith.constant 0 : i32
        %dma_wait3A_1389 = arith.constant 0 : i32
        %dma_wait3A_1390 = arith.constant 0 : i32
        %dma_wait3A_1391 = tpu.memref_slice %arg7[%dma_wait3A_1389, %dma_wait3A_1390] : memref<2x8192xf32, #tpu.memory_space<vmem>> -> memref<1x8192xf32, #tpu.memory_space<vmem>>
        %dma_wait3A_1392 = tpu.memref_squeeze %dma_wait3A_1391 : memref<1x8192xf32, #tpu.memory_space<vmem>> -> memref<8192xf32, #tpu.memory_space<vmem>>
        %dma_wait3A_1393 = arith.constant 0 : i32
        %dma_wait3A_1394 = tpu.memref_slice %dma_wait3A_1392[%dma_wait3A_1393] : memref<8192xf32, #tpu.memory_space<vmem>> -> memref<1024xf32, #tpu.memory_space<vmem>>
        %dma_wait3A_1395 = arith.constant 0 : i32
        %dma_wait3A_1396 = arith.constant 0 : i32
        %dma_wait3A_1397 = arith.constant 0 : i32
        %dma_wait3A_1398 = tpu.memref_slice %arg4[%dma_wait3A_1386, %dma_wait3A_1395, %dma_wait3A_1396, %dma_wait3A_1397] : memref<200x8x32x1024xf32, #tpu.memory_space<hbm>> -> memref<1x8x32x1024xf32, #tpu.memory_space<hbm>>
        %dma_wait3A_1399 = tpu.memref_squeeze %dma_wait3A_1398 : memref<1x8x32x1024xf32, #tpu.memory_space<hbm>> -> memref<8x32x1024xf32, #tpu.memory_space<hbm>>
        %dma_wait3A_1400 = arith.constant 0 : i32
        %dma_wait3A_1401 = arith.constant 0 : i32
        %dma_wait3A_1402 = tpu.memref_slice %dma_wait3A_1399[%dma_wait3A_1387, %dma_wait3A_1400, %dma_wait3A_1401] : memref<8x32x1024xf32, #tpu.memory_space<hbm>> -> memref<1x32x1024xf32, #tpu.memory_space<hbm>>
        %dma_wait3A_1403 = tpu.memref_squeeze %dma_wait3A_1402 : memref<1x32x1024xf32, #tpu.memory_space<hbm>> -> memref<32x1024xf32, #tpu.memory_space<hbm>>
        %dma_wait3A_1404 = arith.constant 0 : i32
        %dma_wait3A_1405 = tpu.memref_slice %dma_wait3A_1403[%dma_wait3A_1388, %dma_wait3A_1404] : memref<32x1024xf32, #tpu.memory_space<hbm>> -> memref<1x1024xf32, #tpu.memory_space<hbm>>
        %dma_wait3A_1406 = tpu.memref_squeeze %dma_wait3A_1405 : memref<1x1024xf32, #tpu.memory_space<hbm>> -> memref<1024xf32, #tpu.memory_space<hbm>>
        %dma_wait3A_1407 = arith.constant 0 : i32
        %dma_wait3A_1408 = tpu.memref_slice %arg7[%dma_wait3A_1389, %dma_wait3A_1407] : memref<2x8192xf32, #tpu.memory_space<vmem>> -> memref<1x8192xf32, #tpu.memory_space<vmem>>
        %dma_wait3A_1409 = tpu.memref_squeeze %dma_wait3A_1408 : memref<1x8192xf32, #tpu.memory_space<vmem>> -> memref<8192xf32, #tpu.memory_space<vmem>>
        %dma_wait3A_1410 = arith.constant 0 : i32
        %dma_wait3A_1411 = tpu.memref_slice %dma_wait3A_1409[%dma_wait3A_1410] : memref<8192xf32, #tpu.memory_space<vmem>> -> memref<1024xf32, #tpu.memory_space<vmem>>
        %dma_wait3A_1412 = arith.constant 0 : i32
        %dma_wait3A_1413 = arith.constant 0 : i32
        %dma_wait3A_1414 = arith.constant 0 : i32
        %dma_wait3A_1415 = tpu.memref_slice %arg4[%dma_wait3A_1386, %dma_wait3A_1412, %dma_wait3A_1413, %dma_wait3A_1414] : memref<200x8x32x1024xf32, #tpu.memory_space<hbm>> -> memref<1x8x32x1024xf32, #tpu.memory_space<hbm>>
        %dma_wait3A_1416 = tpu.memref_squeeze %dma_wait3A_1415 : memref<1x8x32x1024xf32, #tpu.memory_space<hbm>> -> memref<8x32x1024xf32, #tpu.memory_space<hbm>>
        %dma_wait3A_1417 = arith.constant 0 : i32
        %dma_wait3A_1418 = arith.constant 0 : i32
        %dma_wait3A_1419 = tpu.memref_slice %dma_wait3A_1416[%dma_wait3A_1387, %dma_wait3A_1417, %dma_wait3A_1418] : memref<8x32x1024xf32, #tpu.memory_space<hbm>> -> memref<1x32x1024xf32, #tpu.memory_space<hbm>>
        %dma_wait3A_1420 = tpu.memref_squeeze %dma_wait3A_1419 : memref<1x32x1024xf32, #tpu.memory_space<hbm>> -> memref<32x1024xf32, #tpu.memory_space<hbm>>
        %dma_wait3A_1421 = arith.constant 0 : i32
        %dma_wait3A_1422 = tpu.memref_slice %dma_wait3A_1420[%dma_wait3A_1388, %dma_wait3A_1421] : memref<32x1024xf32, #tpu.memory_space<hbm>> -> memref<1x1024xf32, #tpu.memory_space<hbm>>
        %dma_wait3A_1423 = tpu.memref_squeeze %dma_wait3A_1422 : memref<1x1024xf32, #tpu.memory_space<hbm>> -> memref<1024xf32, #tpu.memory_space<hbm>>
        tpu.wait_dma2 semaphore(%arg8 : memref<!tpu.dma_semaphore, #tpu.memory_space<semaphore_mem>>) src(%dma_wait3A_1423 : memref<1024xf32, #tpu.memory_space<hbm>>) dst(%dma_wait3A_1411 : memref<1024xf32, #tpu.memory_space<vmem>>)
        %dma_wait3A_1424 = arith.constant 0 : i32
        %dma_wait3A_1425 = arith.constant 0 : i32
        %dma_wait3A_1426 = arith.constant 0 : i32
        %dma_wait3A_1427 = arith.constant 0 : i32
        %dma_wait3A_1428 = arith.constant 0 : i32
        %dma_wait3A_1429 = tpu.memref_slice %arg7[%dma_wait3A_1427, %dma_wait3A_1428] : memref<2x8192xf32, #tpu.memory_space<vmem>> -> memref<1x8192xf32, #tpu.memory_space<vmem>>
        %dma_wait3A_1430 = tpu.memref_squeeze %dma_wait3A_1429 : memref<1x8192xf32, #tpu.memory_space<vmem>> -> memref<8192xf32, #tpu.memory_space<vmem>>
        %dma_wait3A_1431 = arith.constant 0 : i32
        %dma_wait3A_1432 = tpu.memref_slice %dma_wait3A_1430[%dma_wait3A_1431] : memref<8192xf32, #tpu.memory_space<vmem>> -> memref<1024xf32, #tpu.memory_space<vmem>>
        %dma_wait3A_1433 = arith.constant 0 : i32
        %dma_wait3A_1434 = arith.constant 0 : i32
        %dma_wait3A_1435 = arith.constant 0 : i32
        %dma_wait3A_1436 = tpu.memref_slice %arg4[%dma_wait3A_1424, %dma_wait3A_1433, %dma_wait3A_1434, %dma_wait3A_1435] : memref<200x8x32x1024xf32, #tpu.memory_space<hbm>> -> memref<1x8x32x1024xf32, #tpu.memory_space<hbm>>
        %dma_wait3A_1437 = tpu.memref_squeeze %dma_wait3A_1436 : memref<1x8x32x1024xf32, #tpu.memory_space<hbm>> -> memref<8x32x1024xf32, #tpu.memory_space<hbm>>
        %dma_wait3A_1438 = arith.constant 0 : i32
        %dma_wait3A_1439 = arith.constant 0 : i32
        %dma_wait3A_1440 = tpu.memref_slice %dma_wait3A_1437[%dma_wait3A_1425, %dma_wait3A_1438, %dma_wait3A_1439] : memref<8x32x1024xf32, #tpu.memory_space<hbm>> -> memref<1x32x1024xf32, #tpu.memory_space<hbm>>
        %dma_wait3A_1441 = tpu.memref_squeeze %dma_wait3A_1440 : memref<1x32x1024xf32, #tpu.memory_space<hbm>> -> memref<32x1024xf32, #tpu.memory_space<hbm>>
        %dma_wait3A_1442 = arith.constant 0 : i32
        %dma_wait3A_1443 = tpu.memref_slice %dma_wait3A_1441[%dma_wait3A_1426, %dma_wait3A_1442] : memref<32x1024xf32, #tpu.memory_space<hbm>> -> memref<1x1024xf32, #tpu.memory_space<hbm>>
        %dma_wait3A_1444 = tpu.memref_squeeze %dma_wait3A_1443 : memref<1x1024xf32, #tpu.memory_space<hbm>> -> memref<1024xf32, #tpu.memory_space<hbm>>
        %dma_wait3A_1445 = arith.constant 0 : i32
        %dma_wait3A_1446 = tpu.memref_slice %arg7[%dma_wait3A_1427, %dma_wait3A_1445] : memref<2x8192xf32, #tpu.memory_space<vmem>> -> memref<1x8192xf32, #tpu.memory_space<vmem>>
        %dma_wait3A_1447 = tpu.memref_squeeze %dma_wait3A_1446 : memref<1x8192xf32, #tpu.memory_space<vmem>> -> memref<8192xf32, #tpu.memory_space<vmem>>
        %dma_wait3A_1448 = arith.constant 0 : i32
        %dma_wait3A_1449 = tpu.memref_slice %dma_wait3A_1447[%dma_wait3A_1448] : memref<8192xf32, #tpu.memory_space<vmem>> -> memref<1024xf32, #tpu.memory_space<vmem>>
        %dma_wait3A_1450 = arith.constant 0 : i32
        %dma_wait3A_1451 = arith.constant 0 : i32
        %dma_wait3A_1452 = arith.constant 0 : i32
        %dma_wait3A_1453 = tpu.memref_slice %arg4[%dma_wait3A_1424, %dma_wait3A_1450, %dma_wait3A_1451, %dma_wait3A_1452] : memref<200x8x32x1024xf32, #tpu.memory_space<hbm>> -> memref<1x8x32x1024xf32, #tpu.memory_space<hbm>>
        %dma_wait3A_1454 = tpu.memref_squeeze %dma_wait3A_1453 : memref<1x8x32x1024xf32, #tpu.memory_space<hbm>> -> memref<8x32x1024xf32, #tpu.memory_space<hbm>>
        %dma_wait3A_1455 = arith.constant 0 : i32
        %dma_wait3A_1456 = arith.constant 0 : i32
        %dma_wait3A_1457 = tpu.memref_slice %dma_wait3A_1454[%dma_wait3A_1425, %dma_wait3A_1455, %dma_wait3A_1456] : memref<8x32x1024xf32, #tpu.memory_space<hbm>> -> memref<1x32x1024xf32, #tpu.memory_space<hbm>>
        %dma_wait3A_1458 = tpu.memref_squeeze %dma_wait3A_1457 : memref<1x32x1024xf32, #tpu.memory_space<hbm>> -> memref<32x1024xf32, #tpu.memory_space<hbm>>
        %dma_wait3A_1459 = arith.constant 0 : i32
        %dma_wait3A_1460 = tpu.memref_slice %dma_wait3A_1458[%dma_wait3A_1426, %dma_wait3A_1459] : memref<32x1024xf32, #tpu.memory_space<hbm>> -> memref<1x1024xf32, #tpu.memory_space<hbm>>
        %dma_wait3A_1461 = tpu.memref_squeeze %dma_wait3A_1460 : memref<1x1024xf32, #tpu.memory_space<hbm>> -> memref<1024xf32, #tpu.memory_space<hbm>>
        tpu.wait_dma2 semaphore(%arg8 : memref<!tpu.dma_semaphore, #tpu.memory_space<semaphore_mem>>) src(%dma_wait3A_1461 : memref<1024xf32, #tpu.memory_space<hbm>>) dst(%dma_wait3A_1449 : memref<1024xf32, #tpu.memory_space<vmem>>)
        %dma_wait3A_1462 = arith.constant 0 : i32
        %dma_wait3A_1463 = arith.constant 0 : i32
        %dma_wait3A_1464 = arith.constant 0 : i32
        %dma_wait3A_1465 = arith.constant 0 : i32
        %dma_wait3A_1466 = arith.constant 0 : i32
        %dma_wait3A_1467 = tpu.memref_slice %arg7[%dma_wait3A_1465, %dma_wait3A_1466] : memref<2x8192xf32, #tpu.memory_space<vmem>> -> memref<1x8192xf32, #tpu.memory_space<vmem>>
        %dma_wait3A_1468 = tpu.memref_squeeze %dma_wait3A_1467 : memref<1x8192xf32, #tpu.memory_space<vmem>> -> memref<8192xf32, #tpu.memory_space<vmem>>
        %dma_wait3A_1469 = arith.constant 0 : i32
        %dma_wait3A_1470 = tpu.memref_slice %dma_wait3A_1468[%dma_wait3A_1469] : memref<8192xf32, #tpu.memory_space<vmem>> -> memref<1024xf32, #tpu.memory_space<vmem>>
        %dma_wait3A_1471 = arith.constant 0 : i32
        %dma_wait3A_1472 = arith.constant 0 : i32
        %dma_wait3A_1473 = arith.constant 0 : i32
        %dma_wait3A_1474 = tpu.memref_slice %arg4[%dma_wait3A_1462, %dma_wait3A_1471, %dma_wait3A_1472, %dma_wait3A_1473] : memref<200x8x32x1024xf32, #tpu.memory_space<hbm>> -> memref<1x8x32x1024xf32, #tpu.memory_space<hbm>>
        %dma_wait3A_1475 = tpu.memref_squeeze %dma_wait3A_1474 : memref<1x8x32x1024xf32, #tpu.memory_space<hbm>> -> memref<8x32x1024xf32, #tpu.memory_space<hbm>>
        %dma_wait3A_1476 = arith.constant 0 : i32
        %dma_wait3A_1477 = arith.constant 0 : i32
        %dma_wait3A_1478 = tpu.memref_slice %dma_wait3A_1475[%dma_wait3A_1463, %dma_wait3A_1476, %dma_wait3A_1477] : memref<8x32x1024xf32, #tpu.memory_space<hbm>> -> memref<1x32x1024xf32, #tpu.memory_space<hbm>>
        %dma_wait3A_1479 = tpu.memref_squeeze %dma_wait3A_1478 : memref<1x32x1024xf32, #tpu.memory_space<hbm>> -> memref<32x1024xf32, #tpu.memory_space<hbm>>
        %dma_wait3A_1480 = arith.constant 0 : i32
        %dma_wait3A_1481 = tpu.memref_slice %dma_wait3A_1479[%dma_wait3A_1464, %dma_wait3A_1480] : memref<32x1024xf32, #tpu.memory_space<hbm>> -> memref<1x1024xf32, #tpu.memory_space<hbm>>
        %dma_wait3A_1482 = tpu.memref_squeeze %dma_wait3A_1481 : memref<1x1024xf32, #tpu.memory_space<hbm>> -> memref<1024xf32, #tpu.memory_space<hbm>>
        %dma_wait3A_1483 = arith.constant 0 : i32
        %dma_wait3A_1484 = tpu.memref_slice %arg7[%dma_wait3A_1465, %dma_wait3A_1483] : memref<2x8192xf32, #tpu.memory_space<vmem>> -> memref<1x8192xf32, #tpu.memory_space<vmem>>
        %dma_wait3A_1485 = tpu.memref_squeeze %dma_wait3A_1484 : memref<1x8192xf32, #tpu.memory_space<vmem>> -> memref<8192xf32, #tpu.memory_space<vmem>>
        %dma_wait3A_1486 = arith.constant 0 : i32
        %dma_wait3A_1487 = tpu.memref_slice %dma_wait3A_1485[%dma_wait3A_1486] : memref<8192xf32, #tpu.memory_space<vmem>> -> memref<1024xf32, #tpu.memory_space<vmem>>
        %dma_wait3A_1488 = arith.constant 0 : i32
        %dma_wait3A_1489 = arith.constant 0 : i32
        %dma_wait3A_1490 = arith.constant 0 : i32
        %dma_wait3A_1491 = tpu.memref_slice %arg4[%dma_wait3A_1462, %dma_wait3A_1488, %dma_wait3A_1489, %dma_wait3A_1490] : memref<200x8x32x1024xf32, #tpu.memory_space<hbm>> -> memref<1x8x32x1024xf32, #tpu.memory_space<hbm>>
        %dma_wait3A_1492 = tpu.memref_squeeze %dma_wait3A_1491 : memref<1x8x32x1024xf32, #tpu.memory_space<hbm>> -> memref<8x32x1024xf32, #tpu.memory_space<hbm>>
        %dma_wait3A_1493 = arith.constant 0 : i32
        %dma_wait3A_1494 = arith.constant 0 : i32
        %dma_wait3A_1495 = tpu.memref_slice %dma_wait3A_1492[%dma_wait3A_1463, %dma_wait3A_1493, %dma_wait3A_1494] : memref<8x32x1024xf32, #tpu.memory_space<hbm>> -> memref<1x32x1024xf32, #tpu.memory_space<hbm>>
        %dma_wait3A_1496 = tpu.memref_squeeze %dma_wait3A_1495 : memref<1x32x1024xf32, #tpu.memory_space<hbm>> -> memref<32x1024xf32, #tpu.memory_space<hbm>>
        %dma_wait3A_1497 = arith.constant 0 : i32
        %dma_wait3A_1498 = tpu.memref_slice %dma_wait3A_1496[%dma_wait3A_1464, %dma_wait3A_1497] : memref<32x1024xf32, #tpu.memory_space<hbm>> -> memref<1x1024xf32, #tpu.memory_space<hbm>>
        %dma_wait3A_1499 = tpu.memref_squeeze %dma_wait3A_1498 : memref<1x1024xf32, #tpu.memory_space<hbm>> -> memref<1024xf32, #tpu.memory_space<hbm>>
        tpu.wait_dma2 semaphore(%arg8 : memref<!tpu.dma_semaphore, #tpu.memory_space<semaphore_mem>>) src(%dma_wait3A_1499 : memref<1024xf32, #tpu.memory_space<hbm>>) dst(%dma_wait3A_1487 : memref<1024xf32, #tpu.memory_space<vmem>>)
        %dma_wait3A_1500 = arith.constant 0 : i32
        %dma_wait3A_1501 = arith.constant 0 : i32
        %dma_wait3A_1502 = arith.constant 0 : i32
        %dma_wait3A_1503 = arith.constant 0 : i32
        %dma_wait3A_1504 = arith.constant 0 : i32
        %dma_wait3A_1505 = tpu.memref_slice %arg7[%dma_wait3A_1503, %dma_wait3A_1504] : memref<2x8192xf32, #tpu.memory_space<vmem>> -> memref<1x8192xf32, #tpu.memory_space<vmem>>
        %dma_wait3A_1506 = tpu.memref_squeeze %dma_wait3A_1505 : memref<1x8192xf32, #tpu.memory_space<vmem>> -> memref<8192xf32, #tpu.memory_space<vmem>>
        %dma_wait3A_1507 = arith.constant 0 : i32
        %dma_wait3A_1508 = tpu.memref_slice %dma_wait3A_1506[%dma_wait3A_1507] : memref<8192xf32, #tpu.memory_space<vmem>> -> memref<1024xf32, #tpu.memory_space<vmem>>
        %dma_wait3A_1509 = arith.constant 0 : i32
        %dma_wait3A_1510 = arith.constant 0 : i32
        %dma_wait3A_1511 = arith.constant 0 : i32
        %dma_wait3A_1512 = tpu.memref_slice %arg4[%dma_wait3A_1500, %dma_wait3A_1509, %dma_wait3A_1510, %dma_wait3A_1511] : memref<200x8x32x1024xf32, #tpu.memory_space<hbm>> -> memref<1x8x32x1024xf32, #tpu.memory_space<hbm>>
        %dma_wait3A_1513 = tpu.memref_squeeze %dma_wait3A_1512 : memref<1x8x32x1024xf32, #tpu.memory_space<hbm>> -> memref<8x32x1024xf32, #tpu.memory_space<hbm>>
        %dma_wait3A_1514 = arith.constant 0 : i32
        %dma_wait3A_1515 = arith.constant 0 : i32
        %dma_wait3A_1516 = tpu.memref_slice %dma_wait3A_1513[%dma_wait3A_1501, %dma_wait3A_1514, %dma_wait3A_1515] : memref<8x32x1024xf32, #tpu.memory_space<hbm>> -> memref<1x32x1024xf32, #tpu.memory_space<hbm>>
        %dma_wait3A_1517 = tpu.memref_squeeze %dma_wait3A_1516 : memref<1x32x1024xf32, #tpu.memory_space<hbm>> -> memref<32x1024xf32, #tpu.memory_space<hbm>>
        %dma_wait3A_1518 = arith.constant 0 : i32
        %dma_wait3A_1519 = tpu.memref_slice %dma_wait3A_1517[%dma_wait3A_1502, %dma_wait3A_1518] : memref<32x1024xf32, #tpu.memory_space<hbm>> -> memref<1x1024xf32, #tpu.memory_space<hbm>>
        %dma_wait3A_1520 = tpu.memref_squeeze %dma_wait3A_1519 : memref<1x1024xf32, #tpu.memory_space<hbm>> -> memref<1024xf32, #tpu.memory_space<hbm>>
        %dma_wait3A_1521 = arith.constant 0 : i32
        %dma_wait3A_1522 = tpu.memref_slice %arg7[%dma_wait3A_1503, %dma_wait3A_1521] : memref<2x8192xf32, #tpu.memory_space<vmem>> -> memref<1x8192xf32, #tpu.memory_space<vmem>>
        %dma_wait3A_1523 = tpu.memref_squeeze %dma_wait3A_1522 : memref<1x8192xf32, #tpu.memory_space<vmem>> -> memref<8192xf32, #tpu.memory_space<vmem>>
        %dma_wait3A_1524 = arith.constant 0 : i32
        %dma_wait3A_1525 = tpu.memref_slice %dma_wait3A_1523[%dma_wait3A_1524] : memref<8192xf32, #tpu.memory_space<vmem>> -> memref<1024xf32, #tpu.memory_space<vmem>>
        %dma_wait3A_1526 = arith.constant 0 : i32
        %dma_wait3A_1527 = arith.constant 0 : i32
        %dma_wait3A_1528 = arith.constant 0 : i32
        %dma_wait3A_1529 = tpu.memref_slice %arg4[%dma_wait3A_1500, %dma_wait3A_1526, %dma_wait3A_1527, %dma_wait3A_1528] : memref<200x8x32x1024xf32, #tpu.memory_space<hbm>> -> memref<1x8x32x1024xf32, #tpu.memory_space<hbm>>
        %dma_wait3A_1530 = tpu.memref_squeeze %dma_wait3A_1529 : memref<1x8x32x1024xf32, #tpu.memory_space<hbm>> -> memref<8x32x1024xf32, #tpu.memory_space<hbm>>
        %dma_wait3A_1531 = arith.constant 0 : i32
        %dma_wait3A_1532 = arith.constant 0 : i32
        %dma_wait3A_1533 = tpu.memref_slice %dma_wait3A_1530[%dma_wait3A_1501, %dma_wait3A_1531, %dma_wait3A_1532] : memref<8x32x1024xf32, #tpu.memory_space<hbm>> -> memref<1x32x1024xf32, #tpu.memory_space<hbm>>
        %dma_wait3A_1534 = tpu.memref_squeeze %dma_wait3A_1533 : memref<1x32x1024xf32, #tpu.memory_space<hbm>> -> memref<32x1024xf32, #tpu.memory_space<hbm>>
        %dma_wait3A_1535 = arith.constant 0 : i32
        %dma_wait3A_1536 = tpu.memref_slice %dma_wait3A_1534[%dma_wait3A_1502, %dma_wait3A_1535] : memref<32x1024xf32, #tpu.memory_space<hbm>> -> memref<1x1024xf32, #tpu.memory_space<hbm>>
        %dma_wait3A_1537 = tpu.memref_squeeze %dma_wait3A_1536 : memref<1x1024xf32, #tpu.memory_space<hbm>> -> memref<1024xf32, #tpu.memory_space<hbm>>
        tpu.wait_dma2 semaphore(%arg8 : memref<!tpu.dma_semaphore, #tpu.memory_space<semaphore_mem>>) src(%dma_wait3A_1537 : memref<1024xf32, #tpu.memory_space<hbm>>) dst(%dma_wait3A_1525 : memref<1024xf32, #tpu.memory_space<vmem>>)
        %dma_wait3A_1538 = arith.constant 0 : i32
        %dma_wait3A_1539 = arith.constant 0 : i32
        %dma_wait3A_1540 = arith.constant 0 : i32
        %dma_wait3A_1541 = arith.constant 0 : i32
        %dma_wait3A_1542 = arith.constant 0 : i32
        %dma_wait3A_1543 = tpu.memref_slice %arg7[%dma_wait3A_1541, %dma_wait3A_1542] : memref<2x8192xf32, #tpu.memory_space<vmem>> -> memref<1x8192xf32, #tpu.memory_space<vmem>>
        %dma_wait3A_1544 = tpu.memref_squeeze %dma_wait3A_1543 : memref<1x8192xf32, #tpu.memory_space<vmem>> -> memref<8192xf32, #tpu.memory_space<vmem>>
        %dma_wait3A_1545 = arith.constant 0 : i32
        %dma_wait3A_1546 = tpu.memref_slice %dma_wait3A_1544[%dma_wait3A_1545] : memref<8192xf32, #tpu.memory_space<vmem>> -> memref<1024xf32, #tpu.memory_space<vmem>>
        %dma_wait3A_1547 = arith.constant 0 : i32
        %dma_wait3A_1548 = arith.constant 0 : i32
        %dma_wait3A_1549 = arith.constant 0 : i32
        %dma_wait3A_1550 = tpu.memref_slice %arg4[%dma_wait3A_1538, %dma_wait3A_1547, %dma_wait3A_1548, %dma_wait3A_1549] : memref<200x8x32x1024xf32, #tpu.memory_space<hbm>> -> memref<1x8x32x1024xf32, #tpu.memory_space<hbm>>
        %dma_wait3A_1551 = tpu.memref_squeeze %dma_wait3A_1550 : memref<1x8x32x1024xf32, #tpu.memory_space<hbm>> -> memref<8x32x1024xf32, #tpu.memory_space<hbm>>
        %dma_wait3A_1552 = arith.constant 0 : i32
        %dma_wait3A_1553 = arith.constant 0 : i32
        %dma_wait3A_1554 = tpu.memref_slice %dma_wait3A_1551[%dma_wait3A_1539, %dma_wait3A_1552, %dma_wait3A_1553] : memref<8x32x1024xf32, #tpu.memory_space<hbm>> -> memref<1x32x1024xf32, #tpu.memory_space<hbm>>
        %dma_wait3A_1555 = tpu.memref_squeeze %dma_wait3A_1554 : memref<1x32x1024xf32, #tpu.memory_space<hbm>> -> memref<32x1024xf32, #tpu.memory_space<hbm>>
        %dma_wait3A_1556 = arith.constant 0 : i32
        %dma_wait3A_1557 = tpu.memref_slice %dma_wait3A_1555[%dma_wait3A_1540, %dma_wait3A_1556] : memref<32x1024xf32, #tpu.memory_space<hbm>> -> memref<1x1024xf32, #tpu.memory_space<hbm>>
        %dma_wait3A_1558 = tpu.memref_squeeze %dma_wait3A_1557 : memref<1x1024xf32, #tpu.memory_space<hbm>> -> memref<1024xf32, #tpu.memory_space<hbm>>
        %dma_wait3A_1559 = arith.constant 0 : i32
        %dma_wait3A_1560 = tpu.memref_slice %arg7[%dma_wait3A_1541, %dma_wait3A_1559] : memref<2x8192xf32, #tpu.memory_space<vmem>> -> memref<1x8192xf32, #tpu.memory_space<vmem>>
        %dma_wait3A_1561 = tpu.memref_squeeze %dma_wait3A_1560 : memref<1x8192xf32, #tpu.memory_space<vmem>> -> memref<8192xf32, #tpu.memory_space<vmem>>
        %dma_wait3A_1562 = arith.constant 0 : i32
        %dma_wait3A_1563 = tpu.memref_slice %dma_wait3A_1561[%dma_wait3A_1562] : memref<8192xf32, #tpu.memory_space<vmem>> -> memref<1024xf32, #tpu.memory_space<vmem>>
        %dma_wait3A_1564 = arith.constant 0 : i32
        %dma_wait3A_1565 = arith.constant 0 : i32
        %dma_wait3A_1566 = arith.constant 0 : i32
        %dma_wait3A_1567 = tpu.memref_slice %arg4[%dma_wait3A_1538, %dma_wait3A_1564, %dma_wait3A_1565, %dma_wait3A_1566] : memref<200x8x32x1024xf32, #tpu.memory_space<hbm>> -> memref<1x8x32x1024xf32, #tpu.memory_space<hbm>>
        %dma_wait3A_1568 = tpu.memref_squeeze %dma_wait3A_1567 : memref<1x8x32x1024xf32, #tpu.memory_space<hbm>> -> memref<8x32x1024xf32, #tpu.memory_space<hbm>>
        %dma_wait3A_1569 = arith.constant 0 : i32
        %dma_wait3A_1570 = arith.constant 0 : i32
        %dma_wait3A_1571 = tpu.memref_slice %dma_wait3A_1568[%dma_wait3A_1539, %dma_wait3A_1569, %dma_wait3A_1570] : memref<8x32x1024xf32, #tpu.memory_space<hbm>> -> memref<1x32x1024xf32, #tpu.memory_space<hbm>>
        %dma_wait3A_1572 = tpu.memref_squeeze %dma_wait3A_1571 : memref<1x32x1024xf32, #tpu.memory_space<hbm>> -> memref<32x1024xf32, #tpu.memory_space<hbm>>
        %dma_wait3A_1573 = arith.constant 0 : i32
        %dma_wait3A_1574 = tpu.memref_slice %dma_wait3A_1572[%dma_wait3A_1540, %dma_wait3A_1573] : memref<32x1024xf32, #tpu.memory_space<hbm>> -> memref<1x1024xf32, #tpu.memory_space<hbm>>
        %dma_wait3A_1575 = tpu.memref_squeeze %dma_wait3A_1574 : memref<1x1024xf32, #tpu.memory_space<hbm>> -> memref<1024xf32, #tpu.memory_space<hbm>>
        tpu.wait_dma2 semaphore(%arg8 : memref<!tpu.dma_semaphore, #tpu.memory_space<semaphore_mem>>) src(%dma_wait3A_1575 : memref<1024xf32, #tpu.memory_space<hbm>>) dst(%dma_wait3A_1563 : memref<1024xf32, #tpu.memory_space<vmem>>)
      } else {
      }
      %add3A_632 = arith.addi %add3A_6, %add3A_627 : i32
      %jit3A = arith.constant 32 : i32
      %div3A = arith.divsi %add3A_632, %jit3A : i32
      %sign3A = arith.constant 0 : i32
      %sign3A_633 = arith.cmpi sgt, %add3A_632, %sign3A : i32
      %sign3A_634 = arith.extui %sign3A_633 : i1 to i32
      %sign3A_635 = arith.constant 0 : i32
      %sign3A_636 = arith.cmpi slt, %add3A_632, %sign3A_635 : i32
      %sign3A_637 = arith.extui %sign3A_636 : i1 to i32
      %sign3A_638 = arith.subi %sign3A_634, %sign3A_637 : i32
      %sign3A_639 = arith.constant 0 : i32
      %sign3A_640 = arith.cmpi sgt, %jit3A, %sign3A_639 : i32
      %sign3A_641 = arith.extui %sign3A_640 : i1 to i32
      %sign3A_642 = arith.constant 0 : i32
      %sign3A_643 = arith.cmpi slt, %jit3A, %sign3A_642 : i32
      %sign3A_644 = arith.extui %sign3A_643 : i1 to i32
      %sign3A_645 = arith.subi %sign3A_641, %sign3A_644 : i32
      %ne3A = arith.cmpi ne, %sign3A_638, %sign3A_645 : i32
      %rem3A = arith.remsi %add3A_632, %jit3A : i32
      %ne3A_646 = arith.constant 0 : i32
      %ne3A_647 = arith.cmpi ne, %rem3A, %ne3A_646 : i32
      %and3A = arith.andi %ne3A, %ne3A_647 : i1
      %sub3A = arith.constant 1 : i32
      %sub3A_648 = arith.subi %div3A, %sub3A : i32
      %select_n3A = arith.select %and3A, %sub3A_648, %div3A : i32
      %mul3A_649 = arith.constant 32 : i32
      %mul3A_650 = arith.muli %select_n3A, %mul3A_649 : i32
      %sub3A_651 = arith.subi %add3A_632, %mul3A_650 : i32
      %parallel_loop3A = arith.constant 0 : i32
      %parallel_loop3A_652 = arith.constant 32 : i32
      %parallel_loop3A_653 = arith.constant 1 : i32
      scf.for %parallel_loop3A_1272 = %parallel_loop3A to %parallel_loop3A_652 step %parallel_loop3A_653  : i32 {
        %parallel_loop3A_1273 = arith.constant 4 : i32
        %parallel_loop3A_1274 = arith.divsi %parallel_loop3A_1272, %parallel_loop3A_1273 : i32
        %parallel_loop3A_1275 = arith.constant 0 : i32
        %parallel_loop3A_1276 = arith.cmpi sgt, %parallel_loop3A_1272, %parallel_loop3A_1275 : i32
        %parallel_loop3A_1277 = arith.extui %parallel_loop3A_1276 : i1 to i32
        %parallel_loop3A_1278 = arith.constant 0 : i32
        %parallel_loop3A_1279 = arith.cmpi slt, %parallel_loop3A_1272, %parallel_loop3A_1278 : i32
        %parallel_loop3A_1280 = arith.extui %parallel_loop3A_1279 : i1 to i32
        %parallel_loop3A_1281 = arith.subi %parallel_loop3A_1277, %parallel_loop3A_1280 : i32
        %parallel_loop3A_1282 = arith.constant 0 : i32
        %parallel_loop3A_1283 = arith.cmpi sgt, %parallel_loop3A_1273, %parallel_loop3A_1282 : i32
        %parallel_loop3A_1284 = arith.extui %parallel_loop3A_1283 : i1 to i32
        %parallel_loop3A_1285 = arith.constant 0 : i32
        %parallel_loop3A_1286 = arith.cmpi slt, %parallel_loop3A_1273, %parallel_loop3A_1285 : i32
        %parallel_loop3A_1287 = arith.extui %parallel_loop3A_1286 : i1 to i32
        %parallel_loop3A_1288 = arith.subi %parallel_loop3A_1284, %parallel_loop3A_1287 : i32
        %parallel_loop3A_1289 = arith.cmpi ne, %parallel_loop3A_1281, %parallel_loop3A_1288 : i32
        %parallel_loop3A_1290 = arith.remsi %parallel_loop3A_1272, %parallel_loop3A_1273 : i32
        %parallel_loop3A_1291 = arith.constant 0 : i32
        %parallel_loop3A_1292 = arith.cmpi ne, %parallel_loop3A_1290, %parallel_loop3A_1291 : i32
        %parallel_loop3A_1293 = arith.andi %parallel_loop3A_1289, %parallel_loop3A_1292 : i1
        %parallel_loop3A_1294 = arith.constant 1 : i32
        %parallel_loop3A_1295 = arith.subi %parallel_loop3A_1274, %parallel_loop3A_1294 : i32
        %parallel_loop3A_1296 = arith.select %parallel_loop3A_1293, %parallel_loop3A_1295, %parallel_loop3A_1274 : i32
        %parallel_loop3A_1297 = arith.constant 4 : i32
        %parallel_loop3A_1298 = arith.constant 0 : i32
        %parallel_loop3A_1299 = arith.cmpi eq, %parallel_loop3A_1297, %parallel_loop3A_1298 : i32
        %parallel_loop3A_1300 = arith.constant 1 : i32
        %parallel_loop3A_1301 = arith.select %parallel_loop3A_1299, %parallel_loop3A_1300, %parallel_loop3A_1297 : i32
        %parallel_loop3A_1302 = arith.remsi %parallel_loop3A_1272, %parallel_loop3A_1301 : i32
        %parallel_loop3A_1303 = arith.constant 0 : i32
        %parallel_loop3A_1304 = arith.cmpi ne, %parallel_loop3A_1302, %parallel_loop3A_1303 : i32
        %parallel_loop3A_1305 = arith.constant 0 : i32
        %parallel_loop3A_1306 = arith.cmpi slt, %parallel_loop3A_1302, %parallel_loop3A_1305 : i32
        %parallel_loop3A_1307 = arith.constant 0 : i32
        %parallel_loop3A_1308 = arith.cmpi slt, %parallel_loop3A_1301, %parallel_loop3A_1307 : i32
        %parallel_loop3A_1309 = arith.xori %parallel_loop3A_1306, %parallel_loop3A_1308 : i1
        %parallel_loop3A_1310 = arith.andi %parallel_loop3A_1309, %parallel_loop3A_1304 : i1
        %parallel_loop3A_1311 = arith.addi %parallel_loop3A_1302, %parallel_loop3A_1301 : i32
        %parallel_loop3A_1312 = arith.select %parallel_loop3A_1310, %parallel_loop3A_1311, %parallel_loop3A_1302 : i32
        %parallel_loop3A_1313 = arith.constant 128 : i32
        %parallel_loop3A_1314 = arith.muli %add3A_627, %parallel_loop3A_1313 : i32
        %parallel_loop3A_1315 = arith.constant 16 : i32
        %parallel_loop3A_1316 = arith.muli %parallel_loop3A_1296, %parallel_loop3A_1315 : i32
        %parallel_loop3A_1317 = arith.addi %parallel_loop3A_1314, %parallel_loop3A_1316 : i32
        %parallel_loop3A_1318 = arith.index_cast %parallel_loop3A_1317 : i32 to index
        %parallel_loop3A_1319 = tpu.vector_load %arg6[%parallel_loop3A_1318] {strides = array<i32>} : memref<25600xi32, #tpu.memory_space<vmem>>, vector<16xi32>,
        %parallel_loop3A_1320 = arith.constant 16 : i32
        %parallel_loop3A_1321 = arith.muli %parallel_loop3A_1312, %parallel_loop3A_1320 : i32
        %parallel_loop3A_1322 = arith.constant 128 : i32
        %parallel_loop3A_1323 = arith.muli %parallel_loop3A_1321, %parallel_loop3A_1322 : i32
        %parallel_loop3A_1324 = arith.constant 16 : i32
        %parallel_loop3A_1325 = arith.muli %parallel_loop3A_1296, %parallel_loop3A_1324 : i32
        %parallel_loop3A_1326 = arith.addi %parallel_loop3A_1323, %parallel_loop3A_1325 : i32
        %parallel_loop3A_1327 = arith.constant 0 : i32
        %parallel_loop3A_1328 = arith.addi %parallel_loop3A_1321, %parallel_loop3A_1327 : i32
        %parallel_loop3A_1329 = arith.constant 32 : i32
        %parallel_loop3A_1330 = arith.muli %parallel_loop3A_1328, %parallel_loop3A_1329 : i32
        %parallel_loop3A_1331 = vector.broadcast %parallel_loop3A_1330 : i32 to vector<16xi32>
        %parallel_loop3A_1332 = arith.addi %parallel_loop3A_1319, %parallel_loop3A_1331 : vector<16xi32>
        %parallel_loop3A_1333 = tpu.vector_load_idx %arg5[%parallel_loop3A_1332] : memref<2048xf32, #tpu.memory_space<vmem>>[vector<16xi32>], vector<16xf32>,
        %parallel_loop3A_1334 = arith.constant 0 : i32
        %parallel_loop3A_1335 = arith.addi %parallel_loop3A_1326, %parallel_loop3A_1334 : i32
        %parallel_loop3A_1336 = arith.constant 0 : i32
        %parallel_loop3A_1337 = arith.constant 0 : i32
        %parallel_loop3A_1338 = tpu.memref_slice %arg7[%parallel_loop3A_1336, %parallel_loop3A_1337] : memref<2x8192xf32, #tpu.memory_space<vmem>> -> memref<1x8192xf32, #tpu.memory_space<vmem>>
        %parallel_loop3A_1339 = tpu.memref_squeeze %parallel_loop3A_1338 : memref<1x8192xf32, #tpu.memory_space<vmem>> -> memref<8192xf32, #tpu.memory_space<vmem>>
        %parallel_loop3A_1340 = arith.index_cast %parallel_loop3A_1335 : i32 to index
        %parallel_loop3A_1341 = tpu.vector_load %parallel_loop3A_1339[%parallel_loop3A_1340] {strides = array<i32>} : memref<8192xf32, #tpu.memory_space<vmem>>, vector<16xf32>,
        tpu.vector_store %parallel_loop3A_1339[%parallel_loop3A_1340], %parallel_loop3A_1333 {strides = array<i32>} : memref<8192xf32, #tpu.memory_space<vmem>>, vector<16xf32>,
        %parallel_loop3A_1342 = arith.constant 1 : i32
        %parallel_loop3A_1343 = arith.addi %parallel_loop3A_1321, %parallel_loop3A_1342 : i32
        %parallel_loop3A_1344 = arith.constant 32 : i32
        %parallel_loop3A_1345 = arith.muli %parallel_loop3A_1343, %parallel_loop3A_1344 : i32
        %parallel_loop3A_1346 = vector.broadcast %parallel_loop3A_1345 : i32 to vector<16xi32>
        %parallel_loop3A_1347 = arith.addi %parallel_loop3A_1319, %parallel_loop3A_1346 : vector<16xi32>
        %parallel_loop3A_1348 = tpu.vector_load_idx %arg5[%parallel_loop3A_1347] : memref<2048xf32, #tpu.memory_space<vmem>>[vector<16xi32>], vector<16xf32>,
        %parallel_loop3A_1349 = arith.constant 128 : i32
        %parallel_loop3A_1350 = arith.addi %parallel_loop3A_1326, %parallel_loop3A_1349 : i32
        %parallel_loop3A_1351 = arith.constant 0 : i32
        %parallel_loop3A_1352 = arith.constant 0 : i32
        %parallel_loop3A_1353 = tpu.memref_slice %arg7[%parallel_loop3A_1351, %parallel_loop3A_1352] : memref<2x8192xf32, #tpu.memory_space<vmem>> -> memref<1x8192xf32, #tpu.memory_space<vmem>>
        %parallel_loop3A_1354 = tpu.memref_squeeze %parallel_loop3A_1353 : memref<1x8192xf32, #tpu.memory_space<vmem>> -> memref<8192xf32, #tpu.memory_space<vmem>>
        %parallel_loop3A_1355 = arith.index_cast %parallel_loop3A_1350 : i32 to index
        %parallel_loop3A_1356 = tpu.vector_load %parallel_loop3A_1354[%parallel_loop3A_1355] {strides = array<i32>} : memref<8192xf32, #tpu.memory_space<vmem>>, vector<16xf32>,
        tpu.vector_store %parallel_loop3A_1354[%parallel_loop3A_1355], %parallel_loop3A_1348 {strides = array<i32>} : memref<8192xf32, #tpu.memory_space<vmem>>, vector<16xf32>,
        %parallel_loop3A_1357 = arith.constant 2 : i32
        %parallel_loop3A_1358 = arith.addi %parallel_loop3A_1321, %parallel_loop3A_1357 : i32
        %parallel_loop3A_1359 = arith.constant 32 : i32
        %parallel_loop3A_1360 = arith.muli %parallel_loop3A_1358, %parallel_loop3A_1359 : i32
        %parallel_loop3A_1361 = vector.broadcast %parallel_loop3A_1360 : i32 to vector<16xi32>
        %parallel_loop3A_1362 = arith.addi %parallel_loop3A_1319, %parallel_loop3A_1361 : vector<16xi32>
        %parallel_loop3A_1363 = tpu.vector_load_idx %arg5[%parallel_loop3A_1362] : memref<2048xf32, #tpu.memory_space<vmem>>[vector<16xi32>], vector<16xf32>,
        %parallel_loop3A_1364 = arith.constant 256 : i32
        %parallel_loop3A_1365 = arith.addi %parallel_loop3A_1326, %parallel_loop3A_1364 : i32
        %parallel_loop3A_1366 = arith.constant 0 : i32
        %parallel_loop3A_1367 = arith.constant 0 : i32
        %parallel_loop3A_1368 = tpu.memref_slice %arg7[%parallel_loop3A_1366, %parallel_loop3A_1367] : memref<2x8192xf32, #tpu.memory_space<vmem>> -> memref<1x8192xf32, #tpu.memory_space<vmem>>
        %parallel_loop3A_1369 = tpu.memref_squeeze %parallel_loop3A_1368 : memref<1x8192xf32, #tpu.memory_space<vmem>> -> memref<8192xf32, #tpu.memory_space<vmem>>
        %parallel_loop3A_1370 = arith.index_cast %parallel_loop3A_1365 : i32 to index
        %parallel_loop3A_1371 = tpu.vector_load %parallel_loop3A_1369[%parallel_loop3A_1370] {strides = array<i32>} : memref<8192xf32, #tpu.memory_space<vmem>>, vector<16xf32>,
        tpu.vector_store %parallel_loop3A_1369[%parallel_loop3A_1370], %parallel_loop3A_1363 {strides = array<i32>} : memref<8192xf32, #tpu.memory_space<vmem>>, vector<16xf32>,
        %parallel_loop3A_1372 = arith.constant 3 : i32
        %parallel_loop3A_1373 = arith.addi %parallel_loop3A_1321, %parallel_loop3A_1372 : i32
        %parallel_loop3A_1374 = arith.constant 32 : i32
        %parallel_loop3A_1375 = arith.muli %parallel_loop3A_1373, %parallel_loop3A_1374 : i32
        %parallel_loop3A_1376 = vector.broadcast %parallel_loop3A_1375 : i32 to vector<16xi32>
        %parallel_loop3A_1377 = arith.addi %parallel_loop3A_1319, %parallel_loop3A_1376 : vector<16xi32>
        %parallel_loop3A_1378 = tpu.vector_load_idx %arg5[%parallel_loop3A_1377] : memref<2048xf32, #tpu.memory_space<vmem>>[vector<16xi32>], vector<16xf32>,
        %parallel_loop3A_1379 = arith.constant 384 : i32
        %parallel_loop3A_1380 = arith.addi %parallel_loop3A_1326, %parallel_loop3A_1379 : i32
        %parallel_loop3A_1381 = arith.constant 0 : i32
        %parallel_loop3A_1382 = arith.constant 0 : i32
        %parallel_loop3A_1383 = tpu.memref_slice %arg7[%parallel_loop3A_1381, %parallel_loop3A_1382] : memref<2x8192xf32, #tpu.memory_space<vmem>> -> memref<1x8192xf32, #tpu.memory_space<vmem>>
        %parallel_loop3A_1384 = tpu.memref_squeeze %parallel_loop3A_1383 : memref<1x8192xf32, #tpu.memory_space<vmem>> -> memref<8192xf32, #tpu.memory_space<vmem>>
        %parallel_loop3A_1385 = arith.index_cast %parallel_loop3A_1380 : i32 to index
        %parallel_loop3A_1386 = tpu.vector_load %parallel_loop3A_1384[%parallel_loop3A_1385] {strides = array<i32>} : memref<8192xf32, #tpu.memory_space<vmem>>, vector<16xf32>,
        tpu.vector_store %parallel_loop3A_1384[%parallel_loop3A_1385], %parallel_loop3A_1378 {strides = array<i32>} : memref<8192xf32, #tpu.memory_space<vmem>>, vector<16xf32>,
        %parallel_loop3A_1387 = arith.constant 4 : i32
        %parallel_loop3A_1388 = arith.addi %parallel_loop3A_1321, %parallel_loop3A_1387 : i32
        %parallel_loop3A_1389 = arith.constant 32 : i32
        %parallel_loop3A_1390 = arith.muli %parallel_loop3A_1388, %parallel_loop3A_1389 : i32
        %parallel_loop3A_1391 = vector.broadcast %parallel_loop3A_1390 : i32 to vector<16xi32>
        %parallel_loop3A_1392 = arith.addi %parallel_loop3A_1319, %parallel_loop3A_1391 : vector<16xi32>
        %parallel_loop3A_1393 = tpu.vector_load_idx %arg5[%parallel_loop3A_1392] : memref<2048xf32, #tpu.memory_space<vmem>>[vector<16xi32>], vector<16xf32>,
        %parallel_loop3A_1394 = arith.constant 512 : i32
        %parallel_loop3A_1395 = arith.addi %parallel_loop3A_1326, %parallel_loop3A_1394 : i32
        %parallel_loop3A_1396 = arith.constant 0 : i32
        %parallel_loop3A_1397 = arith.constant 0 : i32
        %parallel_loop3A_1398 = tpu.memref_slice %arg7[%parallel_loop3A_1396, %parallel_loop3A_1397] : memref<2x8192xf32, #tpu.memory_space<vmem>> -> memref<1x8192xf32, #tpu.memory_space<vmem>>
        %parallel_loop3A_1399 = tpu.memref_squeeze %parallel_loop3A_1398 : memref<1x8192xf32, #tpu.memory_space<vmem>> -> memref<8192xf32, #tpu.memory_space<vmem>>
        %parallel_loop3A_1400 = arith.index_cast %parallel_loop3A_1395 : i32 to index
        %parallel_loop3A_1401 = tpu.vector_load %parallel_loop3A_1399[%parallel_loop3A_1400] {strides = array<i32>} : memref<8192xf32, #tpu.memory_space<vmem>>, vector<16xf32>,
        tpu.vector_store %parallel_loop3A_1399[%parallel_loop3A_1400], %parallel_loop3A_1393 {strides = array<i32>} : memref<8192xf32, #tpu.memory_space<vmem>>, vector<16xf32>,
        %parallel_loop3A_1402 = arith.constant 5 : i32
        %parallel_loop3A_1403 = arith.addi %parallel_loop3A_1321, %parallel_loop3A_1402 : i32
        %parallel_loop3A_1404 = arith.constant 32 : i32
        %parallel_loop3A_1405 = arith.muli %parallel_loop3A_1403, %parallel_loop3A_1404 : i32
        %parallel_loop3A_1406 = vector.broadcast %parallel_loop3A_1405 : i32 to vector<16xi32>
        %parallel_loop3A_1407 = arith.addi %parallel_loop3A_1319, %parallel_loop3A_1406 : vector<16xi32>
        %parallel_loop3A_1408 = tpu.vector_load_idx %arg5[%parallel_loop3A_1407] : memref<2048xf32, #tpu.memory_space<vmem>>[vector<16xi32>], vector<16xf32>,
        %parallel_loop3A_1409 = arith.constant 640 : i32
        %parallel_loop3A_1410 = arith.addi %parallel_loop3A_1326, %parallel_loop3A_1409 : i32
        %parallel_loop3A_1411 = arith.constant 0 : i32
        %parallel_loop3A_1412 = arith.constant 0 : i32
        %parallel_loop3A_1413 = tpu.memref_slice %arg7[%parallel_loop3A_1411, %parallel_loop3A_1412] : memref<2x8192xf32, #tpu.memory_space<vmem>> -> memref<1x8192xf32, #tpu.memory_space<vmem>>
        %parallel_loop3A_1414 = tpu.memref_squeeze %parallel_loop3A_1413 : memref<1x8192xf32, #tpu.memory_space<vmem>> -> memref<8192xf32, #tpu.memory_space<vmem>>
        %parallel_loop3A_1415 = arith.index_cast %parallel_loop3A_1410 : i32 to index
        %parallel_loop3A_1416 = tpu.vector_load %parallel_loop3A_1414[%parallel_loop3A_1415] {strides = array<i32>} : memref<8192xf32, #tpu.memory_space<vmem>>, vector<16xf32>,
        tpu.vector_store %parallel_loop3A_1414[%parallel_loop3A_1415], %parallel_loop3A_1408 {strides = array<i32>} : memref<8192xf32, #tpu.memory_space<vmem>>, vector<16xf32>,
        %parallel_loop3A_1417 = arith.constant 6 : i32
        %parallel_loop3A_1418 = arith.addi %parallel_loop3A_1321, %parallel_loop3A_1417 : i32
        %parallel_loop3A_1419 = arith.constant 32 : i32
        %parallel_loop3A_1420 = arith.muli %parallel_loop3A_1418, %parallel_loop3A_1419 : i32
        %parallel_loop3A_1421 = vector.broadcast %parallel_loop3A_1420 : i32 to vector<16xi32>
        %parallel_loop3A_1422 = arith.addi %parallel_loop3A_1319, %parallel_loop3A_1421 : vector<16xi32>
        %parallel_loop3A_1423 = tpu.vector_load_idx %arg5[%parallel_loop3A_1422] : memref<2048xf32, #tpu.memory_space<vmem>>[vector<16xi32>], vector<16xf32>,
        %parallel_loop3A_1424 = arith.constant 768 : i32
        %parallel_loop3A_1425 = arith.addi %parallel_loop3A_1326, %parallel_loop3A_1424 : i32
        %parallel_loop3A_1426 = arith.constant 0 : i32
        %parallel_loop3A_1427 = arith.constant 0 : i32
        %parallel_loop3A_1428 = tpu.memref_slice %arg7[%parallel_loop3A_1426, %parallel_loop3A_1427] : memref<2x8192xf32, #tpu.memory_space<vmem>> -> memref<1x8192xf32, #tpu.memory_space<vmem>>
        %parallel_loop3A_1429 = tpu.memref_squeeze %parallel_loop3A_1428 : memref<1x8192xf32, #tpu.memory_space<vmem>> -> memref<8192xf32, #tpu.memory_space<vmem>>
        %parallel_loop3A_1430 = arith.index_cast %parallel_loop3A_1425 : i32 to index
        %parallel_loop3A_1431 = tpu.vector_load %parallel_loop3A_1429[%parallel_loop3A_1430] {strides = array<i32>} : memref<8192xf32, #tpu.memory_space<vmem>>, vector<16xf32>,
        tpu.vector_store %parallel_loop3A_1429[%parallel_loop3A_1430], %parallel_loop3A_1423 {strides = array<i32>} : memref<8192xf32, #tpu.memory_space<vmem>>, vector<16xf32>,
        %parallel_loop3A_1432 = arith.constant 7 : i32
        %parallel_loop3A_1433 = arith.addi %parallel_loop3A_1321, %parallel_loop3A_1432 : i32
        %parallel_loop3A_1434 = arith.constant 32 : i32
        %parallel_loop3A_1435 = arith.muli %parallel_loop3A_1433, %parallel_loop3A_1434 : i32
        %parallel_loop3A_1436 = vector.broadcast %parallel_loop3A_1435 : i32 to vector<16xi32>
        %parallel_loop3A_1437 = arith.addi %parallel_loop3A_1319, %parallel_loop3A_1436 : vector<16xi32>
        %parallel_loop3A_1438 = tpu.vector_load_idx %arg5[%parallel_loop3A_1437] : memref<2048xf32, #tpu.memory_space<vmem>>[vector<16xi32>], vector<16xf32>,
        %parallel_loop3A_1439 = arith.constant 896 : i32
        %parallel_loop3A_1440 = arith.addi %parallel_loop3A_1326, %parallel_loop3A_1439 : i32
        %parallel_loop3A_1441 = arith.constant 0 : i32
        %parallel_loop3A_1442 = arith.constant 0 : i32
        %parallel_loop3A_1443 = tpu.memref_slice %arg7[%parallel_loop3A_1441, %parallel_loop3A_1442] : memref<2x8192xf32, #tpu.memory_space<vmem>> -> memref<1x8192xf32, #tpu.memory_space<vmem>>
        %parallel_loop3A_1444 = tpu.memref_squeeze %parallel_loop3A_1443 : memref<1x8192xf32, #tpu.memory_space<vmem>> -> memref<8192xf32, #tpu.memory_space<vmem>>
        %parallel_loop3A_1445 = arith.index_cast %parallel_loop3A_1440 : i32 to index
        %parallel_loop3A_1446 = tpu.vector_load %parallel_loop3A_1444[%parallel_loop3A_1445] {strides = array<i32>} : memref<8192xf32, #tpu.memory_space<vmem>>, vector<16xf32>,
        tpu.vector_store %parallel_loop3A_1444[%parallel_loop3A_1445], %parallel_loop3A_1438 {strides = array<i32>} : memref<8192xf32, #tpu.memory_space<vmem>>, vector<16xf32>,
        %parallel_loop3A_1447 = arith.constant 8 : i32
        %parallel_loop3A_1448 = arith.addi %parallel_loop3A_1321, %parallel_loop3A_1447 : i32
        %parallel_loop3A_1449 = arith.constant 32 : i32
        %parallel_loop3A_1450 = arith.muli %parallel_loop3A_1448, %parallel_loop3A_1449 : i32
        %parallel_loop3A_1451 = vector.broadcast %parallel_loop3A_1450 : i32 to vector<16xi32>
        %parallel_loop3A_1452 = arith.addi %parallel_loop3A_1319, %parallel_loop3A_1451 : vector<16xi32>
        %parallel_loop3A_1453 = tpu.vector_load_idx %arg5[%parallel_loop3A_1452] : memref<2048xf32, #tpu.memory_space<vmem>>[vector<16xi32>], vector<16xf32>,
        %parallel_loop3A_1454 = arith.constant 1024 : i32
        %parallel_loop3A_1455 = arith.addi %parallel_loop3A_1326, %parallel_loop3A_1454 : i32
        %parallel_loop3A_1456 = arith.constant 0 : i32
        %parallel_loop3A_1457 = arith.constant 0 : i32
        %parallel_loop3A_1458 = tpu.memref_slice %arg7[%parallel_loop3A_1456, %parallel_loop3A_1457] : memref<2x8192xf32, #tpu.memory_space<vmem>> -> memref<1x8192xf32, #tpu.memory_space<vmem>>
        %parallel_loop3A_1459 = tpu.memref_squeeze %parallel_loop3A_1458 : memref<1x8192xf32, #tpu.memory_space<vmem>> -> memref<8192xf32, #tpu.memory_space<vmem>>
        %parallel_loop3A_1460 = arith.index_cast %parallel_loop3A_1455 : i32 to index
        %parallel_loop3A_1461 = tpu.vector_load %parallel_loop3A_1459[%parallel_loop3A_1460] {strides = array<i32>} : memref<8192xf32, #tpu.memory_space<vmem>>, vector<16xf32>,
        tpu.vector_store %parallel_loop3A_1459[%parallel_loop3A_1460], %parallel_loop3A_1453 {strides = array<i32>} : memref<8192xf32, #tpu.memory_space<vmem>>, vector<16xf32>,
        %parallel_loop3A_1462 = arith.constant 9 : i32
        %parallel_loop3A_1463 = arith.addi %parallel_loop3A_1321, %parallel_loop3A_1462 : i32
        %parallel_loop3A_1464 = arith.constant 32 : i32
        %parallel_loop3A_1465 = arith.muli %parallel_loop3A_1463, %parallel_loop3A_1464 : i32
        %parallel_loop3A_1466 = vector.broadcast %parallel_loop3A_1465 : i32 to vector<16xi32>
        %parallel_loop3A_1467 = arith.addi %parallel_loop3A_1319, %parallel_loop3A_1466 : vector<16xi32>
        %parallel_loop3A_1468 = tpu.vector_load_idx %arg5[%parallel_loop3A_1467] : memref<2048xf32, #tpu.memory_space<vmem>>[vector<16xi32>], vector<16xf32>,
        %parallel_loop3A_1469 = arith.constant 1152 : i32
        %parallel_loop3A_1470 = arith.addi %parallel_loop3A_1326, %parallel_loop3A_1469 : i32
        %parallel_loop3A_1471 = arith.constant 0 : i32
        %parallel_loop3A_1472 = arith.constant 0 : i32
        %parallel_loop3A_1473 = tpu.memref_slice %arg7[%parallel_loop3A_1471, %parallel_loop3A_1472] : memref<2x8192xf32, #tpu.memory_space<vmem>> -> memref<1x8192xf32, #tpu.memory_space<vmem>>
        %parallel_loop3A_1474 = tpu.memref_squeeze %parallel_loop3A_1473 : memref<1x8192xf32, #tpu.memory_space<vmem>> -> memref<8192xf32, #tpu.memory_space<vmem>>
        %parallel_loop3A_1475 = arith.index_cast %parallel_loop3A_1470 : i32 to index
        %parallel_loop3A_1476 = tpu.vector_load %parallel_loop3A_1474[%parallel_loop3A_1475] {strides = array<i32>} : memref<8192xf32, #tpu.memory_space<vmem>>, vector<16xf32>,
        tpu.vector_store %parallel_loop3A_1474[%parallel_loop3A_1475], %parallel_loop3A_1468 {strides = array<i32>} : memref<8192xf32, #tpu.memory_space<vmem>>, vector<16xf32>,
        %parallel_loop3A_1477 = arith.constant 10 : i32
        %parallel_loop3A_1478 = arith.addi %parallel_loop3A_1321, %parallel_loop3A_1477 : i32
        %parallel_loop3A_1479 = arith.constant 32 : i32
        %parallel_loop3A_1480 = arith.muli %parallel_loop3A_1478, %parallel_loop3A_1479 : i32
        %parallel_loop3A_1481 = vector.broadcast %parallel_loop3A_1480 : i32 to vector<16xi32>
        %parallel_loop3A_1482 = arith.addi %parallel_loop3A_1319, %parallel_loop3A_1481 : vector<16xi32>
        %parallel_loop3A_1483 = tpu.vector_load_idx %arg5[%parallel_loop3A_1482] : memref<2048xf32, #tpu.memory_space<vmem>>[vector<16xi32>], vector<16xf32>,
        %parallel_loop3A_1484 = arith.constant 1280 : i32
        %parallel_loop3A_1485 = arith.addi %parallel_loop3A_1326, %parallel_loop3A_1484 : i32
        %parallel_loop3A_1486 = arith.constant 0 : i32
        %parallel_loop3A_1487 = arith.constant 0 : i32
        %parallel_loop3A_1488 = tpu.memref_slice %arg7[%parallel_loop3A_1486, %parallel_loop3A_1487] : memref<2x8192xf32, #tpu.memory_space<vmem>> -> memref<1x8192xf32, #tpu.memory_space<vmem>>
        %parallel_loop3A_1489 = tpu.memref_squeeze %parallel_loop3A_1488 : memref<1x8192xf32, #tpu.memory_space<vmem>> -> memref<8192xf32, #tpu.memory_space<vmem>>
        %parallel_loop3A_1490 = arith.index_cast %parallel_loop3A_1485 : i32 to index
        %parallel_loop3A_1491 = tpu.vector_load %parallel_loop3A_1489[%parallel_loop3A_1490] {strides = array<i32>} : memref<8192xf32, #tpu.memory_space<vmem>>, vector<16xf32>,
        tpu.vector_store %parallel_loop3A_1489[%parallel_loop3A_1490], %parallel_loop3A_1483 {strides = array<i32>} : memref<8192xf32, #tpu.memory_space<vmem>>, vector<16xf32>,
        %parallel_loop3A_1492 = arith.constant 11 : i32
        %parallel_loop3A_1493 = arith.addi %parallel_loop3A_1321, %parallel_loop3A_1492 : i32
        %parallel_loop3A_1494 = arith.constant 32 : i32
        %parallel_loop3A_1495 = arith.muli %parallel_loop3A_1493, %parallel_loop3A_1494 : i32
        %parallel_loop3A_1496 = vector.broadcast %parallel_loop3A_1495 : i32 to vector<16xi32>
        %parallel_loop3A_1497 = arith.addi %parallel_loop3A_1319, %parallel_loop3A_1496 : vector<16xi32>
        %parallel_loop3A_1498 = tpu.vector_load_idx %arg5[%parallel_loop3A_1497] : memref<2048xf32, #tpu.memory_space<vmem>>[vector<16xi32>], vector<16xf32>,
        %parallel_loop3A_1499 = arith.constant 1408 : i32
        %parallel_loop3A_1500 = arith.addi %parallel_loop3A_1326, %parallel_loop3A_1499 : i32
        %parallel_loop3A_1501 = arith.constant 0 : i32
        %parallel_loop3A_1502 = arith.constant 0 : i32
        %parallel_loop3A_1503 = tpu.memref_slice %arg7[%parallel_loop3A_1501, %parallel_loop3A_1502] : memref<2x8192xf32, #tpu.memory_space<vmem>> -> memref<1x8192xf32, #tpu.memory_space<vmem>>
        %parallel_loop3A_1504 = tpu.memref_squeeze %parallel_loop3A_1503 : memref<1x8192xf32, #tpu.memory_space<vmem>> -> memref<8192xf32, #tpu.memory_space<vmem>>
        %parallel_loop3A_1505 = arith.index_cast %parallel_loop3A_1500 : i32 to index
        %parallel_loop3A_1506 = tpu.vector_load %parallel_loop3A_1504[%parallel_loop3A_1505] {strides = array<i32>} : memref<8192xf32, #tpu.memory_space<vmem>>, vector<16xf32>,
        tpu.vector_store %parallel_loop3A_1504[%parallel_loop3A_1505], %parallel_loop3A_1498 {strides = array<i32>} : memref<8192xf32, #tpu.memory_space<vmem>>, vector<16xf32>,
        %parallel_loop3A_1507 = arith.constant 12 : i32
        %parallel_loop3A_1508 = arith.addi %parallel_loop3A_1321, %parallel_loop3A_1507 : i32
        %parallel_loop3A_1509 = arith.constant 32 : i32
        %parallel_loop3A_1510 = arith.muli %parallel_loop3A_1508, %parallel_loop3A_1509 : i32
        %parallel_loop3A_1511 = vector.broadcast %parallel_loop3A_1510 : i32 to vector<16xi32>
        %parallel_loop3A_1512 = arith.addi %parallel_loop3A_1319, %parallel_loop3A_1511 : vector<16xi32>
        %parallel_loop3A_1513 = tpu.vector_load_idx %arg5[%parallel_loop3A_1512] : memref<2048xf32, #tpu.memory_space<vmem>>[vector<16xi32>], vector<16xf32>,
        %parallel_loop3A_1514 = arith.constant 1536 : i32
        %parallel_loop3A_1515 = arith.addi %parallel_loop3A_1326, %parallel_loop3A_1514 : i32
        %parallel_loop3A_1516 = arith.constant 0 : i32
        %parallel_loop3A_1517 = arith.constant 0 : i32
        %parallel_loop3A_1518 = tpu.memref_slice %arg7[%parallel_loop3A_1516, %parallel_loop3A_1517] : memref<2x8192xf32, #tpu.memory_space<vmem>> -> memref<1x8192xf32, #tpu.memory_space<vmem>>
        %parallel_loop3A_1519 = tpu.memref_squeeze %parallel_loop3A_1518 : memref<1x8192xf32, #tpu.memory_space<vmem>> -> memref<8192xf32, #tpu.memory_space<vmem>>
        %parallel_loop3A_1520 = arith.index_cast %parallel_loop3A_1515 : i32 to index
        %parallel_loop3A_1521 = tpu.vector_load %parallel_loop3A_1519[%parallel_loop3A_1520] {strides = array<i32>} : memref<8192xf32, #tpu.memory_space<vmem>>, vector<16xf32>,
        tpu.vector_store %parallel_loop3A_1519[%parallel_loop3A_1520], %parallel_loop3A_1513 {strides = array<i32>} : memref<8192xf32, #tpu.memory_space<vmem>>, vector<16xf32>,
        %parallel_loop3A_1522 = arith.constant 13 : i32
        %parallel_loop3A_1523 = arith.addi %parallel_loop3A_1321, %parallel_loop3A_1522 : i32
        %parallel_loop3A_1524 = arith.constant 32 : i32
        %parallel_loop3A_1525 = arith.muli %parallel_loop3A_1523, %parallel_loop3A_1524 : i32
        %parallel_loop3A_1526 = vector.broadcast %parallel_loop3A_1525 : i32 to vector<16xi32>
        %parallel_loop3A_1527 = arith.addi %parallel_loop3A_1319, %parallel_loop3A_1526 : vector<16xi32>
        %parallel_loop3A_1528 = tpu.vector_load_idx %arg5[%parallel_loop3A_1527] : memref<2048xf32, #tpu.memory_space<vmem>>[vector<16xi32>], vector<16xf32>,
        %parallel_loop3A_1529 = arith.constant 1664 : i32
        %parallel_loop3A_1530 = arith.addi %parallel_loop3A_1326, %parallel_loop3A_1529 : i32
        %parallel_loop3A_1531 = arith.constant 0 : i32
        %parallel_loop3A_1532 = arith.constant 0 : i32
        %parallel_loop3A_1533 = tpu.memref_slice %arg7[%parallel_loop3A_1531, %parallel_loop3A_1532] : memref<2x8192xf32, #tpu.memory_space<vmem>> -> memref<1x8192xf32, #tpu.memory_space<vmem>>
        %parallel_loop3A_1534 = tpu.memref_squeeze %parallel_loop3A_1533 : memref<1x8192xf32, #tpu.memory_space<vmem>> -> memref<8192xf32, #tpu.memory_space<vmem>>
        %parallel_loop3A_1535 = arith.index_cast %parallel_loop3A_1530 : i32 to index
        %parallel_loop3A_1536 = tpu.vector_load %parallel_loop3A_1534[%parallel_loop3A_1535] {strides = array<i32>} : memref<8192xf32, #tpu.memory_space<vmem>>, vector<16xf32>,
        tpu.vector_store %parallel_loop3A_1534[%parallel_loop3A_1535], %parallel_loop3A_1528 {strides = array<i32>} : memref<8192xf32, #tpu.memory_space<vmem>>, vector<16xf32>,
        %parallel_loop3A_1537 = arith.constant 14 : i32
        %parallel_loop3A_1538 = arith.addi %parallel_loop3A_1321, %parallel_loop3A_1537 : i32
        %parallel_loop3A_1539 = arith.constant 32 : i32
        %parallel_loop3A_1540 = arith.muli %parallel_loop3A_1538, %parallel_loop3A_1539 : i32
        %parallel_loop3A_1541 = vector.broadcast %parallel_loop3A_1540 : i32 to vector<16xi32>
        %parallel_loop3A_1542 = arith.addi %parallel_loop3A_1319, %parallel_loop3A_1541 : vector<16xi32>
        %parallel_loop3A_1543 = tpu.vector_load_idx %arg5[%parallel_loop3A_1542] : memref<2048xf32, #tpu.memory_space<vmem>>[vector<16xi32>], vector<16xf32>,
        %parallel_loop3A_1544 = arith.constant 1792 : i32
        %parallel_loop3A_1545 = arith.addi %parallel_loop3A_1326, %parallel_loop3A_1544 : i32
        %parallel_loop3A_1546 = arith.constant 0 : i32
        %parallel_loop3A_1547 = arith.constant 0 : i32
        %parallel_loop3A_1548 = tpu.memref_slice %arg7[%parallel_loop3A_1546, %parallel_loop3A_1547] : memref<2x8192xf32, #tpu.memory_space<vmem>> -> memref<1x8192xf32, #tpu.memory_space<vmem>>
        %parallel_loop3A_1549 = tpu.memref_squeeze %parallel_loop3A_1548 : memref<1x8192xf32, #tpu.memory_space<vmem>> -> memref<8192xf32, #tpu.memory_space<vmem>>
        %parallel_loop3A_1550 = arith.index_cast %parallel_loop3A_1545 : i32 to index
        %parallel_loop3A_1551 = tpu.vector_load %parallel_loop3A_1549[%parallel_loop3A_1550] {strides = array<i32>} : memref<8192xf32, #tpu.memory_space<vmem>>, vector<16xf32>,
        tpu.vector_store %parallel_loop3A_1549[%parallel_loop3A_1550], %parallel_loop3A_1543 {strides = array<i32>} : memref<8192xf32, #tpu.memory_space<vmem>>, vector<16xf32>,
        %parallel_loop3A_1552 = arith.constant 15 : i32
        %parallel_loop3A_1553 = arith.addi %parallel_loop3A_1321, %parallel_loop3A_1552 : i32
        %parallel_loop3A_1554 = arith.constant 32 : i32
        %parallel_loop3A_1555 = arith.muli %parallel_loop3A_1553, %parallel_loop3A_1554 : i32
        %parallel_loop3A_1556 = vector.broadcast %parallel_loop3A_1555 : i32 to vector<16xi32>
        %parallel_loop3A_1557 = arith.addi %parallel_loop3A_1319, %parallel_loop3A_1556 : vector<16xi32>
        %parallel_loop3A_1558 = tpu.vector_load_idx %arg5[%parallel_loop3A_1557] : memref<2048xf32, #tpu.memory_space<vmem>>[vector<16xi32>], vector<16xf32>,
        %parallel_loop3A_1559 = arith.constant 1920 : i32
        %parallel_loop3A_1560 = arith.addi %parallel_loop3A_1326, %parallel_loop3A_1559 : i32
        %parallel_loop3A_1561 = arith.constant 0 : i32
        %parallel_loop3A_1562 = arith.constant 0 : i32
        %parallel_loop3A_1563 = tpu.memref_slice %arg7[%parallel_loop3A_1561, %parallel_loop3A_1562] : memref<2x8192xf32, #tpu.memory_space<vmem>> -> memref<1x8192xf32, #tpu.memory_space<vmem>>
        %parallel_loop3A_1564 = tpu.memref_squeeze %parallel_loop3A_1563 : memref<1x8192xf32, #tpu.memory_space<vmem>> -> memref<8192xf32, #tpu.memory_space<vmem>>
        %parallel_loop3A_1565 = arith.index_cast %parallel_loop3A_1560 : i32 to index
        %parallel_loop3A_1566 = tpu.vector_load %parallel_loop3A_1564[%parallel_loop3A_1565] {strides = array<i32>} : memref<8192xf32, #tpu.memory_space<vmem>>, vector<16xf32>,
        tpu.vector_store %parallel_loop3A_1564[%parallel_loop3A_1565], %parallel_loop3A_1558 {strides = array<i32>} : memref<8192xf32, #tpu.memory_space<vmem>>, vector<16xf32>,
      } {sc.loop_unroll_factor = 4 : i64, sc.parallel_access}
      %dma_start3A = arith.constant 0 : i32
      %dma_start3A_654 = arith.constant 0 : i32
      %dma_start3A_655 = arith.constant 0 : i32
      %dma_start3A_656 = tpu.memref_slice %arg7[%dma_start3A, %dma_start3A_655] : memref<2x8192xf32, #tpu.memory_space<vmem>> -> memref<1x8192xf32, #tpu.memory_space<vmem>>
      %dma_start3A_657 = tpu.memref_squeeze %dma_start3A_656 : memref<1x8192xf32, #tpu.memory_space<vmem>> -> memref<8192xf32, #tpu.memory_space<vmem>>
      %dma_start3A_658 = arith.constant 0 : i32
      %dma_start3A_659 = tpu.memref_slice %dma_start3A_657[%dma_start3A_658] : memref<8192xf32, #tpu.memory_space<vmem>> -> memref<1024xf32, #tpu.memory_space<vmem>>
      %dma_start3A_660 = arith.constant 0 : i32
      %dma_start3A_661 = arith.constant 0 : i32
      %dma_start3A_662 = arith.constant 0 : i32
      %dma_start3A_663 = tpu.memref_slice %arg4[%select_n3A, %dma_start3A_660, %dma_start3A_661, %dma_start3A_662] : memref<200x8x32x1024xf32, #tpu.memory_space<hbm>> -> memref<1x8x32x1024xf32, #tpu.memory_space<hbm>>
      %dma_start3A_664 = tpu.memref_squeeze %dma_start3A_663 : memref<1x8x32x1024xf32, #tpu.memory_space<hbm>> -> memref<8x32x1024xf32, #tpu.memory_space<hbm>>
      %dma_start3A_665 = arith.constant 0 : i32
      %dma_start3A_666 = arith.constant 0 : i32
      %dma_start3A_667 = tpu.memref_slice %dma_start3A_664[%dma_start3A_654, %dma_start3A_665, %dma_start3A_666] : memref<8x32x1024xf32, #tpu.memory_space<hbm>> -> memref<1x32x1024xf32, #tpu.memory_space<hbm>>
      %dma_start3A_668 = tpu.memref_squeeze %dma_start3A_667 : memref<1x32x1024xf32, #tpu.memory_space<hbm>> -> memref<32x1024xf32, #tpu.memory_space<hbm>>
      %dma_start3A_669 = arith.constant 0 : i32
      %dma_start3A_670 = tpu.memref_slice %dma_start3A_668[%sub3A_651, %dma_start3A_669] : memref<32x1024xf32, #tpu.memory_space<hbm>> -> memref<1x1024xf32, #tpu.memory_space<hbm>>
      %dma_start3A_671 = tpu.memref_squeeze %dma_start3A_670 : memref<1x1024xf32, #tpu.memory_space<hbm>> -> memref<1024xf32, #tpu.memory_space<hbm>>
      %dma_start3A_672 = arith.constant 0 : i32
      %dma_start3A_673 = arith.constant 0 : i32
      %dma_start3A_674 = arith.constant 0 : i32
      %dma_start3A_675 = tpu.memref_slice %arg4[%select_n3A, %dma_start3A_672, %dma_start3A_673, %dma_start3A_674] : memref<200x8x32x1024xf32, #tpu.memory_space<hbm>> -> memref<1x8x32x1024xf32, #tpu.memory_space<hbm>>
      %dma_start3A_676 = tpu.memref_squeeze %dma_start3A_675 : memref<1x8x32x1024xf32, #tpu.memory_space<hbm>> -> memref<8x32x1024xf32, #tpu.memory_space<hbm>>
      %dma_start3A_677 = arith.constant 0 : i32
      %dma_start3A_678 = arith.constant 0 : i32
      %dma_start3A_679 = tpu.memref_slice %dma_start3A_676[%dma_start3A_654, %dma_start3A_677, %dma_start3A_678] : memref<8x32x1024xf32, #tpu.memory_space<hbm>> -> memref<1x32x1024xf32, #tpu.memory_space<hbm>>
      %dma_start3A_680 = tpu.memref_squeeze %dma_start3A_679 : memref<1x32x1024xf32, #tpu.memory_space<hbm>> -> memref<32x1024xf32, #tpu.memory_space<hbm>>
      %dma_start3A_681 = arith.constant 0 : i32
      %dma_start3A_682 = tpu.memref_slice %dma_start3A_680[%sub3A_651, %dma_start3A_681] : memref<32x1024xf32, #tpu.memory_space<hbm>> -> memref<1x1024xf32, #tpu.memory_space<hbm>>
      %dma_start3A_683 = tpu.memref_squeeze %dma_start3A_682 : memref<1x1024xf32, #tpu.memory_space<hbm>> -> memref<1024xf32, #tpu.memory_space<hbm>>
      %dma_start3A_684 = arith.constant 0 : i32
      %dma_start3A_685 = tpu.memref_slice %arg7[%dma_start3A, %dma_start3A_684] : memref<2x8192xf32, #tpu.memory_space<vmem>> -> memref<1x8192xf32, #tpu.memory_space<vmem>>
      %dma_start3A_686 = tpu.memref_squeeze %dma_start3A_685 : memref<1x8192xf32, #tpu.memory_space<vmem>> -> memref<8192xf32, #tpu.memory_space<vmem>>
      %dma_start3A_687 = arith.constant 0 : i32
      %dma_start3A_688 = tpu.memref_slice %dma_start3A_686[%dma_start3A_687] : memref<8192xf32, #tpu.memory_space<vmem>> -> memref<1024xf32, #tpu.memory_space<vmem>>
      tpu.enqueue_dma source(%dma_start3A_688 : memref<1024xf32, #tpu.memory_space<vmem>>) target(%dma_start3A_683 : memref<1024xf32, #tpu.memory_space<hbm>>) target_semaphore(%arg8 : memref<!tpu.dma_semaphore, #tpu.memory_space<semaphore_mem>>)
      %dma_start3A_689 = arith.constant 0 : i32
      %dma_start3A_690 = arith.constant 1 : i32
      %dma_start3A_691 = arith.constant 0 : i32
      %dma_start3A_692 = tpu.memref_slice %arg7[%dma_start3A_689, %dma_start3A_691] : memref<2x8192xf32, #tpu.memory_space<vmem>> -> memref<1x8192xf32, #tpu.memory_space<vmem>>
      %dma_start3A_693 = tpu.memref_squeeze %dma_start3A_692 : memref<1x8192xf32, #tpu.memory_space<vmem>> -> memref<8192xf32, #tpu.memory_space<vmem>>
      %dma_start3A_694 = arith.constant 1024 : i32
      %dma_start3A_695 = tpu.memref_slice %dma_start3A_693[%dma_start3A_694] : memref<8192xf32, #tpu.memory_space<vmem>> -> memref<1024xf32, #tpu.memory_space<vmem>>
      %dma_start3A_696 = arith.constant 0 : i32
      %dma_start3A_697 = arith.constant 0 : i32
      %dma_start3A_698 = arith.constant 0 : i32
      %dma_start3A_699 = tpu.memref_slice %arg4[%select_n3A, %dma_start3A_696, %dma_start3A_697, %dma_start3A_698] : memref<200x8x32x1024xf32, #tpu.memory_space<hbm>> -> memref<1x8x32x1024xf32, #tpu.memory_space<hbm>>
      %dma_start3A_700 = tpu.memref_squeeze %dma_start3A_699 : memref<1x8x32x1024xf32, #tpu.memory_space<hbm>> -> memref<8x32x1024xf32, #tpu.memory_space<hbm>>
      %dma_start3A_701 = arith.constant 0 : i32
      %dma_start3A_702 = arith.constant 0 : i32
      %dma_start3A_703 = tpu.memref_slice %dma_start3A_700[%dma_start3A_690, %dma_start3A_701, %dma_start3A_702] : memref<8x32x1024xf32, #tpu.memory_space<hbm>> -> memref<1x32x1024xf32, #tpu.memory_space<hbm>>
      %dma_start3A_704 = tpu.memref_squeeze %dma_start3A_703 : memref<1x32x1024xf32, #tpu.memory_space<hbm>> -> memref<32x1024xf32, #tpu.memory_space<hbm>>
      %dma_start3A_705 = arith.constant 0 : i32
      %dma_start3A_706 = tpu.memref_slice %dma_start3A_704[%sub3A_651, %dma_start3A_705] : memref<32x1024xf32, #tpu.memory_space<hbm>> -> memref<1x1024xf32, #tpu.memory_space<hbm>>
      %dma_start3A_707 = tpu.memref_squeeze %dma_start3A_706 : memref<1x1024xf32, #tpu.memory_space<hbm>> -> memref<1024xf32, #tpu.memory_space<hbm>>
      %dma_start3A_708 = arith.constant 0 : i32
      %dma_start3A_709 = arith.constant 0 : i32
      %dma_start3A_710 = arith.constant 0 : i32
      %dma_start3A_711 = tpu.memref_slice %arg4[%select_n3A, %dma_start3A_708, %dma_start3A_709, %dma_start3A_710] : memref<200x8x32x1024xf32, #tpu.memory_space<hbm>> -> memref<1x8x32x1024xf32, #tpu.memory_space<hbm>>
      %dma_start3A_712 = tpu.memref_squeeze %dma_start3A_711 : memref<1x8x32x1024xf32, #tpu.memory_space<hbm>> -> memref<8x32x1024xf32, #tpu.memory_space<hbm>>
      %dma_start3A_713 = arith.constant 0 : i32
      %dma_start3A_714 = arith.constant 0 : i32
      %dma_start3A_715 = tpu.memref_slice %dma_start3A_712[%dma_start3A_690, %dma_start3A_713, %dma_start3A_714] : memref<8x32x1024xf32, #tpu.memory_space<hbm>> -> memref<1x32x1024xf32, #tpu.memory_space<hbm>>
      %dma_start3A_716 = tpu.memref_squeeze %dma_start3A_715 : memref<1x32x1024xf32, #tpu.memory_space<hbm>> -> memref<32x1024xf32, #tpu.memory_space<hbm>>
      %dma_start3A_717 = arith.constant 0 : i32
      %dma_start3A_718 = tpu.memref_slice %dma_start3A_716[%sub3A_651, %dma_start3A_717] : memref<32x1024xf32, #tpu.memory_space<hbm>> -> memref<1x1024xf32, #tpu.memory_space<hbm>>
      %dma_start3A_719 = tpu.memref_squeeze %dma_start3A_718 : memref<1x1024xf32, #tpu.memory_space<hbm>> -> memref<1024xf32, #tpu.memory_space<hbm>>
      %dma_start3A_720 = arith.constant 0 : i32
      %dma_start3A_721 = tpu.memref_slice %arg7[%dma_start3A_689, %dma_start3A_720] : memref<2x8192xf32, #tpu.memory_space<vmem>> -> memref<1x8192xf32, #tpu.memory_space<vmem>>
      %dma_start3A_722 = tpu.memref_squeeze %dma_start3A_721 : memref<1x8192xf32, #tpu.memory_space<vmem>> -> memref<8192xf32, #tpu.memory_space<vmem>>
      %dma_start3A_723 = arith.constant 1024 : i32
      %dma_start3A_724 = tpu.memref_slice %dma_start3A_722[%dma_start3A_723] : memref<8192xf32, #tpu.memory_space<vmem>> -> memref<1024xf32, #tpu.memory_space<vmem>>
      tpu.enqueue_dma source(%dma_start3A_724 : memref<1024xf32, #tpu.memory_space<vmem>>) target(%dma_start3A_719 : memref<1024xf32, #tpu.memory_space<hbm>>) target_semaphore(%arg8 : memref<!tpu.dma_semaphore, #tpu.memory_space<semaphore_mem>>)
      %dma_start3A_725 = arith.constant 0 : i32
      %dma_start3A_726 = arith.constant 2 : i32
      %dma_start3A_727 = arith.constant 0 : i32
      %dma_start3A_728 = tpu.memref_slice %arg7[%dma_start3A_725, %dma_start3A_727] : memref<2x8192xf32, #tpu.memory_space<vmem>> -> memref<1x8192xf32, #tpu.memory_space<vmem>>
      %dma_start3A_729 = tpu.memref_squeeze %dma_start3A_728 : memref<1x8192xf32, #tpu.memory_space<vmem>> -> memref<8192xf32, #tpu.memory_space<vmem>>
      %dma_start3A_730 = arith.constant 2048 : i32
      %dma_start3A_731 = tpu.memref_slice %dma_start3A_729[%dma_start3A_730] : memref<8192xf32, #tpu.memory_space<vmem>> -> memref<1024xf32, #tpu.memory_space<vmem>>
      %dma_start3A_732 = arith.constant 0 : i32
      %dma_start3A_733 = arith.constant 0 : i32
      %dma_start3A_734 = arith.constant 0 : i32
      %dma_start3A_735 = tpu.memref_slice %arg4[%select_n3A, %dma_start3A_732, %dma_start3A_733, %dma_start3A_734] : memref<200x8x32x1024xf32, #tpu.memory_space<hbm>> -> memref<1x8x32x1024xf32, #tpu.memory_space<hbm>>
      %dma_start3A_736 = tpu.memref_squeeze %dma_start3A_735 : memref<1x8x32x1024xf32, #tpu.memory_space<hbm>> -> memref<8x32x1024xf32, #tpu.memory_space<hbm>>
      %dma_start3A_737 = arith.constant 0 : i32
      %dma_start3A_738 = arith.constant 0 : i32
      %dma_start3A_739 = tpu.memref_slice %dma_start3A_736[%dma_start3A_726, %dma_start3A_737, %dma_start3A_738] : memref<8x32x1024xf32, #tpu.memory_space<hbm>> -> memref<1x32x1024xf32, #tpu.memory_space<hbm>>
      %dma_start3A_740 = tpu.memref_squeeze %dma_start3A_739 : memref<1x32x1024xf32, #tpu.memory_space<hbm>> -> memref<32x1024xf32, #tpu.memory_space<hbm>>
      %dma_start3A_741 = arith.constant 0 : i32
      %dma_start3A_742 = tpu.memref_slice %dma_start3A_740[%sub3A_651, %dma_start3A_741] : memref<32x1024xf32, #tpu.memory_space<hbm>> -> memref<1x1024xf32, #tpu.memory_space<hbm>>
      %dma_start3A_743 = tpu.memref_squeeze %dma_start3A_742 : memref<1x1024xf32, #tpu.memory_space<hbm>> -> memref<1024xf32, #tpu.memory_space<hbm>>
      %dma_start3A_744 = arith.constant 0 : i32
      %dma_start3A_745 = arith.constant 0 : i32
      %dma_start3A_746 = arith.constant 0 : i32
      %dma_start3A_747 = tpu.memref_slice %arg4[%select_n3A, %dma_start3A_744, %dma_start3A_745, %dma_start3A_746] : memref<200x8x32x1024xf32, #tpu.memory_space<hbm>> -> memref<1x8x32x1024xf32, #tpu.memory_space<hbm>>
      %dma_start3A_748 = tpu.memref_squeeze %dma_start3A_747 : memref<1x8x32x1024xf32, #tpu.memory_space<hbm>> -> memref<8x32x1024xf32, #tpu.memory_space<hbm>>
      %dma_start3A_749 = arith.constant 0 : i32
      %dma_start3A_750 = arith.constant 0 : i32
      %dma_start3A_751 = tpu.memref_slice %dma_start3A_748[%dma_start3A_726, %dma_start3A_749, %dma_start3A_750] : memref<8x32x1024xf32, #tpu.memory_space<hbm>> -> memref<1x32x1024xf32, #tpu.memory_space<hbm>>
      %dma_start3A_752 = tpu.memref_squeeze %dma_start3A_751 : memref<1x32x1024xf32, #tpu.memory_space<hbm>> -> memref<32x1024xf32, #tpu.memory_space<hbm>>
      %dma_start3A_753 = arith.constant 0 : i32
      %dma_start3A_754 = tpu.memref_slice %dma_start3A_752[%sub3A_651, %dma_start3A_753] : memref<32x1024xf32, #tpu.memory_space<hbm>> -> memref<1x1024xf32, #tpu.memory_space<hbm>>
      %dma_start3A_755 = tpu.memref_squeeze %dma_start3A_754 : memref<1x1024xf32, #tpu.memory_space<hbm>> -> memref<1024xf32, #tpu.memory_space<hbm>>
      %dma_start3A_756 = arith.constant 0 : i32
      %dma_start3A_757 = tpu.memref_slice %arg7[%dma_start3A_725, %dma_start3A_756] : memref<2x8192xf32, #tpu.memory_space<vmem>> -> memref<1x8192xf32, #tpu.memory_space<vmem>>
      %dma_start3A_758 = tpu.memref_squeeze %dma_start3A_757 : memref<1x8192xf32, #tpu.memory_space<vmem>> -> memref<8192xf32, #tpu.memory_space<vmem>>
      %dma_start3A_759 = arith.constant 2048 : i32
      %dma_start3A_760 = tpu.memref_slice %dma_start3A_758[%dma_start3A_759] : memref<8192xf32, #tpu.memory_space<vmem>> -> memref<1024xf32, #tpu.memory_space<vmem>>
      tpu.enqueue_dma source(%dma_start3A_760 : memref<1024xf32, #tpu.memory_space<vmem>>) target(%dma_start3A_755 : memref<1024xf32, #tpu.memory_space<hbm>>) target_semaphore(%arg8 : memref<!tpu.dma_semaphore, #tpu.memory_space<semaphore_mem>>)
      %dma_start3A_761 = arith.constant 0 : i32
      %dma_start3A_762 = arith.constant 3 : i32
      %dma_start3A_763 = arith.constant 0 : i32
      %dma_start3A_764 = tpu.memref_slice %arg7[%dma_start3A_761, %dma_start3A_763] : memref<2x8192xf32, #tpu.memory_space<vmem>> -> memref<1x8192xf32, #tpu.memory_space<vmem>>
      %dma_start3A_765 = tpu.memref_squeeze %dma_start3A_764 : memref<1x8192xf32, #tpu.memory_space<vmem>> -> memref<8192xf32, #tpu.memory_space<vmem>>
      %dma_start3A_766 = arith.constant 3072 : i32
      %dma_start3A_767 = tpu.memref_slice %dma_start3A_765[%dma_start3A_766] : memref<8192xf32, #tpu.memory_space<vmem>> -> memref<1024xf32, #tpu.memory_space<vmem>>
      %dma_start3A_768 = arith.constant 0 : i32
      %dma_start3A_769 = arith.constant 0 : i32
      %dma_start3A_770 = arith.constant 0 : i32
      %dma_start3A_771 = tpu.memref_slice %arg4[%select_n3A, %dma_start3A_768, %dma_start3A_769, %dma_start3A_770] : memref<200x8x32x1024xf32, #tpu.memory_space<hbm>> -> memref<1x8x32x1024xf32, #tpu.memory_space<hbm>>
      %dma_start3A_772 = tpu.memref_squeeze %dma_start3A_771 : memref<1x8x32x1024xf32, #tpu.memory_space<hbm>> -> memref<8x32x1024xf32, #tpu.memory_space<hbm>>
      %dma_start3A_773 = arith.constant 0 : i32
      %dma_start3A_774 = arith.constant 0 : i32
      %dma_start3A_775 = tpu.memref_slice %dma_start3A_772[%dma_start3A_762, %dma_start3A_773, %dma_start3A_774] : memref<8x32x1024xf32, #tpu.memory_space<hbm>> -> memref<1x32x1024xf32, #tpu.memory_space<hbm>>
      %dma_start3A_776 = tpu.memref_squeeze %dma_start3A_775 : memref<1x32x1024xf32, #tpu.memory_space<hbm>> -> memref<32x1024xf32, #tpu.memory_space<hbm>>
      %dma_start3A_777 = arith.constant 0 : i32
      %dma_start3A_778 = tpu.memref_slice %dma_start3A_776[%sub3A_651, %dma_start3A_777] : memref<32x1024xf32, #tpu.memory_space<hbm>> -> memref<1x1024xf32, #tpu.memory_space<hbm>>
      %dma_start3A_779 = tpu.memref_squeeze %dma_start3A_778 : memref<1x1024xf32, #tpu.memory_space<hbm>> -> memref<1024xf32, #tpu.memory_space<hbm>>
      %dma_start3A_780 = arith.constant 0 : i32
      %dma_start3A_781 = arith.constant 0 : i32
      %dma_start3A_782 = arith.constant 0 : i32
      %dma_start3A_783 = tpu.memref_slice %arg4[%select_n3A, %dma_start3A_780, %dma_start3A_781, %dma_start3A_782] : memref<200x8x32x1024xf32, #tpu.memory_space<hbm>> -> memref<1x8x32x1024xf32, #tpu.memory_space<hbm>>
      %dma_start3A_784 = tpu.memref_squeeze %dma_start3A_783 : memref<1x8x32x1024xf32, #tpu.memory_space<hbm>> -> memref<8x32x1024xf32, #tpu.memory_space<hbm>>
      %dma_start3A_785 = arith.constant 0 : i32
      %dma_start3A_786 = arith.constant 0 : i32
      %dma_start3A_787 = tpu.memref_slice %dma_start3A_784[%dma_start3A_762, %dma_start3A_785, %dma_start3A_786] : memref<8x32x1024xf32, #tpu.memory_space<hbm>> -> memref<1x32x1024xf32, #tpu.memory_space<hbm>>
      %dma_start3A_788 = tpu.memref_squeeze %dma_start3A_787 : memref<1x32x1024xf32, #tpu.memory_space<hbm>> -> memref<32x1024xf32, #tpu.memory_space<hbm>>
      %dma_start3A_789 = arith.constant 0 : i32
      %dma_start3A_790 = tpu.memref_slice %dma_start3A_788[%sub3A_651, %dma_start3A_789] : memref<32x1024xf32, #tpu.memory_space<hbm>> -> memref<1x1024xf32, #tpu.memory_space<hbm>>
      %dma_start3A_791 = tpu.memref_squeeze %dma_start3A_790 : memref<1x1024xf32, #tpu.memory_space<hbm>> -> memref<1024xf32, #tpu.memory_space<hbm>>
      %dma_start3A_792 = arith.constant 0 : i32
      %dma_start3A_793 = tpu.memref_slice %arg7[%dma_start3A_761, %dma_start3A_792] : memref<2x8192xf32, #tpu.memory_space<vmem>> -> memref<1x8192xf32, #tpu.memory_space<vmem>>
      %dma_start3A_794 = tpu.memref_squeeze %dma_start3A_793 : memref<1x8192xf32, #tpu.memory_space<vmem>> -> memref<8192xf32, #tpu.memory_space<vmem>>
      %dma_start3A_795 = arith.constant 3072 : i32
      %dma_start3A_796 = tpu.memref_slice %dma_start3A_794[%dma_start3A_795] : memref<8192xf32, #tpu.memory_space<vmem>> -> memref<1024xf32, #tpu.memory_space<vmem>>
      tpu.enqueue_dma source(%dma_start3A_796 : memref<1024xf32, #tpu.memory_space<vmem>>) target(%dma_start3A_791 : memref<1024xf32, #tpu.memory_space<hbm>>) target_semaphore(%arg8 : memref<!tpu.dma_semaphore, #tpu.memory_space<semaphore_mem>>)
      %dma_start3A_797 = arith.constant 0 : i32
      %dma_start3A_798 = arith.constant 4 : i32
      %dma_start3A_799 = arith.constant 0 : i32
      %dma_start3A_800 = tpu.memref_slice %arg7[%dma_start3A_797, %dma_start3A_799] : memref<2x8192xf32, #tpu.memory_space<vmem>> -> memref<1x8192xf32, #tpu.memory_space<vmem>>
      %dma_start3A_801 = tpu.memref_squeeze %dma_start3A_800 : memref<1x8192xf32, #tpu.memory_space<vmem>> -> memref<8192xf32, #tpu.memory_space<vmem>>
      %dma_start3A_802 = arith.constant 4096 : i32
      %dma_start3A_803 = tpu.memref_slice %dma_start3A_801[%dma_start3A_802] : memref<8192xf32, #tpu.memory_space<vmem>> -> memref<1024xf32, #tpu.memory_space<vmem>>
      %dma_start3A_804 = arith.constant 0 : i32
      %dma_start3A_805 = arith.constant 0 : i32
      %dma_start3A_806 = arith.constant 0 : i32
      %dma_start3A_807 = tpu.memref_slice %arg4[%select_n3A, %dma_start3A_804, %dma_start3A_805, %dma_start3A_806] : memref<200x8x32x1024xf32, #tpu.memory_space<hbm>> -> memref<1x8x32x1024xf32, #tpu.memory_space<hbm>>
      %dma_start3A_808 = tpu.memref_squeeze %dma_start3A_807 : memref<1x8x32x1024xf32, #tpu.memory_space<hbm>> -> memref<8x32x1024xf32, #tpu.memory_space<hbm>>
      %dma_start3A_809 = arith.constant 0 : i32
      %dma_start3A_810 = arith.constant 0 : i32
      %dma_start3A_811 = tpu.memref_slice %dma_start3A_808[%dma_start3A_798, %dma_start3A_809, %dma_start3A_810] : memref<8x32x1024xf32, #tpu.memory_space<hbm>> -> memref<1x32x1024xf32, #tpu.memory_space<hbm>>
      %dma_start3A_812 = tpu.memref_squeeze %dma_start3A_811 : memref<1x32x1024xf32, #tpu.memory_space<hbm>> -> memref<32x1024xf32, #tpu.memory_space<hbm>>
      %dma_start3A_813 = arith.constant 0 : i32
      %dma_start3A_814 = tpu.memref_slice %dma_start3A_812[%sub3A_651, %dma_start3A_813] : memref<32x1024xf32, #tpu.memory_space<hbm>> -> memref<1x1024xf32, #tpu.memory_space<hbm>>
      %dma_start3A_815 = tpu.memref_squeeze %dma_start3A_814 : memref<1x1024xf32, #tpu.memory_space<hbm>> -> memref<1024xf32, #tpu.memory_space<hbm>>
      %dma_start3A_816 = arith.constant 0 : i32
      %dma_start3A_817 = arith.constant 0 : i32
      %dma_start3A_818 = arith.constant 0 : i32
      %dma_start3A_819 = tpu.memref_slice %arg4[%select_n3A, %dma_start3A_816, %dma_start3A_817, %dma_start3A_818] : memref<200x8x32x1024xf32, #tpu.memory_space<hbm>> -> memref<1x8x32x1024xf32, #tpu.memory_space<hbm>>
      %dma_start3A_820 = tpu.memref_squeeze %dma_start3A_819 : memref<1x8x32x1024xf32, #tpu.memory_space<hbm>> -> memref<8x32x1024xf32, #tpu.memory_space<hbm>>
      %dma_start3A_821 = arith.constant 0 : i32
      %dma_start3A_822 = arith.constant 0 : i32
      %dma_start3A_823 = tpu.memref_slice %dma_start3A_820[%dma_start3A_798, %dma_start3A_821, %dma_start3A_822] : memref<8x32x1024xf32, #tpu.memory_space<hbm>> -> memref<1x32x1024xf32, #tpu.memory_space<hbm>>
      %dma_start3A_824 = tpu.memref_squeeze %dma_start3A_823 : memref<1x32x1024xf32, #tpu.memory_space<hbm>> -> memref<32x1024xf32, #tpu.memory_space<hbm>>
      %dma_start3A_825 = arith.constant 0 : i32
      %dma_start3A_826 = tpu.memref_slice %dma_start3A_824[%sub3A_651, %dma_start3A_825] : memref<32x1024xf32, #tpu.memory_space<hbm>> -> memref<1x1024xf32, #tpu.memory_space<hbm>>
      %dma_start3A_827 = tpu.memref_squeeze %dma_start3A_826 : memref<1x1024xf32, #tpu.memory_space<hbm>> -> memref<1024xf32, #tpu.memory_space<hbm>>
      %dma_start3A_828 = arith.constant 0 : i32
      %dma_start3A_829 = tpu.memref_slice %arg7[%dma_start3A_797, %dma_start3A_828] : memref<2x8192xf32, #tpu.memory_space<vmem>> -> memref<1x8192xf32, #tpu.memory_space<vmem>>
      %dma_start3A_830 = tpu.memref_squeeze %dma_start3A_829 : memref<1x8192xf32, #tpu.memory_space<vmem>> -> memref<8192xf32, #tpu.memory_space<vmem>>
      %dma_start3A_831 = arith.constant 4096 : i32
      %dma_start3A_832 = tpu.memref_slice %dma_start3A_830[%dma_start3A_831] : memref<8192xf32, #tpu.memory_space<vmem>> -> memref<1024xf32, #tpu.memory_space<vmem>>
      tpu.enqueue_dma source(%dma_start3A_832 : memref<1024xf32, #tpu.memory_space<vmem>>) target(%dma_start3A_827 : memref<1024xf32, #tpu.memory_space<hbm>>) target_semaphore(%arg8 : memref<!tpu.dma_semaphore, #tpu.memory_space<semaphore_mem>>)
      %dma_start3A_833 = arith.constant 0 : i32
      %dma_start3A_834 = arith.constant 5 : i32
      %dma_start3A_835 = arith.constant 0 : i32
      %dma_start3A_836 = tpu.memref_slice %arg7[%dma_start3A_833, %dma_start3A_835] : memref<2x8192xf32, #tpu.memory_space<vmem>> -> memref<1x8192xf32, #tpu.memory_space<vmem>>
      %dma_start3A_837 = tpu.memref_squeeze %dma_start3A_836 : memref<1x8192xf32, #tpu.memory_space<vmem>> -> memref<8192xf32, #tpu.memory_space<vmem>>
      %dma_start3A_838 = arith.constant 5120 : i32
      %dma_start3A_839 = tpu.memref_slice %dma_start3A_837[%dma_start3A_838] : memref<8192xf32, #tpu.memory_space<vmem>> -> memref<1024xf32, #tpu.memory_space<vmem>>
      %dma_start3A_840 = arith.constant 0 : i32
      %dma_start3A_841 = arith.constant 0 : i32
      %dma_start3A_842 = arith.constant 0 : i32
      %dma_start3A_843 = tpu.memref_slice %arg4[%select_n3A, %dma_start3A_840, %dma_start3A_841, %dma_start3A_842] : memref<200x8x32x1024xf32, #tpu.memory_space<hbm>> -> memref<1x8x32x1024xf32, #tpu.memory_space<hbm>>
      %dma_start3A_844 = tpu.memref_squeeze %dma_start3A_843 : memref<1x8x32x1024xf32, #tpu.memory_space<hbm>> -> memref<8x32x1024xf32, #tpu.memory_space<hbm>>
      %dma_start3A_845 = arith.constant 0 : i32
      %dma_start3A_846 = arith.constant 0 : i32
      %dma_start3A_847 = tpu.memref_slice %dma_start3A_844[%dma_start3A_834, %dma_start3A_845, %dma_start3A_846] : memref<8x32x1024xf32, #tpu.memory_space<hbm>> -> memref<1x32x1024xf32, #tpu.memory_space<hbm>>
      %dma_start3A_848 = tpu.memref_squeeze %dma_start3A_847 : memref<1x32x1024xf32, #tpu.memory_space<hbm>> -> memref<32x1024xf32, #tpu.memory_space<hbm>>
      %dma_start3A_849 = arith.constant 0 : i32
      %dma_start3A_850 = tpu.memref_slice %dma_start3A_848[%sub3A_651, %dma_start3A_849] : memref<32x1024xf32, #tpu.memory_space<hbm>> -> memref<1x1024xf32, #tpu.memory_space<hbm>>
      %dma_start3A_851 = tpu.memref_squeeze %dma_start3A_850 : memref<1x1024xf32, #tpu.memory_space<hbm>> -> memref<1024xf32, #tpu.memory_space<hbm>>
      %dma_start3A_852 = arith.constant 0 : i32
      %dma_start3A_853 = arith.constant 0 : i32
      %dma_start3A_854 = arith.constant 0 : i32
      %dma_start3A_855 = tpu.memref_slice %arg4[%select_n3A, %dma_start3A_852, %dma_start3A_853, %dma_start3A_854] : memref<200x8x32x1024xf32, #tpu.memory_space<hbm>> -> memref<1x8x32x1024xf32, #tpu.memory_space<hbm>>
      %dma_start3A_856 = tpu.memref_squeeze %dma_start3A_855 : memref<1x8x32x1024xf32, #tpu.memory_space<hbm>> -> memref<8x32x1024xf32, #tpu.memory_space<hbm>>
      %dma_start3A_857 = arith.constant 0 : i32
      %dma_start3A_858 = arith.constant 0 : i32
      %dma_start3A_859 = tpu.memref_slice %dma_start3A_856[%dma_start3A_834, %dma_start3A_857, %dma_start3A_858] : memref<8x32x1024xf32, #tpu.memory_space<hbm>> -> memref<1x32x1024xf32, #tpu.memory_space<hbm>>
      %dma_start3A_860 = tpu.memref_squeeze %dma_start3A_859 : memref<1x32x1024xf32, #tpu.memory_space<hbm>> -> memref<32x1024xf32, #tpu.memory_space<hbm>>
      %dma_start3A_861 = arith.constant 0 : i32
      %dma_start3A_862 = tpu.memref_slice %dma_start3A_860[%sub3A_651, %dma_start3A_861] : memref<32x1024xf32, #tpu.memory_space<hbm>> -> memref<1x1024xf32, #tpu.memory_space<hbm>>
      %dma_start3A_863 = tpu.memref_squeeze %dma_start3A_862 : memref<1x1024xf32, #tpu.memory_space<hbm>> -> memref<1024xf32, #tpu.memory_space<hbm>>
      %dma_start3A_864 = arith.constant 0 : i32
      %dma_start3A_865 = tpu.memref_slice %arg7[%dma_start3A_833, %dma_start3A_864] : memref<2x8192xf32, #tpu.memory_space<vmem>> -> memref<1x8192xf32, #tpu.memory_space<vmem>>
      %dma_start3A_866 = tpu.memref_squeeze %dma_start3A_865 : memref<1x8192xf32, #tpu.memory_space<vmem>> -> memref<8192xf32, #tpu.memory_space<vmem>>
      %dma_start3A_867 = arith.constant 5120 : i32
      %dma_start3A_868 = tpu.memref_slice %dma_start3A_866[%dma_start3A_867] : memref<8192xf32, #tpu.memory_space<vmem>> -> memref<1024xf32, #tpu.memory_space<vmem>>
      tpu.enqueue_dma source(%dma_start3A_868 : memref<1024xf32, #tpu.memory_space<vmem>>) target(%dma_start3A_863 : memref<1024xf32, #tpu.memory_space<hbm>>) target_semaphore(%arg8 : memref<!tpu.dma_semaphore, #tpu.memory_space<semaphore_mem>>)
      %dma_start3A_869 = arith.constant 0 : i32
      %dma_start3A_870 = arith.constant 6 : i32
      %dma_start3A_871 = arith.constant 0 : i32
      %dma_start3A_872 = tpu.memref_slice %arg7[%dma_start3A_869, %dma_start3A_871] : memref<2x8192xf32, #tpu.memory_space<vmem>> -> memref<1x8192xf32, #tpu.memory_space<vmem>>
      %dma_start3A_873 = tpu.memref_squeeze %dma_start3A_872 : memref<1x8192xf32, #tpu.memory_space<vmem>> -> memref<8192xf32, #tpu.memory_space<vmem>>
      %dma_start3A_874 = arith.constant 6144 : i32
      %dma_start3A_875 = tpu.memref_slice %dma_start3A_873[%dma_start3A_874] : memref<8192xf32, #tpu.memory_space<vmem>> -> memref<1024xf32, #tpu.memory_space<vmem>>
      %dma_start3A_876 = arith.constant 0 : i32
      %dma_start3A_877 = arith.constant 0 : i32
      %dma_start3A_878 = arith.constant 0 : i32
      %dma_start3A_879 = tpu.memref_slice %arg4[%select_n3A, %dma_start3A_876, %dma_start3A_877, %dma_start3A_878] : memref<200x8x32x1024xf32, #tpu.memory_space<hbm>> -> memref<1x8x32x1024xf32, #tpu.memory_space<hbm>>
      %dma_start3A_880 = tpu.memref_squeeze %dma_start3A_879 : memref<1x8x32x1024xf32, #tpu.memory_space<hbm>> -> memref<8x32x1024xf32, #tpu.memory_space<hbm>>
      %dma_start3A_881 = arith.constant 0 : i32
      %dma_start3A_882 = arith.constant 0 : i32
      %dma_start3A_883 = tpu.memref_slice %dma_start3A_880[%dma_start3A_870, %dma_start3A_881, %dma_start3A_882] : memref<8x32x1024xf32, #tpu.memory_space<hbm>> -> memref<1x32x1024xf32, #tpu.memory_space<hbm>>
      %dma_start3A_884 = tpu.memref_squeeze %dma_start3A_883 : memref<1x32x1024xf32, #tpu.memory_space<hbm>> -> memref<32x1024xf32, #tpu.memory_space<hbm>>
      %dma_start3A_885 = arith.constant 0 : i32
      %dma_start3A_886 = tpu.memref_slice %dma_start3A_884[%sub3A_651, %dma_start3A_885] : memref<32x1024xf32, #tpu.memory_space<hbm>> -> memref<1x1024xf32, #tpu.memory_space<hbm>>
      %dma_start3A_887 = tpu.memref_squeeze %dma_start3A_886 : memref<1x1024xf32, #tpu.memory_space<hbm>> -> memref<1024xf32, #tpu.memory_space<hbm>>
      %dma_start3A_888 = arith.constant 0 : i32
      %dma_start3A_889 = arith.constant 0 : i32
      %dma_start3A_890 = arith.constant 0 : i32
      %dma_start3A_891 = tpu.memref_slice %arg4[%select_n3A, %dma_start3A_888, %dma_start3A_889, %dma_start3A_890] : memref<200x8x32x1024xf32, #tpu.memory_space<hbm>> -> memref<1x8x32x1024xf32, #tpu.memory_space<hbm>>
      %dma_start3A_892 = tpu.memref_squeeze %dma_start3A_891 : memref<1x8x32x1024xf32, #tpu.memory_space<hbm>> -> memref<8x32x1024xf32, #tpu.memory_space<hbm>>
      %dma_start3A_893 = arith.constant 0 : i32
      %dma_start3A_894 = arith.constant 0 : i32
      %dma_start3A_895 = tpu.memref_slice %dma_start3A_892[%dma_start3A_870, %dma_start3A_893, %dma_start3A_894] : memref<8x32x1024xf32, #tpu.memory_space<hbm>> -> memref<1x32x1024xf32, #tpu.memory_space<hbm>>
      %dma_start3A_896 = tpu.memref_squeeze %dma_start3A_895 : memref<1x32x1024xf32, #tpu.memory_space<hbm>> -> memref<32x1024xf32, #tpu.memory_space<hbm>>
      %dma_start3A_897 = arith.constant 0 : i32
      %dma_start3A_898 = tpu.memref_slice %dma_start3A_896[%sub3A_651, %dma_start3A_897] : memref<32x1024xf32, #tpu.memory_space<hbm>> -> memref<1x1024xf32, #tpu.memory_space<hbm>>
      %dma_start3A_899 = tpu.memref_squeeze %dma_start3A_898 : memref<1x1024xf32, #tpu.memory_space<hbm>> -> memref<1024xf32, #tpu.memory_space<hbm>>
      %dma_start3A_900 = arith.constant 0 : i32
      %dma_start3A_901 = tpu.memref_slice %arg7[%dma_start3A_869, %dma_start3A_900] : memref<2x8192xf32, #tpu.memory_space<vmem>> -> memref<1x8192xf32, #tpu.memory_space<vmem>>
      %dma_start3A_902 = tpu.memref_squeeze %dma_start3A_901 : memref<1x8192xf32, #tpu.memory_space<vmem>> -> memref<8192xf32, #tpu.memory_space<vmem>>
      %dma_start3A_903 = arith.constant 6144 : i32
      %dma_start3A_904 = tpu.memref_slice %dma_start3A_902[%dma_start3A_903] : memref<8192xf32, #tpu.memory_space<vmem>> -> memref<1024xf32, #tpu.memory_space<vmem>>
      tpu.enqueue_dma source(%dma_start3A_904 : memref<1024xf32, #tpu.memory_space<vmem>>) target(%dma_start3A_899 : memref<1024xf32, #tpu.memory_space<hbm>>) target_semaphore(%arg8 : memref<!tpu.dma_semaphore, #tpu.memory_space<semaphore_mem>>)
      %dma_start3A_905 = arith.constant 0 : i32
      %dma_start3A_906 = arith.constant 7 : i32
      %dma_start3A_907 = arith.constant 0 : i32
      %dma_start3A_908 = tpu.memref_slice %arg7[%dma_start3A_905, %dma_start3A_907] : memref<2x8192xf32, #tpu.memory_space<vmem>> -> memref<1x8192xf32, #tpu.memory_space<vmem>>
      %dma_start3A_909 = tpu.memref_squeeze %dma_start3A_908 : memref<1x8192xf32, #tpu.memory_space<vmem>> -> memref<8192xf32, #tpu.memory_space<vmem>>
      %dma_start3A_910 = arith.constant 7168 : i32
      %dma_start3A_911 = tpu.memref_slice %dma_start3A_909[%dma_start3A_910] : memref<8192xf32, #tpu.memory_space<vmem>> -> memref<1024xf32, #tpu.memory_space<vmem>>
      %dma_start3A_912 = arith.constant 0 : i32
      %dma_start3A_913 = arith.constant 0 : i32
      %dma_start3A_914 = arith.constant 0 : i32
      %dma_start3A_915 = tpu.memref_slice %arg4[%select_n3A, %dma_start3A_912, %dma_start3A_913, %dma_start3A_914] : memref<200x8x32x1024xf32, #tpu.memory_space<hbm>> -> memref<1x8x32x1024xf32, #tpu.memory_space<hbm>>
      %dma_start3A_916 = tpu.memref_squeeze %dma_start3A_915 : memref<1x8x32x1024xf32, #tpu.memory_space<hbm>> -> memref<8x32x1024xf32, #tpu.memory_space<hbm>>
      %dma_start3A_917 = arith.constant 0 : i32
      %dma_start3A_918 = arith.constant 0 : i32
      %dma_start3A_919 = tpu.memref_slice %dma_start3A_916[%dma_start3A_906, %dma_start3A_917, %dma_start3A_918] : memref<8x32x1024xf32, #tpu.memory_space<hbm>> -> memref<1x32x1024xf32, #tpu.memory_space<hbm>>
      %dma_start3A_920 = tpu.memref_squeeze %dma_start3A_919 : memref<1x32x1024xf32, #tpu.memory_space<hbm>> -> memref<32x1024xf32, #tpu.memory_space<hbm>>
      %dma_start3A_921 = arith.constant 0 : i32
      %dma_start3A_922 = tpu.memref_slice %dma_start3A_920[%sub3A_651, %dma_start3A_921] : memref<32x1024xf32, #tpu.memory_space<hbm>> -> memref<1x1024xf32, #tpu.memory_space<hbm>>
      %dma_start3A_923 = tpu.memref_squeeze %dma_start3A_922 : memref<1x1024xf32, #tpu.memory_space<hbm>> -> memref<1024xf32, #tpu.memory_space<hbm>>
      %dma_start3A_924 = arith.constant 0 : i32
      %dma_start3A_925 = arith.constant 0 : i32
      %dma_start3A_926 = arith.constant 0 : i32
      %dma_start3A_927 = tpu.memref_slice %arg4[%select_n3A, %dma_start3A_924, %dma_start3A_925, %dma_start3A_926] : memref<200x8x32x1024xf32, #tpu.memory_space<hbm>> -> memref<1x8x32x1024xf32, #tpu.memory_space<hbm>>
      %dma_start3A_928 = tpu.memref_squeeze %dma_start3A_927 : memref<1x8x32x1024xf32, #tpu.memory_space<hbm>> -> memref<8x32x1024xf32, #tpu.memory_space<hbm>>
      %dma_start3A_929 = arith.constant 0 : i32
      %dma_start3A_930 = arith.constant 0 : i32
      %dma_start3A_931 = tpu.memref_slice %dma_start3A_928[%dma_start3A_906, %dma_start3A_929, %dma_start3A_930] : memref<8x32x1024xf32, #tpu.memory_space<hbm>> -> memref<1x32x1024xf32, #tpu.memory_space<hbm>>
      %dma_start3A_932 = tpu.memref_squeeze %dma_start3A_931 : memref<1x32x1024xf32, #tpu.memory_space<hbm>> -> memref<32x1024xf32, #tpu.memory_space<hbm>>
      %dma_start3A_933 = arith.constant 0 : i32
      %dma_start3A_934 = tpu.memref_slice %dma_start3A_932[%sub3A_651, %dma_start3A_933] : memref<32x1024xf32, #tpu.memory_space<hbm>> -> memref<1x1024xf32, #tpu.memory_space<hbm>>
      %dma_start3A_935 = tpu.memref_squeeze %dma_start3A_934 : memref<1x1024xf32, #tpu.memory_space<hbm>> -> memref<1024xf32, #tpu.memory_space<hbm>>
      %dma_start3A_936 = arith.constant 0 : i32
      %dma_start3A_937 = tpu.memref_slice %arg7[%dma_start3A_905, %dma_start3A_936] : memref<2x8192xf32, #tpu.memory_space<vmem>> -> memref<1x8192xf32, #tpu.memory_space<vmem>>
      %dma_start3A_938 = tpu.memref_squeeze %dma_start3A_937 : memref<1x8192xf32, #tpu.memory_space<vmem>> -> memref<8192xf32, #tpu.memory_space<vmem>>
      %dma_start3A_939 = arith.constant 7168 : i32
      %dma_start3A_940 = tpu.memref_slice %dma_start3A_938[%dma_start3A_939] : memref<8192xf32, #tpu.memory_space<vmem>> -> memref<1024xf32, #tpu.memory_space<vmem>>
      tpu.enqueue_dma source(%dma_start3A_940 : memref<1024xf32, #tpu.memory_space<vmem>>) target(%dma_start3A_935 : memref<1024xf32, #tpu.memory_space<hbm>>) target_semaphore(%arg8 : memref<!tpu.dma_semaphore, #tpu.memory_space<semaphore_mem>>)
      %mul3A_941 = arith.constant 2 : i32
      %mul3A_942 = arith.muli %mul3A_941, %scan3A_623 : i32
      %add3A_943 = arith.constant 1 : i32
      %add3A_944 = arith.addi %mul3A_942, %add3A_943 : i32
      %gt3A_945 = arith.constant 0 : i32
      %gt3A_946 = arith.cmpi sgt, %scan3A_1, %gt3A_945 : i32
      %gt3A_947 = arith.constant 0 : i32
      %gt3A_948 = arith.cmpi sgt, %scan3A_623, %gt3A_947 : i32
      %or3A_949 = arith.ori %gt3A_946, %gt3A_948 : i1
      %convert_element_type3A_950 = arith.extui %or3A_949 : i1 to i32
      %cond3A_951 = arith.constant 0 : i32
      %cond3A_952 = arith.cmpi ne, %convert_element_type3A_950, %cond3A_951 : i32
      scf.if %cond3A_952 {
        %dma_wait3A_1272 = arith.constant 0 : i32
        %dma_wait3A_1273 = arith.constant 0 : i32
        %dma_wait3A_1274 = arith.constant 0 : i32
        %dma_wait3A_1275 = arith.constant 1 : i32
        %dma_wait3A_1276 = arith.constant 0 : i32
        %dma_wait3A_1277 = tpu.memref_slice %arg7[%dma_wait3A_1275, %dma_wait3A_1276] : memref<2x8192xf32, #tpu.memory_space<vmem>> -> memref<1x8192xf32, #tpu.memory_space<vmem>>
        %dma_wait3A_1278 = tpu.memref_squeeze %dma_wait3A_1277 : memref<1x8192xf32, #tpu.memory_space<vmem>> -> memref<8192xf32, #tpu.memory_space<vmem>>
        %dma_wait3A_1279 = arith.constant 0 : i32
        %dma_wait3A_1280 = tpu.memref_slice %dma_wait3A_1278[%dma_wait3A_1279] : memref<8192xf32, #tpu.memory_space<vmem>> -> memref<1024xf32, #tpu.memory_space<vmem>>
        %dma_wait3A_1281 = arith.constant 0 : i32
        %dma_wait3A_1282 = arith.constant 0 : i32
        %dma_wait3A_1283 = arith.constant 0 : i32
        %dma_wait3A_1284 = tpu.memref_slice %arg4[%dma_wait3A_1272, %dma_wait3A_1281, %dma_wait3A_1282, %dma_wait3A_1283] : memref<200x8x32x1024xf32, #tpu.memory_space<hbm>> -> memref<1x8x32x1024xf32, #tpu.memory_space<hbm>>
        %dma_wait3A_1285 = tpu.memref_squeeze %dma_wait3A_1284 : memref<1x8x32x1024xf32, #tpu.memory_space<hbm>> -> memref<8x32x1024xf32, #tpu.memory_space<hbm>>
        %dma_wait3A_1286 = arith.constant 0 : i32
        %dma_wait3A_1287 = arith.constant 0 : i32
        %dma_wait3A_1288 = tpu.memref_slice %dma_wait3A_1285[%dma_wait3A_1273, %dma_wait3A_1286, %dma_wait3A_1287] : memref<8x32x1024xf32, #tpu.memory_space<hbm>> -> memref<1x32x1024xf32, #tpu.memory_space<hbm>>
        %dma_wait3A_1289 = tpu.memref_squeeze %dma_wait3A_1288 : memref<1x32x1024xf32, #tpu.memory_space<hbm>> -> memref<32x1024xf32, #tpu.memory_space<hbm>>
        %dma_wait3A_1290 = arith.constant 0 : i32
        %dma_wait3A_1291 = tpu.memref_slice %dma_wait3A_1289[%dma_wait3A_1274, %dma_wait3A_1290] : memref<32x1024xf32, #tpu.memory_space<hbm>> -> memref<1x1024xf32, #tpu.memory_space<hbm>>
        %dma_wait3A_1292 = tpu.memref_squeeze %dma_wait3A_1291 : memref<1x1024xf32, #tpu.memory_space<hbm>> -> memref<1024xf32, #tpu.memory_space<hbm>>
        %dma_wait3A_1293 = arith.constant 0 : i32
        %dma_wait3A_1294 = tpu.memref_slice %arg7[%dma_wait3A_1275, %dma_wait3A_1293] : memref<2x8192xf32, #tpu.memory_space<vmem>> -> memref<1x8192xf32, #tpu.memory_space<vmem>>
        %dma_wait3A_1295 = tpu.memref_squeeze %dma_wait3A_1294 : memref<1x8192xf32, #tpu.memory_space<vmem>> -> memref<8192xf32, #tpu.memory_space<vmem>>
        %dma_wait3A_1296 = arith.constant 0 : i32
        %dma_wait3A_1297 = tpu.memref_slice %dma_wait3A_1295[%dma_wait3A_1296] : memref<8192xf32, #tpu.memory_space<vmem>> -> memref<1024xf32, #tpu.memory_space<vmem>>
        %dma_wait3A_1298 = arith.constant 0 : i32
        %dma_wait3A_1299 = arith.constant 0 : i32
        %dma_wait3A_1300 = arith.constant 0 : i32
        %dma_wait3A_1301 = tpu.memref_slice %arg4[%dma_wait3A_1272, %dma_wait3A_1298, %dma_wait3A_1299, %dma_wait3A_1300] : memref<200x8x32x1024xf32, #tpu.memory_space<hbm>> -> memref<1x8x32x1024xf32, #tpu.memory_space<hbm>>
        %dma_wait3A_1302 = tpu.memref_squeeze %dma_wait3A_1301 : memref<1x8x32x1024xf32, #tpu.memory_space<hbm>> -> memref<8x32x1024xf32, #tpu.memory_space<hbm>>
        %dma_wait3A_1303 = arith.constant 0 : i32
        %dma_wait3A_1304 = arith.constant 0 : i32
        %dma_wait3A_1305 = tpu.memref_slice %dma_wait3A_1302[%dma_wait3A_1273, %dma_wait3A_1303, %dma_wait3A_1304] : memref<8x32x1024xf32, #tpu.memory_space<hbm>> -> memref<1x32x1024xf32, #tpu.memory_space<hbm>>
        %dma_wait3A_1306 = tpu.memref_squeeze %dma_wait3A_1305 : memref<1x32x1024xf32, #tpu.memory_space<hbm>> -> memref<32x1024xf32, #tpu.memory_space<hbm>>
        %dma_wait3A_1307 = arith.constant 0 : i32
        %dma_wait3A_1308 = tpu.memref_slice %dma_wait3A_1306[%dma_wait3A_1274, %dma_wait3A_1307] : memref<32x1024xf32, #tpu.memory_space<hbm>> -> memref<1x1024xf32, #tpu.memory_space<hbm>>
        %dma_wait3A_1309 = tpu.memref_squeeze %dma_wait3A_1308 : memref<1x1024xf32, #tpu.memory_space<hbm>> -> memref<1024xf32, #tpu.memory_space<hbm>>
        tpu.wait_dma2 semaphore(%arg9 : memref<!tpu.dma_semaphore, #tpu.memory_space<semaphore_mem>>) src(%dma_wait3A_1309 : memref<1024xf32, #tpu.memory_space<hbm>>) dst(%dma_wait3A_1297 : memref<1024xf32, #tpu.memory_space<vmem>>)
        %dma_wait3A_1310 = arith.constant 0 : i32
        %dma_wait3A_1311 = arith.constant 0 : i32
        %dma_wait3A_1312 = arith.constant 0 : i32
        %dma_wait3A_1313 = arith.constant 1 : i32
        %dma_wait3A_1314 = arith.constant 0 : i32
        %dma_wait3A_1315 = tpu.memref_slice %arg7[%dma_wait3A_1313, %dma_wait3A_1314] : memref<2x8192xf32, #tpu.memory_space<vmem>> -> memref<1x8192xf32, #tpu.memory_space<vmem>>
        %dma_wait3A_1316 = tpu.memref_squeeze %dma_wait3A_1315 : memref<1x8192xf32, #tpu.memory_space<vmem>> -> memref<8192xf32, #tpu.memory_space<vmem>>
        %dma_wait3A_1317 = arith.constant 0 : i32
        %dma_wait3A_1318 = tpu.memref_slice %dma_wait3A_1316[%dma_wait3A_1317] : memref<8192xf32, #tpu.memory_space<vmem>> -> memref<1024xf32, #tpu.memory_space<vmem>>
        %dma_wait3A_1319 = arith.constant 0 : i32
        %dma_wait3A_1320 = arith.constant 0 : i32
        %dma_wait3A_1321 = arith.constant 0 : i32
        %dma_wait3A_1322 = tpu.memref_slice %arg4[%dma_wait3A_1310, %dma_wait3A_1319, %dma_wait3A_1320, %dma_wait3A_1321] : memref<200x8x32x1024xf32, #tpu.memory_space<hbm>> -> memref<1x8x32x1024xf32, #tpu.memory_space<hbm>>
        %dma_wait3A_1323 = tpu.memref_squeeze %dma_wait3A_1322 : memref<1x8x32x1024xf32, #tpu.memory_space<hbm>> -> memref<8x32x1024xf32, #tpu.memory_space<hbm>>
        %dma_wait3A_1324 = arith.constant 0 : i32
        %dma_wait3A_1325 = arith.constant 0 : i32
        %dma_wait3A_1326 = tpu.memref_slice %dma_wait3A_1323[%dma_wait3A_1311, %dma_wait3A_1324, %dma_wait3A_1325] : memref<8x32x1024xf32, #tpu.memory_space<hbm>> -> memref<1x32x1024xf32, #tpu.memory_space<hbm>>
        %dma_wait3A_1327 = tpu.memref_squeeze %dma_wait3A_1326 : memref<1x32x1024xf32, #tpu.memory_space<hbm>> -> memref<32x1024xf32, #tpu.memory_space<hbm>>
        %dma_wait3A_1328 = arith.constant 0 : i32
        %dma_wait3A_1329 = tpu.memref_slice %dma_wait3A_1327[%dma_wait3A_1312, %dma_wait3A_1328] : memref<32x1024xf32, #tpu.memory_space<hbm>> -> memref<1x1024xf32, #tpu.memory_space<hbm>>
        %dma_wait3A_1330 = tpu.memref_squeeze %dma_wait3A_1329 : memref<1x1024xf32, #tpu.memory_space<hbm>> -> memref<1024xf32, #tpu.memory_space<hbm>>
        %dma_wait3A_1331 = arith.constant 0 : i32
        %dma_wait3A_1332 = tpu.memref_slice %arg7[%dma_wait3A_1313, %dma_wait3A_1331] : memref<2x8192xf32, #tpu.memory_space<vmem>> -> memref<1x8192xf32, #tpu.memory_space<vmem>>
        %dma_wait3A_1333 = tpu.memref_squeeze %dma_wait3A_1332 : memref<1x8192xf32, #tpu.memory_space<vmem>> -> memref<8192xf32, #tpu.memory_space<vmem>>
        %dma_wait3A_1334 = arith.constant 0 : i32
        %dma_wait3A_1335 = tpu.memref_slice %dma_wait3A_1333[%dma_wait3A_1334] : memref<8192xf32, #tpu.memory_space<vmem>> -> memref<1024xf32, #tpu.memory_space<vmem>>
        %dma_wait3A_1336 = arith.constant 0 : i32
        %dma_wait3A_1337 = arith.constant 0 : i32
        %dma_wait3A_1338 = arith.constant 0 : i32
        %dma_wait3A_1339 = tpu.memref_slice %arg4[%dma_wait3A_1310, %dma_wait3A_1336, %dma_wait3A_1337, %dma_wait3A_1338] : memref<200x8x32x1024xf32, #tpu.memory_space<hbm>> -> memref<1x8x32x1024xf32, #tpu.memory_space<hbm>>
        %dma_wait3A_1340 = tpu.memref_squeeze %dma_wait3A_1339 : memref<1x8x32x1024xf32, #tpu.memory_space<hbm>> -> memref<8x32x1024xf32, #tpu.memory_space<hbm>>
        %dma_wait3A_1341 = arith.constant 0 : i32
        %dma_wait3A_1342 = arith.constant 0 : i32
        %dma_wait3A_1343 = tpu.memref_slice %dma_wait3A_1340[%dma_wait3A_1311, %dma_wait3A_1341, %dma_wait3A_1342] : memref<8x32x1024xf32, #tpu.memory_space<hbm>> -> memref<1x32x1024xf32, #tpu.memory_space<hbm>>
        %dma_wait3A_1344 = tpu.memref_squeeze %dma_wait3A_1343 : memref<1x32x1024xf32, #tpu.memory_space<hbm>> -> memref<32x1024xf32, #tpu.memory_space<hbm>>
        %dma_wait3A_1345 = arith.constant 0 : i32
        %dma_wait3A_1346 = tpu.memref_slice %dma_wait3A_1344[%dma_wait3A_1312, %dma_wait3A_1345] : memref<32x1024xf32, #tpu.memory_space<hbm>> -> memref<1x1024xf32, #tpu.memory_space<hbm>>
        %dma_wait3A_1347 = tpu.memref_squeeze %dma_wait3A_1346 : memref<1x1024xf32, #tpu.memory_space<hbm>> -> memref<1024xf32, #tpu.memory_space<hbm>>
        tpu.wait_dma2 semaphore(%arg9 : memref<!tpu.dma_semaphore, #tpu.memory_space<semaphore_mem>>) src(%dma_wait3A_1347 : memref<1024xf32, #tpu.memory_space<hbm>>) dst(%dma_wait3A_1335 : memref<1024xf32, #tpu.memory_space<vmem>>)
        %dma_wait3A_1348 = arith.constant 0 : i32
        %dma_wait3A_1349 = arith.constant 0 : i32
        %dma_wait3A_1350 = arith.constant 0 : i32
        %dma_wait3A_1351 = arith.constant 1 : i32
        %dma_wait3A_1352 = arith.constant 0 : i32
        %dma_wait3A_1353 = tpu.memref_slice %arg7[%dma_wait3A_1351, %dma_wait3A_1352] : memref<2x8192xf32, #tpu.memory_space<vmem>> -> memref<1x8192xf32, #tpu.memory_space<vmem>>
        %dma_wait3A_1354 = tpu.memref_squeeze %dma_wait3A_1353 : memref<1x8192xf32, #tpu.memory_space<vmem>> -> memref<8192xf32, #tpu.memory_space<vmem>>
        %dma_wait3A_1355 = arith.constant 0 : i32
        %dma_wait3A_1356 = tpu.memref_slice %dma_wait3A_1354[%dma_wait3A_1355] : memref<8192xf32, #tpu.memory_space<vmem>> -> memref<1024xf32, #tpu.memory_space<vmem>>
        %dma_wait3A_1357 = arith.constant 0 : i32
        %dma_wait3A_1358 = arith.constant 0 : i32
        %dma_wait3A_1359 = arith.constant 0 : i32
        %dma_wait3A_1360 = tpu.memref_slice %arg4[%dma_wait3A_1348, %dma_wait3A_1357, %dma_wait3A_1358, %dma_wait3A_1359] : memref<200x8x32x1024xf32, #tpu.memory_space<hbm>> -> memref<1x8x32x1024xf32, #tpu.memory_space<hbm>>
        %dma_wait3A_1361 = tpu.memref_squeeze %dma_wait3A_1360 : memref<1x8x32x1024xf32, #tpu.memory_space<hbm>> -> memref<8x32x1024xf32, #tpu.memory_space<hbm>>
        %dma_wait3A_1362 = arith.constant 0 : i32
        %dma_wait3A_1363 = arith.constant 0 : i32
        %dma_wait3A_1364 = tpu.memref_slice %dma_wait3A_1361[%dma_wait3A_1349, %dma_wait3A_1362, %dma_wait3A_1363] : memref<8x32x1024xf32, #tpu.memory_space<hbm>> -> memref<1x32x1024xf32, #tpu.memory_space<hbm>>
        %dma_wait3A_1365 = tpu.memref_squeeze %dma_wait3A_1364 : memref<1x32x1024xf32, #tpu.memory_space<hbm>> -> memref<32x1024xf32, #tpu.memory_space<hbm>>
        %dma_wait3A_1366 = arith.constant 0 : i32
        %dma_wait3A_1367 = tpu.memref_slice %dma_wait3A_1365[%dma_wait3A_1350, %dma_wait3A_1366] : memref<32x1024xf32, #tpu.memory_space<hbm>> -> memref<1x1024xf32, #tpu.memory_space<hbm>>
        %dma_wait3A_1368 = tpu.memref_squeeze %dma_wait3A_1367 : memref<1x1024xf32, #tpu.memory_space<hbm>> -> memref<1024xf32, #tpu.memory_space<hbm>>
        %dma_wait3A_1369 = arith.constant 0 : i32
        %dma_wait3A_1370 = tpu.memref_slice %arg7[%dma_wait3A_1351, %dma_wait3A_1369] : memref<2x8192xf32, #tpu.memory_space<vmem>> -> memref<1x8192xf32, #tpu.memory_space<vmem>>
        %dma_wait3A_1371 = tpu.memref_squeeze %dma_wait3A_1370 : memref<1x8192xf32, #tpu.memory_space<vmem>> -> memref<8192xf32, #tpu.memory_space<vmem>>
        %dma_wait3A_1372 = arith.constant 0 : i32
        %dma_wait3A_1373 = tpu.memref_slice %dma_wait3A_1371[%dma_wait3A_1372] : memref<8192xf32, #tpu.memory_space<vmem>> -> memref<1024xf32, #tpu.memory_space<vmem>>
        %dma_wait3A_1374 = arith.constant 0 : i32
        %dma_wait3A_1375 = arith.constant 0 : i32
        %dma_wait3A_1376 = arith.constant 0 : i32
        %dma_wait3A_1377 = tpu.memref_slice %arg4[%dma_wait3A_1348, %dma_wait3A_1374, %dma_wait3A_1375, %dma_wait3A_1376] : memref<200x8x32x1024xf32, #tpu.memory_space<hbm>> -> memref<1x8x32x1024xf32, #tpu.memory_space<hbm>>
        %dma_wait3A_1378 = tpu.memref_squeeze %dma_wait3A_1377 : memref<1x8x32x1024xf32, #tpu.memory_space<hbm>> -> memref<8x32x1024xf32, #tpu.memory_space<hbm>>
        %dma_wait3A_1379 = arith.constant 0 : i32
        %dma_wait3A_1380 = arith.constant 0 : i32
        %dma_wait3A_1381 = tpu.memref_slice %dma_wait3A_1378[%dma_wait3A_1349, %dma_wait3A_1379, %dma_wait3A_1380] : memref<8x32x1024xf32, #tpu.memory_space<hbm>> -> memref<1x32x1024xf32, #tpu.memory_space<hbm>>
        %dma_wait3A_1382 = tpu.memref_squeeze %dma_wait3A_1381 : memref<1x32x1024xf32, #tpu.memory_space<hbm>> -> memref<32x1024xf32, #tpu.memory_space<hbm>>
        %dma_wait3A_1383 = arith.constant 0 : i32
        %dma_wait3A_1384 = tpu.memref_slice %dma_wait3A_1382[%dma_wait3A_1350, %dma_wait3A_1383] : memref<32x1024xf32, #tpu.memory_space<hbm>> -> memref<1x1024xf32, #tpu.memory_space<hbm>>
        %dma_wait3A_1385 = tpu.memref_squeeze %dma_wait3A_1384 : memref<1x1024xf32, #tpu.memory_space<hbm>> -> memref<1024xf32, #tpu.memory_space<hbm>>
        tpu.wait_dma2 semaphore(%arg9 : memref<!tpu.dma_semaphore, #tpu.memory_space<semaphore_mem>>) src(%dma_wait3A_1385 : memref<1024xf32, #tpu.memory_space<hbm>>) dst(%dma_wait3A_1373 : memref<1024xf32, #tpu.memory_space<vmem>>)
        %dma_wait3A_1386 = arith.constant 0 : i32
        %dma_wait3A_1387 = arith.constant 0 : i32
        %dma_wait3A_1388 = arith.constant 0 : i32
        %dma_wait3A_1389 = arith.constant 1 : i32
        %dma_wait3A_1390 = arith.constant 0 : i32
        %dma_wait3A_1391 = tpu.memref_slice %arg7[%dma_wait3A_1389, %dma_wait3A_1390] : memref<2x8192xf32, #tpu.memory_space<vmem>> -> memref<1x8192xf32, #tpu.memory_space<vmem>>
        %dma_wait3A_1392 = tpu.memref_squeeze %dma_wait3A_1391 : memref<1x8192xf32, #tpu.memory_space<vmem>> -> memref<8192xf32, #tpu.memory_space<vmem>>
        %dma_wait3A_1393 = arith.constant 0 : i32
        %dma_wait3A_1394 = tpu.memref_slice %dma_wait3A_1392[%dma_wait3A_1393] : memref<8192xf32, #tpu.memory_space<vmem>> -> memref<1024xf32, #tpu.memory_space<vmem>>
        %dma_wait3A_1395 = arith.constant 0 : i32
        %dma_wait3A_1396 = arith.constant 0 : i32
        %dma_wait3A_1397 = arith.constant 0 : i32
        %dma_wait3A_1398 = tpu.memref_slice %arg4[%dma_wait3A_1386, %dma_wait3A_1395, %dma_wait3A_1396, %dma_wait3A_1397] : memref<200x8x32x1024xf32, #tpu.memory_space<hbm>> -> memref<1x8x32x1024xf32, #tpu.memory_space<hbm>>
        %dma_wait3A_1399 = tpu.memref_squeeze %dma_wait3A_1398 : memref<1x8x32x1024xf32, #tpu.memory_space<hbm>> -> memref<8x32x1024xf32, #tpu.memory_space<hbm>>
        %dma_wait3A_1400 = arith.constant 0 : i32
        %dma_wait3A_1401 = arith.constant 0 : i32
        %dma_wait3A_1402 = tpu.memref_slice %dma_wait3A_1399[%dma_wait3A_1387, %dma_wait3A_1400, %dma_wait3A_1401] : memref<8x32x1024xf32, #tpu.memory_space<hbm>> -> memref<1x32x1024xf32, #tpu.memory_space<hbm>>
        %dma_wait3A_1403 = tpu.memref_squeeze %dma_wait3A_1402 : memref<1x32x1024xf32, #tpu.memory_space<hbm>> -> memref<32x1024xf32, #tpu.memory_space<hbm>>
        %dma_wait3A_1404 = arith.constant 0 : i32
        %dma_wait3A_1405 = tpu.memref_slice %dma_wait3A_1403[%dma_wait3A_1388, %dma_wait3A_1404] : memref<32x1024xf32, #tpu.memory_space<hbm>> -> memref<1x1024xf32, #tpu.memory_space<hbm>>
        %dma_wait3A_1406 = tpu.memref_squeeze %dma_wait3A_1405 : memref<1x1024xf32, #tpu.memory_space<hbm>> -> memref<1024xf32, #tpu.memory_space<hbm>>
        %dma_wait3A_1407 = arith.constant 0 : i32
        %dma_wait3A_1408 = tpu.memref_slice %arg7[%dma_wait3A_1389, %dma_wait3A_1407] : memref<2x8192xf32, #tpu.memory_space<vmem>> -> memref<1x8192xf32, #tpu.memory_space<vmem>>
        %dma_wait3A_1409 = tpu.memref_squeeze %dma_wait3A_1408 : memref<1x8192xf32, #tpu.memory_space<vmem>> -> memref<8192xf32, #tpu.memory_space<vmem>>
        %dma_wait3A_1410 = arith.constant 0 : i32
        %dma_wait3A_1411 = tpu.memref_slice %dma_wait3A_1409[%dma_wait3A_1410] : memref<8192xf32, #tpu.memory_space<vmem>> -> memref<1024xf32, #tpu.memory_space<vmem>>
        %dma_wait3A_1412 = arith.constant 0 : i32
        %dma_wait3A_1413 = arith.constant 0 : i32
        %dma_wait3A_1414 = arith.constant 0 : i32
        %dma_wait3A_1415 = tpu.memref_slice %arg4[%dma_wait3A_1386, %dma_wait3A_1412, %dma_wait3A_1413, %dma_wait3A_1414] : memref<200x8x32x1024xf32, #tpu.memory_space<hbm>> -> memref<1x8x32x1024xf32, #tpu.memory_space<hbm>>
        %dma_wait3A_1416 = tpu.memref_squeeze %dma_wait3A_1415 : memref<1x8x32x1024xf32, #tpu.memory_space<hbm>> -> memref<8x32x1024xf32, #tpu.memory_space<hbm>>
        %dma_wait3A_1417 = arith.constant 0 : i32
        %dma_wait3A_1418 = arith.constant 0 : i32
        %dma_wait3A_1419 = tpu.memref_slice %dma_wait3A_1416[%dma_wait3A_1387, %dma_wait3A_1417, %dma_wait3A_1418] : memref<8x32x1024xf32, #tpu.memory_space<hbm>> -> memref<1x32x1024xf32, #tpu.memory_space<hbm>>
        %dma_wait3A_1420 = tpu.memref_squeeze %dma_wait3A_1419 : memref<1x32x1024xf32, #tpu.memory_space<hbm>> -> memref<32x1024xf32, #tpu.memory_space<hbm>>
        %dma_wait3A_1421 = arith.constant 0 : i32
        %dma_wait3A_1422 = tpu.memref_slice %dma_wait3A_1420[%dma_wait3A_1388, %dma_wait3A_1421] : memref<32x1024xf32, #tpu.memory_space<hbm>> -> memref<1x1024xf32, #tpu.memory_space<hbm>>
        %dma_wait3A_1423 = tpu.memref_squeeze %dma_wait3A_1422 : memref<1x1024xf32, #tpu.memory_space<hbm>> -> memref<1024xf32, #tpu.memory_space<hbm>>
        tpu.wait_dma2 semaphore(%arg9 : memref<!tpu.dma_semaphore, #tpu.memory_space<semaphore_mem>>) src(%dma_wait3A_1423 : memref<1024xf32, #tpu.memory_space<hbm>>) dst(%dma_wait3A_1411 : memref<1024xf32, #tpu.memory_space<vmem>>)
        %dma_wait3A_1424 = arith.constant 0 : i32
        %dma_wait3A_1425 = arith.constant 0 : i32
        %dma_wait3A_1426 = arith.constant 0 : i32
        %dma_wait3A_1427 = arith.constant 1 : i32
        %dma_wait3A_1428 = arith.constant 0 : i32
        %dma_wait3A_1429 = tpu.memref_slice %arg7[%dma_wait3A_1427, %dma_wait3A_1428] : memref<2x8192xf32, #tpu.memory_space<vmem>> -> memref<1x8192xf32, #tpu.memory_space<vmem>>
        %dma_wait3A_1430 = tpu.memref_squeeze %dma_wait3A_1429 : memref<1x8192xf32, #tpu.memory_space<vmem>> -> memref<8192xf32, #tpu.memory_space<vmem>>
        %dma_wait3A_1431 = arith.constant 0 : i32
        %dma_wait3A_1432 = tpu.memref_slice %dma_wait3A_1430[%dma_wait3A_1431] : memref<8192xf32, #tpu.memory_space<vmem>> -> memref<1024xf32, #tpu.memory_space<vmem>>
        %dma_wait3A_1433 = arith.constant 0 : i32
        %dma_wait3A_1434 = arith.constant 0 : i32
        %dma_wait3A_1435 = arith.constant 0 : i32
        %dma_wait3A_1436 = tpu.memref_slice %arg4[%dma_wait3A_1424, %dma_wait3A_1433, %dma_wait3A_1434, %dma_wait3A_1435] : memref<200x8x32x1024xf32, #tpu.memory_space<hbm>> -> memref<1x8x32x1024xf32, #tpu.memory_space<hbm>>
        %dma_wait3A_1437 = tpu.memref_squeeze %dma_wait3A_1436 : memref<1x8x32x1024xf32, #tpu.memory_space<hbm>> -> memref<8x32x1024xf32, #tpu.memory_space<hbm>>
        %dma_wait3A_1438 = arith.constant 0 : i32
        %dma_wait3A_1439 = arith.constant 0 : i32
        %dma_wait3A_1440 = tpu.memref_slice %dma_wait3A_1437[%dma_wait3A_1425, %dma_wait3A_1438, %dma_wait3A_1439] : memref<8x32x1024xf32, #tpu.memory_space<hbm>> -> memref<1x32x1024xf32, #tpu.memory_space<hbm>>
        %dma_wait3A_1441 = tpu.memref_squeeze %dma_wait3A_1440 : memref<1x32x1024xf32, #tpu.memory_space<hbm>> -> memref<32x1024xf32, #tpu.memory_space<hbm>>
        %dma_wait3A_1442 = arith.constant 0 : i32
        %dma_wait3A_1443 = tpu.memref_slice %dma_wait3A_1441[%dma_wait3A_1426, %dma_wait3A_1442] : memref<32x1024xf32, #tpu.memory_space<hbm>> -> memref<1x1024xf32, #tpu.memory_space<hbm>>
        %dma_wait3A_1444 = tpu.memref_squeeze %dma_wait3A_1443 : memref<1x1024xf32, #tpu.memory_space<hbm>> -> memref<1024xf32, #tpu.memory_space<hbm>>
        %dma_wait3A_1445 = arith.constant 0 : i32
        %dma_wait3A_1446 = tpu.memref_slice %arg7[%dma_wait3A_1427, %dma_wait3A_1445] : memref<2x8192xf32, #tpu.memory_space<vmem>> -> memref<1x8192xf32, #tpu.memory_space<vmem>>
        %dma_wait3A_1447 = tpu.memref_squeeze %dma_wait3A_1446 : memref<1x8192xf32, #tpu.memory_space<vmem>> -> memref<8192xf32, #tpu.memory_space<vmem>>
        %dma_wait3A_1448 = arith.constant 0 : i32
        %dma_wait3A_1449 = tpu.memref_slice %dma_wait3A_1447[%dma_wait3A_1448] : memref<8192xf32, #tpu.memory_space<vmem>> -> memref<1024xf32, #tpu.memory_space<vmem>>
        %dma_wait3A_1450 = arith.constant 0 : i32
        %dma_wait3A_1451 = arith.constant 0 : i32
        %dma_wait3A_1452 = arith.constant 0 : i32
        %dma_wait3A_1453 = tpu.memref_slice %arg4[%dma_wait3A_1424, %dma_wait3A_1450, %dma_wait3A_1451, %dma_wait3A_1452] : memref<200x8x32x1024xf32, #tpu.memory_space<hbm>> -> memref<1x8x32x1024xf32, #tpu.memory_space<hbm>>
        %dma_wait3A_1454 = tpu.memref_squeeze %dma_wait3A_1453 : memref<1x8x32x1024xf32, #tpu.memory_space<hbm>> -> memref<8x32x1024xf32, #tpu.memory_space<hbm>>
        %dma_wait3A_1455 = arith.constant 0 : i32
        %dma_wait3A_1456 = arith.constant 0 : i32
        %dma_wait3A_1457 = tpu.memref_slice %dma_wait3A_1454[%dma_wait3A_1425, %dma_wait3A_1455, %dma_wait3A_1456] : memref<8x32x1024xf32, #tpu.memory_space<hbm>> -> memref<1x32x1024xf32, #tpu.memory_space<hbm>>
        %dma_wait3A_1458 = tpu.memref_squeeze %dma_wait3A_1457 : memref<1x32x1024xf32, #tpu.memory_space<hbm>> -> memref<32x1024xf32, #tpu.memory_space<hbm>>
        %dma_wait3A_1459 = arith.constant 0 : i32
        %dma_wait3A_1460 = tpu.memref_slice %dma_wait3A_1458[%dma_wait3A_1426, %dma_wait3A_1459] : memref<32x1024xf32, #tpu.memory_space<hbm>> -> memref<1x1024xf32, #tpu.memory_space<hbm>>
        %dma_wait3A_1461 = tpu.memref_squeeze %dma_wait3A_1460 : memref<1x1024xf32, #tpu.memory_space<hbm>> -> memref<1024xf32, #tpu.memory_space<hbm>>
        tpu.wait_dma2 semaphore(%arg9 : memref<!tpu.dma_semaphore, #tpu.memory_space<semaphore_mem>>) src(%dma_wait3A_1461 : memref<1024xf32, #tpu.memory_space<hbm>>) dst(%dma_wait3A_1449 : memref<1024xf32, #tpu.memory_space<vmem>>)
        %dma_wait3A_1462 = arith.constant 0 : i32
        %dma_wait3A_1463 = arith.constant 0 : i32
        %dma_wait3A_1464 = arith.constant 0 : i32
        %dma_wait3A_1465 = arith.constant 1 : i32
        %dma_wait3A_1466 = arith.constant 0 : i32
        %dma_wait3A_1467 = tpu.memref_slice %arg7[%dma_wait3A_1465, %dma_wait3A_1466] : memref<2x8192xf32, #tpu.memory_space<vmem>> -> memref<1x8192xf32, #tpu.memory_space<vmem>>
        %dma_wait3A_1468 = tpu.memref_squeeze %dma_wait3A_1467 : memref<1x8192xf32, #tpu.memory_space<vmem>> -> memref<8192xf32, #tpu.memory_space<vmem>>
        %dma_wait3A_1469 = arith.constant 0 : i32
        %dma_wait3A_1470 = tpu.memref_slice %dma_wait3A_1468[%dma_wait3A_1469] : memref<8192xf32, #tpu.memory_space<vmem>> -> memref<1024xf32, #tpu.memory_space<vmem>>
        %dma_wait3A_1471 = arith.constant 0 : i32
        %dma_wait3A_1472 = arith.constant 0 : i32
        %dma_wait3A_1473 = arith.constant 0 : i32
        %dma_wait3A_1474 = tpu.memref_slice %arg4[%dma_wait3A_1462, %dma_wait3A_1471, %dma_wait3A_1472, %dma_wait3A_1473] : memref<200x8x32x1024xf32, #tpu.memory_space<hbm>> -> memref<1x8x32x1024xf32, #tpu.memory_space<hbm>>
        %dma_wait3A_1475 = tpu.memref_squeeze %dma_wait3A_1474 : memref<1x8x32x1024xf32, #tpu.memory_space<hbm>> -> memref<8x32x1024xf32, #tpu.memory_space<hbm>>
        %dma_wait3A_1476 = arith.constant 0 : i32
        %dma_wait3A_1477 = arith.constant 0 : i32
        %dma_wait3A_1478 = tpu.memref_slice %dma_wait3A_1475[%dma_wait3A_1463, %dma_wait3A_1476, %dma_wait3A_1477] : memref<8x32x1024xf32, #tpu.memory_space<hbm>> -> memref<1x32x1024xf32, #tpu.memory_space<hbm>>
        %dma_wait3A_1479 = tpu.memref_squeeze %dma_wait3A_1478 : memref<1x32x1024xf32, #tpu.memory_space<hbm>> -> memref<32x1024xf32, #tpu.memory_space<hbm>>
        %dma_wait3A_1480 = arith.constant 0 : i32
        %dma_wait3A_1481 = tpu.memref_slice %dma_wait3A_1479[%dma_wait3A_1464, %dma_wait3A_1480] : memref<32x1024xf32, #tpu.memory_space<hbm>> -> memref<1x1024xf32, #tpu.memory_space<hbm>>
        %dma_wait3A_1482 = tpu.memref_squeeze %dma_wait3A_1481 : memref<1x1024xf32, #tpu.memory_space<hbm>> -> memref<1024xf32, #tpu.memory_space<hbm>>
        %dma_wait3A_1483 = arith.constant 0 : i32
        %dma_wait3A_1484 = tpu.memref_slice %arg7[%dma_wait3A_1465, %dma_wait3A_1483] : memref<2x8192xf32, #tpu.memory_space<vmem>> -> memref<1x8192xf32, #tpu.memory_space<vmem>>
        %dma_wait3A_1485 = tpu.memref_squeeze %dma_wait3A_1484 : memref<1x8192xf32, #tpu.memory_space<vmem>> -> memref<8192xf32, #tpu.memory_space<vmem>>
        %dma_wait3A_1486 = arith.constant 0 : i32
        %dma_wait3A_1487 = tpu.memref_slice %dma_wait3A_1485[%dma_wait3A_1486] : memref<8192xf32, #tpu.memory_space<vmem>> -> memref<1024xf32, #tpu.memory_space<vmem>>
        %dma_wait3A_1488 = arith.constant 0 : i32
        %dma_wait3A_1489 = arith.constant 0 : i32
        %dma_wait3A_1490 = arith.constant 0 : i32
        %dma_wait3A_1491 = tpu.memref_slice %arg4[%dma_wait3A_1462, %dma_wait3A_1488, %dma_wait3A_1489, %dma_wait3A_1490] : memref<200x8x32x1024xf32, #tpu.memory_space<hbm>> -> memref<1x8x32x1024xf32, #tpu.memory_space<hbm>>
        %dma_wait3A_1492 = tpu.memref_squeeze %dma_wait3A_1491 : memref<1x8x32x1024xf32, #tpu.memory_space<hbm>> -> memref<8x32x1024xf32, #tpu.memory_space<hbm>>
        %dma_wait3A_1493 = arith.constant 0 : i32
        %dma_wait3A_1494 = arith.constant 0 : i32
        %dma_wait3A_1495 = tpu.memref_slice %dma_wait3A_1492[%dma_wait3A_1463, %dma_wait3A_1493, %dma_wait3A_1494] : memref<8x32x1024xf32, #tpu.memory_space<hbm>> -> memref<1x32x1024xf32, #tpu.memory_space<hbm>>
        %dma_wait3A_1496 = tpu.memref_squeeze %dma_wait3A_1495 : memref<1x32x1024xf32, #tpu.memory_space<hbm>> -> memref<32x1024xf32, #tpu.memory_space<hbm>>
        %dma_wait3A_1497 = arith.constant 0 : i32
        %dma_wait3A_1498 = tpu.memref_slice %dma_wait3A_1496[%dma_wait3A_1464, %dma_wait3A_1497] : memref<32x1024xf32, #tpu.memory_space<hbm>> -> memref<1x1024xf32, #tpu.memory_space<hbm>>
        %dma_wait3A_1499 = tpu.memref_squeeze %dma_wait3A_1498 : memref<1x1024xf32, #tpu.memory_space<hbm>> -> memref<1024xf32, #tpu.memory_space<hbm>>
        tpu.wait_dma2 semaphore(%arg9 : memref<!tpu.dma_semaphore, #tpu.memory_space<semaphore_mem>>) src(%dma_wait3A_1499 : memref<1024xf32, #tpu.memory_space<hbm>>) dst(%dma_wait3A_1487 : memref<1024xf32, #tpu.memory_space<vmem>>)
        %dma_wait3A_1500 = arith.constant 0 : i32
        %dma_wait3A_1501 = arith.constant 0 : i32
        %dma_wait3A_1502 = arith.constant 0 : i32
        %dma_wait3A_1503 = arith.constant 1 : i32
        %dma_wait3A_1504 = arith.constant 0 : i32
        %dma_wait3A_1505 = tpu.memref_slice %arg7[%dma_wait3A_1503, %dma_wait3A_1504] : memref<2x8192xf32, #tpu.memory_space<vmem>> -> memref<1x8192xf32, #tpu.memory_space<vmem>>
        %dma_wait3A_1506 = tpu.memref_squeeze %dma_wait3A_1505 : memref<1x8192xf32, #tpu.memory_space<vmem>> -> memref<8192xf32, #tpu.memory_space<vmem>>
        %dma_wait3A_1507 = arith.constant 0 : i32
        %dma_wait3A_1508 = tpu.memref_slice %dma_wait3A_1506[%dma_wait3A_1507] : memref<8192xf32, #tpu.memory_space<vmem>> -> memref<1024xf32, #tpu.memory_space<vmem>>
        %dma_wait3A_1509 = arith.constant 0 : i32
        %dma_wait3A_1510 = arith.constant 0 : i32
        %dma_wait3A_1511 = arith.constant 0 : i32
        %dma_wait3A_1512 = tpu.memref_slice %arg4[%dma_wait3A_1500, %dma_wait3A_1509, %dma_wait3A_1510, %dma_wait3A_1511] : memref<200x8x32x1024xf32, #tpu.memory_space<hbm>> -> memref<1x8x32x1024xf32, #tpu.memory_space<hbm>>
        %dma_wait3A_1513 = tpu.memref_squeeze %dma_wait3A_1512 : memref<1x8x32x1024xf32, #tpu.memory_space<hbm>> -> memref<8x32x1024xf32, #tpu.memory_space<hbm>>
        %dma_wait3A_1514 = arith.constant 0 : i32
        %dma_wait3A_1515 = arith.constant 0 : i32
        %dma_wait3A_1516 = tpu.memref_slice %dma_wait3A_1513[%dma_wait3A_1501, %dma_wait3A_1514, %dma_wait3A_1515] : memref<8x32x1024xf32, #tpu.memory_space<hbm>> -> memref<1x32x1024xf32, #tpu.memory_space<hbm>>
        %dma_wait3A_1517 = tpu.memref_squeeze %dma_wait3A_1516 : memref<1x32x1024xf32, #tpu.memory_space<hbm>> -> memref<32x1024xf32, #tpu.memory_space<hbm>>
        %dma_wait3A_1518 = arith.constant 0 : i32
        %dma_wait3A_1519 = tpu.memref_slice %dma_wait3A_1517[%dma_wait3A_1502, %dma_wait3A_1518] : memref<32x1024xf32, #tpu.memory_space<hbm>> -> memref<1x1024xf32, #tpu.memory_space<hbm>>
        %dma_wait3A_1520 = tpu.memref_squeeze %dma_wait3A_1519 : memref<1x1024xf32, #tpu.memory_space<hbm>> -> memref<1024xf32, #tpu.memory_space<hbm>>
        %dma_wait3A_1521 = arith.constant 0 : i32
        %dma_wait3A_1522 = tpu.memref_slice %arg7[%dma_wait3A_1503, %dma_wait3A_1521] : memref<2x8192xf32, #tpu.memory_space<vmem>> -> memref<1x8192xf32, #tpu.memory_space<vmem>>
        %dma_wait3A_1523 = tpu.memref_squeeze %dma_wait3A_1522 : memref<1x8192xf32, #tpu.memory_space<vmem>> -> memref<8192xf32, #tpu.memory_space<vmem>>
        %dma_wait3A_1524 = arith.constant 0 : i32
        %dma_wait3A_1525 = tpu.memref_slice %dma_wait3A_1523[%dma_wait3A_1524] : memref<8192xf32, #tpu.memory_space<vmem>> -> memref<1024xf32, #tpu.memory_space<vmem>>
        %dma_wait3A_1526 = arith.constant 0 : i32
        %dma_wait3A_1527 = arith.constant 0 : i32
        %dma_wait3A_1528 = arith.constant 0 : i32
        %dma_wait3A_1529 = tpu.memref_slice %arg4[%dma_wait3A_1500, %dma_wait3A_1526, %dma_wait3A_1527, %dma_wait3A_1528] : memref<200x8x32x1024xf32, #tpu.memory_space<hbm>> -> memref<1x8x32x1024xf32, #tpu.memory_space<hbm>>
        %dma_wait3A_1530 = tpu.memref_squeeze %dma_wait3A_1529 : memref<1x8x32x1024xf32, #tpu.memory_space<hbm>> -> memref<8x32x1024xf32, #tpu.memory_space<hbm>>
        %dma_wait3A_1531 = arith.constant 0 : i32
        %dma_wait3A_1532 = arith.constant 0 : i32
        %dma_wait3A_1533 = tpu.memref_slice %dma_wait3A_1530[%dma_wait3A_1501, %dma_wait3A_1531, %dma_wait3A_1532] : memref<8x32x1024xf32, #tpu.memory_space<hbm>> -> memref<1x32x1024xf32, #tpu.memory_space<hbm>>
        %dma_wait3A_1534 = tpu.memref_squeeze %dma_wait3A_1533 : memref<1x32x1024xf32, #tpu.memory_space<hbm>> -> memref<32x1024xf32, #tpu.memory_space<hbm>>
        %dma_wait3A_1535 = arith.constant 0 : i32
        %dma_wait3A_1536 = tpu.memref_slice %dma_wait3A_1534[%dma_wait3A_1502, %dma_wait3A_1535] : memref<32x1024xf32, #tpu.memory_space<hbm>> -> memref<1x1024xf32, #tpu.memory_space<hbm>>
        %dma_wait3A_1537 = tpu.memref_squeeze %dma_wait3A_1536 : memref<1x1024xf32, #tpu.memory_space<hbm>> -> memref<1024xf32, #tpu.memory_space<hbm>>
        tpu.wait_dma2 semaphore(%arg9 : memref<!tpu.dma_semaphore, #tpu.memory_space<semaphore_mem>>) src(%dma_wait3A_1537 : memref<1024xf32, #tpu.memory_space<hbm>>) dst(%dma_wait3A_1525 : memref<1024xf32, #tpu.memory_space<vmem>>)
        %dma_wait3A_1538 = arith.constant 0 : i32
        %dma_wait3A_1539 = arith.constant 0 : i32
        %dma_wait3A_1540 = arith.constant 0 : i32
        %dma_wait3A_1541 = arith.constant 1 : i32
        %dma_wait3A_1542 = arith.constant 0 : i32
        %dma_wait3A_1543 = tpu.memref_slice %arg7[%dma_wait3A_1541, %dma_wait3A_1542] : memref<2x8192xf32, #tpu.memory_space<vmem>> -> memref<1x8192xf32, #tpu.memory_space<vmem>>
        %dma_wait3A_1544 = tpu.memref_squeeze %dma_wait3A_1543 : memref<1x8192xf32, #tpu.memory_space<vmem>> -> memref<8192xf32, #tpu.memory_space<vmem>>
        %dma_wait3A_1545 = arith.constant 0 : i32
        %dma_wait3A_1546 = tpu.memref_slice %dma_wait3A_1544[%dma_wait3A_1545] : memref<8192xf32, #tpu.memory_space<vmem>> -> memref<1024xf32, #tpu.memory_space<vmem>>
        %dma_wait3A_1547 = arith.constant 0 : i32
        %dma_wait3A_1548 = arith.constant 0 : i32
        %dma_wait3A_1549 = arith.constant 0 : i32
        %dma_wait3A_1550 = tpu.memref_slice %arg4[%dma_wait3A_1538, %dma_wait3A_1547, %dma_wait3A_1548, %dma_wait3A_1549] : memref<200x8x32x1024xf32, #tpu.memory_space<hbm>> -> memref<1x8x32x1024xf32, #tpu.memory_space<hbm>>
        %dma_wait3A_1551 = tpu.memref_squeeze %dma_wait3A_1550 : memref<1x8x32x1024xf32, #tpu.memory_space<hbm>> -> memref<8x32x1024xf32, #tpu.memory_space<hbm>>
        %dma_wait3A_1552 = arith.constant 0 : i32
        %dma_wait3A_1553 = arith.constant 0 : i32
        %dma_wait3A_1554 = tpu.memref_slice %dma_wait3A_1551[%dma_wait3A_1539, %dma_wait3A_1552, %dma_wait3A_1553] : memref<8x32x1024xf32, #tpu.memory_space<hbm>> -> memref<1x32x1024xf32, #tpu.memory_space<hbm>>
        %dma_wait3A_1555 = tpu.memref_squeeze %dma_wait3A_1554 : memref<1x32x1024xf32, #tpu.memory_space<hbm>> -> memref<32x1024xf32, #tpu.memory_space<hbm>>
        %dma_wait3A_1556 = arith.constant 0 : i32
        %dma_wait3A_1557 = tpu.memref_slice %dma_wait3A_1555[%dma_wait3A_1540, %dma_wait3A_1556] : memref<32x1024xf32, #tpu.memory_space<hbm>> -> memref<1x1024xf32, #tpu.memory_space<hbm>>
        %dma_wait3A_1558 = tpu.memref_squeeze %dma_wait3A_1557 : memref<1x1024xf32, #tpu.memory_space<hbm>> -> memref<1024xf32, #tpu.memory_space<hbm>>
        %dma_wait3A_1559 = arith.constant 0 : i32
        %dma_wait3A_1560 = tpu.memref_slice %arg7[%dma_wait3A_1541, %dma_wait3A_1559] : memref<2x8192xf32, #tpu.memory_space<vmem>> -> memref<1x8192xf32, #tpu.memory_space<vmem>>
        %dma_wait3A_1561 = tpu.memref_squeeze %dma_wait3A_1560 : memref<1x8192xf32, #tpu.memory_space<vmem>> -> memref<8192xf32, #tpu.memory_space<vmem>>
        %dma_wait3A_1562 = arith.constant 0 : i32
        %dma_wait3A_1563 = tpu.memref_slice %dma_wait3A_1561[%dma_wait3A_1562] : memref<8192xf32, #tpu.memory_space<vmem>> -> memref<1024xf32, #tpu.memory_space<vmem>>
        %dma_wait3A_1564 = arith.constant 0 : i32
        %dma_wait3A_1565 = arith.constant 0 : i32
        %dma_wait3A_1566 = arith.constant 0 : i32
        %dma_wait3A_1567 = tpu.memref_slice %arg4[%dma_wait3A_1538, %dma_wait3A_1564, %dma_wait3A_1565, %dma_wait3A_1566] : memref<200x8x32x1024xf32, #tpu.memory_space<hbm>> -> memref<1x8x32x1024xf32, #tpu.memory_space<hbm>>
        %dma_wait3A_1568 = tpu.memref_squeeze %dma_wait3A_1567 : memref<1x8x32x1024xf32, #tpu.memory_space<hbm>> -> memref<8x32x1024xf32, #tpu.memory_space<hbm>>
        %dma_wait3A_1569 = arith.constant 0 : i32
        %dma_wait3A_1570 = arith.constant 0 : i32
        %dma_wait3A_1571 = tpu.memref_slice %dma_wait3A_1568[%dma_wait3A_1539, %dma_wait3A_1569, %dma_wait3A_1570] : memref<8x32x1024xf32, #tpu.memory_space<hbm>> -> memref<1x32x1024xf32, #tpu.memory_space<hbm>>
        %dma_wait3A_1572 = tpu.memref_squeeze %dma_wait3A_1571 : memref<1x32x1024xf32, #tpu.memory_space<hbm>> -> memref<32x1024xf32, #tpu.memory_space<hbm>>
        %dma_wait3A_1573 = arith.constant 0 : i32
        %dma_wait3A_1574 = tpu.memref_slice %dma_wait3A_1572[%dma_wait3A_1540, %dma_wait3A_1573] : memref<32x1024xf32, #tpu.memory_space<hbm>> -> memref<1x1024xf32, #tpu.memory_space<hbm>>
        %dma_wait3A_1575 = tpu.memref_squeeze %dma_wait3A_1574 : memref<1x1024xf32, #tpu.memory_space<hbm>> -> memref<1024xf32, #tpu.memory_space<hbm>>
        tpu.wait_dma2 semaphore(%arg9 : memref<!tpu.dma_semaphore, #tpu.memory_space<semaphore_mem>>) src(%dma_wait3A_1575 : memref<1024xf32, #tpu.memory_space<hbm>>) dst(%dma_wait3A_1563 : memref<1024xf32, #tpu.memory_space<vmem>>)
      } else {
      }
      %add3A_953 = arith.addi %add3A_6, %add3A_944 : i32
      %jit3A_954 = arith.constant 32 : i32
      %div3A_955 = arith.divsi %add3A_953, %jit3A_954 : i32
      %sign3A_956 = arith.constant 0 : i32
      %sign3A_957 = arith.cmpi sgt, %add3A_953, %sign3A_956 : i32
      %sign3A_958 = arith.extui %sign3A_957 : i1 to i32
      %sign3A_959 = arith.constant 0 : i32
      %sign3A_960 = arith.cmpi slt, %add3A_953, %sign3A_959 : i32
      %sign3A_961 = arith.extui %sign3A_960 : i1 to i32
      %sign3A_962 = arith.subi %sign3A_958, %sign3A_961 : i32
      %sign3A_963 = arith.constant 0 : i32
      %sign3A_964 = arith.cmpi sgt, %jit3A_954, %sign3A_963 : i32
      %sign3A_965 = arith.extui %sign3A_964 : i1 to i32
      %sign3A_966 = arith.constant 0 : i32
      %sign3A_967 = arith.cmpi slt, %jit3A_954, %sign3A_966 : i32
      %sign3A_968 = arith.extui %sign3A_967 : i1 to i32
      %sign3A_969 = arith.subi %sign3A_965, %sign3A_968 : i32
      %ne3A_970 = arith.cmpi ne, %sign3A_962, %sign3A_969 : i32
      %rem3A_971 = arith.remsi %add3A_953, %jit3A_954 : i32
      %ne3A_972 = arith.constant 0 : i32
      %ne3A_973 = arith.cmpi ne, %rem3A_971, %ne3A_972 : i32
      %and3A_974 = arith.andi %ne3A_970, %ne3A_973 : i1
      %sub3A_975 = arith.constant 1 : i32
      %sub3A_976 = arith.subi %div3A_955, %sub3A_975 : i32
      %select_n3A_977 = arith.select %and3A_974, %sub3A_976, %div3A_955 : i32
      %mul3A_978 = arith.constant 32 : i32
      %mul3A_979 = arith.muli %select_n3A_977, %mul3A_978 : i32
      %sub3A_980 = arith.subi %add3A_953, %mul3A_979 : i32
      %parallel_loop3A_981 = arith.constant 0 : i32
      %parallel_loop3A_982 = arith.constant 32 : i32
      %parallel_loop3A_983 = arith.constant 1 : i32
      scf.for %parallel_loop3A_1272 = %parallel_loop3A_981 to %parallel_loop3A_982 step %parallel_loop3A_983  : i32 {
        %parallel_loop3A_1273 = arith.constant 4 : i32
        %parallel_loop3A_1274 = arith.divsi %parallel_loop3A_1272, %parallel_loop3A_1273 : i32
        %parallel_loop3A_1275 = arith.constant 0 : i32
        %parallel_loop3A_1276 = arith.cmpi sgt, %parallel_loop3A_1272, %parallel_loop3A_1275 : i32
        %parallel_loop3A_1277 = arith.extui %parallel_loop3A_1276 : i1 to i32
        %parallel_loop3A_1278 = arith.constant 0 : i32
        %parallel_loop3A_1279 = arith.cmpi slt, %parallel_loop3A_1272, %parallel_loop3A_1278 : i32
        %parallel_loop3A_1280 = arith.extui %parallel_loop3A_1279 : i1 to i32
        %parallel_loop3A_1281 = arith.subi %parallel_loop3A_1277, %parallel_loop3A_1280 : i32
        %parallel_loop3A_1282 = arith.constant 0 : i32
        %parallel_loop3A_1283 = arith.cmpi sgt, %parallel_loop3A_1273, %parallel_loop3A_1282 : i32
        %parallel_loop3A_1284 = arith.extui %parallel_loop3A_1283 : i1 to i32
        %parallel_loop3A_1285 = arith.constant 0 : i32
        %parallel_loop3A_1286 = arith.cmpi slt, %parallel_loop3A_1273, %parallel_loop3A_1285 : i32
        %parallel_loop3A_1287 = arith.extui %parallel_loop3A_1286 : i1 to i32
        %parallel_loop3A_1288 = arith.subi %parallel_loop3A_1284, %parallel_loop3A_1287 : i32
        %parallel_loop3A_1289 = arith.cmpi ne, %parallel_loop3A_1281, %parallel_loop3A_1288 : i32
        %parallel_loop3A_1290 = arith.remsi %parallel_loop3A_1272, %parallel_loop3A_1273 : i32
        %parallel_loop3A_1291 = arith.constant 0 : i32
        %parallel_loop3A_1292 = arith.cmpi ne, %parallel_loop3A_1290, %parallel_loop3A_1291 : i32
        %parallel_loop3A_1293 = arith.andi %parallel_loop3A_1289, %parallel_loop3A_1292 : i1
        %parallel_loop3A_1294 = arith.constant 1 : i32
        %parallel_loop3A_1295 = arith.subi %parallel_loop3A_1274, %parallel_loop3A_1294 : i32
        %parallel_loop3A_1296 = arith.select %parallel_loop3A_1293, %parallel_loop3A_1295, %parallel_loop3A_1274 : i32
        %parallel_loop3A_1297 = arith.constant 4 : i32
        %parallel_loop3A_1298 = arith.constant 0 : i32
        %parallel_loop3A_1299 = arith.cmpi eq, %parallel_loop3A_1297, %parallel_loop3A_1298 : i32
        %parallel_loop3A_1300 = arith.constant 1 : i32
        %parallel_loop3A_1301 = arith.select %parallel_loop3A_1299, %parallel_loop3A_1300, %parallel_loop3A_1297 : i32
        %parallel_loop3A_1302 = arith.remsi %parallel_loop3A_1272, %parallel_loop3A_1301 : i32
        %parallel_loop3A_1303 = arith.constant 0 : i32
        %parallel_loop3A_1304 = arith.cmpi ne, %parallel_loop3A_1302, %parallel_loop3A_1303 : i32
        %parallel_loop3A_1305 = arith.constant 0 : i32
        %parallel_loop3A_1306 = arith.cmpi slt, %parallel_loop3A_1302, %parallel_loop3A_1305 : i32
        %parallel_loop3A_1307 = arith.constant 0 : i32
        %parallel_loop3A_1308 = arith.cmpi slt, %parallel_loop3A_1301, %parallel_loop3A_1307 : i32
        %parallel_loop3A_1309 = arith.xori %parallel_loop3A_1306, %parallel_loop3A_1308 : i1
        %parallel_loop3A_1310 = arith.andi %parallel_loop3A_1309, %parallel_loop3A_1304 : i1
        %parallel_loop3A_1311 = arith.addi %parallel_loop3A_1302, %parallel_loop3A_1301 : i32
        %parallel_loop3A_1312 = arith.select %parallel_loop3A_1310, %parallel_loop3A_1311, %parallel_loop3A_1302 : i32
        %parallel_loop3A_1313 = arith.constant 128 : i32
        %parallel_loop3A_1314 = arith.muli %add3A_944, %parallel_loop3A_1313 : i32
        %parallel_loop3A_1315 = arith.constant 16 : i32
        %parallel_loop3A_1316 = arith.muli %parallel_loop3A_1296, %parallel_loop3A_1315 : i32
        %parallel_loop3A_1317 = arith.addi %parallel_loop3A_1314, %parallel_loop3A_1316 : i32
        %parallel_loop3A_1318 = arith.index_cast %parallel_loop3A_1317 : i32 to index
        %parallel_loop3A_1319 = tpu.vector_load %arg6[%parallel_loop3A_1318] {strides = array<i32>} : memref<25600xi32, #tpu.memory_space<vmem>>, vector<16xi32>,
        %parallel_loop3A_1320 = arith.constant 16 : i32
        %parallel_loop3A_1321 = arith.muli %parallel_loop3A_1312, %parallel_loop3A_1320 : i32
        %parallel_loop3A_1322 = arith.constant 128 : i32
        %parallel_loop3A_1323 = arith.muli %parallel_loop3A_1321, %parallel_loop3A_1322 : i32
        %parallel_loop3A_1324 = arith.constant 16 : i32
        %parallel_loop3A_1325 = arith.muli %parallel_loop3A_1296, %parallel_loop3A_1324 : i32
        %parallel_loop3A_1326 = arith.addi %parallel_loop3A_1323, %parallel_loop3A_1325 : i32
        %parallel_loop3A_1327 = arith.constant 0 : i32
        %parallel_loop3A_1328 = arith.addi %parallel_loop3A_1321, %parallel_loop3A_1327 : i32
        %parallel_loop3A_1329 = arith.constant 32 : i32
        %parallel_loop3A_1330 = arith.muli %parallel_loop3A_1328, %parallel_loop3A_1329 : i32
        %parallel_loop3A_1331 = vector.broadcast %parallel_loop3A_1330 : i32 to vector<16xi32>
        %parallel_loop3A_1332 = arith.addi %parallel_loop3A_1319, %parallel_loop3A_1331 : vector<16xi32>
        %parallel_loop3A_1333 = tpu.vector_load_idx %arg5[%parallel_loop3A_1332] : memref<2048xf32, #tpu.memory_space<vmem>>[vector<16xi32>], vector<16xf32>,
        %parallel_loop3A_1334 = arith.constant 0 : i32
        %parallel_loop3A_1335 = arith.addi %parallel_loop3A_1326, %parallel_loop3A_1334 : i32
        %parallel_loop3A_1336 = arith.constant 1 : i32
        %parallel_loop3A_1337 = arith.constant 0 : i32
        %parallel_loop3A_1338 = tpu.memref_slice %arg7[%parallel_loop3A_1336, %parallel_loop3A_1337] : memref<2x8192xf32, #tpu.memory_space<vmem>> -> memref<1x8192xf32, #tpu.memory_space<vmem>>
        %parallel_loop3A_1339 = tpu.memref_squeeze %parallel_loop3A_1338 : memref<1x8192xf32, #tpu.memory_space<vmem>> -> memref<8192xf32, #tpu.memory_space<vmem>>
        %parallel_loop3A_1340 = arith.index_cast %parallel_loop3A_1335 : i32 to index
        %parallel_loop3A_1341 = tpu.vector_load %parallel_loop3A_1339[%parallel_loop3A_1340] {strides = array<i32>} : memref<8192xf32, #tpu.memory_space<vmem>>, vector<16xf32>,
        tpu.vector_store %parallel_loop3A_1339[%parallel_loop3A_1340], %parallel_loop3A_1333 {strides = array<i32>} : memref<8192xf32, #tpu.memory_space<vmem>>, vector<16xf32>,
        %parallel_loop3A_1342 = arith.constant 1 : i32
        %parallel_loop3A_1343 = arith.addi %parallel_loop3A_1321, %parallel_loop3A_1342 : i32
        %parallel_loop3A_1344 = arith.constant 32 : i32
        %parallel_loop3A_1345 = arith.muli %parallel_loop3A_1343, %parallel_loop3A_1344 : i32
        %parallel_loop3A_1346 = vector.broadcast %parallel_loop3A_1345 : i32 to vector<16xi32>
        %parallel_loop3A_1347 = arith.addi %parallel_loop3A_1319, %parallel_loop3A_1346 : vector<16xi32>
        %parallel_loop3A_1348 = tpu.vector_load_idx %arg5[%parallel_loop3A_1347] : memref<2048xf32, #tpu.memory_space<vmem>>[vector<16xi32>], vector<16xf32>,
        %parallel_loop3A_1349 = arith.constant 128 : i32
        %parallel_loop3A_1350 = arith.addi %parallel_loop3A_1326, %parallel_loop3A_1349 : i32
        %parallel_loop3A_1351 = arith.constant 1 : i32
        %parallel_loop3A_1352 = arith.constant 0 : i32
        %parallel_loop3A_1353 = tpu.memref_slice %arg7[%parallel_loop3A_1351, %parallel_loop3A_1352] : memref<2x8192xf32, #tpu.memory_space<vmem>> -> memref<1x8192xf32, #tpu.memory_space<vmem>>
        %parallel_loop3A_1354 = tpu.memref_squeeze %parallel_loop3A_1353 : memref<1x8192xf32, #tpu.memory_space<vmem>> -> memref<8192xf32, #tpu.memory_space<vmem>>
        %parallel_loop3A_1355 = arith.index_cast %parallel_loop3A_1350 : i32 to index
        %parallel_loop3A_1356 = tpu.vector_load %parallel_loop3A_1354[%parallel_loop3A_1355] {strides = array<i32>} : memref<8192xf32, #tpu.memory_space<vmem>>, vector<16xf32>,
        tpu.vector_store %parallel_loop3A_1354[%parallel_loop3A_1355], %parallel_loop3A_1348 {strides = array<i32>} : memref<8192xf32, #tpu.memory_space<vmem>>, vector<16xf32>,
        %parallel_loop3A_1357 = arith.constant 2 : i32
        %parallel_loop3A_1358 = arith.addi %parallel_loop3A_1321, %parallel_loop3A_1357 : i32
        %parallel_loop3A_1359 = arith.constant 32 : i32
        %parallel_loop3A_1360 = arith.muli %parallel_loop3A_1358, %parallel_loop3A_1359 : i32
        %parallel_loop3A_1361 = vector.broadcast %parallel_loop3A_1360 : i32 to vector<16xi32>
        %parallel_loop3A_1362 = arith.addi %parallel_loop3A_1319, %parallel_loop3A_1361 : vector<16xi32>
        %parallel_loop3A_1363 = tpu.vector_load_idx %arg5[%parallel_loop3A_1362] : memref<2048xf32, #tpu.memory_space<vmem>>[vector<16xi32>], vector<16xf32>,
        %parallel_loop3A_1364 = arith.constant 256 : i32
        %parallel_loop3A_1365 = arith.addi %parallel_loop3A_1326, %parallel_loop3A_1364 : i32
        %parallel_loop3A_1366 = arith.constant 1 : i32
        %parallel_loop3A_1367 = arith.constant 0 : i32
        %parallel_loop3A_1368 = tpu.memref_slice %arg7[%parallel_loop3A_1366, %parallel_loop3A_1367] : memref<2x8192xf32, #tpu.memory_space<vmem>> -> memref<1x8192xf32, #tpu.memory_space<vmem>>
        %parallel_loop3A_1369 = tpu.memref_squeeze %parallel_loop3A_1368 : memref<1x8192xf32, #tpu.memory_space<vmem>> -> memref<8192xf32, #tpu.memory_space<vmem>>
        %parallel_loop3A_1370 = arith.index_cast %parallel_loop3A_1365 : i32 to index
        %parallel_loop3A_1371 = tpu.vector_load %parallel_loop3A_1369[%parallel_loop3A_1370] {strides = array<i32>} : memref<8192xf32, #tpu.memory_space<vmem>>, vector<16xf32>,
        tpu.vector_store %parallel_loop3A_1369[%parallel_loop3A_1370], %parallel_loop3A_1363 {strides = array<i32>} : memref<8192xf32, #tpu.memory_space<vmem>>, vector<16xf32>,
        %parallel_loop3A_1372 = arith.constant 3 : i32
        %parallel_loop3A_1373 = arith.addi %parallel_loop3A_1321, %parallel_loop3A_1372 : i32
        %parallel_loop3A_1374 = arith.constant 32 : i32
        %parallel_loop3A_1375 = arith.muli %parallel_loop3A_1373, %parallel_loop3A_1374 : i32
        %parallel_loop3A_1376 = vector.broadcast %parallel_loop3A_1375 : i32 to vector<16xi32>
        %parallel_loop3A_1377 = arith.addi %parallel_loop3A_1319, %parallel_loop3A_1376 : vector<16xi32>
        %parallel_loop3A_1378 = tpu.vector_load_idx %arg5[%parallel_loop3A_1377] : memref<2048xf32, #tpu.memory_space<vmem>>[vector<16xi32>], vector<16xf32>,
        %parallel_loop3A_1379 = arith.constant 384 : i32
        %parallel_loop3A_1380 = arith.addi %parallel_loop3A_1326, %parallel_loop3A_1379 : i32
        %parallel_loop3A_1381 = arith.constant 1 : i32
        %parallel_loop3A_1382 = arith.constant 0 : i32
        %parallel_loop3A_1383 = tpu.memref_slice %arg7[%parallel_loop3A_1381, %parallel_loop3A_1382] : memref<2x8192xf32, #tpu.memory_space<vmem>> -> memref<1x8192xf32, #tpu.memory_space<vmem>>
        %parallel_loop3A_1384 = tpu.memref_squeeze %parallel_loop3A_1383 : memref<1x8192xf32, #tpu.memory_space<vmem>> -> memref<8192xf32, #tpu.memory_space<vmem>>
        %parallel_loop3A_1385 = arith.index_cast %parallel_loop3A_1380 : i32 to index
        %parallel_loop3A_1386 = tpu.vector_load %parallel_loop3A_1384[%parallel_loop3A_1385] {strides = array<i32>} : memref<8192xf32, #tpu.memory_space<vmem>>, vector<16xf32>,
        tpu.vector_store %parallel_loop3A_1384[%parallel_loop3A_1385], %parallel_loop3A_1378 {strides = array<i32>} : memref<8192xf32, #tpu.memory_space<vmem>>, vector<16xf32>,
        %parallel_loop3A_1387 = arith.constant 4 : i32
        %parallel_loop3A_1388 = arith.addi %parallel_loop3A_1321, %parallel_loop3A_1387 : i32
        %parallel_loop3A_1389 = arith.constant 32 : i32
        %parallel_loop3A_1390 = arith.muli %parallel_loop3A_1388, %parallel_loop3A_1389 : i32
        %parallel_loop3A_1391 = vector.broadcast %parallel_loop3A_1390 : i32 to vector<16xi32>
        %parallel_loop3A_1392 = arith.addi %parallel_loop3A_1319, %parallel_loop3A_1391 : vector<16xi32>
        %parallel_loop3A_1393 = tpu.vector_load_idx %arg5[%parallel_loop3A_1392] : memref<2048xf32, #tpu.memory_space<vmem>>[vector<16xi32>], vector<16xf32>,
        %parallel_loop3A_1394 = arith.constant 512 : i32
        %parallel_loop3A_1395 = arith.addi %parallel_loop3A_1326, %parallel_loop3A_1394 : i32
        %parallel_loop3A_1396 = arith.constant 1 : i32
        %parallel_loop3A_1397 = arith.constant 0 : i32
        %parallel_loop3A_1398 = tpu.memref_slice %arg7[%parallel_loop3A_1396, %parallel_loop3A_1397] : memref<2x8192xf32, #tpu.memory_space<vmem>> -> memref<1x8192xf32, #tpu.memory_space<vmem>>
        %parallel_loop3A_1399 = tpu.memref_squeeze %parallel_loop3A_1398 : memref<1x8192xf32, #tpu.memory_space<vmem>> -> memref<8192xf32, #tpu.memory_space<vmem>>
        %parallel_loop3A_1400 = arith.index_cast %parallel_loop3A_1395 : i32 to index
        %parallel_loop3A_1401 = tpu.vector_load %parallel_loop3A_1399[%parallel_loop3A_1400] {strides = array<i32>} : memref<8192xf32, #tpu.memory_space<vmem>>, vector<16xf32>,
        tpu.vector_store %parallel_loop3A_1399[%parallel_loop3A_1400], %parallel_loop3A_1393 {strides = array<i32>} : memref<8192xf32, #tpu.memory_space<vmem>>, vector<16xf32>,
        %parallel_loop3A_1402 = arith.constant 5 : i32
        %parallel_loop3A_1403 = arith.addi %parallel_loop3A_1321, %parallel_loop3A_1402 : i32
        %parallel_loop3A_1404 = arith.constant 32 : i32
        %parallel_loop3A_1405 = arith.muli %parallel_loop3A_1403, %parallel_loop3A_1404 : i32
        %parallel_loop3A_1406 = vector.broadcast %parallel_loop3A_1405 : i32 to vector<16xi32>
        %parallel_loop3A_1407 = arith.addi %parallel_loop3A_1319, %parallel_loop3A_1406 : vector<16xi32>
        %parallel_loop3A_1408 = tpu.vector_load_idx %arg5[%parallel_loop3A_1407] : memref<2048xf32, #tpu.memory_space<vmem>>[vector<16xi32>], vector<16xf32>,
        %parallel_loop3A_1409 = arith.constant 640 : i32
        %parallel_loop3A_1410 = arith.addi %parallel_loop3A_1326, %parallel_loop3A_1409 : i32
        %parallel_loop3A_1411 = arith.constant 1 : i32
        %parallel_loop3A_1412 = arith.constant 0 : i32
        %parallel_loop3A_1413 = tpu.memref_slice %arg7[%parallel_loop3A_1411, %parallel_loop3A_1412] : memref<2x8192xf32, #tpu.memory_space<vmem>> -> memref<1x8192xf32, #tpu.memory_space<vmem>>
        %parallel_loop3A_1414 = tpu.memref_squeeze %parallel_loop3A_1413 : memref<1x8192xf32, #tpu.memory_space<vmem>> -> memref<8192xf32, #tpu.memory_space<vmem>>
        %parallel_loop3A_1415 = arith.index_cast %parallel_loop3A_1410 : i32 to index
        %parallel_loop3A_1416 = tpu.vector_load %parallel_loop3A_1414[%parallel_loop3A_1415] {strides = array<i32>} : memref<8192xf32, #tpu.memory_space<vmem>>, vector<16xf32>,
        tpu.vector_store %parallel_loop3A_1414[%parallel_loop3A_1415], %parallel_loop3A_1408 {strides = array<i32>} : memref<8192xf32, #tpu.memory_space<vmem>>, vector<16xf32>,
        %parallel_loop3A_1417 = arith.constant 6 : i32
        %parallel_loop3A_1418 = arith.addi %parallel_loop3A_1321, %parallel_loop3A_1417 : i32
        %parallel_loop3A_1419 = arith.constant 32 : i32
        %parallel_loop3A_1420 = arith.muli %parallel_loop3A_1418, %parallel_loop3A_1419 : i32
        %parallel_loop3A_1421 = vector.broadcast %parallel_loop3A_1420 : i32 to vector<16xi32>
        %parallel_loop3A_1422 = arith.addi %parallel_loop3A_1319, %parallel_loop3A_1421 : vector<16xi32>
        %parallel_loop3A_1423 = tpu.vector_load_idx %arg5[%parallel_loop3A_1422] : memref<2048xf32, #tpu.memory_space<vmem>>[vector<16xi32>], vector<16xf32>,
        %parallel_loop3A_1424 = arith.constant 768 : i32
        %parallel_loop3A_1425 = arith.addi %parallel_loop3A_1326, %parallel_loop3A_1424 : i32
        %parallel_loop3A_1426 = arith.constant 1 : i32
        %parallel_loop3A_1427 = arith.constant 0 : i32
        %parallel_loop3A_1428 = tpu.memref_slice %arg7[%parallel_loop3A_1426, %parallel_loop3A_1427] : memref<2x8192xf32, #tpu.memory_space<vmem>> -> memref<1x8192xf32, #tpu.memory_space<vmem>>
        %parallel_loop3A_1429 = tpu.memref_squeeze %parallel_loop3A_1428 : memref<1x8192xf32, #tpu.memory_space<vmem>> -> memref<8192xf32, #tpu.memory_space<vmem>>
        %parallel_loop3A_1430 = arith.index_cast %parallel_loop3A_1425 : i32 to index
        %parallel_loop3A_1431 = tpu.vector_load %parallel_loop3A_1429[%parallel_loop3A_1430] {strides = array<i32>} : memref<8192xf32, #tpu.memory_space<vmem>>, vector<16xf32>,
        tpu.vector_store %parallel_loop3A_1429[%parallel_loop3A_1430], %parallel_loop3A_1423 {strides = array<i32>} : memref<8192xf32, #tpu.memory_space<vmem>>, vector<16xf32>,
        %parallel_loop3A_1432 = arith.constant 7 : i32
        %parallel_loop3A_1433 = arith.addi %parallel_loop3A_1321, %parallel_loop3A_1432 : i32
        %parallel_loop3A_1434 = arith.constant 32 : i32
        %parallel_loop3A_1435 = arith.muli %parallel_loop3A_1433, %parallel_loop3A_1434 : i32
        %parallel_loop3A_1436 = vector.broadcast %parallel_loop3A_1435 : i32 to vector<16xi32>
        %parallel_loop3A_1437 = arith.addi %parallel_loop3A_1319, %parallel_loop3A_1436 : vector<16xi32>
        %parallel_loop3A_1438 = tpu.vector_load_idx %arg5[%parallel_loop3A_1437] : memref<2048xf32, #tpu.memory_space<vmem>>[vector<16xi32>], vector<16xf32>,
        %parallel_loop3A_1439 = arith.constant 896 : i32
        %parallel_loop3A_1440 = arith.addi %parallel_loop3A_1326, %parallel_loop3A_1439 : i32
        %parallel_loop3A_1441 = arith.constant 1 : i32
        %parallel_loop3A_1442 = arith.constant 0 : i32
        %parallel_loop3A_1443 = tpu.memref_slice %arg7[%parallel_loop3A_1441, %parallel_loop3A_1442] : memref<2x8192xf32, #tpu.memory_space<vmem>> -> memref<1x8192xf32, #tpu.memory_space<vmem>>
        %parallel_loop3A_1444 = tpu.memref_squeeze %parallel_loop3A_1443 : memref<1x8192xf32, #tpu.memory_space<vmem>> -> memref<8192xf32, #tpu.memory_space<vmem>>
        %parallel_loop3A_1445 = arith.index_cast %parallel_loop3A_1440 : i32 to index
        %parallel_loop3A_1446 = tpu.vector_load %parallel_loop3A_1444[%parallel_loop3A_1445] {strides = array<i32>} : memref<8192xf32, #tpu.memory_space<vmem>>, vector<16xf32>,
        tpu.vector_store %parallel_loop3A_1444[%parallel_loop3A_1445], %parallel_loop3A_1438 {strides = array<i32>} : memref<8192xf32, #tpu.memory_space<vmem>>, vector<16xf32>,
        %parallel_loop3A_1447 = arith.constant 8 : i32
        %parallel_loop3A_1448 = arith.addi %parallel_loop3A_1321, %parallel_loop3A_1447 : i32
        %parallel_loop3A_1449 = arith.constant 32 : i32
        %parallel_loop3A_1450 = arith.muli %parallel_loop3A_1448, %parallel_loop3A_1449 : i32
        %parallel_loop3A_1451 = vector.broadcast %parallel_loop3A_1450 : i32 to vector<16xi32>
        %parallel_loop3A_1452 = arith.addi %parallel_loop3A_1319, %parallel_loop3A_1451 : vector<16xi32>
        %parallel_loop3A_1453 = tpu.vector_load_idx %arg5[%parallel_loop3A_1452] : memref<2048xf32, #tpu.memory_space<vmem>>[vector<16xi32>], vector<16xf32>,
        %parallel_loop3A_1454 = arith.constant 1024 : i32
        %parallel_loop3A_1455 = arith.addi %parallel_loop3A_1326, %parallel_loop3A_1454 : i32
        %parallel_loop3A_1456 = arith.constant 1 : i32
        %parallel_loop3A_1457 = arith.constant 0 : i32
        %parallel_loop3A_1458 = tpu.memref_slice %arg7[%parallel_loop3A_1456, %parallel_loop3A_1457] : memref<2x8192xf32, #tpu.memory_space<vmem>> -> memref<1x8192xf32, #tpu.memory_space<vmem>>
        %parallel_loop3A_1459 = tpu.memref_squeeze %parallel_loop3A_1458 : memref<1x8192xf32, #tpu.memory_space<vmem>> -> memref<8192xf32, #tpu.memory_space<vmem>>
        %parallel_loop3A_1460 = arith.index_cast %parallel_loop3A_1455 : i32 to index
        %parallel_loop3A_1461 = tpu.vector_load %parallel_loop3A_1459[%parallel_loop3A_1460] {strides = array<i32>} : memref<8192xf32, #tpu.memory_space<vmem>>, vector<16xf32>,
        tpu.vector_store %parallel_loop3A_1459[%parallel_loop3A_1460], %parallel_loop3A_1453 {strides = array<i32>} : memref<8192xf32, #tpu.memory_space<vmem>>, vector<16xf32>,
        %parallel_loop3A_1462 = arith.constant 9 : i32
        %parallel_loop3A_1463 = arith.addi %parallel_loop3A_1321, %parallel_loop3A_1462 : i32
        %parallel_loop3A_1464 = arith.constant 32 : i32
        %parallel_loop3A_1465 = arith.muli %parallel_loop3A_1463, %parallel_loop3A_1464 : i32
        %parallel_loop3A_1466 = vector.broadcast %parallel_loop3A_1465 : i32 to vector<16xi32>
        %parallel_loop3A_1467 = arith.addi %parallel_loop3A_1319, %parallel_loop3A_1466 : vector<16xi32>
        %parallel_loop3A_1468 = tpu.vector_load_idx %arg5[%parallel_loop3A_1467] : memref<2048xf32, #tpu.memory_space<vmem>>[vector<16xi32>], vector<16xf32>,
        %parallel_loop3A_1469 = arith.constant 1152 : i32
        %parallel_loop3A_1470 = arith.addi %parallel_loop3A_1326, %parallel_loop3A_1469 : i32
        %parallel_loop3A_1471 = arith.constant 1 : i32
        %parallel_loop3A_1472 = arith.constant 0 : i32
        %parallel_loop3A_1473 = tpu.memref_slice %arg7[%parallel_loop3A_1471, %parallel_loop3A_1472] : memref<2x8192xf32, #tpu.memory_space<vmem>> -> memref<1x8192xf32, #tpu.memory_space<vmem>>
        %parallel_loop3A_1474 = tpu.memref_squeeze %parallel_loop3A_1473 : memref<1x8192xf32, #tpu.memory_space<vmem>> -> memref<8192xf32, #tpu.memory_space<vmem>>
        %parallel_loop3A_1475 = arith.index_cast %parallel_loop3A_1470 : i32 to index
        %parallel_loop3A_1476 = tpu.vector_load %parallel_loop3A_1474[%parallel_loop3A_1475] {strides = array<i32>} : memref<8192xf32, #tpu.memory_space<vmem>>, vector<16xf32>,
        tpu.vector_store %parallel_loop3A_1474[%parallel_loop3A_1475], %parallel_loop3A_1468 {strides = array<i32>} : memref<8192xf32, #tpu.memory_space<vmem>>, vector<16xf32>,
        %parallel_loop3A_1477 = arith.constant 10 : i32
        %parallel_loop3A_1478 = arith.addi %parallel_loop3A_1321, %parallel_loop3A_1477 : i32
        %parallel_loop3A_1479 = arith.constant 32 : i32
        %parallel_loop3A_1480 = arith.muli %parallel_loop3A_1478, %parallel_loop3A_1479 : i32
        %parallel_loop3A_1481 = vector.broadcast %parallel_loop3A_1480 : i32 to vector<16xi32>
        %parallel_loop3A_1482 = arith.addi %parallel_loop3A_1319, %parallel_loop3A_1481 : vector<16xi32>
        %parallel_loop3A_1483 = tpu.vector_load_idx %arg5[%parallel_loop3A_1482] : memref<2048xf32, #tpu.memory_space<vmem>>[vector<16xi32>], vector<16xf32>,
        %parallel_loop3A_1484 = arith.constant 1280 : i32
        %parallel_loop3A_1485 = arith.addi %parallel_loop3A_1326, %parallel_loop3A_1484 : i32
        %parallel_loop3A_1486 = arith.constant 1 : i32
        %parallel_loop3A_1487 = arith.constant 0 : i32
        %parallel_loop3A_1488 = tpu.memref_slice %arg7[%parallel_loop3A_1486, %parallel_loop3A_1487] : memref<2x8192xf32, #tpu.memory_space<vmem>> -> memref<1x8192xf32, #tpu.memory_space<vmem>>
        %parallel_loop3A_1489 = tpu.memref_squeeze %parallel_loop3A_1488 : memref<1x8192xf32, #tpu.memory_space<vmem>> -> memref<8192xf32, #tpu.memory_space<vmem>>
        %parallel_loop3A_1490 = arith.index_cast %parallel_loop3A_1485 : i32 to index
        %parallel_loop3A_1491 = tpu.vector_load %parallel_loop3A_1489[%parallel_loop3A_1490] {strides = array<i32>} : memref<8192xf32, #tpu.memory_space<vmem>>, vector<16xf32>,
        tpu.vector_store %parallel_loop3A_1489[%parallel_loop3A_1490], %parallel_loop3A_1483 {strides = array<i32>} : memref<8192xf32, #tpu.memory_space<vmem>>, vector<16xf32>,
        %parallel_loop3A_1492 = arith.constant 11 : i32
        %parallel_loop3A_1493 = arith.addi %parallel_loop3A_1321, %parallel_loop3A_1492 : i32
        %parallel_loop3A_1494 = arith.constant 32 : i32
        %parallel_loop3A_1495 = arith.muli %parallel_loop3A_1493, %parallel_loop3A_1494 : i32
        %parallel_loop3A_1496 = vector.broadcast %parallel_loop3A_1495 : i32 to vector<16xi32>
        %parallel_loop3A_1497 = arith.addi %parallel_loop3A_1319, %parallel_loop3A_1496 : vector<16xi32>
        %parallel_loop3A_1498 = tpu.vector_load_idx %arg5[%parallel_loop3A_1497] : memref<2048xf32, #tpu.memory_space<vmem>>[vector<16xi32>], vector<16xf32>,
        %parallel_loop3A_1499 = arith.constant 1408 : i32
        %parallel_loop3A_1500 = arith.addi %parallel_loop3A_1326, %parallel_loop3A_1499 : i32
        %parallel_loop3A_1501 = arith.constant 1 : i32
        %parallel_loop3A_1502 = arith.constant 0 : i32
        %parallel_loop3A_1503 = tpu.memref_slice %arg7[%parallel_loop3A_1501, %parallel_loop3A_1502] : memref<2x8192xf32, #tpu.memory_space<vmem>> -> memref<1x8192xf32, #tpu.memory_space<vmem>>
        %parallel_loop3A_1504 = tpu.memref_squeeze %parallel_loop3A_1503 : memref<1x8192xf32, #tpu.memory_space<vmem>> -> memref<8192xf32, #tpu.memory_space<vmem>>
        %parallel_loop3A_1505 = arith.index_cast %parallel_loop3A_1500 : i32 to index
        %parallel_loop3A_1506 = tpu.vector_load %parallel_loop3A_1504[%parallel_loop3A_1505] {strides = array<i32>} : memref<8192xf32, #tpu.memory_space<vmem>>, vector<16xf32>,
        tpu.vector_store %parallel_loop3A_1504[%parallel_loop3A_1505], %parallel_loop3A_1498 {strides = array<i32>} : memref<8192xf32, #tpu.memory_space<vmem>>, vector<16xf32>,
        %parallel_loop3A_1507 = arith.constant 12 : i32
        %parallel_loop3A_1508 = arith.addi %parallel_loop3A_1321, %parallel_loop3A_1507 : i32
        %parallel_loop3A_1509 = arith.constant 32 : i32
        %parallel_loop3A_1510 = arith.muli %parallel_loop3A_1508, %parallel_loop3A_1509 : i32
        %parallel_loop3A_1511 = vector.broadcast %parallel_loop3A_1510 : i32 to vector<16xi32>
        %parallel_loop3A_1512 = arith.addi %parallel_loop3A_1319, %parallel_loop3A_1511 : vector<16xi32>
        %parallel_loop3A_1513 = tpu.vector_load_idx %arg5[%parallel_loop3A_1512] : memref<2048xf32, #tpu.memory_space<vmem>>[vector<16xi32>], vector<16xf32>,
        %parallel_loop3A_1514 = arith.constant 1536 : i32
        %parallel_loop3A_1515 = arith.addi %parallel_loop3A_1326, %parallel_loop3A_1514 : i32
        %parallel_loop3A_1516 = arith.constant 1 : i32
        %parallel_loop3A_1517 = arith.constant 0 : i32
        %parallel_loop3A_1518 = tpu.memref_slice %arg7[%parallel_loop3A_1516, %parallel_loop3A_1517] : memref<2x8192xf32, #tpu.memory_space<vmem>> -> memref<1x8192xf32, #tpu.memory_space<vmem>>
        %parallel_loop3A_1519 = tpu.memref_squeeze %parallel_loop3A_1518 : memref<1x8192xf32, #tpu.memory_space<vmem>> -> memref<8192xf32, #tpu.memory_space<vmem>>
        %parallel_loop3A_1520 = arith.index_cast %parallel_loop3A_1515 : i32 to index
        %parallel_loop3A_1521 = tpu.vector_load %parallel_loop3A_1519[%parallel_loop3A_1520] {strides = array<i32>} : memref<8192xf32, #tpu.memory_space<vmem>>, vector<16xf32>,
        tpu.vector_store %parallel_loop3A_1519[%parallel_loop3A_1520], %parallel_loop3A_1513 {strides = array<i32>} : memref<8192xf32, #tpu.memory_space<vmem>>, vector<16xf32>,
        %parallel_loop3A_1522 = arith.constant 13 : i32
        %parallel_loop3A_1523 = arith.addi %parallel_loop3A_1321, %parallel_loop3A_1522 : i32
        %parallel_loop3A_1524 = arith.constant 32 : i32
        %parallel_loop3A_1525 = arith.muli %parallel_loop3A_1523, %parallel_loop3A_1524 : i32
        %parallel_loop3A_1526 = vector.broadcast %parallel_loop3A_1525 : i32 to vector<16xi32>
        %parallel_loop3A_1527 = arith.addi %parallel_loop3A_1319, %parallel_loop3A_1526 : vector<16xi32>
        %parallel_loop3A_1528 = tpu.vector_load_idx %arg5[%parallel_loop3A_1527] : memref<2048xf32, #tpu.memory_space<vmem>>[vector<16xi32>], vector<16xf32>,
        %parallel_loop3A_1529 = arith.constant 1664 : i32
        %parallel_loop3A_1530 = arith.addi %parallel_loop3A_1326, %parallel_loop3A_1529 : i32
        %parallel_loop3A_1531 = arith.constant 1 : i32
        %parallel_loop3A_1532 = arith.constant 0 : i32
        %parallel_loop3A_1533 = tpu.memref_slice %arg7[%parallel_loop3A_1531, %parallel_loop3A_1532] : memref<2x8192xf32, #tpu.memory_space<vmem>> -> memref<1x8192xf32, #tpu.memory_space<vmem>>
        %parallel_loop3A_1534 = tpu.memref_squeeze %parallel_loop3A_1533 : memref<1x8192xf32, #tpu.memory_space<vmem>> -> memref<8192xf32, #tpu.memory_space<vmem>>
        %parallel_loop3A_1535 = arith.index_cast %parallel_loop3A_1530 : i32 to index
        %parallel_loop3A_1536 = tpu.vector_load %parallel_loop3A_1534[%parallel_loop3A_1535] {strides = array<i32>} : memref<8192xf32, #tpu.memory_space<vmem>>, vector<16xf32>,
        tpu.vector_store %parallel_loop3A_1534[%parallel_loop3A_1535], %parallel_loop3A_1528 {strides = array<i32>} : memref<8192xf32, #tpu.memory_space<vmem>>, vector<16xf32>,
        %parallel_loop3A_1537 = arith.constant 14 : i32
        %parallel_loop3A_1538 = arith.addi %parallel_loop3A_1321, %parallel_loop3A_1537 : i32
        %parallel_loop3A_1539 = arith.constant 32 : i32
        %parallel_loop3A_1540 = arith.muli %parallel_loop3A_1538, %parallel_loop3A_1539 : i32
        %parallel_loop3A_1541 = vector.broadcast %parallel_loop3A_1540 : i32 to vector<16xi32>
        %parallel_loop3A_1542 = arith.addi %parallel_loop3A_1319, %parallel_loop3A_1541 : vector<16xi32>
        %parallel_loop3A_1543 = tpu.vector_load_idx %arg5[%parallel_loop3A_1542] : memref<2048xf32, #tpu.memory_space<vmem>>[vector<16xi32>], vector<16xf32>,
        %parallel_loop3A_1544 = arith.constant 1792 : i32
        %parallel_loop3A_1545 = arith.addi %parallel_loop3A_1326, %parallel_loop3A_1544 : i32
        %parallel_loop3A_1546 = arith.constant 1 : i32
        %parallel_loop3A_1547 = arith.constant 0 : i32
        %parallel_loop3A_1548 = tpu.memref_slice %arg7[%parallel_loop3A_1546, %parallel_loop3A_1547] : memref<2x8192xf32, #tpu.memory_space<vmem>> -> memref<1x8192xf32, #tpu.memory_space<vmem>>
        %parallel_loop3A_1549 = tpu.memref_squeeze %parallel_loop3A_1548 : memref<1x8192xf32, #tpu.memory_space<vmem>> -> memref<8192xf32, #tpu.memory_space<vmem>>
        %parallel_loop3A_1550 = arith.index_cast %parallel_loop3A_1545 : i32 to index
        %parallel_loop3A_1551 = tpu.vector_load %parallel_loop3A_1549[%parallel_loop3A_1550] {strides = array<i32>} : memref<8192xf32, #tpu.memory_space<vmem>>, vector<16xf32>,
        tpu.vector_store %parallel_loop3A_1549[%parallel_loop3A_1550], %parallel_loop3A_1543 {strides = array<i32>} : memref<8192xf32, #tpu.memory_space<vmem>>, vector<16xf32>,
        %parallel_loop3A_1552 = arith.constant 15 : i32
        %parallel_loop3A_1553 = arith.addi %parallel_loop3A_1321, %parallel_loop3A_1552 : i32
        %parallel_loop3A_1554 = arith.constant 32 : i32
        %parallel_loop3A_1555 = arith.muli %parallel_loop3A_1553, %parallel_loop3A_1554 : i32
        %parallel_loop3A_1556 = vector.broadcast %parallel_loop3A_1555 : i32 to vector<16xi32>
        %parallel_loop3A_1557 = arith.addi %parallel_loop3A_1319, %parallel_loop3A_1556 : vector<16xi32>
        %parallel_loop3A_1558 = tpu.vector_load_idx %arg5[%parallel_loop3A_1557] : memref<2048xf32, #tpu.memory_space<vmem>>[vector<16xi32>], vector<16xf32>,
        %parallel_loop3A_1559 = arith.constant 1920 : i32
        %parallel_loop3A_1560 = arith.addi %parallel_loop3A_1326, %parallel_loop3A_1559 : i32
        %parallel_loop3A_1561 = arith.constant 1 : i32
        %parallel_loop3A_1562 = arith.constant 0 : i32
        %parallel_loop3A_1563 = tpu.memref_slice %arg7[%parallel_loop3A_1561, %parallel_loop3A_1562] : memref<2x8192xf32, #tpu.memory_space<vmem>> -> memref<1x8192xf32, #tpu.memory_space<vmem>>
        %parallel_loop3A_1564 = tpu.memref_squeeze %parallel_loop3A_1563 : memref<1x8192xf32, #tpu.memory_space<vmem>> -> memref<8192xf32, #tpu.memory_space<vmem>>
        %parallel_loop3A_1565 = arith.index_cast %parallel_loop3A_1560 : i32 to index
        %parallel_loop3A_1566 = tpu.vector_load %parallel_loop3A_1564[%parallel_loop3A_1565] {strides = array<i32>} : memref<8192xf32, #tpu.memory_space<vmem>>, vector<16xf32>,
        tpu.vector_store %parallel_loop3A_1564[%parallel_loop3A_1565], %parallel_loop3A_1558 {strides = array<i32>} : memref<8192xf32, #tpu.memory_space<vmem>>, vector<16xf32>,
      } {sc.loop_unroll_factor = 4 : i64, sc.parallel_access}
      %dma_start3A_984 = arith.constant 1 : i32
      %dma_start3A_985 = arith.constant 0 : i32
      %dma_start3A_986 = arith.constant 0 : i32
      %dma_start3A_987 = tpu.memref_slice %arg7[%dma_start3A_984, %dma_start3A_986] : memref<2x8192xf32, #tpu.memory_space<vmem>> -> memref<1x8192xf32, #tpu.memory_space<vmem>>
      %dma_start3A_988 = tpu.memref_squeeze %dma_start3A_987 : memref<1x8192xf32, #tpu.memory_space<vmem>> -> memref<8192xf32, #tpu.memory_space<vmem>>
      %dma_start3A_989 = arith.constant 0 : i32
      %dma_start3A_990 = tpu.memref_slice %dma_start3A_988[%dma_start3A_989] : memref<8192xf32, #tpu.memory_space<vmem>> -> memref<1024xf32, #tpu.memory_space<vmem>>
      %dma_start3A_991 = arith.constant 0 : i32
      %dma_start3A_992 = arith.constant 0 : i32
      %dma_start3A_993 = arith.constant 0 : i32
      %dma_start3A_994 = tpu.memref_slice %arg4[%select_n3A_977, %dma_start3A_991, %dma_start3A_992, %dma_start3A_993] : memref<200x8x32x1024xf32, #tpu.memory_space<hbm>> -> memref<1x8x32x1024xf32, #tpu.memory_space<hbm>>
      %dma_start3A_995 = tpu.memref_squeeze %dma_start3A_994 : memref<1x8x32x1024xf32, #tpu.memory_space<hbm>> -> memref<8x32x1024xf32, #tpu.memory_space<hbm>>
      %dma_start3A_996 = arith.constant 0 : i32
      %dma_start3A_997 = arith.constant 0 : i32
      %dma_start3A_998 = tpu.memref_slice %dma_start3A_995[%dma_start3A_985, %dma_start3A_996, %dma_start3A_997] : memref<8x32x1024xf32, #tpu.memory_space<hbm>> -> memref<1x32x1024xf32, #tpu.memory_space<hbm>>
      %dma_start3A_999 = tpu.memref_squeeze %dma_start3A_998 : memref<1x32x1024xf32, #tpu.memory_space<hbm>> -> memref<32x1024xf32, #tpu.memory_space<hbm>>
      %dma_start3A_1000 = arith.constant 0 : i32
      %dma_start3A_1001 = tpu.memref_slice %dma_start3A_999[%sub3A_980, %dma_start3A_1000] : memref<32x1024xf32, #tpu.memory_space<hbm>> -> memref<1x1024xf32, #tpu.memory_space<hbm>>
      %dma_start3A_1002 = tpu.memref_squeeze %dma_start3A_1001 : memref<1x1024xf32, #tpu.memory_space<hbm>> -> memref<1024xf32, #tpu.memory_space<hbm>>
      %dma_start3A_1003 = arith.constant 0 : i32
      %dma_start3A_1004 = arith.constant 0 : i32
      %dma_start3A_1005 = arith.constant 0 : i32
      %dma_start3A_1006 = tpu.memref_slice %arg4[%select_n3A_977, %dma_start3A_1003, %dma_start3A_1004, %dma_start3A_1005] : memref<200x8x32x1024xf32, #tpu.memory_space<hbm>> -> memref<1x8x32x1024xf32, #tpu.memory_space<hbm>>
      %dma_start3A_1007 = tpu.memref_squeeze %dma_start3A_1006 : memref<1x8x32x1024xf32, #tpu.memory_space<hbm>> -> memref<8x32x1024xf32, #tpu.memory_space<hbm>>
      %dma_start3A_1008 = arith.constant 0 : i32
      %dma_start3A_1009 = arith.constant 0 : i32
      %dma_start3A_1010 = tpu.memref_slice %dma_start3A_1007[%dma_start3A_985, %dma_start3A_1008, %dma_start3A_1009] : memref<8x32x1024xf32, #tpu.memory_space<hbm>> -> memref<1x32x1024xf32, #tpu.memory_space<hbm>>
      %dma_start3A_1011 = tpu.memref_squeeze %dma_start3A_1010 : memref<1x32x1024xf32, #tpu.memory_space<hbm>> -> memref<32x1024xf32, #tpu.memory_space<hbm>>
      %dma_start3A_1012 = arith.constant 0 : i32
      %dma_start3A_1013 = tpu.memref_slice %dma_start3A_1011[%sub3A_980, %dma_start3A_1012] : memref<32x1024xf32, #tpu.memory_space<hbm>> -> memref<1x1024xf32, #tpu.memory_space<hbm>>
      %dma_start3A_1014 = tpu.memref_squeeze %dma_start3A_1013 : memref<1x1024xf32, #tpu.memory_space<hbm>> -> memref<1024xf32, #tpu.memory_space<hbm>>
      %dma_start3A_1015 = arith.constant 0 : i32
      %dma_start3A_1016 = tpu.memref_slice %arg7[%dma_start3A_984, %dma_start3A_1015] : memref<2x8192xf32, #tpu.memory_space<vmem>> -> memref<1x8192xf32, #tpu.memory_space<vmem>>
      %dma_start3A_1017 = tpu.memref_squeeze %dma_start3A_1016 : memref<1x8192xf32, #tpu.memory_space<vmem>> -> memref<8192xf32, #tpu.memory_space<vmem>>
      %dma_start3A_1018 = arith.constant 0 : i32
      %dma_start3A_1019 = tpu.memref_slice %dma_start3A_1017[%dma_start3A_1018] : memref<8192xf32, #tpu.memory_space<vmem>> -> memref<1024xf32, #tpu.memory_space<vmem>>
      tpu.enqueue_dma source(%dma_start3A_1019 : memref<1024xf32, #tpu.memory_space<vmem>>) target(%dma_start3A_1014 : memref<1024xf32, #tpu.memory_space<hbm>>) target_semaphore(%arg9 : memref<!tpu.dma_semaphore, #tpu.memory_space<semaphore_mem>>)
      %dma_start3A_1020 = arith.constant 1 : i32
      %dma_start3A_1021 = arith.constant 1 : i32
      %dma_start3A_1022 = arith.constant 0 : i32
      %dma_start3A_1023 = tpu.memref_slice %arg7[%dma_start3A_1020, %dma_start3A_1022] : memref<2x8192xf32, #tpu.memory_space<vmem>> -> memref<1x8192xf32, #tpu.memory_space<vmem>>
      %dma_start3A_1024 = tpu.memref_squeeze %dma_start3A_1023 : memref<1x8192xf32, #tpu.memory_space<vmem>> -> memref<8192xf32, #tpu.memory_space<vmem>>
      %dma_start3A_1025 = arith.constant 1024 : i32
      %dma_start3A_1026 = tpu.memref_slice %dma_start3A_1024[%dma_start3A_1025] : memref<8192xf32, #tpu.memory_space<vmem>> -> memref<1024xf32, #tpu.memory_space<vmem>>
      %dma_start3A_1027 = arith.constant 0 : i32
      %dma_start3A_1028 = arith.constant 0 : i32
      %dma_start3A_1029 = arith.constant 0 : i32
      %dma_start3A_1030 = tpu.memref_slice %arg4[%select_n3A_977, %dma_start3A_1027, %dma_start3A_1028, %dma_start3A_1029] : memref<200x8x32x1024xf32, #tpu.memory_space<hbm>> -> memref<1x8x32x1024xf32, #tpu.memory_space<hbm>>
      %dma_start3A_1031 = tpu.memref_squeeze %dma_start3A_1030 : memref<1x8x32x1024xf32, #tpu.memory_space<hbm>> -> memref<8x32x1024xf32, #tpu.memory_space<hbm>>
      %dma_start3A_1032 = arith.constant 0 : i32
      %dma_start3A_1033 = arith.constant 0 : i32
      %dma_start3A_1034 = tpu.memref_slice %dma_start3A_1031[%dma_start3A_1021, %dma_start3A_1032, %dma_start3A_1033] : memref<8x32x1024xf32, #tpu.memory_space<hbm>> -> memref<1x32x1024xf32, #tpu.memory_space<hbm>>
      %dma_start3A_1035 = tpu.memref_squeeze %dma_start3A_1034 : memref<1x32x1024xf32, #tpu.memory_space<hbm>> -> memref<32x1024xf32, #tpu.memory_space<hbm>>
      %dma_start3A_1036 = arith.constant 0 : i32
      %dma_start3A_1037 = tpu.memref_slice %dma_start3A_1035[%sub3A_980, %dma_start3A_1036] : memref<32x1024xf32, #tpu.memory_space<hbm>> -> memref<1x1024xf32, #tpu.memory_space<hbm>>
      %dma_start3A_1038 = tpu.memref_squeeze %dma_start3A_1037 : memref<1x1024xf32, #tpu.memory_space<hbm>> -> memref<1024xf32, #tpu.memory_space<hbm>>
      %dma_start3A_1039 = arith.constant 0 : i32
      %dma_start3A_1040 = arith.constant 0 : i32
      %dma_start3A_1041 = arith.constant 0 : i32
      %dma_start3A_1042 = tpu.memref_slice %arg4[%select_n3A_977, %dma_start3A_1039, %dma_start3A_1040, %dma_start3A_1041] : memref<200x8x32x1024xf32, #tpu.memory_space<hbm>> -> memref<1x8x32x1024xf32, #tpu.memory_space<hbm>>
      %dma_start3A_1043 = tpu.memref_squeeze %dma_start3A_1042 : memref<1x8x32x1024xf32, #tpu.memory_space<hbm>> -> memref<8x32x1024xf32, #tpu.memory_space<hbm>>
      %dma_start3A_1044 = arith.constant 0 : i32
      %dma_start3A_1045 = arith.constant 0 : i32
      %dma_start3A_1046 = tpu.memref_slice %dma_start3A_1043[%dma_start3A_1021, %dma_start3A_1044, %dma_start3A_1045] : memref<8x32x1024xf32, #tpu.memory_space<hbm>> -> memref<1x32x1024xf32, #tpu.memory_space<hbm>>
      %dma_start3A_1047 = tpu.memref_squeeze %dma_start3A_1046 : memref<1x32x1024xf32, #tpu.memory_space<hbm>> -> memref<32x1024xf32, #tpu.memory_space<hbm>>
      %dma_start3A_1048 = arith.constant 0 : i32
      %dma_start3A_1049 = tpu.memref_slice %dma_start3A_1047[%sub3A_980, %dma_start3A_1048] : memref<32x1024xf32, #tpu.memory_space<hbm>> -> memref<1x1024xf32, #tpu.memory_space<hbm>>
      %dma_start3A_1050 = tpu.memref_squeeze %dma_start3A_1049 : memref<1x1024xf32, #tpu.memory_space<hbm>> -> memref<1024xf32, #tpu.memory_space<hbm>>
      %dma_start3A_1051 = arith.constant 0 : i32
      %dma_start3A_1052 = tpu.memref_slice %arg7[%dma_start3A_1020, %dma_start3A_1051] : memref<2x8192xf32, #tpu.memory_space<vmem>> -> memref<1x8192xf32, #tpu.memory_space<vmem>>
      %dma_start3A_1053 = tpu.memref_squeeze %dma_start3A_1052 : memref<1x8192xf32, #tpu.memory_space<vmem>> -> memref<8192xf32, #tpu.memory_space<vmem>>
      %dma_start3A_1054 = arith.constant 1024 : i32
      %dma_start3A_1055 = tpu.memref_slice %dma_start3A_1053[%dma_start3A_1054] : memref<8192xf32, #tpu.memory_space<vmem>> -> memref<1024xf32, #tpu.memory_space<vmem>>
      tpu.enqueue_dma source(%dma_start3A_1055 : memref<1024xf32, #tpu.memory_space<vmem>>) target(%dma_start3A_1050 : memref<1024xf32, #tpu.memory_space<hbm>>) target_semaphore(%arg9 : memref<!tpu.dma_semaphore, #tpu.memory_space<semaphore_mem>>)
      %dma_start3A_1056 = arith.constant 1 : i32
      %dma_start3A_1057 = arith.constant 2 : i32
      %dma_start3A_1058 = arith.constant 0 : i32
      %dma_start3A_1059 = tpu.memref_slice %arg7[%dma_start3A_1056, %dma_start3A_1058] : memref<2x8192xf32, #tpu.memory_space<vmem>> -> memref<1x8192xf32, #tpu.memory_space<vmem>>
      %dma_start3A_1060 = tpu.memref_squeeze %dma_start3A_1059 : memref<1x8192xf32, #tpu.memory_space<vmem>> -> memref<8192xf32, #tpu.memory_space<vmem>>
      %dma_start3A_1061 = arith.constant 2048 : i32
      %dma_start3A_1062 = tpu.memref_slice %dma_start3A_1060[%dma_start3A_1061] : memref<8192xf32, #tpu.memory_space<vmem>> -> memref<1024xf32, #tpu.memory_space<vmem>>
      %dma_start3A_1063 = arith.constant 0 : i32
      %dma_start3A_1064 = arith.constant 0 : i32
      %dma_start3A_1065 = arith.constant 0 : i32
      %dma_start3A_1066 = tpu.memref_slice %arg4[%select_n3A_977, %dma_start3A_1063, %dma_start3A_1064, %dma_start3A_1065] : memref<200x8x32x1024xf32, #tpu.memory_space<hbm>> -> memref<1x8x32x1024xf32, #tpu.memory_space<hbm>>
      %dma_start3A_1067 = tpu.memref_squeeze %dma_start3A_1066 : memref<1x8x32x1024xf32, #tpu.memory_space<hbm>> -> memref<8x32x1024xf32, #tpu.memory_space<hbm>>
      %dma_start3A_1068 = arith.constant 0 : i32
      %dma_start3A_1069 = arith.constant 0 : i32
      %dma_start3A_1070 = tpu.memref_slice %dma_start3A_1067[%dma_start3A_1057, %dma_start3A_1068, %dma_start3A_1069] : memref<8x32x1024xf32, #tpu.memory_space<hbm>> -> memref<1x32x1024xf32, #tpu.memory_space<hbm>>
      %dma_start3A_1071 = tpu.memref_squeeze %dma_start3A_1070 : memref<1x32x1024xf32, #tpu.memory_space<hbm>> -> memref<32x1024xf32, #tpu.memory_space<hbm>>
      %dma_start3A_1072 = arith.constant 0 : i32
      %dma_start3A_1073 = tpu.memref_slice %dma_start3A_1071[%sub3A_980, %dma_start3A_1072] : memref<32x1024xf32, #tpu.memory_space<hbm>> -> memref<1x1024xf32, #tpu.memory_space<hbm>>
      %dma_start3A_1074 = tpu.memref_squeeze %dma_start3A_1073 : memref<1x1024xf32, #tpu.memory_space<hbm>> -> memref<1024xf32, #tpu.memory_space<hbm>>
      %dma_start3A_1075 = arith.constant 0 : i32
      %dma_start3A_1076 = arith.constant 0 : i32
      %dma_start3A_1077 = arith.constant 0 : i32
      %dma_start3A_1078 = tpu.memref_slice %arg4[%select_n3A_977, %dma_start3A_1075, %dma_start3A_1076, %dma_start3A_1077] : memref<200x8x32x1024xf32, #tpu.memory_space<hbm>> -> memref<1x8x32x1024xf32, #tpu.memory_space<hbm>>
      %dma_start3A_1079 = tpu.memref_squeeze %dma_start3A_1078 : memref<1x8x32x1024xf32, #tpu.memory_space<hbm>> -> memref<8x32x1024xf32, #tpu.memory_space<hbm>>
      %dma_start3A_1080 = arith.constant 0 : i32
      %dma_start3A_1081 = arith.constant 0 : i32
      %dma_start3A_1082 = tpu.memref_slice %dma_start3A_1079[%dma_start3A_1057, %dma_start3A_1080, %dma_start3A_1081] : memref<8x32x1024xf32, #tpu.memory_space<hbm>> -> memref<1x32x1024xf32, #tpu.memory_space<hbm>>
      %dma_start3A_1083 = tpu.memref_squeeze %dma_start3A_1082 : memref<1x32x1024xf32, #tpu.memory_space<hbm>> -> memref<32x1024xf32, #tpu.memory_space<hbm>>
      %dma_start3A_1084 = arith.constant 0 : i32
      %dma_start3A_1085 = tpu.memref_slice %dma_start3A_1083[%sub3A_980, %dma_start3A_1084] : memref<32x1024xf32, #tpu.memory_space<hbm>> -> memref<1x1024xf32, #tpu.memory_space<hbm>>
      %dma_start3A_1086 = tpu.memref_squeeze %dma_start3A_1085 : memref<1x1024xf32, #tpu.memory_space<hbm>> -> memref<1024xf32, #tpu.memory_space<hbm>>
      %dma_start3A_1087 = arith.constant 0 : i32
      %dma_start3A_1088 = tpu.memref_slice %arg7[%dma_start3A_1056, %dma_start3A_1087] : memref<2x8192xf32, #tpu.memory_space<vmem>> -> memref<1x8192xf32, #tpu.memory_space<vmem>>
      %dma_start3A_1089 = tpu.memref_squeeze %dma_start3A_1088 : memref<1x8192xf32, #tpu.memory_space<vmem>> -> memref<8192xf32, #tpu.memory_space<vmem>>
      %dma_start3A_1090 = arith.constant 2048 : i32
      %dma_start3A_1091 = tpu.memref_slice %dma_start3A_1089[%dma_start3A_1090] : memref<8192xf32, #tpu.memory_space<vmem>> -> memref<1024xf32, #tpu.memory_space<vmem>>
      tpu.enqueue_dma source(%dma_start3A_1091 : memref<1024xf32, #tpu.memory_space<vmem>>) target(%dma_start3A_1086 : memref<1024xf32, #tpu.memory_space<hbm>>) target_semaphore(%arg9 : memref<!tpu.dma_semaphore, #tpu.memory_space<semaphore_mem>>)
      %dma_start3A_1092 = arith.constant 1 : i32
      %dma_start3A_1093 = arith.constant 3 : i32
      %dma_start3A_1094 = arith.constant 0 : i32
      %dma_start3A_1095 = tpu.memref_slice %arg7[%dma_start3A_1092, %dma_start3A_1094] : memref<2x8192xf32, #tpu.memory_space<vmem>> -> memref<1x8192xf32, #tpu.memory_space<vmem>>
      %dma_start3A_1096 = tpu.memref_squeeze %dma_start3A_1095 : memref<1x8192xf32, #tpu.memory_space<vmem>> -> memref<8192xf32, #tpu.memory_space<vmem>>
      %dma_start3A_1097 = arith.constant 3072 : i32
      %dma_start3A_1098 = tpu.memref_slice %dma_start3A_1096[%dma_start3A_1097] : memref<8192xf32, #tpu.memory_space<vmem>> -> memref<1024xf32, #tpu.memory_space<vmem>>
      %dma_start3A_1099 = arith.constant 0 : i32
      %dma_start3A_1100 = arith.constant 0 : i32
      %dma_start3A_1101 = arith.constant 0 : i32
      %dma_start3A_1102 = tpu.memref_slice %arg4[%select_n3A_977, %dma_start3A_1099, %dma_start3A_1100, %dma_start3A_1101] : memref<200x8x32x1024xf32, #tpu.memory_space<hbm>> -> memref<1x8x32x1024xf32, #tpu.memory_space<hbm>>
      %dma_start3A_1103 = tpu.memref_squeeze %dma_start3A_1102 : memref<1x8x32x1024xf32, #tpu.memory_space<hbm>> -> memref<8x32x1024xf32, #tpu.memory_space<hbm>>
      %dma_start3A_1104 = arith.constant 0 : i32
      %dma_start3A_1105 = arith.constant 0 : i32
      %dma_start3A_1106 = tpu.memref_slice %dma_start3A_1103[%dma_start3A_1093, %dma_start3A_1104, %dma_start3A_1105] : memref<8x32x1024xf32, #tpu.memory_space<hbm>> -> memref<1x32x1024xf32, #tpu.memory_space<hbm>>
      %dma_start3A_1107 = tpu.memref_squeeze %dma_start3A_1106 : memref<1x32x1024xf32, #tpu.memory_space<hbm>> -> memref<32x1024xf32, #tpu.memory_space<hbm>>
      %dma_start3A_1108 = arith.constant 0 : i32
      %dma_start3A_1109 = tpu.memref_slice %dma_start3A_1107[%sub3A_980, %dma_start3A_1108] : memref<32x1024xf32, #tpu.memory_space<hbm>> -> memref<1x1024xf32, #tpu.memory_space<hbm>>
      %dma_start3A_1110 = tpu.memref_squeeze %dma_start3A_1109 : memref<1x1024xf32, #tpu.memory_space<hbm>> -> memref<1024xf32, #tpu.memory_space<hbm>>
      %dma_start3A_1111 = arith.constant 0 : i32
      %dma_start3A_1112 = arith.constant 0 : i32
      %dma_start3A_1113 = arith.constant 0 : i32
      %dma_start3A_1114 = tpu.memref_slice %arg4[%select_n3A_977, %dma_start3A_1111, %dma_start3A_1112, %dma_start3A_1113] : memref<200x8x32x1024xf32, #tpu.memory_space<hbm>> -> memref<1x8x32x1024xf32, #tpu.memory_space<hbm>>
      %dma_start3A_1115 = tpu.memref_squeeze %dma_start3A_1114 : memref<1x8x32x1024xf32, #tpu.memory_space<hbm>> -> memref<8x32x1024xf32, #tpu.memory_space<hbm>>
      %dma_start3A_1116 = arith.constant 0 : i32
      %dma_start3A_1117 = arith.constant 0 : i32
      %dma_start3A_1118 = tpu.memref_slice %dma_start3A_1115[%dma_start3A_1093, %dma_start3A_1116, %dma_start3A_1117] : memref<8x32x1024xf32, #tpu.memory_space<hbm>> -> memref<1x32x1024xf32, #tpu.memory_space<hbm>>
      %dma_start3A_1119 = tpu.memref_squeeze %dma_start3A_1118 : memref<1x32x1024xf32, #tpu.memory_space<hbm>> -> memref<32x1024xf32, #tpu.memory_space<hbm>>
      %dma_start3A_1120 = arith.constant 0 : i32
      %dma_start3A_1121 = tpu.memref_slice %dma_start3A_1119[%sub3A_980, %dma_start3A_1120] : memref<32x1024xf32, #tpu.memory_space<hbm>> -> memref<1x1024xf32, #tpu.memory_space<hbm>>
      %dma_start3A_1122 = tpu.memref_squeeze %dma_start3A_1121 : memref<1x1024xf32, #tpu.memory_space<hbm>> -> memref<1024xf32, #tpu.memory_space<hbm>>
      %dma_start3A_1123 = arith.constant 0 : i32
      %dma_start3A_1124 = tpu.memref_slice %arg7[%dma_start3A_1092, %dma_start3A_1123] : memref<2x8192xf32, #tpu.memory_space<vmem>> -> memref<1x8192xf32, #tpu.memory_space<vmem>>
      %dma_start3A_1125 = tpu.memref_squeeze %dma_start3A_1124 : memref<1x8192xf32, #tpu.memory_space<vmem>> -> memref<8192xf32, #tpu.memory_space<vmem>>
      %dma_start3A_1126 = arith.constant 3072 : i32
      %dma_start3A_1127 = tpu.memref_slice %dma_start3A_1125[%dma_start3A_1126] : memref<8192xf32, #tpu.memory_space<vmem>> -> memref<1024xf32, #tpu.memory_space<vmem>>
      tpu.enqueue_dma source(%dma_start3A_1127 : memref<1024xf32, #tpu.memory_space<vmem>>) target(%dma_start3A_1122 : memref<1024xf32, #tpu.memory_space<hbm>>) target_semaphore(%arg9 : memref<!tpu.dma_semaphore, #tpu.memory_space<semaphore_mem>>)
      %dma_start3A_1128 = arith.constant 1 : i32
      %dma_start3A_1129 = arith.constant 4 : i32
      %dma_start3A_1130 = arith.constant 0 : i32
      %dma_start3A_1131 = tpu.memref_slice %arg7[%dma_start3A_1128, %dma_start3A_1130] : memref<2x8192xf32, #tpu.memory_space<vmem>> -> memref<1x8192xf32, #tpu.memory_space<vmem>>
      %dma_start3A_1132 = tpu.memref_squeeze %dma_start3A_1131 : memref<1x8192xf32, #tpu.memory_space<vmem>> -> memref<8192xf32, #tpu.memory_space<vmem>>
      %dma_start3A_1133 = arith.constant 4096 : i32
      %dma_start3A_1134 = tpu.memref_slice %dma_start3A_1132[%dma_start3A_1133] : memref<8192xf32, #tpu.memory_space<vmem>> -> memref<1024xf32, #tpu.memory_space<vmem>>
      %dma_start3A_1135 = arith.constant 0 : i32
      %dma_start3A_1136 = arith.constant 0 : i32
      %dma_start3A_1137 = arith.constant 0 : i32
      %dma_start3A_1138 = tpu.memref_slice %arg4[%select_n3A_977, %dma_start3A_1135, %dma_start3A_1136, %dma_start3A_1137] : memref<200x8x32x1024xf32, #tpu.memory_space<hbm>> -> memref<1x8x32x1024xf32, #tpu.memory_space<hbm>>
      %dma_start3A_1139 = tpu.memref_squeeze %dma_start3A_1138 : memref<1x8x32x1024xf32, #tpu.memory_space<hbm>> -> memref<8x32x1024xf32, #tpu.memory_space<hbm>>
      %dma_start3A_1140 = arith.constant 0 : i32
      %dma_start3A_1141 = arith.constant 0 : i32
      %dma_start3A_1142 = tpu.memref_slice %dma_start3A_1139[%dma_start3A_1129, %dma_start3A_1140, %dma_start3A_1141] : memref<8x32x1024xf32, #tpu.memory_space<hbm>> -> memref<1x32x1024xf32, #tpu.memory_space<hbm>>
      %dma_start3A_1143 = tpu.memref_squeeze %dma_start3A_1142 : memref<1x32x1024xf32, #tpu.memory_space<hbm>> -> memref<32x1024xf32, #tpu.memory_space<hbm>>
      %dma_start3A_1144 = arith.constant 0 : i32
      %dma_start3A_1145 = tpu.memref_slice %dma_start3A_1143[%sub3A_980, %dma_start3A_1144] : memref<32x1024xf32, #tpu.memory_space<hbm>> -> memref<1x1024xf32, #tpu.memory_space<hbm>>
      %dma_start3A_1146 = tpu.memref_squeeze %dma_start3A_1145 : memref<1x1024xf32, #tpu.memory_space<hbm>> -> memref<1024xf32, #tpu.memory_space<hbm>>
      %dma_start3A_1147 = arith.constant 0 : i32
      %dma_start3A_1148 = arith.constant 0 : i32
      %dma_start3A_1149 = arith.constant 0 : i32
      %dma_start3A_1150 = tpu.memref_slice %arg4[%select_n3A_977, %dma_start3A_1147, %dma_start3A_1148, %dma_start3A_1149] : memref<200x8x32x1024xf32, #tpu.memory_space<hbm>> -> memref<1x8x32x1024xf32, #tpu.memory_space<hbm>>
      %dma_start3A_1151 = tpu.memref_squeeze %dma_start3A_1150 : memref<1x8x32x1024xf32, #tpu.memory_space<hbm>> -> memref<8x32x1024xf32, #tpu.memory_space<hbm>>
      %dma_start3A_1152 = arith.constant 0 : i32
      %dma_start3A_1153 = arith.constant 0 : i32
      %dma_start3A_1154 = tpu.memref_slice %dma_start3A_1151[%dma_start3A_1129, %dma_start3A_1152, %dma_start3A_1153] : memref<8x32x1024xf32, #tpu.memory_space<hbm>> -> memref<1x32x1024xf32, #tpu.memory_space<hbm>>
      %dma_start3A_1155 = tpu.memref_squeeze %dma_start3A_1154 : memref<1x32x1024xf32, #tpu.memory_space<hbm>> -> memref<32x1024xf32, #tpu.memory_space<hbm>>
      %dma_start3A_1156 = arith.constant 0 : i32
      %dma_start3A_1157 = tpu.memref_slice %dma_start3A_1155[%sub3A_980, %dma_start3A_1156] : memref<32x1024xf32, #tpu.memory_space<hbm>> -> memref<1x1024xf32, #tpu.memory_space<hbm>>
      %dma_start3A_1158 = tpu.memref_squeeze %dma_start3A_1157 : memref<1x1024xf32, #tpu.memory_space<hbm>> -> memref<1024xf32, #tpu.memory_space<hbm>>
      %dma_start3A_1159 = arith.constant 0 : i32
      %dma_start3A_1160 = tpu.memref_slice %arg7[%dma_start3A_1128, %dma_start3A_1159] : memref<2x8192xf32, #tpu.memory_space<vmem>> -> memref<1x8192xf32, #tpu.memory_space<vmem>>
      %dma_start3A_1161 = tpu.memref_squeeze %dma_start3A_1160 : memref<1x8192xf32, #tpu.memory_space<vmem>> -> memref<8192xf32, #tpu.memory_space<vmem>>
      %dma_start3A_1162 = arith.constant 4096 : i32
      %dma_start3A_1163 = tpu.memref_slice %dma_start3A_1161[%dma_start3A_1162] : memref<8192xf32, #tpu.memory_space<vmem>> -> memref<1024xf32, #tpu.memory_space<vmem>>
      tpu.enqueue_dma source(%dma_start3A_1163 : memref<1024xf32, #tpu.memory_space<vmem>>) target(%dma_start3A_1158 : memref<1024xf32, #tpu.memory_space<hbm>>) target_semaphore(%arg9 : memref<!tpu.dma_semaphore, #tpu.memory_space<semaphore_mem>>)
      %dma_start3A_1164 = arith.constant 1 : i32
      %dma_start3A_1165 = arith.constant 5 : i32
      %dma_start3A_1166 = arith.constant 0 : i32
      %dma_start3A_1167 = tpu.memref_slice %arg7[%dma_start3A_1164, %dma_start3A_1166] : memref<2x8192xf32, #tpu.memory_space<vmem>> -> memref<1x8192xf32, #tpu.memory_space<vmem>>
      %dma_start3A_1168 = tpu.memref_squeeze %dma_start3A_1167 : memref<1x8192xf32, #tpu.memory_space<vmem>> -> memref<8192xf32, #tpu.memory_space<vmem>>
      %dma_start3A_1169 = arith.constant 5120 : i32
      %dma_start3A_1170 = tpu.memref_slice %dma_start3A_1168[%dma_start3A_1169] : memref<8192xf32, #tpu.memory_space<vmem>> -> memref<1024xf32, #tpu.memory_space<vmem>>
      %dma_start3A_1171 = arith.constant 0 : i32
      %dma_start3A_1172 = arith.constant 0 : i32
      %dma_start3A_1173 = arith.constant 0 : i32
      %dma_start3A_1174 = tpu.memref_slice %arg4[%select_n3A_977, %dma_start3A_1171, %dma_start3A_1172, %dma_start3A_1173] : memref<200x8x32x1024xf32, #tpu.memory_space<hbm>> -> memref<1x8x32x1024xf32, #tpu.memory_space<hbm>>
      %dma_start3A_1175 = tpu.memref_squeeze %dma_start3A_1174 : memref<1x8x32x1024xf32, #tpu.memory_space<hbm>> -> memref<8x32x1024xf32, #tpu.memory_space<hbm>>
      %dma_start3A_1176 = arith.constant 0 : i32
      %dma_start3A_1177 = arith.constant 0 : i32
      %dma_start3A_1178 = tpu.memref_slice %dma_start3A_1175[%dma_start3A_1165, %dma_start3A_1176, %dma_start3A_1177] : memref<8x32x1024xf32, #tpu.memory_space<hbm>> -> memref<1x32x1024xf32, #tpu.memory_space<hbm>>
      %dma_start3A_1179 = tpu.memref_squeeze %dma_start3A_1178 : memref<1x32x1024xf32, #tpu.memory_space<hbm>> -> memref<32x1024xf32, #tpu.memory_space<hbm>>
      %dma_start3A_1180 = arith.constant 0 : i32
      %dma_start3A_1181 = tpu.memref_slice %dma_start3A_1179[%sub3A_980, %dma_start3A_1180] : memref<32x1024xf32, #tpu.memory_space<hbm>> -> memref<1x1024xf32, #tpu.memory_space<hbm>>
      %dma_start3A_1182 = tpu.memref_squeeze %dma_start3A_1181 : memref<1x1024xf32, #tpu.memory_space<hbm>> -> memref<1024xf32, #tpu.memory_space<hbm>>
      %dma_start3A_1183 = arith.constant 0 : i32
      %dma_start3A_1184 = arith.constant 0 : i32
      %dma_start3A_1185 = arith.constant 0 : i32
      %dma_start3A_1186 = tpu.memref_slice %arg4[%select_n3A_977, %dma_start3A_1183, %dma_start3A_1184, %dma_start3A_1185] : memref<200x8x32x1024xf32, #tpu.memory_space<hbm>> -> memref<1x8x32x1024xf32, #tpu.memory_space<hbm>>
      %dma_start3A_1187 = tpu.memref_squeeze %dma_start3A_1186 : memref<1x8x32x1024xf32, #tpu.memory_space<hbm>> -> memref<8x32x1024xf32, #tpu.memory_space<hbm>>
      %dma_start3A_1188 = arith.constant 0 : i32
      %dma_start3A_1189 = arith.constant 0 : i32
      %dma_start3A_1190 = tpu.memref_slice %dma_start3A_1187[%dma_start3A_1165, %dma_start3A_1188, %dma_start3A_1189] : memref<8x32x1024xf32, #tpu.memory_space<hbm>> -> memref<1x32x1024xf32, #tpu.memory_space<hbm>>
      %dma_start3A_1191 = tpu.memref_squeeze %dma_start3A_1190 : memref<1x32x1024xf32, #tpu.memory_space<hbm>> -> memref<32x1024xf32, #tpu.memory_space<hbm>>
      %dma_start3A_1192 = arith.constant 0 : i32
      %dma_start3A_1193 = tpu.memref_slice %dma_start3A_1191[%sub3A_980, %dma_start3A_1192] : memref<32x1024xf32, #tpu.memory_space<hbm>> -> memref<1x1024xf32, #tpu.memory_space<hbm>>
      %dma_start3A_1194 = tpu.memref_squeeze %dma_start3A_1193 : memref<1x1024xf32, #tpu.memory_space<hbm>> -> memref<1024xf32, #tpu.memory_space<hbm>>
      %dma_start3A_1195 = arith.constant 0 : i32
      %dma_start3A_1196 = tpu.memref_slice %arg7[%dma_start3A_1164, %dma_start3A_1195] : memref<2x8192xf32, #tpu.memory_space<vmem>> -> memref<1x8192xf32, #tpu.memory_space<vmem>>
      %dma_start3A_1197 = tpu.memref_squeeze %dma_start3A_1196 : memref<1x8192xf32, #tpu.memory_space<vmem>> -> memref<8192xf32, #tpu.memory_space<vmem>>
      %dma_start3A_1198 = arith.constant 5120 : i32
      %dma_start3A_1199 = tpu.memref_slice %dma_start3A_1197[%dma_start3A_1198] : memref<8192xf32, #tpu.memory_space<vmem>> -> memref<1024xf32, #tpu.memory_space<vmem>>
      tpu.enqueue_dma source(%dma_start3A_1199 : memref<1024xf32, #tpu.memory_space<vmem>>) target(%dma_start3A_1194 : memref<1024xf32, #tpu.memory_space<hbm>>) target_semaphore(%arg9 : memref<!tpu.dma_semaphore, #tpu.memory_space<semaphore_mem>>)
      %dma_start3A_1200 = arith.constant 1 : i32
      %dma_start3A_1201 = arith.constant 6 : i32
      %dma_start3A_1202 = arith.constant 0 : i32
      %dma_start3A_1203 = tpu.memref_slice %arg7[%dma_start3A_1200, %dma_start3A_1202] : memref<2x8192xf32, #tpu.memory_space<vmem>> -> memref<1x8192xf32, #tpu.memory_space<vmem>>
      %dma_start3A_1204 = tpu.memref_squeeze %dma_start3A_1203 : memref<1x8192xf32, #tpu.memory_space<vmem>> -> memref<8192xf32, #tpu.memory_space<vmem>>
      %dma_start3A_1205 = arith.constant 6144 : i32
      %dma_start3A_1206 = tpu.memref_slice %dma_start3A_1204[%dma_start3A_1205] : memref<8192xf32, #tpu.memory_space<vmem>> -> memref<1024xf32, #tpu.memory_space<vmem>>
      %dma_start3A_1207 = arith.constant 0 : i32
      %dma_start3A_1208 = arith.constant 0 : i32
      %dma_start3A_1209 = arith.constant 0 : i32
      %dma_start3A_1210 = tpu.memref_slice %arg4[%select_n3A_977, %dma_start3A_1207, %dma_start3A_1208, %dma_start3A_1209] : memref<200x8x32x1024xf32, #tpu.memory_space<hbm>> -> memref<1x8x32x1024xf32, #tpu.memory_space<hbm>>
      %dma_start3A_1211 = tpu.memref_squeeze %dma_start3A_1210 : memref<1x8x32x1024xf32, #tpu.memory_space<hbm>> -> memref<8x32x1024xf32, #tpu.memory_space<hbm>>
      %dma_start3A_1212 = arith.constant 0 : i32
      %dma_start3A_1213 = arith.constant 0 : i32
      %dma_start3A_1214 = tpu.memref_slice %dma_start3A_1211[%dma_start3A_1201, %dma_start3A_1212, %dma_start3A_1213] : memref<8x32x1024xf32, #tpu.memory_space<hbm>> -> memref<1x32x1024xf32, #tpu.memory_space<hbm>>
      %dma_start3A_1215 = tpu.memref_squeeze %dma_start3A_1214 : memref<1x32x1024xf32, #tpu.memory_space<hbm>> -> memref<32x1024xf32, #tpu.memory_space<hbm>>
      %dma_start3A_1216 = arith.constant 0 : i32
      %dma_start3A_1217 = tpu.memref_slice %dma_start3A_1215[%sub3A_980, %dma_start3A_1216] : memref<32x1024xf32, #tpu.memory_space<hbm>> -> memref<1x1024xf32, #tpu.memory_space<hbm>>
      %dma_start3A_1218 = tpu.memref_squeeze %dma_start3A_1217 : memref<1x1024xf32, #tpu.memory_space<hbm>> -> memref<1024xf32, #tpu.memory_space<hbm>>
      %dma_start3A_1219 = arith.constant 0 : i32
      %dma_start3A_1220 = arith.constant 0 : i32
      %dma_start3A_1221 = arith.constant 0 : i32
      %dma_start3A_1222 = tpu.memref_slice %arg4[%select_n3A_977, %dma_start3A_1219, %dma_start3A_1220, %dma_start3A_1221] : memref<200x8x32x1024xf32, #tpu.memory_space<hbm>> -> memref<1x8x32x1024xf32, #tpu.memory_space<hbm>>
      %dma_start3A_1223 = tpu.memref_squeeze %dma_start3A_1222 : memref<1x8x32x1024xf32, #tpu.memory_space<hbm>> -> memref<8x32x1024xf32, #tpu.memory_space<hbm>>
      %dma_start3A_1224 = arith.constant 0 : i32
      %dma_start3A_1225 = arith.constant 0 : i32
      %dma_start3A_1226 = tpu.memref_slice %dma_start3A_1223[%dma_start3A_1201, %dma_start3A_1224, %dma_start3A_1225] : memref<8x32x1024xf32, #tpu.memory_space<hbm>> -> memref<1x32x1024xf32, #tpu.memory_space<hbm>>
      %dma_start3A_1227 = tpu.memref_squeeze %dma_start3A_1226 : memref<1x32x1024xf32, #tpu.memory_space<hbm>> -> memref<32x1024xf32, #tpu.memory_space<hbm>>
      %dma_start3A_1228 = arith.constant 0 : i32
      %dma_start3A_1229 = tpu.memref_slice %dma_start3A_1227[%sub3A_980, %dma_start3A_1228] : memref<32x1024xf32, #tpu.memory_space<hbm>> -> memref<1x1024xf32, #tpu.memory_space<hbm>>
      %dma_start3A_1230 = tpu.memref_squeeze %dma_start3A_1229 : memref<1x1024xf32, #tpu.memory_space<hbm>> -> memref<1024xf32, #tpu.memory_space<hbm>>
      %dma_start3A_1231 = arith.constant 0 : i32
      %dma_start3A_1232 = tpu.memref_slice %arg7[%dma_start3A_1200, %dma_start3A_1231] : memref<2x8192xf32, #tpu.memory_space<vmem>> -> memref<1x8192xf32, #tpu.memory_space<vmem>>
      %dma_start3A_1233 = tpu.memref_squeeze %dma_start3A_1232 : memref<1x8192xf32, #tpu.memory_space<vmem>> -> memref<8192xf32, #tpu.memory_space<vmem>>
      %dma_start3A_1234 = arith.constant 6144 : i32
      %dma_start3A_1235 = tpu.memref_slice %dma_start3A_1233[%dma_start3A_1234] : memref<8192xf32, #tpu.memory_space<vmem>> -> memref<1024xf32, #tpu.memory_space<vmem>>
      tpu.enqueue_dma source(%dma_start3A_1235 : memref<1024xf32, #tpu.memory_space<vmem>>) target(%dma_start3A_1230 : memref<1024xf32, #tpu.memory_space<hbm>>) target_semaphore(%arg9 : memref<!tpu.dma_semaphore, #tpu.memory_space<semaphore_mem>>)
      %dma_start3A_1236 = arith.constant 1 : i32
      %dma_start3A_1237 = arith.constant 7 : i32
      %dma_start3A_1238 = arith.constant 0 : i32
      %dma_start3A_1239 = tpu.memref_slice %arg7[%dma_start3A_1236, %dma_start3A_1238] : memref<2x8192xf32, #tpu.memory_space<vmem>> -> memref<1x8192xf32, #tpu.memory_space<vmem>>
      %dma_start3A_1240 = tpu.memref_squeeze %dma_start3A_1239 : memref<1x8192xf32, #tpu.memory_space<vmem>> -> memref<8192xf32, #tpu.memory_space<vmem>>
      %dma_start3A_1241 = arith.constant 7168 : i32
      %dma_start3A_1242 = tpu.memref_slice %dma_start3A_1240[%dma_start3A_1241] : memref<8192xf32, #tpu.memory_space<vmem>> -> memref<1024xf32, #tpu.memory_space<vmem>>
      %dma_start3A_1243 = arith.constant 0 : i32
      %dma_start3A_1244 = arith.constant 0 : i32
      %dma_start3A_1245 = arith.constant 0 : i32
      %dma_start3A_1246 = tpu.memref_slice %arg4[%select_n3A_977, %dma_start3A_1243, %dma_start3A_1244, %dma_start3A_1245] : memref<200x8x32x1024xf32, #tpu.memory_space<hbm>> -> memref<1x8x32x1024xf32, #tpu.memory_space<hbm>>
      %dma_start3A_1247 = tpu.memref_squeeze %dma_start3A_1246 : memref<1x8x32x1024xf32, #tpu.memory_space<hbm>> -> memref<8x32x1024xf32, #tpu.memory_space<hbm>>
      %dma_start3A_1248 = arith.constant 0 : i32
      %dma_start3A_1249 = arith.constant 0 : i32
      %dma_start3A_1250 = tpu.memref_slice %dma_start3A_1247[%dma_start3A_1237, %dma_start3A_1248, %dma_start3A_1249] : memref<8x32x1024xf32, #tpu.memory_space<hbm>> -> memref<1x32x1024xf32, #tpu.memory_space<hbm>>
      %dma_start3A_1251 = tpu.memref_squeeze %dma_start3A_1250 : memref<1x32x1024xf32, #tpu.memory_space<hbm>> -> memref<32x1024xf32, #tpu.memory_space<hbm>>
      %dma_start3A_1252 = arith.constant 0 : i32
      %dma_start3A_1253 = tpu.memref_slice %dma_start3A_1251[%sub3A_980, %dma_start3A_1252] : memref<32x1024xf32, #tpu.memory_space<hbm>> -> memref<1x1024xf32, #tpu.memory_space<hbm>>
      %dma_start3A_1254 = tpu.memref_squeeze %dma_start3A_1253 : memref<1x1024xf32, #tpu.memory_space<hbm>> -> memref<1024xf32, #tpu.memory_space<hbm>>
      %dma_start3A_1255 = arith.constant 0 : i32
      %dma_start3A_1256 = arith.constant 0 : i32
      %dma_start3A_1257 = arith.constant 0 : i32
      %dma_start3A_1258 = tpu.memref_slice %arg4[%select_n3A_977, %dma_start3A_1255, %dma_start3A_1256, %dma_start3A_1257] : memref<200x8x32x1024xf32, #tpu.memory_space<hbm>> -> memref<1x8x32x1024xf32, #tpu.memory_space<hbm>>
      %dma_start3A_1259 = tpu.memref_squeeze %dma_start3A_1258 : memref<1x8x32x1024xf32, #tpu.memory_space<hbm>> -> memref<8x32x1024xf32, #tpu.memory_space<hbm>>
      %dma_start3A_1260 = arith.constant 0 : i32
      %dma_start3A_1261 = arith.constant 0 : i32
      %dma_start3A_1262 = tpu.memref_slice %dma_start3A_1259[%dma_start3A_1237, %dma_start3A_1260, %dma_start3A_1261] : memref<8x32x1024xf32, #tpu.memory_space<hbm>> -> memref<1x32x1024xf32, #tpu.memory_space<hbm>>
      %dma_start3A_1263 = tpu.memref_squeeze %dma_start3A_1262 : memref<1x32x1024xf32, #tpu.memory_space<hbm>> -> memref<32x1024xf32, #tpu.memory_space<hbm>>
      %dma_start3A_1264 = arith.constant 0 : i32
      %dma_start3A_1265 = tpu.memref_slice %dma_start3A_1263[%sub3A_980, %dma_start3A_1264] : memref<32x1024xf32, #tpu.memory_space<hbm>> -> memref<1x1024xf32, #tpu.memory_space<hbm>>
      %dma_start3A_1266 = tpu.memref_squeeze %dma_start3A_1265 : memref<1x1024xf32, #tpu.memory_space<hbm>> -> memref<1024xf32, #tpu.memory_space<hbm>>
      %dma_start3A_1267 = arith.constant 0 : i32
      %dma_start3A_1268 = tpu.memref_slice %arg7[%dma_start3A_1236, %dma_start3A_1267] : memref<2x8192xf32, #tpu.memory_space<vmem>> -> memref<1x8192xf32, #tpu.memory_space<vmem>>
      %dma_start3A_1269 = tpu.memref_squeeze %dma_start3A_1268 : memref<1x8192xf32, #tpu.memory_space<vmem>> -> memref<8192xf32, #tpu.memory_space<vmem>>
      %dma_start3A_1270 = arith.constant 7168 : i32
      %dma_start3A_1271 = tpu.memref_slice %dma_start3A_1269[%dma_start3A_1270] : memref<8192xf32, #tpu.memory_space<vmem>> -> memref<1024xf32, #tpu.memory_space<vmem>>
      tpu.enqueue_dma source(%dma_start3A_1271 : memref<1024xf32, #tpu.memory_space<vmem>>) target(%dma_start3A_1266 : memref<1024xf32, #tpu.memory_space<hbm>>) target_semaphore(%arg9 : memref<!tpu.dma_semaphore, #tpu.memory_space<semaphore_mem>>)
    }
    %scan3A_14 = arith.constant 100 : i32
    %scan3A_15 = arith.constant 1 : i32
    %dma_wait3A = arith.constant 0 : i32
    %dma_wait3A_16 = arith.constant 0 : i32
    %dma_wait3A_17 = arith.constant 0 : i32
    %dma_wait3A_18 = arith.constant 0 : i32
    %dma_wait3A_19 = arith.constant 0 : i32
    %dma_wait3A_20 = tpu.memref_slice %arg7[%dma_wait3A_18, %dma_wait3A_19] : memref<2x8192xf32, #tpu.memory_space<vmem>> -> memref<1x8192xf32, #tpu.memory_space<vmem>>
    %dma_wait3A_21 = tpu.memref_squeeze %dma_wait3A_20 : memref<1x8192xf32, #tpu.memory_space<vmem>> -> memref<8192xf32, #tpu.memory_space<vmem>>
    %dma_wait3A_22 = arith.constant 0 : i32
    %dma_wait3A_23 = tpu.memref_slice %dma_wait3A_21[%dma_wait3A_22] : memref<8192xf32, #tpu.memory_space<vmem>> -> memref<1024xf32, #tpu.memory_space<vmem>>
    %dma_wait3A_24 = arith.constant 0 : i32
    %dma_wait3A_25 = arith.constant 0 : i32
    %dma_wait3A_26 = arith.constant 0 : i32
    %dma_wait3A_27 = tpu.memref_slice %arg4[%dma_wait3A, %dma_wait3A_24, %dma_wait3A_25, %dma_wait3A_26] : memref<200x8x32x1024xf32, #tpu.memory_space<hbm>> -> memref<1x8x32x1024xf32, #tpu.memory_space<hbm>>
    %dma_wait3A_28 = tpu.memref_squeeze %dma_wait3A_27 : memref<1x8x32x1024xf32, #tpu.memory_space<hbm>> -> memref<8x32x1024xf32, #tpu.memory_space<hbm>>
    %dma_wait3A_29 = arith.constant 0 : i32
    %dma_wait3A_30 = arith.constant 0 : i32
    %dma_wait3A_31 = tpu.memref_slice %dma_wait3A_28[%dma_wait3A_16, %dma_wait3A_29, %dma_wait3A_30] : memref<8x32x1024xf32, #tpu.memory_space<hbm>> -> memref<1x32x1024xf32, #tpu.memory_space<hbm>>
    %dma_wait3A_32 = tpu.memref_squeeze %dma_wait3A_31 : memref<1x32x1024xf32, #tpu.memory_space<hbm>> -> memref<32x1024xf32, #tpu.memory_space<hbm>>
    %dma_wait3A_33 = arith.constant 0 : i32
    %dma_wait3A_34 = tpu.memref_slice %dma_wait3A_32[%dma_wait3A_17, %dma_wait3A_33] : memref<32x1024xf32, #tpu.memory_space<hbm>> -> memref<1x1024xf32, #tpu.memory_space<hbm>>
    %dma_wait3A_35 = tpu.memref_squeeze %dma_wait3A_34 : memref<1x1024xf32, #tpu.memory_space<hbm>> -> memref<1024xf32, #tpu.memory_space<hbm>>
    %dma_wait3A_36 = arith.constant 0 : i32
    %dma_wait3A_37 = tpu.memref_slice %arg7[%dma_wait3A_18, %dma_wait3A_36] : memref<2x8192xf32, #tpu.memory_space<vmem>> -> memref<1x8192xf32, #tpu.memory_space<vmem>>
    %dma_wait3A_38 = tpu.memref_squeeze %dma_wait3A_37 : memref<1x8192xf32, #tpu.memory_space<vmem>> -> memref<8192xf32, #tpu.memory_space<vmem>>
    %dma_wait3A_39 = arith.constant 0 : i32
    %dma_wait3A_40 = tpu.memref_slice %dma_wait3A_38[%dma_wait3A_39] : memref<8192xf32, #tpu.memory_space<vmem>> -> memref<1024xf32, #tpu.memory_space<vmem>>
    %dma_wait3A_41 = arith.constant 0 : i32
    %dma_wait3A_42 = arith.constant 0 : i32
    %dma_wait3A_43 = arith.constant 0 : i32
    %dma_wait3A_44 = tpu.memref_slice %arg4[%dma_wait3A, %dma_wait3A_41, %dma_wait3A_42, %dma_wait3A_43] : memref<200x8x32x1024xf32, #tpu.memory_space<hbm>> -> memref<1x8x32x1024xf32, #tpu.memory_space<hbm>>
    %dma_wait3A_45 = tpu.memref_squeeze %dma_wait3A_44 : memref<1x8x32x1024xf32, #tpu.memory_space<hbm>> -> memref<8x32x1024xf32, #tpu.memory_space<hbm>>
    %dma_wait3A_46 = arith.constant 0 : i32
    %dma_wait3A_47 = arith.constant 0 : i32
    %dma_wait3A_48 = tpu.memref_slice %dma_wait3A_45[%dma_wait3A_16, %dma_wait3A_46, %dma_wait3A_47] : memref<8x32x1024xf32, #tpu.memory_space<hbm>> -> memref<1x32x1024xf32, #tpu.memory_space<hbm>>
    %dma_wait3A_49 = tpu.memref_squeeze %dma_wait3A_48 : memref<1x32x1024xf32, #tpu.memory_space<hbm>> -> memref<32x1024xf32, #tpu.memory_space<hbm>>
    %dma_wait3A_50 = arith.constant 0 : i32
    %dma_wait3A_51 = tpu.memref_slice %dma_wait3A_49[%dma_wait3A_17, %dma_wait3A_50] : memref<32x1024xf32, #tpu.memory_space<hbm>> -> memref<1x1024xf32, #tpu.memory_space<hbm>>
    %dma_wait3A_52 = tpu.memref_squeeze %dma_wait3A_51 : memref<1x1024xf32, #tpu.memory_space<hbm>> -> memref<1024xf32, #tpu.memory_space<hbm>>
    tpu.wait_dma2 semaphore(%arg8 : memref<!tpu.dma_semaphore, #tpu.memory_space<semaphore_mem>>) src(%dma_wait3A_52 : memref<1024xf32, #tpu.memory_space<hbm>>) dst(%dma_wait3A_40 : memref<1024xf32, #tpu.memory_space<vmem>>)
    %dma_wait3A_53 = arith.constant 0 : i32
    %dma_wait3A_54 = arith.constant 0 : i32
    %dma_wait3A_55 = arith.constant 0 : i32
    %dma_wait3A_56 = arith.constant 0 : i32
    %dma_wait3A_57 = arith.constant 0 : i32
    %dma_wait3A_58 = tpu.memref_slice %arg7[%dma_wait3A_56, %dma_wait3A_57] : memref<2x8192xf32, #tpu.memory_space<vmem>> -> memref<1x8192xf32, #tpu.memory_space<vmem>>
    %dma_wait3A_59 = tpu.memref_squeeze %dma_wait3A_58 : memref<1x8192xf32, #tpu.memory_space<vmem>> -> memref<8192xf32, #tpu.memory_space<vmem>>
    %dma_wait3A_60 = arith.constant 0 : i32
    %dma_wait3A_61 = tpu.memref_slice %dma_wait3A_59[%dma_wait3A_60] : memref<8192xf32, #tpu.memory_space<vmem>> -> memref<1024xf32, #tpu.memory_space<vmem>>
    %dma_wait3A_62 = arith.constant 0 : i32
    %dma_wait3A_63 = arith.constant 0 : i32
    %dma_wait3A_64 = arith.constant 0 : i32
    %dma_wait3A_65 = tpu.memref_slice %arg4[%dma_wait3A_53, %dma_wait3A_62, %dma_wait3A_63, %dma_wait3A_64] : memref<200x8x32x1024xf32, #tpu.memory_space<hbm>> -> memref<1x8x32x1024xf32, #tpu.memory_space<hbm>>
    %dma_wait3A_66 = tpu.memref_squeeze %dma_wait3A_65 : memref<1x8x32x1024xf32, #tpu.memory_space<hbm>> -> memref<8x32x1024xf32, #tpu.memory_space<hbm>>
    %dma_wait3A_67 = arith.constant 0 : i32
    %dma_wait3A_68 = arith.constant 0 : i32
    %dma_wait3A_69 = tpu.memref_slice %dma_wait3A_66[%dma_wait3A_54, %dma_wait3A_67, %dma_wait3A_68] : memref<8x32x1024xf32, #tpu.memory_space<hbm>> -> memref<1x32x1024xf32, #tpu.memory_space<hbm>>
    %dma_wait3A_70 = tpu.memref_squeeze %dma_wait3A_69 : memref<1x32x1024xf32, #tpu.memory_space<hbm>> -> memref<32x1024xf32, #tpu.memory_space<hbm>>
    %dma_wait3A_71 = arith.constant 0 : i32
    %dma_wait3A_72 = tpu.memref_slice %dma_wait3A_70[%dma_wait3A_55, %dma_wait3A_71] : memref<32x1024xf32, #tpu.memory_space<hbm>> -> memref<1x1024xf32, #tpu.memory_space<hbm>>
    %dma_wait3A_73 = tpu.memref_squeeze %dma_wait3A_72 : memref<1x1024xf32, #tpu.memory_space<hbm>> -> memref<1024xf32, #tpu.memory_space<hbm>>
    %dma_wait3A_74 = arith.constant 0 : i32
    %dma_wait3A_75 = tpu.memref_slice %arg7[%dma_wait3A_56, %dma_wait3A_74] : memref<2x8192xf32, #tpu.memory_space<vmem>> -> memref<1x8192xf32, #tpu.memory_space<vmem>>
    %dma_wait3A_76 = tpu.memref_squeeze %dma_wait3A_75 : memref<1x8192xf32, #tpu.memory_space<vmem>> -> memref<8192xf32, #tpu.memory_space<vmem>>
    %dma_wait3A_77 = arith.constant 0 : i32
    %dma_wait3A_78 = tpu.memref_slice %dma_wait3A_76[%dma_wait3A_77] : memref<8192xf32, #tpu.memory_space<vmem>> -> memref<1024xf32, #tpu.memory_space<vmem>>
    %dma_wait3A_79 = arith.constant 0 : i32
    %dma_wait3A_80 = arith.constant 0 : i32
    %dma_wait3A_81 = arith.constant 0 : i32
    %dma_wait3A_82 = tpu.memref_slice %arg4[%dma_wait3A_53, %dma_wait3A_79, %dma_wait3A_80, %dma_wait3A_81] : memref<200x8x32x1024xf32, #tpu.memory_space<hbm>> -> memref<1x8x32x1024xf32, #tpu.memory_space<hbm>>
    %dma_wait3A_83 = tpu.memref_squeeze %dma_wait3A_82 : memref<1x8x32x1024xf32, #tpu.memory_space<hbm>> -> memref<8x32x1024xf32, #tpu.memory_space<hbm>>
    %dma_wait3A_84 = arith.constant 0 : i32
    %dma_wait3A_85 = arith.constant 0 : i32
    %dma_wait3A_86 = tpu.memref_slice %dma_wait3A_83[%dma_wait3A_54, %dma_wait3A_84, %dma_wait3A_85] : memref<8x32x1024xf32, #tpu.memory_space<hbm>> -> memref<1x32x1024xf32, #tpu.memory_space<hbm>>
    %dma_wait3A_87 = tpu.memref_squeeze %dma_wait3A_86 : memref<1x32x1024xf32, #tpu.memory_space<hbm>> -> memref<32x1024xf32, #tpu.memory_space<hbm>>
    %dma_wait3A_88 = arith.constant 0 : i32
    %dma_wait3A_89 = tpu.memref_slice %dma_wait3A_87[%dma_wait3A_55, %dma_wait3A_88] : memref<32x1024xf32, #tpu.memory_space<hbm>> -> memref<1x1024xf32, #tpu.memory_space<hbm>>
    %dma_wait3A_90 = tpu.memref_squeeze %dma_wait3A_89 : memref<1x1024xf32, #tpu.memory_space<hbm>> -> memref<1024xf32, #tpu.memory_space<hbm>>
    tpu.wait_dma2 semaphore(%arg8 : memref<!tpu.dma_semaphore, #tpu.memory_space<semaphore_mem>>) src(%dma_wait3A_90 : memref<1024xf32, #tpu.memory_space<hbm>>) dst(%dma_wait3A_78 : memref<1024xf32, #tpu.memory_space<vmem>>)
    %dma_wait3A_91 = arith.constant 0 : i32
    %dma_wait3A_92 = arith.constant 0 : i32
    %dma_wait3A_93 = arith.constant 0 : i32
    %dma_wait3A_94 = arith.constant 0 : i32
    %dma_wait3A_95 = arith.constant 0 : i32
    %dma_wait3A_96 = tpu.memref_slice %arg7[%dma_wait3A_94, %dma_wait3A_95] : memref<2x8192xf32, #tpu.memory_space<vmem>> -> memref<1x8192xf32, #tpu.memory_space<vmem>>
    %dma_wait3A_97 = tpu.memref_squeeze %dma_wait3A_96 : memref<1x8192xf32, #tpu.memory_space<vmem>> -> memref<8192xf32, #tpu.memory_space<vmem>>
    %dma_wait3A_98 = arith.constant 0 : i32
    %dma_wait3A_99 = tpu.memref_slice %dma_wait3A_97[%dma_wait3A_98] : memref<8192xf32, #tpu.memory_space<vmem>> -> memref<1024xf32, #tpu.memory_space<vmem>>
    %dma_wait3A_100 = arith.constant 0 : i32
    %dma_wait3A_101 = arith.constant 0 : i32
    %dma_wait3A_102 = arith.constant 0 : i32
    %dma_wait3A_103 = tpu.memref_slice %arg4[%dma_wait3A_91, %dma_wait3A_100, %dma_wait3A_101, %dma_wait3A_102] : memref<200x8x32x1024xf32, #tpu.memory_space<hbm>> -> memref<1x8x32x1024xf32, #tpu.memory_space<hbm>>
    %dma_wait3A_104 = tpu.memref_squeeze %dma_wait3A_103 : memref<1x8x32x1024xf32, #tpu.memory_space<hbm>> -> memref<8x32x1024xf32, #tpu.memory_space<hbm>>
    %dma_wait3A_105 = arith.constant 0 : i32
    %dma_wait3A_106 = arith.constant 0 : i32
    %dma_wait3A_107 = tpu.memref_slice %dma_wait3A_104[%dma_wait3A_92, %dma_wait3A_105, %dma_wait3A_106] : memref<8x32x1024xf32, #tpu.memory_space<hbm>> -> memref<1x32x1024xf32, #tpu.memory_space<hbm>>
    %dma_wait3A_108 = tpu.memref_squeeze %dma_wait3A_107 : memref<1x32x1024xf32, #tpu.memory_space<hbm>> -> memref<32x1024xf32, #tpu.memory_space<hbm>>
    %dma_wait3A_109 = arith.constant 0 : i32
    %dma_wait3A_110 = tpu.memref_slice %dma_wait3A_108[%dma_wait3A_93, %dma_wait3A_109] : memref<32x1024xf32, #tpu.memory_space<hbm>> -> memref<1x1024xf32, #tpu.memory_space<hbm>>
    %dma_wait3A_111 = tpu.memref_squeeze %dma_wait3A_110 : memref<1x1024xf32, #tpu.memory_space<hbm>> -> memref<1024xf32, #tpu.memory_space<hbm>>
    %dma_wait3A_112 = arith.constant 0 : i32
    %dma_wait3A_113 = tpu.memref_slice %arg7[%dma_wait3A_94, %dma_wait3A_112] : memref<2x8192xf32, #tpu.memory_space<vmem>> -> memref<1x8192xf32, #tpu.memory_space<vmem>>
    %dma_wait3A_114 = tpu.memref_squeeze %dma_wait3A_113 : memref<1x8192xf32, #tpu.memory_space<vmem>> -> memref<8192xf32, #tpu.memory_space<vmem>>
    %dma_wait3A_115 = arith.constant 0 : i32
    %dma_wait3A_116 = tpu.memref_slice %dma_wait3A_114[%dma_wait3A_115] : memref<8192xf32, #tpu.memory_space<vmem>> -> memref<1024xf32, #tpu.memory_space<vmem>>
    %dma_wait3A_117 = arith.constant 0 : i32
    %dma_wait3A_118 = arith.constant 0 : i32
    %dma_wait3A_119 = arith.constant 0 : i32
    %dma_wait3A_120 = tpu.memref_slice %arg4[%dma_wait3A_91, %dma_wait3A_117, %dma_wait3A_118, %dma_wait3A_119] : memref<200x8x32x1024xf32, #tpu.memory_space<hbm>> -> memref<1x8x32x1024xf32, #tpu.memory_space<hbm>>
    %dma_wait3A_121 = tpu.memref_squeeze %dma_wait3A_120 : memref<1x8x32x1024xf32, #tpu.memory_space<hbm>> -> memref<8x32x1024xf32, #tpu.memory_space<hbm>>
    %dma_wait3A_122 = arith.constant 0 : i32
    %dma_wait3A_123 = arith.constant 0 : i32
    %dma_wait3A_124 = tpu.memref_slice %dma_wait3A_121[%dma_wait3A_92, %dma_wait3A_122, %dma_wait3A_123] : memref<8x32x1024xf32, #tpu.memory_space<hbm>> -> memref<1x32x1024xf32, #tpu.memory_space<hbm>>
    %dma_wait3A_125 = tpu.memref_squeeze %dma_wait3A_124 : memref<1x32x1024xf32, #tpu.memory_space<hbm>> -> memref<32x1024xf32, #tpu.memory_space<hbm>>
    %dma_wait3A_126 = arith.constant 0 : i32
    %dma_wait3A_127 = tpu.memref_slice %dma_wait3A_125[%dma_wait3A_93, %dma_wait3A_126] : memref<32x1024xf32, #tpu.memory_space<hbm>> -> memref<1x1024xf32, #tpu.memory_space<hbm>>
    %dma_wait3A_128 = tpu.memref_squeeze %dma_wait3A_127 : memref<1x1024xf32, #tpu.memory_space<hbm>> -> memref<1024xf32, #tpu.memory_space<hbm>>
    tpu.wait_dma2 semaphore(%arg8 : memref<!tpu.dma_semaphore, #tpu.memory_space<semaphore_mem>>) src(%dma_wait3A_128 : memref<1024xf32, #tpu.memory_space<hbm>>) dst(%dma_wait3A_116 : memref<1024xf32, #tpu.memory_space<vmem>>)
    %dma_wait3A_129 = arith.constant 0 : i32
    %dma_wait3A_130 = arith.constant 0 : i32
    %dma_wait3A_131 = arith.constant 0 : i32
    %dma_wait3A_132 = arith.constant 0 : i32
    %dma_wait3A_133 = arith.constant 0 : i32
    %dma_wait3A_134 = tpu.memref_slice %arg7[%dma_wait3A_132, %dma_wait3A_133] : memref<2x8192xf32, #tpu.memory_space<vmem>> -> memref<1x8192xf32, #tpu.memory_space<vmem>>
    %dma_wait3A_135 = tpu.memref_squeeze %dma_wait3A_134 : memref<1x8192xf32, #tpu.memory_space<vmem>> -> memref<8192xf32, #tpu.memory_space<vmem>>
    %dma_wait3A_136 = arith.constant 0 : i32
    %dma_wait3A_137 = tpu.memref_slice %dma_wait3A_135[%dma_wait3A_136] : memref<8192xf32, #tpu.memory_space<vmem>> -> memref<1024xf32, #tpu.memory_space<vmem>>
    %dma_wait3A_138 = arith.constant 0 : i32
    %dma_wait3A_139 = arith.constant 0 : i32
    %dma_wait3A_140 = arith.constant 0 : i32
    %dma_wait3A_141 = tpu.memref_slice %arg4[%dma_wait3A_129, %dma_wait3A_138, %dma_wait3A_139, %dma_wait3A_140] : memref<200x8x32x1024xf32, #tpu.memory_space<hbm>> -> memref<1x8x32x1024xf32, #tpu.memory_space<hbm>>
    %dma_wait3A_142 = tpu.memref_squeeze %dma_wait3A_141 : memref<1x8x32x1024xf32, #tpu.memory_space<hbm>> -> memref<8x32x1024xf32, #tpu.memory_space<hbm>>
    %dma_wait3A_143 = arith.constant 0 : i32
    %dma_wait3A_144 = arith.constant 0 : i32
    %dma_wait3A_145 = tpu.memref_slice %dma_wait3A_142[%dma_wait3A_130, %dma_wait3A_143, %dma_wait3A_144] : memref<8x32x1024xf32, #tpu.memory_space<hbm>> -> memref<1x32x1024xf32, #tpu.memory_space<hbm>>
    %dma_wait3A_146 = tpu.memref_squeeze %dma_wait3A_145 : memref<1x32x1024xf32, #tpu.memory_space<hbm>> -> memref<32x1024xf32, #tpu.memory_space<hbm>>
    %dma_wait3A_147 = arith.constant 0 : i32
    %dma_wait3A_148 = tpu.memref_slice %dma_wait3A_146[%dma_wait3A_131, %dma_wait3A_147] : memref<32x1024xf32, #tpu.memory_space<hbm>> -> memref<1x1024xf32, #tpu.memory_space<hbm>>
    %dma_wait3A_149 = tpu.memref_squeeze %dma_wait3A_148 : memref<1x1024xf32, #tpu.memory_space<hbm>> -> memref<1024xf32, #tpu.memory_space<hbm>>
    %dma_wait3A_150 = arith.constant 0 : i32
    %dma_wait3A_151 = tpu.memref_slice %arg7[%dma_wait3A_132, %dma_wait3A_150] : memref<2x8192xf32, #tpu.memory_space<vmem>> -> memref<1x8192xf32, #tpu.memory_space<vmem>>
    %dma_wait3A_152 = tpu.memref_squeeze %dma_wait3A_151 : memref<1x8192xf32, #tpu.memory_space<vmem>> -> memref<8192xf32, #tpu.memory_space<vmem>>
    %dma_wait3A_153 = arith.constant 0 : i32
    %dma_wait3A_154 = tpu.memref_slice %dma_wait3A_152[%dma_wait3A_153] : memref<8192xf32, #tpu.memory_space<vmem>> -> memref<1024xf32, #tpu.memory_space<vmem>>
    %dma_wait3A_155 = arith.constant 0 : i32
    %dma_wait3A_156 = arith.constant 0 : i32
    %dma_wait3A_157 = arith.constant 0 : i32
    %dma_wait3A_158 = tpu.memref_slice %arg4[%dma_wait3A_129, %dma_wait3A_155, %dma_wait3A_156, %dma_wait3A_157] : memref<200x8x32x1024xf32, #tpu.memory_space<hbm>> -> memref<1x8x32x1024xf32, #tpu.memory_space<hbm>>
    %dma_wait3A_159 = tpu.memref_squeeze %dma_wait3A_158 : memref<1x8x32x1024xf32, #tpu.memory_space<hbm>> -> memref<8x32x1024xf32, #tpu.memory_space<hbm>>
    %dma_wait3A_160 = arith.constant 0 : i32
    %dma_wait3A_161 = arith.constant 0 : i32
    %dma_wait3A_162 = tpu.memref_slice %dma_wait3A_159[%dma_wait3A_130, %dma_wait3A_160, %dma_wait3A_161] : memref<8x32x1024xf32, #tpu.memory_space<hbm>> -> memref<1x32x1024xf32, #tpu.memory_space<hbm>>
    %dma_wait3A_163 = tpu.memref_squeeze %dma_wait3A_162 : memref<1x32x1024xf32, #tpu.memory_space<hbm>> -> memref<32x1024xf32, #tpu.memory_space<hbm>>
    %dma_wait3A_164 = arith.constant 0 : i32
    %dma_wait3A_165 = tpu.memref_slice %dma_wait3A_163[%dma_wait3A_131, %dma_wait3A_164] : memref<32x1024xf32, #tpu.memory_space<hbm>> -> memref<1x1024xf32, #tpu.memory_space<hbm>>
    %dma_wait3A_166 = tpu.memref_squeeze %dma_wait3A_165 : memref<1x1024xf32, #tpu.memory_space<hbm>> -> memref<1024xf32, #tpu.memory_space<hbm>>
    tpu.wait_dma2 semaphore(%arg8 : memref<!tpu.dma_semaphore, #tpu.memory_space<semaphore_mem>>) src(%dma_wait3A_166 : memref<1024xf32, #tpu.memory_space<hbm>>) dst(%dma_wait3A_154 : memref<1024xf32, #tpu.memory_space<vmem>>)
    %dma_wait3A_167 = arith.constant 0 : i32
    %dma_wait3A_168 = arith.constant 0 : i32
    %dma_wait3A_169 = arith.constant 0 : i32
    %dma_wait3A_170 = arith.constant 0 : i32
    %dma_wait3A_171 = arith.constant 0 : i32
    %dma_wait3A_172 = tpu.memref_slice %arg7[%dma_wait3A_170, %dma_wait3A_171] : memref<2x8192xf32, #tpu.memory_space<vmem>> -> memref<1x8192xf32, #tpu.memory_space<vmem>>
    %dma_wait3A_173 = tpu.memref_squeeze %dma_wait3A_172 : memref<1x8192xf32, #tpu.memory_space<vmem>> -> memref<8192xf32, #tpu.memory_space<vmem>>
    %dma_wait3A_174 = arith.constant 0 : i32
    %dma_wait3A_175 = tpu.memref_slice %dma_wait3A_173[%dma_wait3A_174] : memref<8192xf32, #tpu.memory_space<vmem>> -> memref<1024xf32, #tpu.memory_space<vmem>>
    %dma_wait3A_176 = arith.constant 0 : i32
    %dma_wait3A_177 = arith.constant 0 : i32
    %dma_wait3A_178 = arith.constant 0 : i32
    %dma_wait3A_179 = tpu.memref_slice %arg4[%dma_wait3A_167, %dma_wait3A_176, %dma_wait3A_177, %dma_wait3A_178] : memref<200x8x32x1024xf32, #tpu.memory_space<hbm>> -> memref<1x8x32x1024xf32, #tpu.memory_space<hbm>>
    %dma_wait3A_180 = tpu.memref_squeeze %dma_wait3A_179 : memref<1x8x32x1024xf32, #tpu.memory_space<hbm>> -> memref<8x32x1024xf32, #tpu.memory_space<hbm>>
    %dma_wait3A_181 = arith.constant 0 : i32
    %dma_wait3A_182 = arith.constant 0 : i32
    %dma_wait3A_183 = tpu.memref_slice %dma_wait3A_180[%dma_wait3A_168, %dma_wait3A_181, %dma_wait3A_182] : memref<8x32x1024xf32, #tpu.memory_space<hbm>> -> memref<1x32x1024xf32, #tpu.memory_space<hbm>>
    %dma_wait3A_184 = tpu.memref_squeeze %dma_wait3A_183 : memref<1x32x1024xf32, #tpu.memory_space<hbm>> -> memref<32x1024xf32, #tpu.memory_space<hbm>>
    %dma_wait3A_185 = arith.constant 0 : i32
    %dma_wait3A_186 = tpu.memref_slice %dma_wait3A_184[%dma_wait3A_169, %dma_wait3A_185] : memref<32x1024xf32, #tpu.memory_space<hbm>> -> memref<1x1024xf32, #tpu.memory_space<hbm>>
    %dma_wait3A_187 = tpu.memref_squeeze %dma_wait3A_186 : memref<1x1024xf32, #tpu.memory_space<hbm>> -> memref<1024xf32, #tpu.memory_space<hbm>>
    %dma_wait3A_188 = arith.constant 0 : i32
    %dma_wait3A_189 = tpu.memref_slice %arg7[%dma_wait3A_170, %dma_wait3A_188] : memref<2x8192xf32, #tpu.memory_space<vmem>> -> memref<1x8192xf32, #tpu.memory_space<vmem>>
    %dma_wait3A_190 = tpu.memref_squeeze %dma_wait3A_189 : memref<1x8192xf32, #tpu.memory_space<vmem>> -> memref<8192xf32, #tpu.memory_space<vmem>>
    %dma_wait3A_191 = arith.constant 0 : i32
    %dma_wait3A_192 = tpu.memref_slice %dma_wait3A_190[%dma_wait3A_191] : memref<8192xf32, #tpu.memory_space<vmem>> -> memref<1024xf32, #tpu.memory_space<vmem>>
    %dma_wait3A_193 = arith.constant 0 : i32
    %dma_wait3A_194 = arith.constant 0 : i32
    %dma_wait3A_195 = arith.constant 0 : i32
    %dma_wait3A_196 = tpu.memref_slice %arg4[%dma_wait3A_167, %dma_wait3A_193, %dma_wait3A_194, %dma_wait3A_195] : memref<200x8x32x1024xf32, #tpu.memory_space<hbm>> -> memref<1x8x32x1024xf32, #tpu.memory_space<hbm>>
    %dma_wait3A_197 = tpu.memref_squeeze %dma_wait3A_196 : memref<1x8x32x1024xf32, #tpu.memory_space<hbm>> -> memref<8x32x1024xf32, #tpu.memory_space<hbm>>
    %dma_wait3A_198 = arith.constant 0 : i32
    %dma_wait3A_199 = arith.constant 0 : i32
    %dma_wait3A_200 = tpu.memref_slice %dma_wait3A_197[%dma_wait3A_168, %dma_wait3A_198, %dma_wait3A_199] : memref<8x32x1024xf32, #tpu.memory_space<hbm>> -> memref<1x32x1024xf32, #tpu.memory_space<hbm>>
    %dma_wait3A_201 = tpu.memref_squeeze %dma_wait3A_200 : memref<1x32x1024xf32, #tpu.memory_space<hbm>> -> memref<32x1024xf32, #tpu.memory_space<hbm>>
    %dma_wait3A_202 = arith.constant 0 : i32
    %dma_wait3A_203 = tpu.memref_slice %dma_wait3A_201[%dma_wait3A_169, %dma_wait3A_202] : memref<32x1024xf32, #tpu.memory_space<hbm>> -> memref<1x1024xf32, #tpu.memory_space<hbm>>
    %dma_wait3A_204 = tpu.memref_squeeze %dma_wait3A_203 : memref<1x1024xf32, #tpu.memory_space<hbm>> -> memref<1024xf32, #tpu.memory_space<hbm>>
    tpu.wait_dma2 semaphore(%arg8 : memref<!tpu.dma_semaphore, #tpu.memory_space<semaphore_mem>>) src(%dma_wait3A_204 : memref<1024xf32, #tpu.memory_space<hbm>>) dst(%dma_wait3A_192 : memref<1024xf32, #tpu.memory_space<vmem>>)
    %dma_wait3A_205 = arith.constant 0 : i32
    %dma_wait3A_206 = arith.constant 0 : i32
    %dma_wait3A_207 = arith.constant 0 : i32
    %dma_wait3A_208 = arith.constant 0 : i32
    %dma_wait3A_209 = arith.constant 0 : i32
    %dma_wait3A_210 = tpu.memref_slice %arg7[%dma_wait3A_208, %dma_wait3A_209] : memref<2x8192xf32, #tpu.memory_space<vmem>> -> memref<1x8192xf32, #tpu.memory_space<vmem>>
    %dma_wait3A_211 = tpu.memref_squeeze %dma_wait3A_210 : memref<1x8192xf32, #tpu.memory_space<vmem>> -> memref<8192xf32, #tpu.memory_space<vmem>>
    %dma_wait3A_212 = arith.constant 0 : i32
    %dma_wait3A_213 = tpu.memref_slice %dma_wait3A_211[%dma_wait3A_212] : memref<8192xf32, #tpu.memory_space<vmem>> -> memref<1024xf32, #tpu.memory_space<vmem>>
    %dma_wait3A_214 = arith.constant 0 : i32
    %dma_wait3A_215 = arith.constant 0 : i32
    %dma_wait3A_216 = arith.constant 0 : i32
    %dma_wait3A_217 = tpu.memref_slice %arg4[%dma_wait3A_205, %dma_wait3A_214, %dma_wait3A_215, %dma_wait3A_216] : memref<200x8x32x1024xf32, #tpu.memory_space<hbm>> -> memref<1x8x32x1024xf32, #tpu.memory_space<hbm>>
    %dma_wait3A_218 = tpu.memref_squeeze %dma_wait3A_217 : memref<1x8x32x1024xf32, #tpu.memory_space<hbm>> -> memref<8x32x1024xf32, #tpu.memory_space<hbm>>
    %dma_wait3A_219 = arith.constant 0 : i32
    %dma_wait3A_220 = arith.constant 0 : i32
    %dma_wait3A_221 = tpu.memref_slice %dma_wait3A_218[%dma_wait3A_206, %dma_wait3A_219, %dma_wait3A_220] : memref<8x32x1024xf32, #tpu.memory_space<hbm>> -> memref<1x32x1024xf32, #tpu.memory_space<hbm>>
    %dma_wait3A_222 = tpu.memref_squeeze %dma_wait3A_221 : memref<1x32x1024xf32, #tpu.memory_space<hbm>> -> memref<32x1024xf32, #tpu.memory_space<hbm>>
    %dma_wait3A_223 = arith.constant 0 : i32
    %dma_wait3A_224 = tpu.memref_slice %dma_wait3A_222[%dma_wait3A_207, %dma_wait3A_223] : memref<32x1024xf32, #tpu.memory_space<hbm>> -> memref<1x1024xf32, #tpu.memory_space<hbm>>
    %dma_wait3A_225 = tpu.memref_squeeze %dma_wait3A_224 : memref<1x1024xf32, #tpu.memory_space<hbm>> -> memref<1024xf32, #tpu.memory_space<hbm>>
    %dma_wait3A_226 = arith.constant 0 : i32
    %dma_wait3A_227 = tpu.memref_slice %arg7[%dma_wait3A_208, %dma_wait3A_226] : memref<2x8192xf32, #tpu.memory_space<vmem>> -> memref<1x8192xf32, #tpu.memory_space<vmem>>
    %dma_wait3A_228 = tpu.memref_squeeze %dma_wait3A_227 : memref<1x8192xf32, #tpu.memory_space<vmem>> -> memref<8192xf32, #tpu.memory_space<vmem>>
    %dma_wait3A_229 = arith.constant 0 : i32
    %dma_wait3A_230 = tpu.memref_slice %dma_wait3A_228[%dma_wait3A_229] : memref<8192xf32, #tpu.memory_space<vmem>> -> memref<1024xf32, #tpu.memory_space<vmem>>
    %dma_wait3A_231 = arith.constant 0 : i32
    %dma_wait3A_232 = arith.constant 0 : i32
    %dma_wait3A_233 = arith.constant 0 : i32
    %dma_wait3A_234 = tpu.memref_slice %arg4[%dma_wait3A_205, %dma_wait3A_231, %dma_wait3A_232, %dma_wait3A_233] : memref<200x8x32x1024xf32, #tpu.memory_space<hbm>> -> memref<1x8x32x1024xf32, #tpu.memory_space<hbm>>
    %dma_wait3A_235 = tpu.memref_squeeze %dma_wait3A_234 : memref<1x8x32x1024xf32, #tpu.memory_space<hbm>> -> memref<8x32x1024xf32, #tpu.memory_space<hbm>>
    %dma_wait3A_236 = arith.constant 0 : i32
    %dma_wait3A_237 = arith.constant 0 : i32
    %dma_wait3A_238 = tpu.memref_slice %dma_wait3A_235[%dma_wait3A_206, %dma_wait3A_236, %dma_wait3A_237] : memref<8x32x1024xf32, #tpu.memory_space<hbm>> -> memref<1x32x1024xf32, #tpu.memory_space<hbm>>
    %dma_wait3A_239 = tpu.memref_squeeze %dma_wait3A_238 : memref<1x32x1024xf32, #tpu.memory_space<hbm>> -> memref<32x1024xf32, #tpu.memory_space<hbm>>
    %dma_wait3A_240 = arith.constant 0 : i32
    %dma_wait3A_241 = tpu.memref_slice %dma_wait3A_239[%dma_wait3A_207, %dma_wait3A_240] : memref<32x1024xf32, #tpu.memory_space<hbm>> -> memref<1x1024xf32, #tpu.memory_space<hbm>>
    %dma_wait3A_242 = tpu.memref_squeeze %dma_wait3A_241 : memref<1x1024xf32, #tpu.memory_space<hbm>> -> memref<1024xf32, #tpu.memory_space<hbm>>
    tpu.wait_dma2 semaphore(%arg8 : memref<!tpu.dma_semaphore, #tpu.memory_space<semaphore_mem>>) src(%dma_wait3A_242 : memref<1024xf32, #tpu.memory_space<hbm>>) dst(%dma_wait3A_230 : memref<1024xf32, #tpu.memory_space<vmem>>)
    %dma_wait3A_243 = arith.constant 0 : i32
    %dma_wait3A_244 = arith.constant 0 : i32
    %dma_wait3A_245 = arith.constant 0 : i32
    %dma_wait3A_246 = arith.constant 0 : i32
    %dma_wait3A_247 = arith.constant 0 : i32
    %dma_wait3A_248 = tpu.memref_slice %arg7[%dma_wait3A_246, %dma_wait3A_247] : memref<2x8192xf32, #tpu.memory_space<vmem>> -> memref<1x8192xf32, #tpu.memory_space<vmem>>
    %dma_wait3A_249 = tpu.memref_squeeze %dma_wait3A_248 : memref<1x8192xf32, #tpu.memory_space<vmem>> -> memref<8192xf32, #tpu.memory_space<vmem>>
    %dma_wait3A_250 = arith.constant 0 : i32
    %dma_wait3A_251 = tpu.memref_slice %dma_wait3A_249[%dma_wait3A_250] : memref<8192xf32, #tpu.memory_space<vmem>> -> memref<1024xf32, #tpu.memory_space<vmem>>
    %dma_wait3A_252 = arith.constant 0 : i32
    %dma_wait3A_253 = arith.constant 0 : i32
    %dma_wait3A_254 = arith.constant 0 : i32
    %dma_wait3A_255 = tpu.memref_slice %arg4[%dma_wait3A_243, %dma_wait3A_252, %dma_wait3A_253, %dma_wait3A_254] : memref<200x8x32x1024xf32, #tpu.memory_space<hbm>> -> memref<1x8x32x1024xf32, #tpu.memory_space<hbm>>
    %dma_wait3A_256 = tpu.memref_squeeze %dma_wait3A_255 : memref<1x8x32x1024xf32, #tpu.memory_space<hbm>> -> memref<8x32x1024xf32, #tpu.memory_space<hbm>>
    %dma_wait3A_257 = arith.constant 0 : i32
    %dma_wait3A_258 = arith.constant 0 : i32
    %dma_wait3A_259 = tpu.memref_slice %dma_wait3A_256[%dma_wait3A_244, %dma_wait3A_257, %dma_wait3A_258] : memref<8x32x1024xf32, #tpu.memory_space<hbm>> -> memref<1x32x1024xf32, #tpu.memory_space<hbm>>
    %dma_wait3A_260 = tpu.memref_squeeze %dma_wait3A_259 : memref<1x32x1024xf32, #tpu.memory_space<hbm>> -> memref<32x1024xf32, #tpu.memory_space<hbm>>
    %dma_wait3A_261 = arith.constant 0 : i32
    %dma_wait3A_262 = tpu.memref_slice %dma_wait3A_260[%dma_wait3A_245, %dma_wait3A_261] : memref<32x1024xf32, #tpu.memory_space<hbm>> -> memref<1x1024xf32, #tpu.memory_space<hbm>>
    %dma_wait3A_263 = tpu.memref_squeeze %dma_wait3A_262 : memref<1x1024xf32, #tpu.memory_space<hbm>> -> memref<1024xf32, #tpu.memory_space<hbm>>
    %dma_wait3A_264 = arith.constant 0 : i32
    %dma_wait3A_265 = tpu.memref_slice %arg7[%dma_wait3A_246, %dma_wait3A_264] : memref<2x8192xf32, #tpu.memory_space<vmem>> -> memref<1x8192xf32, #tpu.memory_space<vmem>>
    %dma_wait3A_266 = tpu.memref_squeeze %dma_wait3A_265 : memref<1x8192xf32, #tpu.memory_space<vmem>> -> memref<8192xf32, #tpu.memory_space<vmem>>
    %dma_wait3A_267 = arith.constant 0 : i32
    %dma_wait3A_268 = tpu.memref_slice %dma_wait3A_266[%dma_wait3A_267] : memref<8192xf32, #tpu.memory_space<vmem>> -> memref<1024xf32, #tpu.memory_space<vmem>>
    %dma_wait3A_269 = arith.constant 0 : i32
    %dma_wait3A_270 = arith.constant 0 : i32
    %dma_wait3A_271 = arith.constant 0 : i32
    %dma_wait3A_272 = tpu.memref_slice %arg4[%dma_wait3A_243, %dma_wait3A_269, %dma_wait3A_270, %dma_wait3A_271] : memref<200x8x32x1024xf32, #tpu.memory_space<hbm>> -> memref<1x8x32x1024xf32, #tpu.memory_space<hbm>>
    %dma_wait3A_273 = tpu.memref_squeeze %dma_wait3A_272 : memref<1x8x32x1024xf32, #tpu.memory_space<hbm>> -> memref<8x32x1024xf32, #tpu.memory_space<hbm>>
    %dma_wait3A_274 = arith.constant 0 : i32
    %dma_wait3A_275 = arith.constant 0 : i32
    %dma_wait3A_276 = tpu.memref_slice %dma_wait3A_273[%dma_wait3A_244, %dma_wait3A_274, %dma_wait3A_275] : memref<8x32x1024xf32, #tpu.memory_space<hbm>> -> memref<1x32x1024xf32, #tpu.memory_space<hbm>>
    %dma_wait3A_277 = tpu.memref_squeeze %dma_wait3A_276 : memref<1x32x1024xf32, #tpu.memory_space<hbm>> -> memref<32x1024xf32, #tpu.memory_space<hbm>>
    %dma_wait3A_278 = arith.constant 0 : i32
    %dma_wait3A_279 = tpu.memref_slice %dma_wait3A_277[%dma_wait3A_245, %dma_wait3A_278] : memref<32x1024xf32, #tpu.memory_space<hbm>> -> memref<1x1024xf32, #tpu.memory_space<hbm>>
    %dma_wait3A_280 = tpu.memref_squeeze %dma_wait3A_279 : memref<1x1024xf32, #tpu.memory_space<hbm>> -> memref<1024xf32, #tpu.memory_space<hbm>>
    tpu.wait_dma2 semaphore(%arg8 : memref<!tpu.dma_semaphore, #tpu.memory_space<semaphore_mem>>) src(%dma_wait3A_280 : memref<1024xf32, #tpu.memory_space<hbm>>) dst(%dma_wait3A_268 : memref<1024xf32, #tpu.memory_space<vmem>>)
    %dma_wait3A_281 = arith.constant 0 : i32
    %dma_wait3A_282 = arith.constant 0 : i32
    %dma_wait3A_283 = arith.constant 0 : i32
    %dma_wait3A_284 = arith.constant 0 : i32
    %dma_wait3A_285 = arith.constant 0 : i32
    %dma_wait3A_286 = tpu.memref_slice %arg7[%dma_wait3A_284, %dma_wait3A_285] : memref<2x8192xf32, #tpu.memory_space<vmem>> -> memref<1x8192xf32, #tpu.memory_space<vmem>>
    %dma_wait3A_287 = tpu.memref_squeeze %dma_wait3A_286 : memref<1x8192xf32, #tpu.memory_space<vmem>> -> memref<8192xf32, #tpu.memory_space<vmem>>
    %dma_wait3A_288 = arith.constant 0 : i32
    %dma_wait3A_289 = tpu.memref_slice %dma_wait3A_287[%dma_wait3A_288] : memref<8192xf32, #tpu.memory_space<vmem>> -> memref<1024xf32, #tpu.memory_space<vmem>>
    %dma_wait3A_290 = arith.constant 0 : i32
    %dma_wait3A_291 = arith.constant 0 : i32
    %dma_wait3A_292 = arith.constant 0 : i32
    %dma_wait3A_293 = tpu.memref_slice %arg4[%dma_wait3A_281, %dma_wait3A_290, %dma_wait3A_291, %dma_wait3A_292] : memref<200x8x32x1024xf32, #tpu.memory_space<hbm>> -> memref<1x8x32x1024xf32, #tpu.memory_space<hbm>>
    %dma_wait3A_294 = tpu.memref_squeeze %dma_wait3A_293 : memref<1x8x32x1024xf32, #tpu.memory_space<hbm>> -> memref<8x32x1024xf32, #tpu.memory_space<hbm>>
    %dma_wait3A_295 = arith.constant 0 : i32
    %dma_wait3A_296 = arith.constant 0 : i32
    %dma_wait3A_297 = tpu.memref_slice %dma_wait3A_294[%dma_wait3A_282, %dma_wait3A_295, %dma_wait3A_296] : memref<8x32x1024xf32, #tpu.memory_space<hbm>> -> memref<1x32x1024xf32, #tpu.memory_space<hbm>>
    %dma_wait3A_298 = tpu.memref_squeeze %dma_wait3A_297 : memref<1x32x1024xf32, #tpu.memory_space<hbm>> -> memref<32x1024xf32, #tpu.memory_space<hbm>>
    %dma_wait3A_299 = arith.constant 0 : i32
    %dma_wait3A_300 = tpu.memref_slice %dma_wait3A_298[%dma_wait3A_283, %dma_wait3A_299] : memref<32x1024xf32, #tpu.memory_space<hbm>> -> memref<1x1024xf32, #tpu.memory_space<hbm>>
    %dma_wait3A_301 = tpu.memref_squeeze %dma_wait3A_300 : memref<1x1024xf32, #tpu.memory_space<hbm>> -> memref<1024xf32, #tpu.memory_space<hbm>>
    %dma_wait3A_302 = arith.constant 0 : i32
    %dma_wait3A_303 = tpu.memref_slice %arg7[%dma_wait3A_284, %dma_wait3A_302] : memref<2x8192xf32, #tpu.memory_space<vmem>> -> memref<1x8192xf32, #tpu.memory_space<vmem>>
    %dma_wait3A_304 = tpu.memref_squeeze %dma_wait3A_303 : memref<1x8192xf32, #tpu.memory_space<vmem>> -> memref<8192xf32, #tpu.memory_space<vmem>>
    %dma_wait3A_305 = arith.constant 0 : i32
    %dma_wait3A_306 = tpu.memref_slice %dma_wait3A_304[%dma_wait3A_305] : memref<8192xf32, #tpu.memory_space<vmem>> -> memref<1024xf32, #tpu.memory_space<vmem>>
    %dma_wait3A_307 = arith.constant 0 : i32
    %dma_wait3A_308 = arith.constant 0 : i32
    %dma_wait3A_309 = arith.constant 0 : i32
    %dma_wait3A_310 = tpu.memref_slice %arg4[%dma_wait3A_281, %dma_wait3A_307, %dma_wait3A_308, %dma_wait3A_309] : memref<200x8x32x1024xf32, #tpu.memory_space<hbm>> -> memref<1x8x32x1024xf32, #tpu.memory_space<hbm>>
    %dma_wait3A_311 = tpu.memref_squeeze %dma_wait3A_310 : memref<1x8x32x1024xf32, #tpu.memory_space<hbm>> -> memref<8x32x1024xf32, #tpu.memory_space<hbm>>
    %dma_wait3A_312 = arith.constant 0 : i32
    %dma_wait3A_313 = arith.constant 0 : i32
    %dma_wait3A_314 = tpu.memref_slice %dma_wait3A_311[%dma_wait3A_282, %dma_wait3A_312, %dma_wait3A_313] : memref<8x32x1024xf32, #tpu.memory_space<hbm>> -> memref<1x32x1024xf32, #tpu.memory_space<hbm>>
    %dma_wait3A_315 = tpu.memref_squeeze %dma_wait3A_314 : memref<1x32x1024xf32, #tpu.memory_space<hbm>> -> memref<32x1024xf32, #tpu.memory_space<hbm>>
    %dma_wait3A_316 = arith.constant 0 : i32
    %dma_wait3A_317 = tpu.memref_slice %dma_wait3A_315[%dma_wait3A_283, %dma_wait3A_316] : memref<32x1024xf32, #tpu.memory_space<hbm>> -> memref<1x1024xf32, #tpu.memory_space<hbm>>
    %dma_wait3A_318 = tpu.memref_squeeze %dma_wait3A_317 : memref<1x1024xf32, #tpu.memory_space<hbm>> -> memref<1024xf32, #tpu.memory_space<hbm>>
    tpu.wait_dma2 semaphore(%arg8 : memref<!tpu.dma_semaphore, #tpu.memory_space<semaphore_mem>>) src(%dma_wait3A_318 : memref<1024xf32, #tpu.memory_space<hbm>>) dst(%dma_wait3A_306 : memref<1024xf32, #tpu.memory_space<vmem>>)
    %dma_wait3A_319 = arith.constant 0 : i32
    %dma_wait3A_320 = arith.constant 0 : i32
    %dma_wait3A_321 = arith.constant 0 : i32
    %dma_wait3A_322 = arith.constant 1 : i32
    %dma_wait3A_323 = arith.constant 0 : i32
    %dma_wait3A_324 = tpu.memref_slice %arg7[%dma_wait3A_322, %dma_wait3A_323] : memref<2x8192xf32, #tpu.memory_space<vmem>> -> memref<1x8192xf32, #tpu.memory_space<vmem>>
    %dma_wait3A_325 = tpu.memref_squeeze %dma_wait3A_324 : memref<1x8192xf32, #tpu.memory_space<vmem>> -> memref<8192xf32, #tpu.memory_space<vmem>>
    %dma_wait3A_326 = arith.constant 0 : i32
    %dma_wait3A_327 = tpu.memref_slice %dma_wait3A_325[%dma_wait3A_326] : memref<8192xf32, #tpu.memory_space<vmem>> -> memref<1024xf32, #tpu.memory_space<vmem>>
    %dma_wait3A_328 = arith.constant 0 : i32
    %dma_wait3A_329 = arith.constant 0 : i32
    %dma_wait3A_330 = arith.constant 0 : i32
    %dma_wait3A_331 = tpu.memref_slice %arg4[%dma_wait3A_319, %dma_wait3A_328, %dma_wait3A_329, %dma_wait3A_330] : memref<200x8x32x1024xf32, #tpu.memory_space<hbm>> -> memref<1x8x32x1024xf32, #tpu.memory_space<hbm>>
    %dma_wait3A_332 = tpu.memref_squeeze %dma_wait3A_331 : memref<1x8x32x1024xf32, #tpu.memory_space<hbm>> -> memref<8x32x1024xf32, #tpu.memory_space<hbm>>
    %dma_wait3A_333 = arith.constant 0 : i32
    %dma_wait3A_334 = arith.constant 0 : i32
    %dma_wait3A_335 = tpu.memref_slice %dma_wait3A_332[%dma_wait3A_320, %dma_wait3A_333, %dma_wait3A_334] : memref<8x32x1024xf32, #tpu.memory_space<hbm>> -> memref<1x32x1024xf32, #tpu.memory_space<hbm>>
    %dma_wait3A_336 = tpu.memref_squeeze %dma_wait3A_335 : memref<1x32x1024xf32, #tpu.memory_space<hbm>> -> memref<32x1024xf32, #tpu.memory_space<hbm>>
    %dma_wait3A_337 = arith.constant 0 : i32
    %dma_wait3A_338 = tpu.memref_slice %dma_wait3A_336[%dma_wait3A_321, %dma_wait3A_337] : memref<32x1024xf32, #tpu.memory_space<hbm>> -> memref<1x1024xf32, #tpu.memory_space<hbm>>
    %dma_wait3A_339 = tpu.memref_squeeze %dma_wait3A_338 : memref<1x1024xf32, #tpu.memory_space<hbm>> -> memref<1024xf32, #tpu.memory_space<hbm>>
    %dma_wait3A_340 = arith.constant 0 : i32
    %dma_wait3A_341 = tpu.memref_slice %arg7[%dma_wait3A_322, %dma_wait3A_340] : memref<2x8192xf32, #tpu.memory_space<vmem>> -> memref<1x8192xf32, #tpu.memory_space<vmem>>
    %dma_wait3A_342 = tpu.memref_squeeze %dma_wait3A_341 : memref<1x8192xf32, #tpu.memory_space<vmem>> -> memref<8192xf32, #tpu.memory_space<vmem>>
    %dma_wait3A_343 = arith.constant 0 : i32
    %dma_wait3A_344 = tpu.memref_slice %dma_wait3A_342[%dma_wait3A_343] : memref<8192xf32, #tpu.memory_space<vmem>> -> memref<1024xf32, #tpu.memory_space<vmem>>
    %dma_wait3A_345 = arith.constant 0 : i32
    %dma_wait3A_346 = arith.constant 0 : i32
    %dma_wait3A_347 = arith.constant 0 : i32
    %dma_wait3A_348 = tpu.memref_slice %arg4[%dma_wait3A_319, %dma_wait3A_345, %dma_wait3A_346, %dma_wait3A_347] : memref<200x8x32x1024xf32, #tpu.memory_space<hbm>> -> memref<1x8x32x1024xf32, #tpu.memory_space<hbm>>
    %dma_wait3A_349 = tpu.memref_squeeze %dma_wait3A_348 : memref<1x8x32x1024xf32, #tpu.memory_space<hbm>> -> memref<8x32x1024xf32, #tpu.memory_space<hbm>>
    %dma_wait3A_350 = arith.constant 0 : i32
    %dma_wait3A_351 = arith.constant 0 : i32
    %dma_wait3A_352 = tpu.memref_slice %dma_wait3A_349[%dma_wait3A_320, %dma_wait3A_350, %dma_wait3A_351] : memref<8x32x1024xf32, #tpu.memory_space<hbm>> -> memref<1x32x1024xf32, #tpu.memory_space<hbm>>
    %dma_wait3A_353 = tpu.memref_squeeze %dma_wait3A_352 : memref<1x32x1024xf32, #tpu.memory_space<hbm>> -> memref<32x1024xf32, #tpu.memory_space<hbm>>
    %dma_wait3A_354 = arith.constant 0 : i32
    %dma_wait3A_355 = tpu.memref_slice %dma_wait3A_353[%dma_wait3A_321, %dma_wait3A_354] : memref<32x1024xf32, #tpu.memory_space<hbm>> -> memref<1x1024xf32, #tpu.memory_space<hbm>>
    %dma_wait3A_356 = tpu.memref_squeeze %dma_wait3A_355 : memref<1x1024xf32, #tpu.memory_space<hbm>> -> memref<1024xf32, #tpu.memory_space<hbm>>
    tpu.wait_dma2 semaphore(%arg9 : memref<!tpu.dma_semaphore, #tpu.memory_space<semaphore_mem>>) src(%dma_wait3A_356 : memref<1024xf32, #tpu.memory_space<hbm>>) dst(%dma_wait3A_344 : memref<1024xf32, #tpu.memory_space<vmem>>)
    %dma_wait3A_357 = arith.constant 0 : i32
    %dma_wait3A_358 = arith.constant 0 : i32
    %dma_wait3A_359 = arith.constant 0 : i32
    %dma_wait3A_360 = arith.constant 1 : i32
    %dma_wait3A_361 = arith.constant 0 : i32
    %dma_wait3A_362 = tpu.memref_slice %arg7[%dma_wait3A_360, %dma_wait3A_361] : memref<2x8192xf32, #tpu.memory_space<vmem>> -> memref<1x8192xf32, #tpu.memory_space<vmem>>
    %dma_wait3A_363 = tpu.memref_squeeze %dma_wait3A_362 : memref<1x8192xf32, #tpu.memory_space<vmem>> -> memref<8192xf32, #tpu.memory_space<vmem>>
    %dma_wait3A_364 = arith.constant 0 : i32
    %dma_wait3A_365 = tpu.memref_slice %dma_wait3A_363[%dma_wait3A_364] : memref<8192xf32, #tpu.memory_space<vmem>> -> memref<1024xf32, #tpu.memory_space<vmem>>
    %dma_wait3A_366 = arith.constant 0 : i32
    %dma_wait3A_367 = arith.constant 0 : i32
    %dma_wait3A_368 = arith.constant 0 : i32
    %dma_wait3A_369 = tpu.memref_slice %arg4[%dma_wait3A_357, %dma_wait3A_366, %dma_wait3A_367, %dma_wait3A_368] : memref<200x8x32x1024xf32, #tpu.memory_space<hbm>> -> memref<1x8x32x1024xf32, #tpu.memory_space<hbm>>
    %dma_wait3A_370 = tpu.memref_squeeze %dma_wait3A_369 : memref<1x8x32x1024xf32, #tpu.memory_space<hbm>> -> memref<8x32x1024xf32, #tpu.memory_space<hbm>>
    %dma_wait3A_371 = arith.constant 0 : i32
    %dma_wait3A_372 = arith.constant 0 : i32
    %dma_wait3A_373 = tpu.memref_slice %dma_wait3A_370[%dma_wait3A_358, %dma_wait3A_371, %dma_wait3A_372] : memref<8x32x1024xf32, #tpu.memory_space<hbm>> -> memref<1x32x1024xf32, #tpu.memory_space<hbm>>
    %dma_wait3A_374 = tpu.memref_squeeze %dma_wait3A_373 : memref<1x32x1024xf32, #tpu.memory_space<hbm>> -> memref<32x1024xf32, #tpu.memory_space<hbm>>
    %dma_wait3A_375 = arith.constant 0 : i32
    %dma_wait3A_376 = tpu.memref_slice %dma_wait3A_374[%dma_wait3A_359, %dma_wait3A_375] : memref<32x1024xf32, #tpu.memory_space<hbm>> -> memref<1x1024xf32, #tpu.memory_space<hbm>>
    %dma_wait3A_377 = tpu.memref_squeeze %dma_wait3A_376 : memref<1x1024xf32, #tpu.memory_space<hbm>> -> memref<1024xf32, #tpu.memory_space<hbm>>
    %dma_wait3A_378 = arith.constant 0 : i32
    %dma_wait3A_379 = tpu.memref_slice %arg7[%dma_wait3A_360, %dma_wait3A_378] : memref<2x8192xf32, #tpu.memory_space<vmem>> -> memref<1x8192xf32, #tpu.memory_space<vmem>>
    %dma_wait3A_380 = tpu.memref_squeeze %dma_wait3A_379 : memref<1x8192xf32, #tpu.memory_space<vmem>> -> memref<8192xf32, #tpu.memory_space<vmem>>
    %dma_wait3A_381 = arith.constant 0 : i32
    %dma_wait3A_382 = tpu.memref_slice %dma_wait3A_380[%dma_wait3A_381] : memref<8192xf32, #tpu.memory_space<vmem>> -> memref<1024xf32, #tpu.memory_space<vmem>>
    %dma_wait3A_383 = arith.constant 0 : i32
    %dma_wait3A_384 = arith.constant 0 : i32
    %dma_wait3A_385 = arith.constant 0 : i32
    %dma_wait3A_386 = tpu.memref_slice %arg4[%dma_wait3A_357, %dma_wait3A_383, %dma_wait3A_384, %dma_wait3A_385] : memref<200x8x32x1024xf32, #tpu.memory_space<hbm>> -> memref<1x8x32x1024xf32, #tpu.memory_space<hbm>>
    %dma_wait3A_387 = tpu.memref_squeeze %dma_wait3A_386 : memref<1x8x32x1024xf32, #tpu.memory_space<hbm>> -> memref<8x32x1024xf32, #tpu.memory_space<hbm>>
    %dma_wait3A_388 = arith.constant 0 : i32
    %dma_wait3A_389 = arith.constant 0 : i32
    %dma_wait3A_390 = tpu.memref_slice %dma_wait3A_387[%dma_wait3A_358, %dma_wait3A_388, %dma_wait3A_389] : memref<8x32x1024xf32, #tpu.memory_space<hbm>> -> memref<1x32x1024xf32, #tpu.memory_space<hbm>>
    %dma_wait3A_391 = tpu.memref_squeeze %dma_wait3A_390 : memref<1x32x1024xf32, #tpu.memory_space<hbm>> -> memref<32x1024xf32, #tpu.memory_space<hbm>>
    %dma_wait3A_392 = arith.constant 0 : i32
    %dma_wait3A_393 = tpu.memref_slice %dma_wait3A_391[%dma_wait3A_359, %dma_wait3A_392] : memref<32x1024xf32, #tpu.memory_space<hbm>> -> memref<1x1024xf32, #tpu.memory_space<hbm>>
    %dma_wait3A_394 = tpu.memref_squeeze %dma_wait3A_393 : memref<1x1024xf32, #tpu.memory_space<hbm>> -> memref<1024xf32, #tpu.memory_space<hbm>>
    tpu.wait_dma2 semaphore(%arg9 : memref<!tpu.dma_semaphore, #tpu.memory_space<semaphore_mem>>) src(%dma_wait3A_394 : memref<1024xf32, #tpu.memory_space<hbm>>) dst(%dma_wait3A_382 : memref<1024xf32, #tpu.memory_space<vmem>>)
    %dma_wait3A_395 = arith.constant 0 : i32
    %dma_wait3A_396 = arith.constant 0 : i32
    %dma_wait3A_397 = arith.constant 0 : i32
    %dma_wait3A_398 = arith.constant 1 : i32
    %dma_wait3A_399 = arith.constant 0 : i32
    %dma_wait3A_400 = tpu.memref_slice %arg7[%dma_wait3A_398, %dma_wait3A_399] : memref<2x8192xf32, #tpu.memory_space<vmem>> -> memref<1x8192xf32, #tpu.memory_space<vmem>>
    %dma_wait3A_401 = tpu.memref_squeeze %dma_wait3A_400 : memref<1x8192xf32, #tpu.memory_space<vmem>> -> memref<8192xf32, #tpu.memory_space<vmem>>
    %dma_wait3A_402 = arith.constant 0 : i32
    %dma_wait3A_403 = tpu.memref_slice %dma_wait3A_401[%dma_wait3A_402] : memref<8192xf32, #tpu.memory_space<vmem>> -> memref<1024xf32, #tpu.memory_space<vmem>>
    %dma_wait3A_404 = arith.constant 0 : i32
    %dma_wait3A_405 = arith.constant 0 : i32
    %dma_wait3A_406 = arith.constant 0 : i32
    %dma_wait3A_407 = tpu.memref_slice %arg4[%dma_wait3A_395, %dma_wait3A_404, %dma_wait3A_405, %dma_wait3A_406] : memref<200x8x32x1024xf32, #tpu.memory_space<hbm>> -> memref<1x8x32x1024xf32, #tpu.memory_space<hbm>>
    %dma_wait3A_408 = tpu.memref_squeeze %dma_wait3A_407 : memref<1x8x32x1024xf32, #tpu.memory_space<hbm>> -> memref<8x32x1024xf32, #tpu.memory_space<hbm>>
    %dma_wait3A_409 = arith.constant 0 : i32
    %dma_wait3A_410 = arith.constant 0 : i32
    %dma_wait3A_411 = tpu.memref_slice %dma_wait3A_408[%dma_wait3A_396, %dma_wait3A_409, %dma_wait3A_410] : memref<8x32x1024xf32, #tpu.memory_space<hbm>> -> memref<1x32x1024xf32, #tpu.memory_space<hbm>>
    %dma_wait3A_412 = tpu.memref_squeeze %dma_wait3A_411 : memref<1x32x1024xf32, #tpu.memory_space<hbm>> -> memref<32x1024xf32, #tpu.memory_space<hbm>>
    %dma_wait3A_413 = arith.constant 0 : i32
    %dma_wait3A_414 = tpu.memref_slice %dma_wait3A_412[%dma_wait3A_397, %dma_wait3A_413] : memref<32x1024xf32, #tpu.memory_space<hbm>> -> memref<1x1024xf32, #tpu.memory_space<hbm>>
    %dma_wait3A_415 = tpu.memref_squeeze %dma_wait3A_414 : memref<1x1024xf32, #tpu.memory_space<hbm>> -> memref<1024xf32, #tpu.memory_space<hbm>>
    %dma_wait3A_416 = arith.constant 0 : i32
    %dma_wait3A_417 = tpu.memref_slice %arg7[%dma_wait3A_398, %dma_wait3A_416] : memref<2x8192xf32, #tpu.memory_space<vmem>> -> memref<1x8192xf32, #tpu.memory_space<vmem>>
    %dma_wait3A_418 = tpu.memref_squeeze %dma_wait3A_417 : memref<1x8192xf32, #tpu.memory_space<vmem>> -> memref<8192xf32, #tpu.memory_space<vmem>>
    %dma_wait3A_419 = arith.constant 0 : i32
    %dma_wait3A_420 = tpu.memref_slice %dma_wait3A_418[%dma_wait3A_419] : memref<8192xf32, #tpu.memory_space<vmem>> -> memref<1024xf32, #tpu.memory_space<vmem>>
    %dma_wait3A_421 = arith.constant 0 : i32
    %dma_wait3A_422 = arith.constant 0 : i32
    %dma_wait3A_423 = arith.constant 0 : i32
    %dma_wait3A_424 = tpu.memref_slice %arg4[%dma_wait3A_395, %dma_wait3A_421, %dma_wait3A_422, %dma_wait3A_423] : memref<200x8x32x1024xf32, #tpu.memory_space<hbm>> -> memref<1x8x32x1024xf32, #tpu.memory_space<hbm>>
    %dma_wait3A_425 = tpu.memref_squeeze %dma_wait3A_424 : memref<1x8x32x1024xf32, #tpu.memory_space<hbm>> -> memref<8x32x1024xf32, #tpu.memory_space<hbm>>
    %dma_wait3A_426 = arith.constant 0 : i32
    %dma_wait3A_427 = arith.constant 0 : i32
    %dma_wait3A_428 = tpu.memref_slice %dma_wait3A_425[%dma_wait3A_396, %dma_wait3A_426, %dma_wait3A_427] : memref<8x32x1024xf32, #tpu.memory_space<hbm>> -> memref<1x32x1024xf32, #tpu.memory_space<hbm>>
    %dma_wait3A_429 = tpu.memref_squeeze %dma_wait3A_428 : memref<1x32x1024xf32, #tpu.memory_space<hbm>> -> memref<32x1024xf32, #tpu.memory_space<hbm>>
    %dma_wait3A_430 = arith.constant 0 : i32
    %dma_wait3A_431 = tpu.memref_slice %dma_wait3A_429[%dma_wait3A_397, %dma_wait3A_430] : memref<32x1024xf32, #tpu.memory_space<hbm>> -> memref<1x1024xf32, #tpu.memory_space<hbm>>
    %dma_wait3A_432 = tpu.memref_squeeze %dma_wait3A_431 : memref<1x1024xf32, #tpu.memory_space<hbm>> -> memref<1024xf32, #tpu.memory_space<hbm>>
    tpu.wait_dma2 semaphore(%arg9 : memref<!tpu.dma_semaphore, #tpu.memory_space<semaphore_mem>>) src(%dma_wait3A_432 : memref<1024xf32, #tpu.memory_space<hbm>>) dst(%dma_wait3A_420 : memref<1024xf32, #tpu.memory_space<vmem>>)
    %dma_wait3A_433 = arith.constant 0 : i32
    %dma_wait3A_434 = arith.constant 0 : i32
    %dma_wait3A_435 = arith.constant 0 : i32
    %dma_wait3A_436 = arith.constant 1 : i32
    %dma_wait3A_437 = arith.constant 0 : i32
    %dma_wait3A_438 = tpu.memref_slice %arg7[%dma_wait3A_436, %dma_wait3A_437] : memref<2x8192xf32, #tpu.memory_space<vmem>> -> memref<1x8192xf32, #tpu.memory_space<vmem>>
    %dma_wait3A_439 = tpu.memref_squeeze %dma_wait3A_438 : memref<1x8192xf32, #tpu.memory_space<vmem>> -> memref<8192xf32, #tpu.memory_space<vmem>>
    %dma_wait3A_440 = arith.constant 0 : i32
    %dma_wait3A_441 = tpu.memref_slice %dma_wait3A_439[%dma_wait3A_440] : memref<8192xf32, #tpu.memory_space<vmem>> -> memref<1024xf32, #tpu.memory_space<vmem>>
    %dma_wait3A_442 = arith.constant 0 : i32
    %dma_wait3A_443 = arith.constant 0 : i32
    %dma_wait3A_444 = arith.constant 0 : i32
    %dma_wait3A_445 = tpu.memref_slice %arg4[%dma_wait3A_433, %dma_wait3A_442, %dma_wait3A_443, %dma_wait3A_444] : memref<200x8x32x1024xf32, #tpu.memory_space<hbm>> -> memref<1x8x32x1024xf32, #tpu.memory_space<hbm>>
    %dma_wait3A_446 = tpu.memref_squeeze %dma_wait3A_445 : memref<1x8x32x1024xf32, #tpu.memory_space<hbm>> -> memref<8x32x1024xf32, #tpu.memory_space<hbm>>
    %dma_wait3A_447 = arith.constant 0 : i32
    %dma_wait3A_448 = arith.constant 0 : i32
    %dma_wait3A_449 = tpu.memref_slice %dma_wait3A_446[%dma_wait3A_434, %dma_wait3A_447, %dma_wait3A_448] : memref<8x32x1024xf32, #tpu.memory_space<hbm>> -> memref<1x32x1024xf32, #tpu.memory_space<hbm>>
    %dma_wait3A_450 = tpu.memref_squeeze %dma_wait3A_449 : memref<1x32x1024xf32, #tpu.memory_space<hbm>> -> memref<32x1024xf32, #tpu.memory_space<hbm>>
    %dma_wait3A_451 = arith.constant 0 : i32
    %dma_wait3A_452 = tpu.memref_slice %dma_wait3A_450[%dma_wait3A_435, %dma_wait3A_451] : memref<32x1024xf32, #tpu.memory_space<hbm>> -> memref<1x1024xf32, #tpu.memory_space<hbm>>
    %dma_wait3A_453 = tpu.memref_squeeze %dma_wait3A_452 : memref<1x1024xf32, #tpu.memory_space<hbm>> -> memref<1024xf32, #tpu.memory_space<hbm>>
    %dma_wait3A_454 = arith.constant 0 : i32
    %dma_wait3A_455 = tpu.memref_slice %arg7[%dma_wait3A_436, %dma_wait3A_454] : memref<2x8192xf32, #tpu.memory_space<vmem>> -> memref<1x8192xf32, #tpu.memory_space<vmem>>
    %dma_wait3A_456 = tpu.memref_squeeze %dma_wait3A_455 : memref<1x8192xf32, #tpu.memory_space<vmem>> -> memref<8192xf32, #tpu.memory_space<vmem>>
    %dma_wait3A_457 = arith.constant 0 : i32
    %dma_wait3A_458 = tpu.memref_slice %dma_wait3A_456[%dma_wait3A_457] : memref<8192xf32, #tpu.memory_space<vmem>> -> memref<1024xf32, #tpu.memory_space<vmem>>
    %dma_wait3A_459 = arith.constant 0 : i32
    %dma_wait3A_460 = arith.constant 0 : i32
    %dma_wait3A_461 = arith.constant 0 : i32
    %dma_wait3A_462 = tpu.memref_slice %arg4[%dma_wait3A_433, %dma_wait3A_459, %dma_wait3A_460, %dma_wait3A_461] : memref<200x8x32x1024xf32, #tpu.memory_space<hbm>> -> memref<1x8x32x1024xf32, #tpu.memory_space<hbm>>
    %dma_wait3A_463 = tpu.memref_squeeze %dma_wait3A_462 : memref<1x8x32x1024xf32, #tpu.memory_space<hbm>> -> memref<8x32x1024xf32, #tpu.memory_space<hbm>>
    %dma_wait3A_464 = arith.constant 0 : i32
    %dma_wait3A_465 = arith.constant 0 : i32
    %dma_wait3A_466 = tpu.memref_slice %dma_wait3A_463[%dma_wait3A_434, %dma_wait3A_464, %dma_wait3A_465] : memref<8x32x1024xf32, #tpu.memory_space<hbm>> -> memref<1x32x1024xf32, #tpu.memory_space<hbm>>
    %dma_wait3A_467 = tpu.memref_squeeze %dma_wait3A_466 : memref<1x32x1024xf32, #tpu.memory_space<hbm>> -> memref<32x1024xf32, #tpu.memory_space<hbm>>
    %dma_wait3A_468 = arith.constant 0 : i32
    %dma_wait3A_469 = tpu.memref_slice %dma_wait3A_467[%dma_wait3A_435, %dma_wait3A_468] : memref<32x1024xf32, #tpu.memory_space<hbm>> -> memref<1x1024xf32, #tpu.memory_space<hbm>>
    %dma_wait3A_470 = tpu.memref_squeeze %dma_wait3A_469 : memref<1x1024xf32, #tpu.memory_space<hbm>> -> memref<1024xf32, #tpu.memory_space<hbm>>
    tpu.wait_dma2 semaphore(%arg9 : memref<!tpu.dma_semaphore, #tpu.memory_space<semaphore_mem>>) src(%dma_wait3A_470 : memref<1024xf32, #tpu.memory_space<hbm>>) dst(%dma_wait3A_458 : memref<1024xf32, #tpu.memory_space<vmem>>)
    %dma_wait3A_471 = arith.constant 0 : i32
    %dma_wait3A_472 = arith.constant 0 : i32
    %dma_wait3A_473 = arith.constant 0 : i32
    %dma_wait3A_474 = arith.constant 1 : i32
    %dma_wait3A_475 = arith.constant 0 : i32
    %dma_wait3A_476 = tpu.memref_slice %arg7[%dma_wait3A_474, %dma_wait3A_475] : memref<2x8192xf32, #tpu.memory_space<vmem>> -> memref<1x8192xf32, #tpu.memory_space<vmem>>
    %dma_wait3A_477 = tpu.memref_squeeze %dma_wait3A_476 : memref<1x8192xf32, #tpu.memory_space<vmem>> -> memref<8192xf32, #tpu.memory_space<vmem>>
    %dma_wait3A_478 = arith.constant 0 : i32
    %dma_wait3A_479 = tpu.memref_slice %dma_wait3A_477[%dma_wait3A_478] : memref<8192xf32, #tpu.memory_space<vmem>> -> memref<1024xf32, #tpu.memory_space<vmem>>
    %dma_wait3A_480 = arith.constant 0 : i32
    %dma_wait3A_481 = arith.constant 0 : i32
    %dma_wait3A_482 = arith.constant 0 : i32
    %dma_wait3A_483 = tpu.memref_slice %arg4[%dma_wait3A_471, %dma_wait3A_480, %dma_wait3A_481, %dma_wait3A_482] : memref<200x8x32x1024xf32, #tpu.memory_space<hbm>> -> memref<1x8x32x1024xf32, #tpu.memory_space<hbm>>
    %dma_wait3A_484 = tpu.memref_squeeze %dma_wait3A_483 : memref<1x8x32x1024xf32, #tpu.memory_space<hbm>> -> memref<8x32x1024xf32, #tpu.memory_space<hbm>>
    %dma_wait3A_485 = arith.constant 0 : i32
    %dma_wait3A_486 = arith.constant 0 : i32
    %dma_wait3A_487 = tpu.memref_slice %dma_wait3A_484[%dma_wait3A_472, %dma_wait3A_485, %dma_wait3A_486] : memref<8x32x1024xf32, #tpu.memory_space<hbm>> -> memref<1x32x1024xf32, #tpu.memory_space<hbm>>
    %dma_wait3A_488 = tpu.memref_squeeze %dma_wait3A_487 : memref<1x32x1024xf32, #tpu.memory_space<hbm>> -> memref<32x1024xf32, #tpu.memory_space<hbm>>
    %dma_wait3A_489 = arith.constant 0 : i32
    %dma_wait3A_490 = tpu.memref_slice %dma_wait3A_488[%dma_wait3A_473, %dma_wait3A_489] : memref<32x1024xf32, #tpu.memory_space<hbm>> -> memref<1x1024xf32, #tpu.memory_space<hbm>>
    %dma_wait3A_491 = tpu.memref_squeeze %dma_wait3A_490 : memref<1x1024xf32, #tpu.memory_space<hbm>> -> memref<1024xf32, #tpu.memory_space<hbm>>
    %dma_wait3A_492 = arith.constant 0 : i32
    %dma_wait3A_493 = tpu.memref_slice %arg7[%dma_wait3A_474, %dma_wait3A_492] : memref<2x8192xf32, #tpu.memory_space<vmem>> -> memref<1x8192xf32, #tpu.memory_space<vmem>>
    %dma_wait3A_494 = tpu.memref_squeeze %dma_wait3A_493 : memref<1x8192xf32, #tpu.memory_space<vmem>> -> memref<8192xf32, #tpu.memory_space<vmem>>
    %dma_wait3A_495 = arith.constant 0 : i32
    %dma_wait3A_496 = tpu.memref_slice %dma_wait3A_494[%dma_wait3A_495] : memref<8192xf32, #tpu.memory_space<vmem>> -> memref<1024xf32, #tpu.memory_space<vmem>>
    %dma_wait3A_497 = arith.constant 0 : i32
    %dma_wait3A_498 = arith.constant 0 : i32
    %dma_wait3A_499 = arith.constant 0 : i32
    %dma_wait3A_500 = tpu.memref_slice %arg4[%dma_wait3A_471, %dma_wait3A_497, %dma_wait3A_498, %dma_wait3A_499] : memref<200x8x32x1024xf32, #tpu.memory_space<hbm>> -> memref<1x8x32x1024xf32, #tpu.memory_space<hbm>>
    %dma_wait3A_501 = tpu.memref_squeeze %dma_wait3A_500 : memref<1x8x32x1024xf32, #tpu.memory_space<hbm>> -> memref<8x32x1024xf32, #tpu.memory_space<hbm>>
    %dma_wait3A_502 = arith.constant 0 : i32
    %dma_wait3A_503 = arith.constant 0 : i32
    %dma_wait3A_504 = tpu.memref_slice %dma_wait3A_501[%dma_wait3A_472, %dma_wait3A_502, %dma_wait3A_503] : memref<8x32x1024xf32, #tpu.memory_space<hbm>> -> memref<1x32x1024xf32, #tpu.memory_space<hbm>>
    %dma_wait3A_505 = tpu.memref_squeeze %dma_wait3A_504 : memref<1x32x1024xf32, #tpu.memory_space<hbm>> -> memref<32x1024xf32, #tpu.memory_space<hbm>>
    %dma_wait3A_506 = arith.constant 0 : i32
    %dma_wait3A_507 = tpu.memref_slice %dma_wait3A_505[%dma_wait3A_473, %dma_wait3A_506] : memref<32x1024xf32, #tpu.memory_space<hbm>> -> memref<1x1024xf32, #tpu.memory_space<hbm>>
    %dma_wait3A_508 = tpu.memref_squeeze %dma_wait3A_507 : memref<1x1024xf32, #tpu.memory_space<hbm>> -> memref<1024xf32, #tpu.memory_space<hbm>>
    tpu.wait_dma2 semaphore(%arg9 : memref<!tpu.dma_semaphore, #tpu.memory_space<semaphore_mem>>) src(%dma_wait3A_508 : memref<1024xf32, #tpu.memory_space<hbm>>) dst(%dma_wait3A_496 : memref<1024xf32, #tpu.memory_space<vmem>>)
    %dma_wait3A_509 = arith.constant 0 : i32
    %dma_wait3A_510 = arith.constant 0 : i32
    %dma_wait3A_511 = arith.constant 0 : i32
    %dma_wait3A_512 = arith.constant 1 : i32
    %dma_wait3A_513 = arith.constant 0 : i32
    %dma_wait3A_514 = tpu.memref_slice %arg7[%dma_wait3A_512, %dma_wait3A_513] : memref<2x8192xf32, #tpu.memory_space<vmem>> -> memref<1x8192xf32, #tpu.memory_space<vmem>>
    %dma_wait3A_515 = tpu.memref_squeeze %dma_wait3A_514 : memref<1x8192xf32, #tpu.memory_space<vmem>> -> memref<8192xf32, #tpu.memory_space<vmem>>
    %dma_wait3A_516 = arith.constant 0 : i32
    %dma_wait3A_517 = tpu.memref_slice %dma_wait3A_515[%dma_wait3A_516] : memref<8192xf32, #tpu.memory_space<vmem>> -> memref<1024xf32, #tpu.memory_space<vmem>>
    %dma_wait3A_518 = arith.constant 0 : i32
    %dma_wait3A_519 = arith.constant 0 : i32
    %dma_wait3A_520 = arith.constant 0 : i32
    %dma_wait3A_521 = tpu.memref_slice %arg4[%dma_wait3A_509, %dma_wait3A_518, %dma_wait3A_519, %dma_wait3A_520] : memref<200x8x32x1024xf32, #tpu.memory_space<hbm>> -> memref<1x8x32x1024xf32, #tpu.memory_space<hbm>>
    %dma_wait3A_522 = tpu.memref_squeeze %dma_wait3A_521 : memref<1x8x32x1024xf32, #tpu.memory_space<hbm>> -> memref<8x32x1024xf32, #tpu.memory_space<hbm>>
    %dma_wait3A_523 = arith.constant 0 : i32
    %dma_wait3A_524 = arith.constant 0 : i32
    %dma_wait3A_525 = tpu.memref_slice %dma_wait3A_522[%dma_wait3A_510, %dma_wait3A_523, %dma_wait3A_524] : memref<8x32x1024xf32, #tpu.memory_space<hbm>> -> memref<1x32x1024xf32, #tpu.memory_space<hbm>>
    %dma_wait3A_526 = tpu.memref_squeeze %dma_wait3A_525 : memref<1x32x1024xf32, #tpu.memory_space<hbm>> -> memref<32x1024xf32, #tpu.memory_space<hbm>>
    %dma_wait3A_527 = arith.constant 0 : i32
    %dma_wait3A_528 = tpu.memref_slice %dma_wait3A_526[%dma_wait3A_511, %dma_wait3A_527] : memref<32x1024xf32, #tpu.memory_space<hbm>> -> memref<1x1024xf32, #tpu.memory_space<hbm>>
    %dma_wait3A_529 = tpu.memref_squeeze %dma_wait3A_528 : memref<1x1024xf32, #tpu.memory_space<hbm>> -> memref<1024xf32, #tpu.memory_space<hbm>>
    %dma_wait3A_530 = arith.constant 0 : i32
    %dma_wait3A_531 = tpu.memref_slice %arg7[%dma_wait3A_512, %dma_wait3A_530] : memref<2x8192xf32, #tpu.memory_space<vmem>> -> memref<1x8192xf32, #tpu.memory_space<vmem>>
    %dma_wait3A_532 = tpu.memref_squeeze %dma_wait3A_531 : memref<1x8192xf32, #tpu.memory_space<vmem>> -> memref<8192xf32, #tpu.memory_space<vmem>>
    %dma_wait3A_533 = arith.constant 0 : i32
    %dma_wait3A_534 = tpu.memref_slice %dma_wait3A_532[%dma_wait3A_533] : memref<8192xf32, #tpu.memory_space<vmem>> -> memref<1024xf32, #tpu.memory_space<vmem>>
    %dma_wait3A_535 = arith.constant 0 : i32
    %dma_wait3A_536 = arith.constant 0 : i32
    %dma_wait3A_537 = arith.constant 0 : i32
    %dma_wait3A_538 = tpu.memref_slice %arg4[%dma_wait3A_509, %dma_wait3A_535, %dma_wait3A_536, %dma_wait3A_537] : memref<200x8x32x1024xf32, #tpu.memory_space<hbm>> -> memref<1x8x32x1024xf32, #tpu.memory_space<hbm>>
    %dma_wait3A_539 = tpu.memref_squeeze %dma_wait3A_538 : memref<1x8x32x1024xf32, #tpu.memory_space<hbm>> -> memref<8x32x1024xf32, #tpu.memory_space<hbm>>
    %dma_wait3A_540 = arith.constant 0 : i32
    %dma_wait3A_541 = arith.constant 0 : i32
    %dma_wait3A_542 = tpu.memref_slice %dma_wait3A_539[%dma_wait3A_510, %dma_wait3A_540, %dma_wait3A_541] : memref<8x32x1024xf32, #tpu.memory_space<hbm>> -> memref<1x32x1024xf32, #tpu.memory_space<hbm>>
    %dma_wait3A_543 = tpu.memref_squeeze %dma_wait3A_542 : memref<1x32x1024xf32, #tpu.memory_space<hbm>> -> memref<32x1024xf32, #tpu.memory_space<hbm>>
    %dma_wait3A_544 = arith.constant 0 : i32
    %dma_wait3A_545 = tpu.memref_slice %dma_wait3A_543[%dma_wait3A_511, %dma_wait3A_544] : memref<32x1024xf32, #tpu.memory_space<hbm>> -> memref<1x1024xf32, #tpu.memory_space<hbm>>
    %dma_wait3A_546 = tpu.memref_squeeze %dma_wait3A_545 : memref<1x1024xf32, #tpu.memory_space<hbm>> -> memref<1024xf32, #tpu.memory_space<hbm>>
    tpu.wait_dma2 semaphore(%arg9 : memref<!tpu.dma_semaphore, #tpu.memory_space<semaphore_mem>>) src(%dma_wait3A_546 : memref<1024xf32, #tpu.memory_space<hbm>>) dst(%dma_wait3A_534 : memref<1024xf32, #tpu.memory_space<vmem>>)
    %dma_wait3A_547 = arith.constant 0 : i32
    %dma_wait3A_548 = arith.constant 0 : i32
    %dma_wait3A_549 = arith.constant 0 : i32
    %dma_wait3A_550 = arith.constant 1 : i32
    %dma_wait3A_551 = arith.constant 0 : i32
    %dma_wait3A_552 = tpu.memref_slice %arg7[%dma_wait3A_550, %dma_wait3A_551] : memref<2x8192xf32, #tpu.memory_space<vmem>> -> memref<1x8192xf32, #tpu.memory_space<vmem>>
    %dma_wait3A_553 = tpu.memref_squeeze %dma_wait3A_552 : memref<1x8192xf32, #tpu.memory_space<vmem>> -> memref<8192xf32, #tpu.memory_space<vmem>>
    %dma_wait3A_554 = arith.constant 0 : i32
    %dma_wait3A_555 = tpu.memref_slice %dma_wait3A_553[%dma_wait3A_554] : memref<8192xf32, #tpu.memory_space<vmem>> -> memref<1024xf32, #tpu.memory_space<vmem>>
    %dma_wait3A_556 = arith.constant 0 : i32
    %dma_wait3A_557 = arith.constant 0 : i32
    %dma_wait3A_558 = arith.constant 0 : i32
    %dma_wait3A_559 = tpu.memref_slice %arg4[%dma_wait3A_547, %dma_wait3A_556, %dma_wait3A_557, %dma_wait3A_558] : memref<200x8x32x1024xf32, #tpu.memory_space<hbm>> -> memref<1x8x32x1024xf32, #tpu.memory_space<hbm>>
    %dma_wait3A_560 = tpu.memref_squeeze %dma_wait3A_559 : memref<1x8x32x1024xf32, #tpu.memory_space<hbm>> -> memref<8x32x1024xf32, #tpu.memory_space<hbm>>
    %dma_wait3A_561 = arith.constant 0 : i32
    %dma_wait3A_562 = arith.constant 0 : i32
    %dma_wait3A_563 = tpu.memref_slice %dma_wait3A_560[%dma_wait3A_548, %dma_wait3A_561, %dma_wait3A_562] : memref<8x32x1024xf32, #tpu.memory_space<hbm>> -> memref<1x32x1024xf32, #tpu.memory_space<hbm>>
    %dma_wait3A_564 = tpu.memref_squeeze %dma_wait3A_563 : memref<1x32x1024xf32, #tpu.memory_space<hbm>> -> memref<32x1024xf32, #tpu.memory_space<hbm>>
    %dma_wait3A_565 = arith.constant 0 : i32
    %dma_wait3A_566 = tpu.memref_slice %dma_wait3A_564[%dma_wait3A_549, %dma_wait3A_565] : memref<32x1024xf32, #tpu.memory_space<hbm>> -> memref<1x1024xf32, #tpu.memory_space<hbm>>
    %dma_wait3A_567 = tpu.memref_squeeze %dma_wait3A_566 : memref<1x1024xf32, #tpu.memory_space<hbm>> -> memref<1024xf32, #tpu.memory_space<hbm>>
    %dma_wait3A_568 = arith.constant 0 : i32
    %dma_wait3A_569 = tpu.memref_slice %arg7[%dma_wait3A_550, %dma_wait3A_568] : memref<2x8192xf32, #tpu.memory_space<vmem>> -> memref<1x8192xf32, #tpu.memory_space<vmem>>
    %dma_wait3A_570 = tpu.memref_squeeze %dma_wait3A_569 : memref<1x8192xf32, #tpu.memory_space<vmem>> -> memref<8192xf32, #tpu.memory_space<vmem>>
    %dma_wait3A_571 = arith.constant 0 : i32
    %dma_wait3A_572 = tpu.memref_slice %dma_wait3A_570[%dma_wait3A_571] : memref<8192xf32, #tpu.memory_space<vmem>> -> memref<1024xf32, #tpu.memory_space<vmem>>
    %dma_wait3A_573 = arith.constant 0 : i32
    %dma_wait3A_574 = arith.constant 0 : i32
    %dma_wait3A_575 = arith.constant 0 : i32
    %dma_wait3A_576 = tpu.memref_slice %arg4[%dma_wait3A_547, %dma_wait3A_573, %dma_wait3A_574, %dma_wait3A_575] : memref<200x8x32x1024xf32, #tpu.memory_space<hbm>> -> memref<1x8x32x1024xf32, #tpu.memory_space<hbm>>
    %dma_wait3A_577 = tpu.memref_squeeze %dma_wait3A_576 : memref<1x8x32x1024xf32, #tpu.memory_space<hbm>> -> memref<8x32x1024xf32, #tpu.memory_space<hbm>>
    %dma_wait3A_578 = arith.constant 0 : i32
    %dma_wait3A_579 = arith.constant 0 : i32
    %dma_wait3A_580 = tpu.memref_slice %dma_wait3A_577[%dma_wait3A_548, %dma_wait3A_578, %dma_wait3A_579] : memref<8x32x1024xf32, #tpu.memory_space<hbm>> -> memref<1x32x1024xf32, #tpu.memory_space<hbm>>
    %dma_wait3A_581 = tpu.memref_squeeze %dma_wait3A_580 : memref<1x32x1024xf32, #tpu.memory_space<hbm>> -> memref<32x1024xf32, #tpu.memory_space<hbm>>
    %dma_wait3A_582 = arith.constant 0 : i32
    %dma_wait3A_583 = tpu.memref_slice %dma_wait3A_581[%dma_wait3A_549, %dma_wait3A_582] : memref<32x1024xf32, #tpu.memory_space<hbm>> -> memref<1x1024xf32, #tpu.memory_space<hbm>>
    %dma_wait3A_584 = tpu.memref_squeeze %dma_wait3A_583 : memref<1x1024xf32, #tpu.memory_space<hbm>> -> memref<1024xf32, #tpu.memory_space<hbm>>
    tpu.wait_dma2 semaphore(%arg9 : memref<!tpu.dma_semaphore, #tpu.memory_space<semaphore_mem>>) src(%dma_wait3A_584 : memref<1024xf32, #tpu.memory_space<hbm>>) dst(%dma_wait3A_572 : memref<1024xf32, #tpu.memory_space<vmem>>)
    %dma_wait3A_585 = arith.constant 0 : i32
    %dma_wait3A_586 = arith.constant 0 : i32
    %dma_wait3A_587 = arith.constant 0 : i32
    %dma_wait3A_588 = arith.constant 1 : i32
    %dma_wait3A_589 = arith.constant 0 : i32
    %dma_wait3A_590 = tpu.memref_slice %arg7[%dma_wait3A_588, %dma_wait3A_589] : memref<2x8192xf32, #tpu.memory_space<vmem>> -> memref<1x8192xf32, #tpu.memory_space<vmem>>
    %dma_wait3A_591 = tpu.memref_squeeze %dma_wait3A_590 : memref<1x8192xf32, #tpu.memory_space<vmem>> -> memref<8192xf32, #tpu.memory_space<vmem>>
    %dma_wait3A_592 = arith.constant 0 : i32
    %dma_wait3A_593 = tpu.memref_slice %dma_wait3A_591[%dma_wait3A_592] : memref<8192xf32, #tpu.memory_space<vmem>> -> memref<1024xf32, #tpu.memory_space<vmem>>
    %dma_wait3A_594 = arith.constant 0 : i32
    %dma_wait3A_595 = arith.constant 0 : i32
    %dma_wait3A_596 = arith.constant 0 : i32
    %dma_wait3A_597 = tpu.memref_slice %arg4[%dma_wait3A_585, %dma_wait3A_594, %dma_wait3A_595, %dma_wait3A_596] : memref<200x8x32x1024xf32, #tpu.memory_space<hbm>> -> memref<1x8x32x1024xf32, #tpu.memory_space<hbm>>
    %dma_wait3A_598 = tpu.memref_squeeze %dma_wait3A_597 : memref<1x8x32x1024xf32, #tpu.memory_space<hbm>> -> memref<8x32x1024xf32, #tpu.memory_space<hbm>>
    %dma_wait3A_599 = arith.constant 0 : i32
    %dma_wait3A_600 = arith.constant 0 : i32
    %dma_wait3A_601 = tpu.memref_slice %dma_wait3A_598[%dma_wait3A_586, %dma_wait3A_599, %dma_wait3A_600] : memref<8x32x1024xf32, #tpu.memory_space<hbm>> -> memref<1x32x1024xf32, #tpu.memory_space<hbm>>
    %dma_wait3A_602 = tpu.memref_squeeze %dma_wait3A_601 : memref<1x32x1024xf32, #tpu.memory_space<hbm>> -> memref<32x1024xf32, #tpu.memory_space<hbm>>
    %dma_wait3A_603 = arith.constant 0 : i32
    %dma_wait3A_604 = tpu.memref_slice %dma_wait3A_602[%dma_wait3A_587, %dma_wait3A_603] : memref<32x1024xf32, #tpu.memory_space<hbm>> -> memref<1x1024xf32, #tpu.memory_space<hbm>>
    %dma_wait3A_605 = tpu.memref_squeeze %dma_wait3A_604 : memref<1x1024xf32, #tpu.memory_space<hbm>> -> memref<1024xf32, #tpu.memory_space<hbm>>
    %dma_wait3A_606 = arith.constant 0 : i32
    %dma_wait3A_607 = tpu.memref_slice %arg7[%dma_wait3A_588, %dma_wait3A_606] : memref<2x8192xf32, #tpu.memory_space<vmem>> -> memref<1x8192xf32, #tpu.memory_space<vmem>>
    %dma_wait3A_608 = tpu.memref_squeeze %dma_wait3A_607 : memref<1x8192xf32, #tpu.memory_space<vmem>> -> memref<8192xf32, #tpu.memory_space<vmem>>
    %dma_wait3A_609 = arith.constant 0 : i32
    %dma_wait3A_610 = tpu.memref_slice %dma_wait3A_608[%dma_wait3A_609] : memref<8192xf32, #tpu.memory_space<vmem>> -> memref<1024xf32, #tpu.memory_space<vmem>>
    %dma_wait3A_611 = arith.constant 0 : i32
    %dma_wait3A_612 = arith.constant 0 : i32
    %dma_wait3A_613 = arith.constant 0 : i32
    %dma_wait3A_614 = tpu.memref_slice %arg4[%dma_wait3A_585, %dma_wait3A_611, %dma_wait3A_612, %dma_wait3A_613] : memref<200x8x32x1024xf32, #tpu.memory_space<hbm>> -> memref<1x8x32x1024xf32, #tpu.memory_space<hbm>>
    %dma_wait3A_615 = tpu.memref_squeeze %dma_wait3A_614 : memref<1x8x32x1024xf32, #tpu.memory_space<hbm>> -> memref<8x32x1024xf32, #tpu.memory_space<hbm>>
    %dma_wait3A_616 = arith.constant 0 : i32
    %dma_wait3A_617 = arith.constant 0 : i32
    %dma_wait3A_618 = tpu.memref_slice %dma_wait3A_615[%dma_wait3A_586, %dma_wait3A_616, %dma_wait3A_617] : memref<8x32x1024xf32, #tpu.memory_space<hbm>> -> memref<1x32x1024xf32, #tpu.memory_space<hbm>>
    %dma_wait3A_619 = tpu.memref_squeeze %dma_wait3A_618 : memref<1x32x1024xf32, #tpu.memory_space<hbm>> -> memref<32x1024xf32, #tpu.memory_space<hbm>>
    %dma_wait3A_620 = arith.constant 0 : i32
    %dma_wait3A_621 = tpu.memref_slice %dma_wait3A_619[%dma_wait3A_587, %dma_wait3A_620] : memref<32x1024xf32, #tpu.memory_space<hbm>> -> memref<1x1024xf32, #tpu.memory_space<hbm>>
    %dma_wait3A_622 = tpu.memref_squeeze %dma_wait3A_621 : memref<1x1024xf32, #tpu.memory_space<hbm>> -> memref<1024xf32, #tpu.memory_space<hbm>>
    tpu.wait_dma2 semaphore(%arg9 : memref<!tpu.dma_semaphore, #tpu.memory_space<semaphore_mem>>) src(%dma_wait3A_622 : memref<1024xf32, #tpu.memory_space<hbm>>) dst(%dma_wait3A_610 : memref<1024xf32, #tpu.memory_space<vmem>>)
    return
  }
}

</mosaic_0001>

<sc_bundles>
// kernel: kernel.3.cloned.1.call-start
scs
__scs_entry_jumppad:
0x0: {  	(pc) =	sbr.rel $0x88, $3  }
0x1: {  	(tag) =	ssettag $0x0;
	lr =	simm.s32 $0x1  }
0x2: {  	[smem:$0x3F9F] =	sst lr;
	_ =	strace $0xD0000000  }
0x3: {  	_ = 	snop  }
0x4: {  	_ = 	snop  }
0x5: {  	_ = 	snop  }
0x6: {  	_ = 	snop  }
0x7: {  	_ = 	snop  }
__scs_overlays_trampoline_lowered:
0x8: {  	[smem:$0x3FAE] =	sst s0  }
0x9: {  	[smem:$0x3FAF] =	sst s1  }
0xa: {  	[smem:$0x3FB0] =	sst s2  }
0xb: {  	[smem:$0x3FB1] =	sst s3  }
0xc: {  	[smem:$0x3FB2] =	sst s4  }
0xd: {  	[smem:$0x3FB3] =	sst s5  }
0xe: {  	[smem:$0x3FB4] =	sst s6  }
0xf: {  	[smem:$0x3FB5] =	sst s7  }
0x10: {  	[smem:$0x3FB6] =	sst s8  }
0x11: {  	[smem:$0x3FB7] =	sst s9;
	s0 =	simm.s32 @!p0 $0x0  }
0x12: {  	s1 =	sld [smem:$0x3F9D];
	s0 =	simm.s32 @p0 $0x1  }
0x13: {  	[smem:$0x3FB8] =	sst s0;
	s0 =	simm.s32 @!p1 $0x0  }
0x14: {  	s2 =	sld [smem:$0x3F9C];
	s0 =	simm.s32 @p1 $0x1  }
0x15: {  	[smem:$0x3FB9] =	sst s0;
	s0 =	simm.s32 @!p2 $0x0  }
0x16: {  	s3 =	sld [smem:$0x3FDB];
	s0 =	simm.s32 @p2 $0x1  }
0x17: {  	s4 =	simm.s32 $0x1BF5;
	[smem:$0x3FBB] =	sst s0  }
0x18: {  	s0 =	sld [smem:$0x3F9E];
	_ =	swait.ge [sflag:s4], $0x0  }
0x19: {  	s7 =	sld [smem:$0x3F9F]  }
0x1a: {  	s8 =	sadd.s32 $0xFFFFE003, lr  }
0x1b: {  	s9 =	sadd.s32 $0xFFFFFEF7, lr;
	s5 =	simm.s32 $0xFFFFFFFF;
	p2 =	slt.u32 s8, $0xFFFFF086  }
0x1c: {  	p1 =	slt.u32 s9, $0xF7A;
	s5 =	simm.s32 @!p2 $0x0  }
0x1d: {  	s5 =	simm.s32 @p1 $0x1;
	p0 =	seq.s32 s7, s2  }
0x1e: {  	s7 =	smul.u32 @!p0 $0xF7A, s2;
	p2 =	seq.s32 @!p0 s5, $0x0  }
0x1f: {  	s9 =	smul.u32 $0xF7A, s1;
	s8 =	simm.s32 @!p0 $0x1BF5;
	p2 =	por !p2, p0  }
0x20: {  	[sflag:s8] =	ssyncset.s32 @!p0 $0xFFFFF086;
	s6 =	sadd.s32 @!p0 s3, s7;
	s7 =	simm.s32 @!p0 $0x108  }
0x21: {  	s3 =	sadd.s32 s3, s9;
	s6 =	sadd.s32 @!p0 $0x88, s6;
	s7 =	simm.s32 @p2 $0x1082  }
0x22: {  	[simem:s7], [sflag:s8] =	dma.local @!p0 [hbm:s6], $0xF7A  }
0x23: {  	s9 =	sor.u32 $0xD0000000, s2;
	s6 =	simm.s32 $0x108;
	_ =	swait.ge @!p0 [sflag:s8], $0x0  }
0x24: {  	s3 =	sadd.s32 $0x88, s3;
	s6 =	simm.s32 @!p1 $0x1082;
	[sflag:s4] =	ssyncset.s32 $0xFFFFF086  }
0x25: {  	[simem:s6], [sflag:s4] =	dma.local [hbm:s3], $0xF7A  }
0x26: {  	[smem:$0x3F9F] =	sst s1;
	(tag) =	ssettag s2;
	_ =	strace s9  }
0x27: {  	s1 =	sld [smem:$0x3FAF]  }
0x28: {  	s2 =	sld [smem:$0x3FB0]  }
0x29: {  	s4 =	sld [smem:$0x3FB2]  }
0x2a: {  	p0 =	seq.s32 s5, $0x0;
	s5 =	sld [smem:$0x3FB3]  }
0x2b: {  	s6 =	sld [smem:$0x3FB4]  }
0x2c: {  	s7 =	sld [smem:$0x3FB5]  }
0x2d: {  	s3 =	simm.s32 $0x108;
	s8 =	sld [smem:$0x3FB6]  }
0x2e: {  	s3 =	simm.s32 @!p0 $0x1082;
	s9 =	sld [smem:$0x3FB7]  }
0x2f: {  	lr =	sadd.s32 s0, s3;
	s0 =	sld [smem:$0x3FAE]  }
0x30: {  	s3 =	sld [smem:$0x3FB1]  }
0x31: {  	[smem:$0x3FBA] =	sst s10  }
0x32: {  	s10 =	sld [smem:$0x3FB8];
	_ =	sdelay $0x3  }
0x33: {  	p0 =	seq.s32 s10, $0x1;
	s10 =	sld [smem:$0x3FBA];
	_ =	sdelay $0x3  }
0x34: {  	[smem:$0x3FBA] =	sst s10  }
0x35: {  	s10 =	sld [smem:$0x3FB9];
	_ =	sdelay $0x3  }
0x36: {  	p1 =	seq.s32 s10, $0x1;
	s10 =	sld [smem:$0x3FBA];
	_ =	sdelay $0x3  }
0x37: {  	[smem:$0x3FBA] =	sst s10  }
0x38: {  	s10 =	sld [smem:$0x3FBB]  }
0x39: {  	_ = 	snop;
	(pc) =	sbr.ind lr, $3  }
0x3a: {  	_ = 	snop  }
0x3b: {  	_ = 	snop  }
0x3c: {  	p2 =	seq.s32 s10, $0x1;
	s10 =	sld [smem:$0x3FBA]  }
0x3d: {  	_ =	shalt  }
0x3e: {  	_ =	shalt  }
0x3f: {  	_ =	shalt  }
0x40: {  	_ =	shalt  }
0x41: {  	_ =	shalt  }
0x42: {  	_ =	shalt  }
0x43: {  	_ =	shalt  }
0x44: {  	_ =	shalt  }
0x45: {  	_ =	shalt  }
0x46: {  	_ =	shalt  }
0x47: {  	_ =	shalt  }
0x48: {  	_ =	shalt  }
0x49: {  	_ =	shalt  }
0x4a: {  	_ =	shalt  }
0x4b: {  	_ =	shalt  }
0x4c: {  	_ =	shalt  }
0x4d: {  	_ =	shalt  }
0x4e: {  	_ =	shalt  }
0x4f: {  	_ =	shalt  }
0x50: {  	_ =	shalt  }
0x51: {  	_ =	shalt  }
0x52: {  	_ =	shalt  }
0x53: {  	_ =	shalt  }
0x54: {  	_ =	shalt  }
0x55: {  	_ =	shalt  }
0x56: {  	_ =	shalt  }
0x57: {  	_ =	shalt  }
0x58: {  	_ =	shalt  }
0x59: {  	_ =	shalt  }
0x5a: {  	_ =	shalt  }
0x5b: {  	_ =	shalt  }
0x5c: {  	_ =	shalt  }
0x5d: {  	_ =	shalt  }
0x5e: {  	_ =	shalt  }
0x5f: {  	_ =	shalt  }
0x60: {  	_ =	shalt  }
0x61: {  	_ =	shalt  }
0x62: {  	_ =	shalt  }
0x63: {  	_ =	shalt  }
0x64: {  	_ =	shalt  }
0x65: {  	_ =	shalt  }
0x66: {  	_ =	shalt  }
0x67: {  	_ =	shalt  }
0x68: {  	_ =	shalt  }
0x69: {  	_ =	shalt  }
0x6a: {  	_ =	shalt  }
0x6b: {  	_ =	shalt  }
0x6c: {  	_ =	shalt  }
0x6d: {  	_ =	shalt  }
0x6e: {  	_ =	shalt  }
0x6f: {  	_ =	shalt  }
0x70: {  	_ =	shalt  }
0x71: {  	_ =	shalt  }
0x72: {  	_ =	shalt  }
0x73: {  	_ =	shalt  }
0x74: {  	_ =	shalt  }
0x75: {  	_ =	shalt  }
0x76: {  	_ =	shalt  }
0x77: {  	_ =	shalt  }
0x78: {  	_ =	shalt  }
0x79: {  	_ =	shalt  }
0x7a: {  	_ =	shalt  }
0x7b: {  	_ =	shalt  }
0x7c: {  	_ =	shalt  }
0x7d: {  	_ =	shalt  }
0x7e: {  	_ =	shalt  }
0x7f: {  	_ =	shalt  }
0x80: {  	_ =	shalt  }
0x81: {  	_ =	shalt  }
0x82: {  	_ =	shalt  }
0x83: {  	_ =	shalt  }
0x84: {  	_ =	shalt  }
0x85: {  	_ =	shalt  }
0x86: {  	_ =	shalt  }
0x87: {  	_ =	shalt  }
.Lfunc_end0:
.L_simem_size_0:
called_computation_lowered:
.L_overlay_start_0:
0x88: {  	s2 =	sld [smem:$0x3FD9]  }
0x89: {  	s3 =	sld [smem:$0x3FFE];
	_ =	sdelay $0x1  }
0x8a: {  	s1 =	srdreg.scid  }
0x8b: {  	s0 =	sand.u32 $0x1, s1  }
0x8c: {  	s17 =	sshll.u32 s0, $0xA;
	s2 =	sadd.s32 s3, s2  }
0x8d: {  	s2 =	sadd.s32 s2, s17  }
0x8e: {  	[smem:$0x3FC6] =	sst s2  }
0x8f: {  	_ = 	snop  }
0x90: {  	s2 =	sld [smem:$0x3FD0];
	(tm) =	ssettm $0x1  }
0x91: {  	s18 =	sld [smem:$0x3FFB];
	_ =	sdelay $0x3  }
0x92: {  	_ =	strace s18  }
0x93: {  	s3 =	sld [smem:$0x3FFC];
	_ =	sdelay $0x3  }
0x94: {  	_ =	strace s3  }
0x95: {  	s3 =	sld [smem:$0x3FFD];
	_ =	sdelay $0x3  }
0x96: {  	_ =	strace s3  }
0x97: {  	_ =	strace $0x8FFFFFFF  }
0x98: {  	s19 =	sld [smem:$0x3FDB];
	_ =	sdelay $0x1  }
0x99: {  	s4 =	simm.s32 $_scs_section_size  }
0x9a: {  	s5 =	simm.s32 $_size__tile_overlayer_lowered;
	s6 =	simm.s32 $_tile_overlayer_lowered  }
0x9b: {  	s22 =	simm.s32 $0x1BFF;
	s21 =	sshll.u32 s6, $0x1;
	s3 =	sadd.s32 s4, s19  }
0x9c: {  	s7 =	simm.s32 $0x0;
	s20 =	sshll.u32 s5, $0x1;
	s5 =	sadd.s32 s21, s3  }
0x9d: {  	[timem:s7], [sflag:s22] =	dma.local [hbm:s5], s20  }
0x9e: {  	_ =	swait.ge [sflag:s22], s20  }
0x9f: {  	s4 =	ssub.s32 $0x0, s20;
	[sflag:s22] =	ssyncset.done $0x0  }
0xa0: {  	[sflag:s22] =	ssyncadd.s32 s4;
	_ =	sdelay $0x1  }
0xa1: {  	s23 =	simm.s32 $0x1B8B  }
0xa2: {  	_ =	swait.ge [sflag:s23], $0x1  }
0xa3: {  	[sflag:s23] =	ssyncset.done $0x0  }
0xa4: {  	s25 =	simm.s32 $0x1B8E;
	s24 =	sld [smem:$0x3FFE];
	[sflag:s23] =	ssyncadd.s32 $0xFFFFFFFF  }
0xa5: {  	s26 =	simm.s32 $execute0_lowered;
	[smem:$0x3FD2] =	sst s25  }
0xa6: {  	s5 =	sshll.u32 s26, $0x1;
	_ =	strace $0x80000046;
	[dreg:$0x1] =	wrdreg $0xFFFFFFFF  }
0xa7: {  	s28 =	simm.s32 $_size_execute0_lowered;
	s3 =	sadd.s32 s3, s5;
	[dreg:$0x0] =	wrdreg $0x0  }
0xa8: {  	s5 =	sshll.u32 s28, $0x1;
	[dreg:$0x2] =	wrdreg s3  }
0xa9: {  	[dreg:$0x3] =	wrdreg s5  }
0xaa: {  	[dreg:$0x4] =	wrdreg $0xC0  }
0xab: {  	_ =	task [dreg:s7], $0x5FFFF  }
0xac: {  	[dreg:$0x1] =	wrdreg $0xFFFFFFFF  }
0xad: {  	[dreg:$0x0] =	wrdreg $0x60  }
0xae: {  	[dreg:$0x2] =	wrdreg s24  }
0xaf: {  	[dreg:$0x3] =	wrdreg s2  }
0xb0: {  	[dreg:$0x4] =	wrdreg $0x9  }
0xb1: {  	_ =	task.clear_ibuf [dreg:s7], $0x5FFFF;
	_ =	strace $0x90000046  }
0xb2: {  	s29 =	simm.s32 $0x9;
	_ =	strace $0x80000048  }
0xb3: {  	_ =	swait.ge [sflag:s29], $0x1  }
0xb4: {  	[sflag:s29] =	ssyncadd.s32 $0xFFFFFFFF  }
0xb5: {  	_ =	strace $0x90000048  }
0xb6: {  	_ =	sfence  }
0xb7: {  	s30 =	sld [smem:$0x0];
	_ =	sdelay $0x2  }
0xb8: {  	s31 =	sshll.u32 s1, $0xD;
	s1 =	sshrl.u32 s1, $0x2  }
0xb9: {  	s3 =	sand.u32 $0x4000, s31;
	s1 =	sadd.s32 s1, s30  }
0xba: {  	s0 =	sor.u32 s3, s0;
	s1 =	sshll.u32 s1, $0x11  }
0xbb: {  	s0 =	sor.u32 s1, s0  }
0xbc: {  	s0 =	sadd.s32 $0x8F2B, s0  }
0xbd: {  	[sflag:s0] =	ssyncadd.remote.s32 $0x1  }
0xbe: {  	_ =	sfence.sel $0xFFFF  }
0xbf: {  	[dreg:$0x0] =	wrdreg $0xFFFFFFFF;
	(pc) =	sbr.abs _section_cstart, $3  }
0xc0: {  	[dreg:$0x1] =	wrdreg $0xFFFFFFFF  }
0xc1: {  	_ =	task.clear_ibuf [dreg:s7], $0x2FFFF;
	_ =	strace $0x9FFFFFFF  }
0xc2: {  	(tm) =	ssettm $0x7FFFFFFF  }
0xc3: {  	_ =	shalt  }
tec
execute0_lowered:
.L_overlay_start_1:
0x0: {  	(tag) =	ssettag $0x1  }
0x1: {  	s0 =	rddreg [dreg:$0x0];
	s1 =	srdreg.scid  }
0x2: {  	s3 =	stileid.u32;
	s2 =	rddreg [dreg:$0x1];
	s9 =	simm.s32 $0x6C00  }
0x3: {  	s10 =	simm.s32 $0x7000;
	s11 =	simm.s32 $0x7400;
	s12 =	simm.s32 $0x7800  }
0x4: {  	s13 =	simm.s32 $0x7C00;
	s14 =	simm.s32 $0x8000;
	s15 =	simm.s32 $0x8400  }
0x5: {  	s16 =	simm.s32 $0x8800;
	s17 =	simm.s32 $0x8C00;
	s18 =	simm.s32 $0x9000  }
0x6: {  	s19 =	simm.s32 $0x9400;
	s20 =	simm.s32 $0x9800;
	s21 =	simm.s32 $0x9C00  }
0x7: {  	s22 =	simm.s32 $0xA000;
	s1 =	sand.u32 $0x1, s1;
	s4 =	sshll.u32 s3, $0x1  }
0x8: {  	s23 =	simm.s32 $0xA400;
	s3 =	simm.s32 $0x0;
	s4 =	sor.u32 s1, s4  }
0x9: {  	s24 =	simm.s32 $0xA800;
	[smem:$0x7FF] =	sst s3;
	s5 =	smul.u32 $0xC80, s4  }
0xa: {  	s25 =	simm.s32 $0x1;
	s1 =	ssub.s32 $0x2, s1;
	_ =	strace $0x80000047  }
0xb: {  	s30 =	sshrl.u32 s1, $0x1;
	s6 =	sadd.s32 s5, s0;
	s0 =	sadd.s32 $0x400, s0  }
0xc: {  	[dreg:$0x3] =	wrdreg s0;
	s0 =	ssub.s32 s1, s30;
	s31 =	sadd.s32 $0x600, s6  }
0xd: {  	s26 =	simm.s32 $0x2;
	[dreg:$0x4] =	wrdreg s31;
	s0 =	smax.u32 s0, $0x1  }
0xe: {  	s28 =	simm.s32 $0x0;
	s5 =	smul.u32 $0xC8, s4;
	[dreg:$0x5] =	wrdreg s0  }
.LBB2_1:
0xf: {  	s0 =	rddreg [dreg:$0x3];
	s1 =	simm.s32 $0x3  }
0x10: {  	[tilespmem:s3], [sflag:$0x3] =	stream.linear.gather [hbm4b:s0+s3], $0x800, $0x38;
	[tilespmem:$0xAC00] =	vst v63  }
0x11: {  	_ =	swait.ge [sflag:s1], $0x800  }
0x12: {  	[sflag:s1] =	ssyncset.done $0x0  }
0x13: {  	s29 =	simm.s32 $0x800;
	s8 =	rddreg [dreg:$0x4];
	[sflag:s1] =	ssyncadd.s32 $0xFFFFF800  }
0x14: {  	[tilespmem:s29], [sflag:$0x3] =	stream.linear.gather [hbm4b:s8+s3], $0x6400, $0x38;
	[tilespmem:$0xAC00] =	vst v63  }
0x15: {  	_ =	swait.ge [sflag:s1], $0x6400  }
0x16: {  	[sflag:s1] =	ssyncset.done $0x0  }
0x17: {  	s30 =	simm.s32 $0x880;
	s31 =	simm.s32 $0x0;
	[sflag:s1] =	ssyncadd.s32 $0xFFFF9C00  }
.LBB2_2:
0x18: {  	p0 =	seq.s32 s31, $0x0  }
0x19: {  	s0 =	simm.s32 @!p0 $0x1  }
0x1a: {  	_ =	swait.ge @!p0 [sflag:s0], $0x400  }
0x1b: {  	[sflag:s0] =	ssyncset.done @!p0 $0x0  }
0x1c: {  	[sflag:s0] =	ssyncadd.s32 @!p0 $0xFFFFFC00  }
0x1d: {  	_ =	swait.ge @!p0 [sflag:s0], $0x400  }
0x1e: {  	[sflag:s0] =	ssyncset.done @!p0 $0x0  }
0x1f: {  	[sflag:s0] =	ssyncadd.s32 @!p0 $0xFFFFFC00  }
0x20: {  	_ =	swait.ge @!p0 [sflag:s0], $0x400  }
0x21: {  	[sflag:s0] =	ssyncset.done @!p0 $0x0  }
0x22: {  	[sflag:s0] =	ssyncadd.s32 @!p0 $0xFFFFFC00  }
0x23: {  	_ =	swait.ge @!p0 [sflag:s0], $0x400  }
0x24: {  	[sflag:s0] =	ssyncset.done @!p0 $0x0  }
0x25: {  	[sflag:s0] =	ssyncadd.s32 @!p0 $0xFFFFFC00  }
0x26: {  	_ =	swait.ge @!p0 [sflag:s0], $0x400  }
0x27: {  	[sflag:s0] =	ssyncset.done @!p0 $0x0  }
0x28: {  	[sflag:s0] =	ssyncadd.s32 @!p0 $0xFFFFFC00  }
0x29: {  	_ =	swait.ge @!p0 [sflag:s0], $0x400  }
0x2a: {  	[sflag:s0] =	ssyncset.done @!p0 $0x0  }
0x2b: {  	[sflag:s0] =	ssyncadd.s32 @!p0 $0xFFFFFC00  }
0x2c: {  	_ =	swait.ge @!p0 [sflag:s0], $0x400  }
0x2d: {  	[sflag:s0] =	ssyncset.done @!p0 $0x0  }
0x2e: {  	[sflag:s0] =	ssyncadd.s32 @!p0 $0xFFFFFC00  }
0x2f: {  	_ =	swait.ge @!p0 [sflag:s0], $0x400  }
0x30: {  	[sflag:s0] =	ssyncset.done @!p0 $0x0  }
0x31: {  	[sflag:s0] =	ssyncadd.s32 @!p0 $0xFFFFFC00  }
0x32: {  	v1 =	vld [tilespmem:s29+$0x0];
	_ =	sdelay $0x4  }
0x33: {  	v0 =	vadd.s32 $0x600, v1  }
0x34: {  	v2 =	vadd.s32 $0x200, v1  }
0x35: {  	v3 =	vadd.s32 $0x400, v1;
	_ =	sdelay $0x2  }
0x36: {  	v0 =	vld.idx.msk [tilespmem:v0+s3+$0x0], $0xffff  }
0x37: {  	v4 =	vadd.s32 $0x620, v1;
	v2 =	vld.idx.msk [tilespmem:v2+s3+$0x0], $0xffff  }
0x38: {  	v5 =	vadd.s32 $0x220, v1;
	v3 =	vld.idx.msk [tilespmem:v3+s3+$0x0], $0xffff  }
0x39: {  	v6 =	vadd.s32 $0x420, v1  }
0x3a: {  	s0 =	simm.s32 $0x7C00;
	v7 =	vld.idx.msk [tilespmem:v1+s3+$0x0], $0xffff  }
0x3b: {  	[tilespmem:s0+$0x800] =	vst v0;
	v0 =	vadd.s32 $0x20, v1  }
0x3c: {  	[tilespmem:s0+$0xFFFFF800] =	vst v2;
	v4 =	vld.idx.msk [tilespmem:v4+s3+$0x0], $0xffff  }
0x3d: {  	v2 =	vadd.s32 $0x640, v1;
	[tilespmem:s0+$0x0] =	vst v3;
	v5 =	vld.idx.msk [tilespmem:v5+s3+$0x0], $0xffff  }
0x3e: {  	v3 =	vadd.s32 $0x240, v1;
	v6 =	vld.idx.msk [tilespmem:v6+s3+$0x0], $0xffff  }
0x3f: {  	v8 =	vadd.s32 $0x440, v1;
	[tilespmem:s0+$0xFFFFF000] =	vst v7  }
0x40: {  	v0 =	vld.idx.msk [tilespmem:v0+s3+$0x0], $0xffff  }
0x41: {  	[tilespmem:s0+$0x880] =	vst v4;
	v4 =	vadd.s32 $0x40, v1  }
0x42: {  	[tilespmem:s0+$0xFFFFF880] =	vst v5;
	v2 =	vld.idx.msk [tilespmem:v2+s3+$0x0], $0xffff  }
0x43: {  	v5 =	vadd.s32 $0x660, v1;
	[tilespmem:s0+$0x80] =	vst v6;
	v3 =	vld.idx.msk [tilespmem:v3+s3+$0x0], $0xffff  }
0x44: {  	v6 =	vadd.s32 $0x260, v1;
	v7 =	vld.idx.msk [tilespmem:v8+s3+$0x0], $0xffff  }
0x45: {  	v8 =	vadd.s32 $0x460, v1;
	[tilespmem:s0+$0xFFFFF080] =	vst v0  }
0x46: {  	v0 =	vld.idx.msk [tilespmem:v4+s3+$0x0], $0xffff  }
0x47: {  	[tilespmem:s0+$0x900] =	vst v2;
	v2 =	vadd.s32 $0x60, v1  }
0x48: {  	[tilespmem:s0+$0xFFFFF900] =	vst v3;
	v4 =	vld.idx.msk [tilespmem:v5+s3+$0x0], $0xffff  }
0x49: {  	v3 =	vadd.s32 $0x680, v1;
	[tilespmem:s0+$0x100] =	vst v7;
	v5 =	vld.idx.msk [tilespmem:v6+s3+$0x0], $0xffff  }
0x4a: {  	v6 =	vadd.s32 $0x280, v1;
	v7 =	vld.idx.msk [tilespmem:v8+s3+$0x0], $0xffff  }
0x4b: {  	v8 =	vadd.s32 $0x480, v1;
	[tilespmem:s0+$0xFFFFF100] =	vst v0  }
0x4c: {  	v0 =	vld.idx.msk [tilespmem:v2+s3+$0x0], $0xffff  }
0x4d: {  	v2 =	vadd.s32 $0x80, v1;
	[tilespmem:s0+$0x980] =	vst v4  }
0x4e: {  	[tilespmem:s0+$0xFFFFF980] =	vst v5;
	v3 =	vld.idx.msk [tilespmem:v3+s3+$0x0], $0xffff  }
0x4f: {  	v4 =	vadd.s32 $0x6A0, v1;
	[tilespmem:s0+$0x180] =	vst v7;
	v5 =	vld.idx.msk [tilespmem:v6+s3+$0x0], $0xffff  }
0x50: {  	v6 =	vadd.s32 $0x2A0, v1;
	v7 =	vld.idx.msk [tilespmem:v8+s3+$0x0], $0xffff  }
0x51: {  	v8 =	vadd.s32 $0x4A0, v1;
	[tilespmem:s0+$0xFFFFF180] =	vst v0  }
0x52: {  	v0 =	vld.idx.msk [tilespmem:v2+s3+$0x0], $0xffff  }
0x53: {  	v2 =	vadd.s32 $0xA0, v1;
	[tilespmem:s0+$0xA00] =	vst v3  }
0x54: {  	[tilespmem:s0+$0xFFFFFA00] =	vst v5;
	v3 =	vld.idx.msk [tilespmem:v4+s3+$0x0], $0xffff  }
0x55: {  	[tilespmem:s0+$0x200] =	vst v7;
	v4 =	vadd.s32 $0x6C0, v1;
	v5 =	vld.idx.msk [tilespmem:v6+s3+$0x0], $0xffff  }
0x56: {  	v6 =	vadd.s32 $0x2C0, v1;
	v7 =	vld.idx.msk [tilespmem:v8+s3+$0x0], $0xffff  }
0x57: {  	v8 =	vadd.s32 $0x4C0, v1;
	[tilespmem:s0+$0xFFFFF200] =	vst v0  }
0x58: {  	v0 =	vld.idx.msk [tilespmem:v2+s3+$0x0], $0xffff  }
0x59: {  	v2 =	vadd.s32 $0xC0, v1;
	[tilespmem:s0+$0xA80] =	vst v3  }
0x5a: {  	[tilespmem:s0+$0xFFFFFA80] =	vst v5;
	v3 =	vld.idx.msk [tilespmem:v4+s3+$0x0], $0xffff  }
0x5b: {  	[tilespmem:s0+$0x280] =	vst v7;
	v4 =	vadd.s32 $0x6E0, v1;
	v5 =	vld.idx.msk [tilespmem:v6+s3+$0x0], $0xffff  }
0x5c: {  	v6 =	vadd.s32 $0x2E0, v1;
	v7 =	vld.idx.msk [tilespmem:v8+s3+$0x0], $0xffff  }
0x5d: {  	v8 =	vadd.s32 $0x4E0, v1;
	[tilespmem:s0+$0xFFFFF280] =	vst v0  }
0x5e: {  	s1 =	sadd.s32 $0x10, s29;
	v0 =	vld.idx.msk [tilespmem:v2+s3+$0x0], $0xffff  }
0x5f: {  	v2 =	vld [tilespmem:s1+$0x0];
	[tilespmem:s0+$0xB00] =	vst v3  }
0x60: {  	v3 =	vadd.s32 $0xE0, v1;
	[tilespmem:s0+$0xFFFFFB00] =	vst v5;
	v4 =	vld.idx.msk [tilespmem:v4+s3+$0x0], $0xffff  }
0x61: {  	[tilespmem:s0+$0x300] =	vst v7;
	v6 =	vld.idx.msk [tilespmem:v6+s3+$0x0], $0xffff  }
0x62: {  	v5 =	vadd.s32 $0x700, v1;
	v7 =	vld.idx.msk [tilespmem:v8+s3+$0x0], $0xffff  }
0x63: {  	v8 =	vadd.s32 $0x300, v1  }
0x64: {  	[tilespmem:s0+$0xFFFFF300] =	vst v0  }
0x65: {  	v0 =	vadd.s32 $0x500, v1;
	v3 =	vld.idx.msk [tilespmem:v3+s3+$0x0], $0xffff;
	[tilespmem:s0+$0xB80] =	vst v4  }
0x66: {  	v4 =	vadd.s32 $0x100, v1;
	[tilespmem:s0+$0xFFFFFB80] =	vst v6  }
0x67: {  	[tilespmem:s0+$0x380] =	vst v7;
	v7 =	vadd.s32 $0x600, v2;
	v5 =	vld.idx.msk [tilespmem:v5+s3+$0x0], $0xffff  }
0x68: {  	v9 =	vadd.s32 $0x720, v1;
	v6 =	vld.idx.msk [tilespmem:v8+s3+$0x0], $0xffff  }
0x69: {  	v8 =	vadd.s32 $0x400, v2;
	v11 =	vld.idx.msk [tilespmem:v2+s3+$0x0], $0xffff  }
0x6a: {  	v0 =	vld.idx.msk [tilespmem:v0+s3+$0x0], $0xffff;
	[tilespmem:s0+$0xFFFFF380] =	vst v3;
	v3 =	vadd.s32 $0x200, v2  }
0x6b: {  	v10 =	vadd.s32 $0x520, v1;
	v4 =	vld.idx.msk [tilespmem:v4+s3+$0x0], $0xffff  }
0x6c: {  	v7 =	vld.idx.msk [tilespmem:v7+s3+$0x0], $0xffff;
	[tilespmem:s0+$0xC00] =	vst v5;
	v5 =	vadd.s32 $0x320, v1  }
0x6d: {  	v13 =	vadd.s32 $0x120, v1;
	v9 =	vld.idx.msk [tilespmem:v9+s3+$0x0], $0xffff  }
0x6e: {  	v12 =	vadd.s32 $0x740, v1;
	[tilespmem:s0+$0xFFFFFC00] =	vst v6;
	v6 =	vld.idx.msk [tilespmem:v8+s3+$0x0], $0xffff  }
0x6f: {  	v8 =	vadd.s32 $0x620, v2;
	[tilespmem:s0+$0x400] =	vst v0;
	v3 =	vld.idx.msk [tilespmem:v3+s3+$0x0], $0xffff  }
0x70: {  	s4 =	simm.s32 $0x7C10;
	v14 =	vadd.s32 $0x220, v2;
	v10 =	vld.idx.msk [tilespmem:v10+s3+$0x0], $0xffff;
	[tilespmem:s0+$0xFFFFF400] =	vst v4  }
0x71: {  	[tilespmem:s4+$0x800] =	vst v7;
	v0 =	vld.idx.msk [tilespmem:v5+s3+$0x0], $0xffff;
	v5 =	vadd.s32 $0x420, v2  }
0x72: {  	v7 =	vld.idx.msk [tilespmem:v13+s3+$0x0], $0xffff;
	[tilespmem:s0+$0xC80] =	vst v9;
	v9 =	vadd.s32 $0x20, v2  }
0x73: {  	[tilespmem:s4+$0xFFFFF000] =	vst v11;
	v4 =	vld.idx.msk [tilespmem:v12+s3+$0x0], $0xffff;
	v12 =	vadd.s32 $0x340, v1  }
0x74: {  	[tilespmem:s4+$0xFFFFF800] =	vst v3;
	v3 =	vld.idx.msk [tilespmem:v8+s3+$0x0], $0xffff;
	v8 =	vadd.s32 $0x760, v1  }
0x75: {  	v13 =	vadd.s32 $0x540, v1;
	[tilespmem:s4+$0x0] =	vst v6;
	v14 =	vld.idx.msk [tilespmem:v14+s3+$0x0], $0xffff  }
0x76: {  	[tilespmem:s0+$0x480] =	vst v10;
	v10 =	vadd.s32 $0x140, v1;
	v5 =	vld.idx.msk [tilespmem:v5+s3+$0x0], $0xffff  }
0x77: {  	v6 =	vadd.s32 $0x640, v2;
	[tilespmem:s0+$0xFFFFFC80] =	vst v0;
	v9 =	vld.idx.msk [tilespmem:v9+s3+$0x0], $0xffff  }
0x78: {  	v11 =	vadd.s32 $0x240, v2;
	v12 =	vld.idx.msk [tilespmem:v12+s3+$0x0], $0xffff;
	[tilespmem:s0+$0xD00] =	vst v4  }
0x79: {  	v0 =	vadd.s32 $0x440, v2;
	[tilespmem:s0+$0xFFFFF480] =	vst v7;
	v8 =	vld.idx.msk [tilespmem:v8+s3+$0x0], $0xffff  }
0x7a: {  	v4 =	vadd.s32 $0x40, v2;
	[tilespmem:s4+$0x880] =	vst v3;
	v3 =	vld.idx.msk [tilespmem:v13+s3+$0x0], $0xffff  }
0x7b: {  	v13 =	vadd.s32 $0x780, v1;
	v10 =	vld.idx.msk [tilespmem:v10+s3+$0x0], $0xffff;
	[tilespmem:s4+$0xFFFFF880] =	vst v14  }
0x7c: {  	v6 =	vld.idx.msk [tilespmem:v6+s3+$0x0], $0xffff;
	v14 =	vadd.s32 $0x360, v1;
	[tilespmem:s4+$0x80] =	vst v5  }
0x7d: {  	v11 =	vld.idx.msk [tilespmem:v11+s3+$0x0], $0xffff;
	v5 =	vadd.s32 $0x660, v2;
	[tilespmem:s4+$0xFFFFF080] =	vst v9  }
0x7e: {  	v0 =	vld.idx.msk [tilespmem:v0+s3+$0x0], $0xffff;
	v9 =	vadd.s32 $0x260, v2;
	[tilespmem:s0+$0xFFFFFD00] =	vst v12  }
0x7f: {  	v7 =	vadd.s32 $0x460, v2;
	v4 =	vld.idx.msk [tilespmem:v4+s3+$0x0], $0xffff;
	[tilespmem:s0+$0xD80] =	vst v8  }
0x80: {  	v8 =	vadd.s32 $0x60, v2;
	[tilespmem:s0+$0x500] =	vst v3;
	v12 =	vld.idx.msk [tilespmem:v13+s3+$0x0], $0xffff  }
0x81: {  	v13 =	vadd.s32 $0x560, v1;
	[tilespmem:s4+$0x900] =	vst v6;
	v6 =	vld.idx.msk [tilespmem:v14+s3+$0x0], $0xffff  }
0x82: {  	[tilespmem:s4+$0xFFFFF900] =	vst v11;
	v5 =	vld.idx.msk [tilespmem:v5+s3+$0x0], $0xffff;
	v11 =	vadd.s32 $0x7A0, v1  }
0x83: {  	v14 =	vadd.s32 $0x160, v1;
	v9 =	vld.idx.msk [tilespmem:v9+s3+$0x0], $0xffff;
	[tilespmem:s4+$0x100] =	vst v0  }
0x84: {  	[tilespmem:s4+$0xFFFFF100] =	vst v4;
	v0 =	vld.idx.msk [tilespmem:v7+s3+$0x0], $0xffff;
	v4 =	vadd.s32 $0x680, v2  }
0x85: {  	[tilespmem:s0+$0xFFFFF500] =	vst v10;
	v7 =	vadd.s32 $0x280, v2;
	v8 =	vld.idx.msk [tilespmem:v8+s3+$0x0], $0xffff  }
0x86: {  	v3 =	vadd.s32 $0x480, v2;
	v13 =	vld.idx.msk [tilespmem:v13+s3+$0x0], $0xffff;
	[tilespmem:s0+$0xE00] =	vst v12  }
0x87: {  	v12 =	vadd.s32 $0x80, v2;
	[tilespmem:s0+$0xFFFFFD80] =	vst v6;
	v10 =	vld.idx.msk [tilespmem:v11+s3+$0x0], $0xffff  }
0x88: {  	v11 =	vadd.s32 $0x380, v1;
	[tilespmem:s4+$0x980] =	vst v5;
	v5 =	vld.idx.msk [tilespmem:v14+s3+$0x0], $0xffff  }
0x89: {  	[tilespmem:s4+$0xFFFFF980] =	vst v9;
	v9 =	vadd.s32 $0x7C0, v1;
	v4 =	vld.idx.msk [tilespmem:v4+s3+$0x0], $0xffff  }
0x8a: {  	v14 =	vadd.s32 $0x580, v1;
	v7 =	vld.idx.msk [tilespmem:v7+s3+$0x0], $0xffff;
	[tilespmem:s4+$0x180] =	vst v0  }
0x8b: {  	[tilespmem:s4+$0xFFFFF180] =	vst v8;
	v0 =	vld.idx.msk [tilespmem:v3+s3+$0x0], $0xffff;
	v3 =	vadd.s32 $0x6A0, v2  }
0x8c: {  	v8 =	vadd.s32 $0x2A0, v2;
	v12 =	vld.idx.msk [tilespmem:v12+s3+$0x0], $0xffff;
	[tilespmem:s0+$0x580] =	vst v13  }
0x8d: {  	v6 =	vadd.s32 $0x4A0, v2;
	v11 =	vld.idx.msk [tilespmem:v11+s3+$0x0], $0xffff;
	[tilespmem:s0+$0xE80] =	vst v10  }
0x8e: {  	v13 =	vadd.s32 $0x180, v1;
	[tilespmem:s0+$0xFFFFF580] =	vst v5;
	v9 =	vld.idx.msk [tilespmem:v9+s3+$0x0], $0xffff  }
0x8f: {  	v10 =	vadd.s32 $0xA0, v2;
	[tilespmem:s4+$0xA00] =	vst v4;
	v4 =	vld.idx.msk [tilespmem:v14+s3+$0x0], $0xffff  }
0x90: {  	[tilespmem:s4+$0xFFFFFA00] =	vst v7;
	v7 =	vadd.s32 $0x7E0, v1;
	v3 =	vld.idx.msk [tilespmem:v3+s3+$0x0], $0xffff  }
0x91: {  	v14 =	vadd.s32 $0x3A0, v1;
	v8 =	vld.idx.msk [tilespmem:v8+s3+$0x0], $0xffff;
	[tilespmem:s4+$0x200] =	vst v0  }
0x92: {  	[tilespmem:s4+$0xFFFFF200] =	vst v12;
	v0 =	vld.idx.msk [tilespmem:v6+s3+$0x0], $0xffff;
	v6 =	vadd.s32 $0x6C0, v2  }
0x93: {  	v12 =	vadd.s32 $0x2C0, v2;
	v13 =	vld.idx.msk [tilespmem:v13+s3+$0x0], $0xffff;
	[tilespmem:s0+$0xFFFFFE00] =	vst v11  }
0x94: {  	v5 =	vadd.s32 $0x4C0, v2;
	v10 =	vld.idx.msk [tilespmem:v10+s3+$0x0], $0xffff;
	[tilespmem:s0+$0xF00] =	vst v9  }
0x95: {  	v9 =	vadd.s32 $0xC0, v2;
	v7 =	vld.idx.msk [tilespmem:v7+s3+$0x0], $0xffff;
	[tilespmem:s4+$0xA80] =	vst v3  }
0x96: {  	v11 =	vadd.s32 $0x5A0, v1;
	v3 =	vld.idx.msk [tilespmem:v14+s3+$0x0], $0xffff;
	[tilespmem:s4+$0xFFFFFA80] =	vst v8  }
0x97: {  	v14 =	vadd.s32 $0x1A0, v1;
	v6 =	vld.idx.msk [tilespmem:v6+s3+$0x0], $0xffff;
	[tilespmem:s4+$0x280] =	vst v0  }
0x98: {  	v8 =	vld.idx.msk [tilespmem:v12+s3+$0x0], $0xffff;
	[tilespmem:s0+$0xFFFFF600] =	vst v13;
	v13 =	vadd.s32 $0x3C0, v1  }
0x99: {  	v0 =	vadd.s32 $0x6E0, v2;
	[tilespmem:s4+$0xFFFFF280] =	vst v10;
	v5 =	vld.idx.msk [tilespmem:v5+s3+$0x0], $0xffff  }
0x9a: {  	[tilespmem:s0+$0x600] =	vst v4;
	v12 =	vadd.s32 $0x2E0, v2;
	v9 =	vld.idx.msk [tilespmem:v9+s3+$0x0], $0xffff  }
0x9b: {  	v10 =	vadd.s32 $0x4E0, v2;
	v11 =	vld.idx.msk [tilespmem:v11+s3+$0x0], $0xffff;
	[tilespmem:s0+$0xFFFFFE80] =	vst v3  }
0x9c: {  	v4 =	vadd.s32 $0xE0, v2;
	[tilespmem:s4+$0xB00] =	vst v6;
	v6 =	vld.idx.msk [tilespmem:v14+s3+$0x0], $0xffff  }
0x9d: {  	[tilespmem:s4+$0xFFFFFB00] =	vst v8;
	v13 =	vld.idx.msk [tilespmem:v13+s3+$0x0], $0xffff  }
0x9e: {  	v14 =	vadd.s32 $0x5C0, v1;
	v8 =	vld.idx.msk [tilespmem:v0+s3+$0x0], $0xffff;
	[tilespmem:s4+$0x300] =	vst v5  }
0x9f: {  	v12 =	vld.idx.msk [tilespmem:v12+s3+$0x0], $0xffff;
	[tilespmem:s4+$0xFFFFF300] =	vst v9;
	v9 =	vadd.s32 $0x700, v2  }
0xa0: {  	[tilespmem:s0+$0xF80] =	vst v7;
	v5 =	vld.idx.msk [tilespmem:v10+s3+$0x0], $0xffff;
	v10 =	vadd.s32 $0x300, v2  }
0xa1: {  	s8 =	sadd.s32 $0x10, s1;
	v3 =	vadd.s32 $0x500, v2;
	[tilespmem:s0+$0x680] =	vst v11;
	v4 =	vld.idx.msk [tilespmem:v4+s3+$0x0], $0xffff  }
0xa2: {  	v11 =	vadd.s32 $0x100, v2;
	v0 =	vld [tilespmem:s8+$0x0];
	[tilespmem:s0+$0xFFFFF680] =	vst v6  }
0xa3: {  	v15 =	vadd.s32 $0x1C0, v1;
	v14 =	vld.idx.msk [tilespmem:v14+s3+$0x0], $0xffff;
	[tilespmem:s4+$0xB80] =	vst v8  }
0xa4: {  	v8 =	vadd.s32 $0x3E0, v1;
	[tilespmem:s4+$0xFFFFFB80] =	vst v12;
	v9 =	vld.idx.msk [tilespmem:v9+s3+$0x0], $0xffff  }
0xa5: {  	v12 =	vadd.s32 $0x5E0, v1;
	v10 =	vld.idx.msk [tilespmem:v10+s3+$0x0], $0xffff;
	[tilespmem:s4+$0x380] =	vst v5  }
0xa6: {  	[tilespmem:s4+$0xFFFFF380] =	vst v4;
	v3 =	vld.idx.msk [tilespmem:v3+s3+$0x0], $0xffff  }
0xa7: {  	[tilespmem:s0+$0xFFFFFF00] =	vst v13;
	v4 =	vadd.s32 $0x720, v2;
	v5 =	vld.idx.msk [tilespmem:v11+s3+$0x0], $0xffff  }
0xa8: {  	v6 =	vadd.s32 $0x600, v0;
	v11 =	vld.idx.msk [tilespmem:v15+s3+$0x0], $0xffff;
	[tilespmem:s0+$0x700] =	vst v14  }
0xa9: {  	v13 =	vadd.s32 $0x200, v0;
	v8 =	vld.idx.msk [tilespmem:v8+s3+$0x0], $0xffff;
	[tilespmem:s4+$0xC00] =	vst v9  }
0xaa: {  	v7 =	vadd.s32 $0x520, v2;
	v9 =	vld.idx.msk [tilespmem:v12+s3+$0x0], $0xffff;
	[tilespmem:s4+$0xFFFFFC00] =	vst v10  }
0xab: {  	v14 =	vadd.s32 $0x400, v0;
	v10 =	vld.idx.msk [tilespmem:v0+s3+$0x0], $0xffff;
	[tilespmem:s4+$0x400] =	vst v3  }
0xac: {  	v12 =	vadd.s32 $0x320, v2;
	v4 =	vld.idx.msk [tilespmem:v4+s3+$0x0], $0xffff;
	[tilespmem:s4+$0xFFFFF400] =	vst v5  }
0xad: {  	v15 =	vadd.s32 $0x120, v2;
	v3 =	vld.idx.msk [tilespmem:v6+s3+$0x0], $0xffff;
	[tilespmem:s0+$0xFFFFF700] =	vst v11  }
0xae: {  	v6 =	vadd.s32 $0x740, v2;
	v5 =	vld.idx.msk [tilespmem:v13+s3+$0x0], $0xffff;
	[tilespmem:s0+$0xFFFFFF80] =	vst v8  }
0xaf: {  	s6 =	simm.s32 $0x7C20;
	v13 =	vadd.s32 $0x620, v0;
	v7 =	vld.idx.msk [tilespmem:v7+s3+$0x0], $0xffff;
	[tilespmem:s0+$0x780] =	vst v9  }
0xb0: {  	v11 =	vld.idx.msk [tilespmem:v14+s3+$0x0], $0xffff;
	v14 =	vadd.s32 $0x220, v0;
	[tilespmem:s6+$0xFFFFF000] =	vst v10  }
0xb1: {  	v8 =	vld.idx.msk [tilespmem:v12+s3+$0x0], $0xffff;
	v12 =	vadd.s32 $0x420, v0;
	[tilespmem:s4+$0xC80] =	vst v4  }
0xb2: {  	v4 =	vadd.s32 $0x20, v0;
	[tilespmem:s6+$0x800] =	vst v3;
	v3 =	vld.idx.msk [tilespmem:v15+s3+$0x0], $0xffff  }
0xb3: {  	v9 =	vadd.s32 $0x340, v2;
	v6 =	vld.idx.msk [tilespmem:v6+s3+$0x0], $0xffff;
	[tilespmem:s6+$0xFFFFF800] =	vst v5  }
0xb4: {  	v15 =	vadd.s32 $0x540, v2;
	v5 =	vld.idx.msk [tilespmem:v13+s3+$0x0], $0xffff;
	[tilespmem:s4+$0x480] =	vst v7  }
0xb5: {  	v13 =	vadd.s32 $0x760, v2;
	v14 =	vld.idx.msk [tilespmem:v14+s3+$0x0], $0xffff;
	[tilespmem:s6+$0x0] =	vst v11  }
0xb6: {  	v11 =	vadd.s32 $0x640, v0;
	v10 =	vld.idx.msk [tilespmem:v12+s3+$0x0], $0xffff;
	[tilespmem:s4+$0xFFFFFC80] =	vst v8  }
0xb7: {  	v12 =	vadd.s32 $0x240, v0;
	v4 =	vld.idx.msk [tilespmem:v4+s3+$0x0], $0xffff;
	[tilespmem:s4+$0xFFFFF480] =	vst v3  }
0xb8: {  	v8 =	vadd.s32 $0x440, v0;
	v9 =	vld.idx.msk [tilespmem:v9+s3+$0x0], $0xffff;
	[tilespmem:s4+$0xD00] =	vst v6  }
0xb9: {  	v6 =	vadd.s32 $0x40, v0;
	[tilespmem:s6+$0x880] =	vst v5;
	v5 =	vld.idx.msk [tilespmem:v15+s3+$0x0], $0xffff  }
0xba: {  	v7 =	vld.idx.msk [tilespmem:v13+s3+$0x0], $0xffff;
	v13 =	vadd.s32 $0x140, v2;
	[tilespmem:s6+$0xFFFFF880] =	vst v14  }
0xbb: {  	v15 =	vadd.s32 $0x360, v2;
	v11 =	vld.idx.msk [tilespmem:v11+s3+$0x0], $0xffff;
	[tilespmem:s6+$0x80] =	vst v10  }
0xbc: {  	v14 =	vadd.s32 $0x780, v2;
	v12 =	vld.idx.msk [tilespmem:v12+s3+$0x0], $0xffff;
	[tilespmem:s6+$0xFFFFF080] =	vst v4  }
0xbd: {  	v4 =	vld.idx.msk [tilespmem:v8+s3+$0x0], $0xffff;
	v8 =	vadd.s32 $0x660, v0;
	[tilespmem:s4+$0xFFFFFD00] =	vst v9  }
0xbe: {  	v10 =	vadd.s32 $0x260, v0;
	v6 =	vld.idx.msk [tilespmem:v6+s3+$0x0], $0xffff;
	[tilespmem:s4+$0x500] =	vst v5  }
0xbf: {  	v3 =	vadd.s32 $0x460, v0;
	v13 =	vld.idx.msk [tilespmem:v13+s3+$0x0], $0xffff;
	[tilespmem:s4+$0xD80] =	vst v7  }
0xc0: {  	v7 =	vadd.s32 $0x60, v0;
	[tilespmem:s6+$0x900] =	vst v11;
	v11 =	vld.idx.msk [tilespmem:v15+s3+$0x0], $0xffff  }
0xc1: {  	v9 =	vld.idx.msk [tilespmem:v14+s3+$0x0], $0xffff;
	v14 =	vadd.s32 $0x560, v2;
	[tilespmem:s6+$0xFFFFF900] =	vst v12  }
0xc2: {  	v12 =	vadd.s32 $0x7A0, v2;
	v8 =	vld.idx.msk [tilespmem:v8+s3+$0x0], $0xffff;
	[tilespmem:s6+$0x100] =	vst v4  }
0xc3: {  	v15 =	vadd.s32 $0x160, v2;
	v10 =	vld.idx.msk [tilespmem:v10+s3+$0x0], $0xffff;
	[tilespmem:s6+$0xFFFFF100] =	vst v6  }
0xc4: {  	v4 =	vadd.s32 $0x680, v0;
	v3 =	vld.idx.msk [tilespmem:v3+s3+$0x0], $0xffff;
	[tilespmem:s4+$0xFFFFF500] =	vst v13  }
0xc5: {  	v6 =	vadd.s32 $0x280, v0;
	v7 =	vld.idx.msk [tilespmem:v7+s3+$0x0], $0xffff;
	[tilespmem:s4+$0xFFFFFD80] =	vst v11  }
0xc6: {  	v5 =	vadd.s32 $0x480, v0;
	v14 =	vld.idx.msk [tilespmem:v14+s3+$0x0], $0xffff;
	[tilespmem:s4+$0xE00] =	vst v9  }
0xc7: {  	v13 =	vadd.s32 $0x380, v2;
	v12 =	vld.idx.msk [tilespmem:v12+s3+$0x0], $0xffff;
	[tilespmem:s6+$0x980] =	vst v8  }
0xc8: {  	v9 =	vadd.s32 $0x80, v0;
	v8 =	vld.idx.msk [tilespmem:v15+s3+$0x0], $0xffff;
	[tilespmem:s6+$0xFFFFF980] =	vst v10  }
0xc9: {  	v10 =	vadd.s32 $0x7C0, v2;
	v4 =	vld.idx.msk [tilespmem:v4+s3+$0x0], $0xffff;
	[tilespmem:s6+$0x180] =	vst v3  }
0xca: {  	v15 =	vadd.s32 $0x580, v2;
	v6 =	vld.idx.msk [tilespmem:v6+s3+$0x0], $0xffff;
	[tilespmem:s6+$0xFFFFF180] =	vst v7  }
0xcb: {  	v3 =	vld.idx.msk [tilespmem:v5+s3+$0x0], $0xffff;
	v5 =	vadd.s32 $0x6A0, v0;
	[tilespmem:s4+$0x580] =	vst v14  }
0xcc: {  	v7 =	vadd.s32 $0x2A0, v0;
	v13 =	vld.idx.msk [tilespmem:v13+s3+$0x0], $0xffff;
	[tilespmem:s4+$0xE80] =	vst v12  }
0xcd: {  	v11 =	vadd.s32 $0x4A0, v0;
	v9 =	vld.idx.msk [tilespmem:v9+s3+$0x0], $0xffff;
	[tilespmem:s4+$0xFFFFF580] =	vst v8  }
0xce: {  	v14 =	vadd.s32 $0x180, v2;
	v10 =	vld.idx.msk [tilespmem:v10+s3+$0x0], $0xffff;
	[tilespmem:s6+$0xA00] =	vst v4  }
0xcf: {  	v12 =	vadd.s32 $0xA0, v0;
	v15 =	vld.idx.msk [tilespmem:v15+s3+$0x0], $0xffff;
	[tilespmem:s6+$0xFFFFFA00] =	vst v6  }
0xd0: {  	v6 =	vadd.s32 $0x3A0, v2;
	v4 =	vld.idx.msk [tilespmem:v5+s3+$0x0], $0xffff;
	[tilespmem:s6+$0x200] =	vst v3  }
0xd1: {  	v5 =	vadd.s32 $0x7E0, v2;
	v7 =	vld.idx.msk [tilespmem:v7+s3+$0x0], $0xffff;
	[tilespmem:s4+$0xFFFFFE00] =	vst v13  }
0xd2: {  	v13 =	vadd.s32 $0x5A0, v2;
	[tilespmem:s6+$0xFFFFF200] =	vst v9;
	v9 =	vld.idx.msk [tilespmem:v11+s3+$0x0], $0xffff  }
0xd3: {  	v3 =	vadd.s32 $0x6C0, v0;
	v14 =	vld.idx.msk [tilespmem:v14+s3+$0x0], $0xffff  }
0xd4: {  	v11 =	vadd.s32 $0x2C0, v0;
	v12 =	vld.idx.msk [tilespmem:v12+s3+$0x0], $0xffff;
	[tilespmem:s4+$0xF00] =	vst v10  }
0xd5: {  	v8 =	vadd.s32 $0x4C0, v0;
	[tilespmem:s4+$0x600] =	vst v15;
	v24 =	vld.idx.msk [tilespmem:v6+s3+$0x0], $0xffff  }
0xd6: {  	v17 =	vadd.s32 $0x1A0, v2;
	v5 =	vld.idx.msk [tilespmem:v5+s3+$0x0], $0xffff;
	[tilespmem:s6+$0xA80] =	vst v4  }
0xd7: {  	v10 =	vadd.s32 $0xC0, v0;
	[tilespmem:s6+$0xFFFFFA80] =	vst v7;
	v37 =	vld.idx.msk [tilespmem:v13+s3+$0x0], $0xffff  }
0xd8: {  	v39 =	vadd.s32 $0x1C0, v2;
	v25 =	vadd.s32 $0x3C0, v2;
	v6 =	vadd.s32 $0x1E0, v1;
	v7 =	vld.idx.msk [tilespmem:v3+s3+$0x0], $0xffff;
	[tilespmem:s6+$0x280] =	vst v9  }
0xd9: {  	v40 =	vadd.s32 $0x1E0, v2;
	v43 =	vadd.s32 $0x3E0, v2;
	v11 =	vld.idx.msk [tilespmem:v11+s3+$0x0], $0xffff;
	v9 =	vadd.s32 $0x6E0, v0;
	[tilespmem:s4+$0xFFFFF600] =	vst v14  }
0xda: {  	v29 =	vadd.s32 $0x5C0, v2;
	v42 =	vadd.s32 $0x5E0, v2;
	[tilespmem:s6+$0xFFFFF280] =	vst v12;
	v8 =	vld.idx.msk [tilespmem:v8+s3+$0x0], $0xffff;
	v12 =	vadd.s32 $0x2E0, v0  }
0xdb: {  	v30 =	vadd.s32 $0xE0, v0;
	v23 =	vadd.s32 $0x100, v0;
	v31 =	vadd.s32 $0x4E0, v0;
	v38 =	vld.idx.msk [tilespmem:v17+s3+$0x0], $0xffff  }
0xdc: {  	v16 =	vadd.s32 $0x120, v0;
	v28 =	vadd.s32 $0x300, v0;
	v27 =	vadd.s32 $0x500, v0;
	v26 =	vld.idx.msk [tilespmem:v10+s3+$0x0], $0xffff;
	[tilespmem:s4+$0xFFFFFE80] =	vst v24  }
0xdd: {  	v22 =	vadd.s32 $0x320, v0;
	v21 =	vadd.s32 $0x520, v0;
	v50 =	vadd.s32 $0x160, v0;
	v33 =	vld.idx.msk [tilespmem:v6+s3+$0x0], $0xffff;
	[tilespmem:s6+$0xB00] =	vst v7  }
0xde: {  	v20 =	vadd.s32 $0x340, v0;
	v19 =	vadd.s32 $0x540, v0;
	v18 =	vadd.s32 $0x560, v0;
	[tilespmem:s6+$0xFFFFFB00] =	vst v11;
	v34 =	vld.idx.msk [tilespmem:v9+s3+$0x0], $0xffff  }
0xdf: {  	v44 =	vadd.s32 $0x180, v0;
	v47 =	vadd.s32 $0x580, v0;
	v15 =	vadd.s32 $0x380, v0;
	v32 =	vld.idx.msk [tilespmem:v12+s3+$0x0], $0xffff;
	[tilespmem:s6+$0x300] =	vst v8  }
0xe0: {  	v13 =	vadd.s32 $0x5A0, v0;
	v14 =	vadd.s32 $0x140, v0;
	v17 =	vadd.s32 $0x360, v0;
	[tilespmem:s4+$0x680] =	vst v37;
	v35 =	vld.idx.msk [tilespmem:v31+s3+$0x0], $0xffff  }
0xe1: {  	v10 =	vadd.s32 $0x5C0, v0;
	v24 =	vadd.s32 $0x3E0, v0;
	v37 =	vadd.s32 $0x700, v0;
	[tilespmem:s6+$0xFFFFF300] =	vst v26;
	v31 =	vld.idx.msk [tilespmem:v29+s3+$0x0], $0xffff  }
0xe2: {  	[tilespmem:s4+$0xF80] =	vst v5;
	v11 =	vadd.s32 $0x1A0, v0;
	v7 =	vadd.s32 $0x3C0, v0;
	v12 =	vadd.s32 $0x3A0, v0;
	v36 =	vld.idx.msk [tilespmem:v30+s3+$0x0], $0xffff  }
0xe3: {  	s7 =	simm.s32 $0x8;
	s1 =	sshll.u32 s31, $0x1;
	s8 =	sadd.s32 $0x10, s8;
	v8 =	vadd.s32 $0x1E0, v0;
	[tilespmem:s4+$0xFFFFF680] =	vst v38;
	v26 =	vadd.s32 $0x1C0, v0;
	v30 =	vld.idx.msk [tilespmem:v25+s3+$0x0], $0xffff;
	v25 =	vadd.s32 $0x5E0, v0  }
.LBB2_3:
0xe4: {  	[tilespmem:$0x1FFA0] =	vst v12  }
0xe5: {  	[tilespmem:s6+$0xFFFFFB80] =	vst v32  }
0xe6: {  	[tilespmem:s6+$0x380] =	vst v35;
	v3 =	vmov v26  }
0xe7: {  	v2 =	vmov v24;
	[tilespmem:$0x1FFF0] =	vst v3  }
0xe8: {  	v1 =	vmov v25;
	[tilespmem:$0x1FF90] =	vst v2  }
0xe9: {  	v29 =	vld [tilespmem:s8+$0x0];
	[tilespmem:$0x1FF80] =	vst v1  }
0xea: {  	v28 =	vld.idx.msk [tilespmem:v28+s3+$0x0], $0xffff;
	[tilespmem:s6+$0xB80] =	vst v34  }
0xeb: {  	v27 =	vld.idx.msk [tilespmem:v27+s3+$0x0], $0xffff;
	[tilespmem:s6+$0xFFFFF380] =	vst v36  }
0xec: {  	[tilespmem:s4+$0xFFFFFF00] =	vst v30;
	v56 =	vld.idx.msk [tilespmem:v37+s3+$0x0], $0xffff  }
0xed: {  	[tilespmem:s4+$0x700] =	vst v31;
	v23 =	vld.idx.msk [tilespmem:v23+s3+$0x0], $0xffff  }
0xee: {  	v39 =	vld.idx.msk [tilespmem:v39+s3+$0x0], $0xffff;
	[tilespmem:s0+$0xFFFFF780] =	vst v33  }
0xef: {  	v57 =	vadd.s32 $0x720, v0;
	v31 =	vld.idx.msk [tilespmem:v43+s3+$0x0], $0xffff;
	[tilespmem:s6+$0xFFFFFC00] =	vst v28  }
0xf0: {  	v38 =	vadd.s32 $0x600, v29;
	v24 =	vld.idx.msk [tilespmem:v42+s3+$0x0], $0xffff;
	v1 =	vadd.s32 $0xC0, v29;
	[tilespmem:s6+$0x400] =	vst v27  }
0xf1: {  	v30 =	vadd.s32 $0x200, v29;
	[tilespmem:$0x1FFB0] =	vst v1;
	v1 =	vadd.s32 $0xE0, v29  }
0xf2: {  	v58 =	vadd.s32 $0x400, v29;
	[tilespmem:$0x1FFE0] =	vst v1  }
0xf3: {  	v1 =	vadd.s32 $0x2E0, v29;
	v46 =	vld.idx.msk [tilespmem:v29+s3+$0x0], $0xffff;
	[tilespmem:s6+$0xC00] =	vst v56  }
0xf4: {  	[tilespmem:$0x1FFC0] =	vst v1;
	v25 =	vld.idx.msk [tilespmem:v57+s3+$0x0], $0xffff  }
0xf5: {  	v53 =	vadd.s32 $0x740, v0;
	s0 =	smov.u32 s4;
	[tilespmem:s6+$0xFFFFF400] =	vst v23;
	v38 =	vld.idx.msk [tilespmem:v38+s3+$0x0], $0xffff  }
0xf6: {  	v54 =	vld.idx.msk [tilespmem:v30+s3+$0x0], $0xffff;
	[tilespmem:s0+$0xFFFFF700] =	vst v39  }
0xf7: {  	v55 =	vadd.s32 $0x620, v29;
	v39 =	vld.idx.msk [tilespmem:v58+s3+$0x0], $0xffff;
	[tilespmem:s0+$0xFFFFFF80] =	vst v31  }
0xf8: {  	v41 =	vadd.s32 $0x220, v29;
	[tilespmem:s0+$0x780] =	vst v24;
	v56 =	vld.idx.msk [tilespmem:v22+s3+$0x0], $0xffff  }
0xf9: {  	v45 =	vadd.s32 $0x420, v29;
	s4 =	smov.u32 s6;
	v57 =	vld.idx.msk [tilespmem:v21+s3+$0x0], $0xffff;
	[tilespmem:s6+$0xC80] =	vst v25;
	s6 =	sadd.s32 $0x10, s6  }
0xfa: {  	v26 =	vadd.s32 $0x20, v29;
	v25 =	vld.idx.msk [tilespmem:v53+s3+$0x0], $0xffff;
	[tilespmem:s6+$0x800] =	vst v38  }
0xfb: {  	v61 =	vld.idx.msk [tilespmem:v16+s3+$0x0], $0xffff;
	[tilespmem:s6+$0xFFFFF800] =	vst v54  }
0xfc: {  	v63 =	vadd.s32 $0x760, v0;
	[tilespmem:s6+$0x0] =	vst v39;
	v55 =	vld.idx.msk [tilespmem:v55+s3+$0x0], $0xffff  }
0xfd: {  	[tilespmem:s6+$0xFFFFF000] =	vst v46;
	v2 =	vld.idx.msk [tilespmem:v41+s3+$0x0], $0xffff  }
0xfe: {  	v31 =	vmov v10;
	v10 =	vmov v7;
	v7 =	vadd.s32 $0x640, v29;
	v6 =	vld.idx.msk [tilespmem:v45+s3+$0x0], $0xffff;
	[tilespmem:s4+$0xFFFFFC80] =	vst v56  }
0xff: {  	v9 =	vmov v8;
	v49 =	vadd.s32 $0x240, v29;
	v8 =	vld.idx.msk [tilespmem:v26+s3+$0x0], $0xffff;
	[tilespmem:s4+$0x480] =	vst v57  }
0x100: {  	v12 =	vmov v50;
	v50 =	vadd.s32 $0x440, v29;
	v56 =	vld.idx.msk [tilespmem:v20+s3+$0x0], $0xffff;
	[tilespmem:s4+$0xD00] =	vst v25  }
0x101: {  	v48 =	vadd.s32 $0x40, v29;
	v59 =	vadd.s32 $0x340, v29;
	v57 =	vld.idx.msk [tilespmem:v63+s3+$0x0], $0xffff;
	[tilespmem:s6+$0x880] =	vst v55  }
0x102: {  	v20 =	vmov v59;
	v59 =	vld.idx.msk [tilespmem:v19+s3+$0x0], $0xffff;
	[tilespmem:s6+$0xFFFFF880] =	vst v2  }
0x103: {  	[tilespmem:s6+$0x80] =	vst v6;
	v2 =	vld.idx.msk [tilespmem:v7+s3+$0x0], $0xffff;
	v7 =	vadd.s32 $0x780, v0  }
0x104: {  	v1 =	vadd.s32 $0x4E0, v29;
	[tilespmem:s6+$0xFFFFF080] =	vst v8;
	v8 =	vadd.s32 $0x660, v29;
	v49 =	vld.idx.msk [tilespmem:v49+s3+$0x0], $0xffff  }
0x105: {  	[tilespmem:$0x1FFD0] =	vst v1;
	v6 =	vld.idx.msk [tilespmem:v50+s3+$0x0], $0xffff  }
0x106: {  	v51 =	vadd.s32 $0x260, v29;
	v48 =	vld.idx.msk [tilespmem:v48+s3+$0x0], $0xffff;
	[tilespmem:s4+$0xFFFFF480] =	vst v61  }
0x107: {  	v52 =	vadd.s32 $0x460, v29;
	v63 =	vld.idx.msk [tilespmem:v14+s3+$0x0], $0xffff;
	[tilespmem:s4+$0xD80] =	vst v57  }
0x108: {  	v32 =	vmov v47;
	v47 =	vadd.s32 $0x60, v29;
	v7 =	vld.idx.msk [tilespmem:v7+s3+$0x0], $0xffff;
	[tilespmem:s6+$0x900] =	vst v2  }
0x109: {  	v58 =	vadd.s32 $0x140, v29;
	[tilespmem:s4+$0xFFFFFD00] =	vst v56;
	v57 =	vadd.s32 $0x7A0, v0;
	v8 =	vld.idx.msk [tilespmem:v8+s3+$0x0], $0xffff  }
0x10a: {  	v14 =	vmov v58;
	v58 =	vadd.s32 $0x680, v29;
	v2 =	vld.idx.msk [tilespmem:v17+s3+$0x0], $0xffff;
	[tilespmem:s6+$0xFFFFF900] =	vst v49  }
0x10b: {  	[tilespmem:s6+$0x100] =	vst v6;
	v51 =	vld.idx.msk [tilespmem:v51+s3+$0x0], $0xffff  }
0x10c: {  	[tilespmem:s6+$0xFFFFF100] =	vst v48;
	v6 =	vld.idx.msk [tilespmem:v52+s3+$0x0], $0xffff  }
0x10d: {  	v42 =	vadd.s32 $0x80, v29;
	v33 =	vmov v44;
	v44 =	vadd.s32 $0x280, v29;
	v47 =	vld.idx.msk [tilespmem:v47+s3+$0x0], $0xffff;
	[tilespmem:s4+$0xE00] =	vst v7  }
0x10e: {  	v43 =	vadd.s32 $0x480, v29;
	v36 =	vadd.s32 $0xA0, v29;
	v60 =	vadd.s32 $0x540, v29;
	v7 =	vld.idx.msk [tilespmem:v57+s3+$0x0], $0xffff;
	[tilespmem:s6+$0x980] =	vst v8  }
0x10f: {  	v37 =	vadd.s32 $0x2A0, v29;
	v34 =	vadd.s32 $0x2C0, v29;
	v19 =	vmovc v60;
	v60 =	vadd.s32 $0x7C0, v0;
	[tilespmem:s4+$0x500] =	vst v59;
	v48 =	vld.idx.msk [tilespmem:v58+s3+$0x0], $0xffff  }
0x110: {  	v35 =	vadd.s32 $0x4C0, v29;
	v62 =	vadd.s32 $0x560, v29;
	v61 =	vadd.s32 $0x6A0, v29;
	[tilespmem:s4+$0xFFFFF500] =	vst v63;
	v59 =	vld.idx.msk [tilespmem:v18+s3+$0x0], $0xffff  }
0x111: {  	v3 =	vadd.s32 $0x380, v29;
	v4 =	vadd.s32 $0x580, v29;
	v5 =	vadd.s32 $0x3A0, v29;
	v8 =	vld.idx.msk [tilespmem:v12+s3+$0x0], $0xffff;
	[tilespmem:s6+$0xFFFFF980] =	vst v51  }
0x112: {  	v28 =	vadd.s32 $0x300, v29;
	v27 =	vadd.s32 $0x500, v29;
	v1 =	vadd.s32 $0x180, v29;
	v44 =	vld.idx.msk [tilespmem:v44+s3+$0x0], $0xffff;
	[tilespmem:s4+$0xFFFFFD80] =	vst v2  }
0x113: {  	v30 =	vmovc v40;
	v40 =	vadd.s32 $0x4A0, v29;
	v23 =	vadd.s32 $0x100, v29;
	v24 =	vadd.s32 $0x120, v29;
	v2 =	vld.idx.msk [tilespmem:v15+s3+$0x0], $0xffff;
	[tilespmem:s4+$0xE80] =	vst v7  }
0x114: {  	v22 =	vadd.s32 $0x320, v29;
	v21 =	vadd.s32 $0x520, v29;
	v16 =	vmovc v24;
	v24 =	vadd.s32 $0x3E0, v29;
	v15 =	vmovc v3;
	v3 =	vld.idx.msk [tilespmem:v60+s3+$0x0], $0xffff;
	[tilespmem:s6+$0xA00] =	vst v48  }
0x115: {  	v53 =	vadd.s32 $0x160, v29;
	v18 =	vmovc v62;
	v62 =	vadd.s32 $0x7E0, v0;
	v0 =	vmovc v29;
	[tilespmem:s6+$0xFFFFF180] =	vst v47;
	v47 =	vmov v4;
	v4 =	vld.idx.msk [tilespmem:v61+s3+$0x0], $0xffff  }
0x116: {  	v54 =	vadd.s32 $0x360, v29;
	v38 =	vadd.s32 $0x3C0, v29;
	v63 =	vadd.s32 $0x6C0, v0  }
0x117: {  	v46 =	vadd.s32 $0x5A0, v29;
	v39 =	vadd.s32 $0x5C0, v29;
	v41 =	vadd.s32 $0x1A0, v29;
	[tilespmem:s6+$0xFFFFFA00] =	vst v44  }
0x118: {  	v26 =	vadd.s32 $0x1C0, v29;
	v45 =	vadd.s32 $0x1E0, v29;
	v25 =	vadd.s32 $0x5E0, v29;
	v29 =	vld.idx.msk [tilespmem:v37+s3+$0x0], $0xffff;
	[tilespmem:s4+$0xFFFFFE00] =	vst v2  }
0x119: {  	v2 =	vld [tilespmem:$0x1FFA0];
	[tilespmem:s4+$0xF00] =	vst v3  }
0x11a: {  	v44 =	vmov v1;
	v1 =	vld.idx.msk [tilespmem:v62+s3+$0x0], $0xffff;
	[tilespmem:s6+$0xA80] =	vst v4  }
0x11b: {  	v3 =	vld.idx.msk [tilespmem:v63+s3+$0x0], $0xffff;
	_ =	sdelay $0x2  }
0x11c: {  	[tilespmem:s6+$0x180] =	vst v6  }
0x11d: {  	v6 =	vld.idx.msk [tilespmem:v43+s3+$0x0], $0xffff  }
0x11e: {  	[tilespmem:s6+$0xB00] =	vst v3;
	v3 =	vld [tilespmem:$0x1FFC0]  }
0x11f: {  	v2 =	vld.idx.msk [tilespmem:v2+s3+$0x0], $0xffff;
	[tilespmem:s6+$0xFFFFFA80] =	vst v29  }
0x120: {  	v4 =	vld.idx.msk [tilespmem:v34+s3+$0x0], $0xffff  }
0x121: {  	[tilespmem:s4+$0x580] =	vst v59  }
0x122: {  	v7 =	vld.idx.msk [tilespmem:v32+s3+$0x0], $0xffff;
	[tilespmem:s6+$0x200] =	vst v6  }
0x123: {  	v6 =	vld.idx.msk [tilespmem:v40+s3+$0x0], $0xffff;
	_ =	sdelay $0x1  }
0x124: {  	v42 =	vld.idx.msk [tilespmem:v42+s3+$0x0], $0xffff;
	[tilespmem:s6+$0xFFFFFB00] =	vst v4  }
0x125: {  	v32 =	vld.idx.msk [tilespmem:v3+s3+$0x0], $0xffff  }
0x126: {  	v3 =	vld [tilespmem:$0x1FFD0]  }
0x127: {  	v43 =	vld [tilespmem:$0x1FF90];
	[tilespmem:s6+$0x280] =	vst v6  }
0x128: {  	v12 =	vmov v5;
	v5 =	vld.idx.msk [tilespmem:v35+s3+$0x0], $0xffff  }
0x129: {  	v29 =	vld [tilespmem:$0x1FFB0]  }
0x12a: {  	[tilespmem:s6+$0xFFFFF200] =	vst v42;
	v42 =	vld [tilespmem:$0x1FF80]  }
0x12b: {  	v36 =	vld.idx.msk [tilespmem:v36+s3+$0x0], $0xffff;
	[tilespmem:s4+$0xFFFFF580] =	vst v8;
	v6 =	vadd.s32 $0x6E0, v0  }
0x12c: {  	v8 =	vld.idx.msk [tilespmem:v33+s3+$0x0], $0xffff;
	[tilespmem:s4+$0x600] =	vst v7  }
0x12d: {  	v7 =	vld.idx.msk [tilespmem:v13+s3+$0x0], $0xffff;
	[tilespmem:s6+$0x300] =	vst v5  }
0x12e: {  	v35 =	vld.idx.msk [tilespmem:v3+s3+$0x0], $0xffff  }
0x12f: {  	[tilespmem:s4+$0xF80] =	vst v1;
	v3 =	vld [tilespmem:$0x1FFE0]  }
0x130: {  	[tilespmem:s6+$0xFFFFF280] =	vst v36;
	v34 =	vld.idx.msk [tilespmem:v6+s3+$0x0], $0xffff  }
0x131: {  	s7 =	sadd.s32 $0x4, s7;
	v29 =	vld.idx.msk [tilespmem:v29+s3+$0x0], $0xffff;
	[tilespmem:s4+$0xFFFFF600] =	vst v8  }
0x132: {  	p1 =	slt.u32 s7, $0x1C;
	v1 =	vld.idx.msk [tilespmem:v11+s3+$0x0], $0xffff  }
.Ltmp0:
0x133: {  	v33 =	vld.idx.msk [tilespmem:v30+s3+$0x0], $0xffff;
	[tilespmem:s4+$0xFFFFFE80] =	vst v2;
	(pc) =	sbr.rel @p1 .LBB2_3-.Ltmp0, $4  }
0x134: {  	v30 =	vld.idx.msk [tilespmem:v10+s3+$0x0], $0xffff  }
0x135: {  	v10 =	vmov v39;
	v39 =	vld [tilespmem:$0x1FFF0];
	[tilespmem:s4+$0x680] =	vst v7  }
0x136: {  	v50 =	vmov v53;
	v17 =	vmov v54;
	v40 =	vmov v9;
	[tilespmem:s6+$0xFFFFF300] =	vst v29;
	v31 =	vld.idx.msk [tilespmem:v31+s3+$0x0], $0xffff  }
0x137: {  	s8 =	sadd.s32 $0x10, s8;
	v37 =	vadd.s32 $0x700, v0;
	v13 =	vmovc v46;
	v8 =	vmovc v45;
	v11 =	vmov v41;
	v7 =	vmov v38;
	v36 =	vld.idx.msk [tilespmem:v3+s3+$0x0], $0xffff;
	[tilespmem:s4+$0xFFFFF680] =	vst v1  }
0x138: {  	_ =	sdelay $0x2  }
0x139: {  	[tilespmem:s6+$0xB80] =	vst v34  }
0x13a: {  	v1 =	vld.idx.msk [tilespmem:v37+s3+$0x0], $0xffff  }
0x13b: {  	[tilespmem:s6+$0xFFFFFB80] =	vst v32;
	v2 =	vadd.s32 $0x720, v0  }
0x13c: {  	[tilespmem:s6+$0x380] =	vst v35;
	v3 =	vld.idx.msk [tilespmem:v28+s3+$0x0], $0xffff  }
0x13d: {  	v4 =	vld.idx.msk [tilespmem:v27+s3+$0x0], $0xffff;
	[tilespmem:s6+$0xFFFFF380] =	vst v36  }
0x13e: {  	v5 =	vld.idx.msk [tilespmem:v23+s3+$0x0], $0xffff  }
0x13f: {  	[tilespmem:s6+$0xC00] =	vst v1  }
0x140: {  	v1 =	vld.idx.msk [tilespmem:v2+s3+$0x0], $0xffff  }
0x141: {  	[tilespmem:s6+$0xFFFFFC00] =	vst v3;
	v2 =	vadd.s32 $0x740, v0  }
0x142: {  	[tilespmem:s6+$0x400] =	vst v4;
	v3 =	vld.idx.msk [tilespmem:v22+s3+$0x0], $0xffff  }
0x143: {  	v4 =	vld.idx.msk [tilespmem:v21+s3+$0x0], $0xffff;
	[tilespmem:s6+$0xFFFFF400] =	vst v5  }
0x144: {  	v5 =	vld.idx.msk [tilespmem:v16+s3+$0x0], $0xffff  }
0x145: {  	[tilespmem:s6+$0xC80] =	vst v1  }
0x146: {  	v1 =	vld.idx.msk [tilespmem:v2+s3+$0x0], $0xffff  }
0x147: {  	[tilespmem:s6+$0xFFFFFC80] =	vst v3;
	v2 =	vadd.s32 $0x760, v0  }
0x148: {  	[tilespmem:s6+$0x480] =	vst v4;
	v3 =	vld.idx.msk [tilespmem:v20+s3+$0x0], $0xffff  }
0x149: {  	v4 =	vld.idx.msk [tilespmem:v19+s3+$0x0], $0xffff;
	[tilespmem:s6+$0xFFFFF480] =	vst v5  }
0x14a: {  	v5 =	vld.idx.msk [tilespmem:v14+s3+$0x0], $0xffff  }
0x14b: {  	[tilespmem:s6+$0xD00] =	vst v1  }
0x14c: {  	v1 =	vld.idx.msk [tilespmem:v2+s3+$0x0], $0xffff  }
0x14d: {  	[tilespmem:s6+$0xFFFFFD00] =	vst v3;
	v2 =	vadd.s32 $0x780, v0  }
0x14e: {  	[tilespmem:s6+$0x500] =	vst v4;
	v3 =	vld.idx.msk [tilespmem:v17+s3+$0x0], $0xffff  }
0x14f: {  	v4 =	vld.idx.msk [tilespmem:v18+s3+$0x0], $0xffff;
	[tilespmem:s6+$0xFFFFF500] =	vst v5  }
0x150: {  	v5 =	vld.idx.msk [tilespmem:v50+s3+$0x0], $0xffff  }
0x151: {  	[tilespmem:s6+$0xD80] =	vst v1  }
0x152: {  	v1 =	vld.idx.msk [tilespmem:v2+s3+$0x0], $0xffff  }
0x153: {  	[tilespmem:s6+$0xFFFFFD80] =	vst v3;
	v2 =	vadd.s32 $0x7A0, v0  }
0x154: {  	[tilespmem:s6+$0x580] =	vst v4;
	v3 =	vld.idx.msk [tilespmem:v15+s3+$0x0], $0xffff  }
0x155: {  	v4 =	vld.idx.msk [tilespmem:v47+s3+$0x0], $0xffff;
	[tilespmem:s6+$0xFFFFF580] =	vst v5  }
0x156: {  	v5 =	vld.idx.msk [tilespmem:v44+s3+$0x0], $0xffff  }
0x157: {  	[tilespmem:s6+$0xE00] =	vst v1  }
0x158: {  	[tilespmem:s0+$0xFFFFF780] =	vst v33;
	v1 =	vld.idx.msk [tilespmem:v2+s3+$0x0], $0xffff  }
0x159: {  	[tilespmem:s6+$0xFFFFFE00] =	vst v3;
	v2 =	vadd.s32 $0x7C0, v0  }
0x15a: {  	[tilespmem:s6+$0x600] =	vst v4;
	v3 =	vld.idx.msk [tilespmem:v12+s3+$0x0], $0xffff  }
0x15b: {  	v4 =	vld.idx.msk [tilespmem:v13+s3+$0x0], $0xffff;
	[tilespmem:s6+$0xFFFFF600] =	vst v5  }
0x15c: {  	[tilespmem:s4+$0xFFFFFF00] =	vst v30;
	v5 =	vld.idx.msk [tilespmem:v11+s3+$0x0], $0xffff  }
0x15d: {  	v6 =	vld.idx.msk [tilespmem:v39+s3+$0x0], $0xffff;
	[tilespmem:s6+$0xE80] =	vst v1  }
0x15e: {  	[tilespmem:s4+$0x700] =	vst v31;
	v1 =	vld.idx.msk [tilespmem:v2+s3+$0x0], $0xffff  }
0x15f: {  	[tilespmem:s6+$0xFFFFFE80] =	vst v3;
	v2 =	vld.idx.msk [tilespmem:v43+s3+$0x0], $0xffff  }
0x160: {  	v0 =	vadd.s32 $0x7E0, v0;
	[tilespmem:s6+$0x680] =	vst v4;
	v3 =	vld.idx.msk [tilespmem:v7+s3+$0x0], $0xffff  }
0x161: {  	v4 =	vld.idx.msk [tilespmem:v10+s3+$0x0], $0xffff;
	[tilespmem:s6+$0xFFFFF680] =	vst v5  }
0x162: {  	[tilespmem:s4+$0xFFFFF700] =	vst v6;
	v5 =	vld.idx.msk [tilespmem:v26+s3+$0x0], $0xffff  }
0x163: {  	v6 =	vld.idx.msk [tilespmem:v42+s3+$0x0], $0xffff;
	[tilespmem:s6+$0xF00] =	vst v1  }
0x164: {  	[tilespmem:s4+$0xFFFFFF80] =	vst v2;
	v1 =	vld.idx.msk [tilespmem:v40+s3+$0x0], $0xffff  }
0x165: {  	[tilespmem:s6+$0xFFFFFF00] =	vst v3;
	v0 =	vld.idx.msk [tilespmem:v0+s3+$0x0], $0xffff  }
0x166: {  	[tilespmem:s6+$0x700] =	vst v4;
	v2 =	vld.idx.msk [tilespmem:v24+s3+$0x0], $0xffff  }
0x167: {  	v3 =	vld.idx.msk [tilespmem:v25+s3+$0x0], $0xffff;
	[tilespmem:s6+$0xFFFFF700] =	vst v5  }
0x168: {  	[tilespmem:s4+$0x780] =	vst v6;
	v4 =	vld.idx.msk [tilespmem:v8+s3+$0x0], $0xffff  }
0x169: {  	s7 =	sadd.s32 s5, s1;
	[tilespmem:s4+$0xFFFFF780] =	vst v1  }
0x16a: {  	s8 =	sshll.u32 s7, $0xA;
	[tilespmem:s6+$0xF80] =	vst v0  }
0x16b: {  	s0 =	sshll.u32 s7, $0x7;
	s4 =	sand.u32 $0x1FFF8000, s8;
	[tilespmem:s6+$0xFFFFFF80] =	vst v2  }
0x16c: {  	s0 =	sand.u32 $0xF00, s0;
	[tilespmem:s6+$0x780] =	vst v3;
	s4 =	sadd.s32 s2, s4  }
0x16d: {  	s0 =	sadd.s32 s0, s4;
	[tilespmem:s6+$0xFFFFF780] =	vst v4  }
0x16e: {  	[hbm4b:s0+s3] =	stream.linear.scatter [tilespmem:s9], [sflag:$0x1], $0x400, $0x38;
	[tilespmem:$0xAC00] =	vst v63  }
0x16f: {  	s4 =	sadd.s32 $0x1000, s0  }
0x170: {  	[hbm4b:s4+s3] =	stream.linear.scatter [tilespmem:s10], [sflag:$0x1], $0x400, $0x38;
	[tilespmem:$0xAC00] =	vst v63  }
0x171: {  	s6 =	sadd.s32 $0x2000, s0  }
0x172: {  	[hbm4b:s6+s3] =	stream.linear.scatter [tilespmem:s11], [sflag:$0x1], $0x400, $0x38;
	[tilespmem:$0xAC00] =	vst v63  }
0x173: {  	s7 =	sadd.s32 $0x3000, s0  }
0x174: {  	[hbm4b:s7+s3] =	stream.linear.scatter [tilespmem:s12], [sflag:$0x1], $0x400, $0x38;
	[tilespmem:$0xAC00] =	vst v63  }
0x175: {  	s8 =	sadd.s32 $0x4000, s0  }
0x176: {  	[hbm4b:s8+s3] =	stream.linear.scatter [tilespmem:s13], [sflag:$0x1], $0x400, $0x38;
	[tilespmem:$0xAC00] =	vst v63  }
0x177: {  	s6 =	sadd.s32 $0x5000, s0  }
0x178: {  	[hbm4b:s6+s3] =	stream.linear.scatter [tilespmem:s14], [sflag:$0x1], $0x400, $0x38;
	[tilespmem:$0xAC00] =	vst v63  }
0x179: {  	s7 =	sadd.s32 $0x6000, s0  }
0x17a: {  	[hbm4b:s7+s3] =	stream.linear.scatter [tilespmem:s15], [sflag:$0x1], $0x400, $0x38;
	[tilespmem:$0xAC00] =	vst v63  }
0x17b: {  	s0 =	sadd.s32 $0x7000, s0  }
0x17c: {  	[hbm4b:s0+s3] =	stream.linear.scatter [tilespmem:s16], [sflag:$0x1], $0x400, $0x38;
	[tilespmem:$0xAC00] =	vst v63  }
0x17d: {  	s0 =	simm.s32 @!p0 $0x2  }
0x17e: {  	_ =	swait.ge @!p0 [sflag:s0], $0x400  }
0x17f: {  	[sflag:s0] =	ssyncset.done @!p0 $0x0  }
0x180: {  	[sflag:s0] =	ssyncadd.s32 @!p0 $0xFFFFFC00  }
0x181: {  	_ =	swait.ge @!p0 [sflag:s0], $0x400  }
0x182: {  	[sflag:s0] =	ssyncset.done @!p0 $0x0  }
0x183: {  	[sflag:s0] =	ssyncadd.s32 @!p0 $0xFFFFFC00  }
0x184: {  	_ =	swait.ge @!p0 [sflag:s0], $0x400  }
0x185: {  	[sflag:s0] =	ssyncset.done @!p0 $0x0  }
0x186: {  	[sflag:s0] =	ssyncadd.s32 @!p0 $0xFFFFFC00  }
0x187: {  	_ =	swait.ge @!p0 [sflag:s0], $0x400  }
0x188: {  	[sflag:s0] =	ssyncset.done @!p0 $0x0  }
0x189: {  	[sflag:s0] =	ssyncadd.s32 @!p0 $0xFFFFFC00  }
0x18a: {  	_ =	swait.ge @!p0 [sflag:s0], $0x400  }
0x18b: {  	[sflag:s0] =	ssyncset.done @!p0 $0x0  }
0x18c: {  	[sflag:s0] =	ssyncadd.s32 @!p0 $0xFFFFFC00  }
0x18d: {  	_ =	swait.ge @!p0 [sflag:s0], $0x400  }
0x18e: {  	[sflag:s0] =	ssyncset.done @!p0 $0x0  }
0x18f: {  	[sflag:s0] =	ssyncadd.s32 @!p0 $0xFFFFFC00  }
0x190: {  	_ =	swait.ge @!p0 [sflag:s0], $0x400  }
0x191: {  	[sflag:s0] =	ssyncset.done @!p0 $0x0  }
0x192: {  	[sflag:s0] =	ssyncadd.s32 @!p0 $0xFFFFFC00  }
0x193: {  	_ =	swait.ge @!p0 [sflag:s0], $0x400  }
0x194: {  	[sflag:s0] =	ssyncset.done @!p0 $0x0  }
0x195: {  	[sflag:s0] =	ssyncadd.s32 @!p0 $0xFFFFFC00  }
0x196: {  	v1 =	vld [tilespmem:s30+$0x0];
	_ =	sdelay $0x4  }
0x197: {  	v0 =	vadd.s32 $0x600, v1  }
0x198: {  	v2 =	vadd.s32 $0x200, v1  }
0x199: {  	v3 =	vadd.s32 $0x400, v1;
	_ =	sdelay $0x2  }
0x19a: {  	v0 =	vld.idx.msk [tilespmem:v0+s3+$0x0], $0xffff  }
0x19b: {  	v4 =	vadd.s32 $0x620, v1;
	v2 =	vld.idx.msk [tilespmem:v2+s3+$0x0], $0xffff  }
0x19c: {  	v5 =	vadd.s32 $0x220, v1;
	v3 =	vld.idx.msk [tilespmem:v3+s3+$0x0], $0xffff  }
0x19d: {  	v6 =	vadd.s32 $0x420, v1  }
0x19e: {  	s0 =	simm.s32 $0xAB80;
	v7 =	vld.idx.msk [tilespmem:v1+s3+$0x0], $0xffff  }
0x19f: {  	[tilespmem:s0+$0xFFFFF880] =	vst v0;
	v0 =	vadd.s32 $0x20, v1  }
0x1a0: {  	[tilespmem:s0+$0xFFFFE880] =	vst v2;
	v4 =	vld.idx.msk [tilespmem:v4+s3+$0x0], $0xffff  }
0x1a1: {  	v2 =	vadd.s32 $0x640, v1;
	[tilespmem:s0+$0xFFFFF080] =	vst v3;
	v5 =	vld.idx.msk [tilespmem:v5+s3+$0x0], $0xffff  }
0x1a2: {  	v3 =	vadd.s32 $0x240, v1;
	v6 =	vld.idx.msk [tilespmem:v6+s3+$0x0], $0xffff  }
0x1a3: {  	v8 =	vadd.s32 $0x440, v1;
	[tilespmem:s0+$0xFFFFE080] =	vst v7  }
0x1a4: {  	v0 =	vld.idx.msk [tilespmem:v0+s3+$0x0], $0xffff  }
0x1a5: {  	[tilespmem:s0+$0xFFFFF900] =	vst v4;
	v4 =	vadd.s32 $0x40, v1  }
0x1a6: {  	[tilespmem:s0+$0xFFFFE900] =	vst v5;
	v2 =	vld.idx.msk [tilespmem:v2+s3+$0x0], $0xffff  }
0x1a7: {  	v5 =	vadd.s32 $0x660, v1;
	[tilespmem:s0+$0xFFFFF100] =	vst v6;
	v3 =	vld.idx.msk [tilespmem:v3+s3+$0x0], $0xffff  }
0x1a8: {  	v6 =	vadd.s32 $0x260, v1;
	v7 =	vld.idx.msk [tilespmem:v8+s3+$0x0], $0xffff  }
0x1a9: {  	v8 =	vadd.s32 $0x460, v1;
	[tilespmem:s0+$0xFFFFE100] =	vst v0  }
0x1aa: {  	v0 =	vld.idx.msk [tilespmem:v4+s3+$0x0], $0xffff  }
0x1ab: {  	[tilespmem:s0+$0xFFFFF980] =	vst v2;
	v2 =	vadd.s32 $0x60, v1  }
0x1ac: {  	[tilespmem:s0+$0xFFFFE980] =	vst v3;
	v4 =	vld.idx.msk [tilespmem:v5+s3+$0x0], $0xffff  }
0x1ad: {  	v3 =	vadd.s32 $0x680, v1;
	[tilespmem:s0+$0xFFFFF180] =	vst v7;
	v5 =	vld.idx.msk [tilespmem:v6+s3+$0x0], $0xffff  }
0x1ae: {  	v6 =	vadd.s32 $0x280, v1;
	v7 =	vld.idx.msk [tilespmem:v8+s3+$0x0], $0xffff  }
0x1af: {  	v8 =	vadd.s32 $0x480, v1;
	[tilespmem:s0+$0xFFFFE180] =	vst v0  }
0x1b0: {  	v0 =	vld.idx.msk [tilespmem:v2+s3+$0x0], $0xffff  }
0x1b1: {  	v2 =	vadd.s32 $0x80, v1;
	[tilespmem:s0+$0xFFFFFA00] =	vst v4  }
0x1b2: {  	[tilespmem:s0+$0xFFFFEA00] =	vst v5;
	v3 =	vld.idx.msk [tilespmem:v3+s3+$0x0], $0xffff  }
0x1b3: {  	v4 =	vadd.s32 $0x6A0, v1;
	[tilespmem:s0+$0xFFFFF200] =	vst v7;
	v5 =	vld.idx.msk [tilespmem:v6+s3+$0x0], $0xffff  }
0x1b4: {  	v6 =	vadd.s32 $0x2A0, v1;
	v7 =	vld.idx.msk [tilespmem:v8+s3+$0x0], $0xffff  }
0x1b5: {  	v8 =	vadd.s32 $0x4A0, v1;
	[tilespmem:s0+$0xFFFFE200] =	vst v0  }
0x1b6: {  	v0 =	vld.idx.msk [tilespmem:v2+s3+$0x0], $0xffff  }
0x1b7: {  	v2 =	vadd.s32 $0xA0, v1;
	[tilespmem:s0+$0xFFFFFA80] =	vst v3  }
0x1b8: {  	[tilespmem:s0+$0xFFFFEA80] =	vst v5;
	v3 =	vld.idx.msk [tilespmem:v4+s3+$0x0], $0xffff  }
0x1b9: {  	[tilespmem:s0+$0xFFFFF280] =	vst v7;
	v4 =	vadd.s32 $0x6C0, v1;
	v5 =	vld.idx.msk [tilespmem:v6+s3+$0x0], $0xffff  }
0x1ba: {  	v6 =	vadd.s32 $0x2C0, v1;
	v7 =	vld.idx.msk [tilespmem:v8+s3+$0x0], $0xffff  }
0x1bb: {  	v8 =	vadd.s32 $0x4C0, v1;
	[tilespmem:s0+$0xFFFFE280] =	vst v0  }
0x1bc: {  	v0 =	vld.idx.msk [tilespmem:v2+s3+$0x0], $0xffff  }
0x1bd: {  	v2 =	vadd.s32 $0xC0, v1;
	[tilespmem:s0+$0xFFFFFB00] =	vst v3  }
0x1be: {  	[tilespmem:s0+$0xFFFFEB00] =	vst v5;
	v3 =	vld.idx.msk [tilespmem:v4+s3+$0x0], $0xffff  }
0x1bf: {  	[tilespmem:s0+$0xFFFFF300] =	vst v7;
	v4 =	vadd.s32 $0x6E0, v1;
	v5 =	vld.idx.msk [tilespmem:v6+s3+$0x0], $0xffff  }
0x1c0: {  	v6 =	vadd.s32 $0x2E0, v1;
	v7 =	vld.idx.msk [tilespmem:v8+s3+$0x0], $0xffff  }
0x1c1: {  	v8 =	vadd.s32 $0x4E0, v1;
	[tilespmem:s0+$0xFFFFE300] =	vst v0  }
0x1c2: {  	s8 =	sadd.s32 $0x10, s30;
	v0 =	vld.idx.msk [tilespmem:v2+s3+$0x0], $0xffff  }
0x1c3: {  	v2 =	vld [tilespmem:s8+$0x0];
	[tilespmem:s0+$0xFFFFFB80] =	vst v3  }
0x1c4: {  	v3 =	vadd.s32 $0xE0, v1;
	[tilespmem:s0+$0xFFFFEB80] =	vst v5;
	v4 =	vld.idx.msk [tilespmem:v4+s3+$0x0], $0xffff  }
0x1c5: {  	[tilespmem:s0+$0xFFFFF380] =	vst v7;
	v6 =	vld.idx.msk [tilespmem:v6+s3+$0x0], $0xffff  }
0x1c6: {  	v5 =	vadd.s32 $0x700, v1;
	v7 =	vld.idx.msk [tilespmem:v8+s3+$0x0], $0xffff  }
0x1c7: {  	v8 =	vadd.s32 $0x300, v1  }
0x1c8: {  	[tilespmem:s0+$0xFFFFE380] =	vst v0  }
0x1c9: {  	v0 =	vadd.s32 $0x500, v1;
	v3 =	vld.idx.msk [tilespmem:v3+s3+$0x0], $0xffff;
	[tilespmem:s0+$0xFFFFFC00] =	vst v4  }
0x1ca: {  	v4 =	vadd.s32 $0x100, v1;
	[tilespmem:s0+$0xFFFFEC00] =	vst v6  }
0x1cb: {  	[tilespmem:s0+$0xFFFFF400] =	vst v7;
	v7 =	vadd.s32 $0x600, v2;
	v5 =	vld.idx.msk [tilespmem:v5+s3+$0x0], $0xffff  }
0x1cc: {  	v9 =	vadd.s32 $0x720, v1;
	v6 =	vld.idx.msk [tilespmem:v8+s3+$0x0], $0xffff  }
0x1cd: {  	v8 =	vadd.s32 $0x400, v2;
	v11 =	vld.idx.msk [tilespmem:v2+s3+$0x0], $0xffff  }
0x1ce: {  	v0 =	vld.idx.msk [tilespmem:v0+s3+$0x0], $0xffff;
	[tilespmem:s0+$0xFFFFE400] =	vst v3;
	v3 =	vadd.s32 $0x200, v2  }
0x1cf: {  	v10 =	vadd.s32 $0x520, v1;
	v4 =	vld.idx.msk [tilespmem:v4+s3+$0x0], $0xffff  }
0x1d0: {  	v7 =	vld.idx.msk [tilespmem:v7+s3+$0x0], $0xffff;
	[tilespmem:s0+$0xFFFFFC80] =	vst v5;
	v5 =	vadd.s32 $0x320, v1  }
0x1d1: {  	v13 =	vadd.s32 $0x120, v1;
	v9 =	vld.idx.msk [tilespmem:v9+s3+$0x0], $0xffff  }
0x1d2: {  	v12 =	vadd.s32 $0x740, v1;
	[tilespmem:s0+$0xFFFFEC80] =	vst v6;
	v6 =	vld.idx.msk [tilespmem:v8+s3+$0x0], $0xffff  }
0x1d3: {  	v8 =	vadd.s32 $0x620, v2;
	[tilespmem:s0+$0xFFFFF480] =	vst v0;
	v3 =	vld.idx.msk [tilespmem:v3+s3+$0x0], $0xffff  }
0x1d4: {  	s4 =	simm.s32 $0xAB90;
	v14 =	vadd.s32 $0x220, v2;
	v10 =	vld.idx.msk [tilespmem:v10+s3+$0x0], $0xffff;
	[tilespmem:s0+$0xFFFFE480] =	vst v4  }
0x1d5: {  	[tilespmem:s4+$0xFFFFF880] =	vst v7;
	v0 =	vld.idx.msk [tilespmem:v5+s3+$0x0], $0xffff;
	v5 =	vadd.s32 $0x420, v2  }
0x1d6: {  	v7 =	vld.idx.msk [tilespmem:v13+s3+$0x0], $0xffff;
	[tilespmem:s0+$0xFFFFFD00] =	vst v9;
	v9 =	vadd.s32 $0x20, v2  }
0x1d7: {  	[tilespmem:s4+$0xFFFFE080] =	vst v11;
	v4 =	vld.idx.msk [tilespmem:v12+s3+$0x0], $0xffff;
	v12 =	vadd.s32 $0x340, v1  }
0x1d8: {  	[tilespmem:s4+$0xFFFFE880] =	vst v3;
	v3 =	vld.idx.msk [tilespmem:v8+s3+$0x0], $0xffff;
	v8 =	vadd.s32 $0x760, v1  }
0x1d9: {  	v13 =	vadd.s32 $0x540, v1;
	[tilespmem:s4+$0xFFFFF080] =	vst v6;
	v14 =	vld.idx.msk [tilespmem:v14+s3+$0x0], $0xffff  }
0x1da: {  	[tilespmem:s0+$0xFFFFF500] =	vst v10;
	v10 =	vadd.s32 $0x140, v1;
	v5 =	vld.idx.msk [tilespmem:v5+s3+$0x0], $0xffff  }
0x1db: {  	v6 =	vadd.s32 $0x640, v2;
	[tilespmem:s0+$0xFFFFED00] =	vst v0;
	v9 =	vld.idx.msk [tilespmem:v9+s3+$0x0], $0xffff  }
0x1dc: {  	v11 =	vadd.s32 $0x240, v2;
	v12 =	vld.idx.msk [tilespmem:v12+s3+$0x0], $0xffff;
	[tilespmem:s0+$0xFFFFFD80] =	vst v4  }
0x1dd: {  	v0 =	vadd.s32 $0x440, v2;
	[tilespmem:s0+$0xFFFFE500] =	vst v7;
	v8 =	vld.idx.msk [tilespmem:v8+s3+$0x0], $0xffff  }
0x1de: {  	v4 =	vadd.s32 $0x40, v2;
	[tilespmem:s4+$0xFFFFF900] =	vst v3;
	v3 =	vld.idx.msk [tilespmem:v13+s3+$0x0], $0xffff  }
0x1df: {  	v13 =	vadd.s32 $0x780, v1;
	v10 =	vld.idx.msk [tilespmem:v10+s3+$0x0], $0xffff;
	[tilespmem:s4+$0xFFFFE900] =	vst v14  }
0x1e0: {  	v6 =	vld.idx.msk [tilespmem:v6+s3+$0x0], $0xffff;
	v14 =	vadd.s32 $0x360, v1;
	[tilespmem:s4+$0xFFFFF100] =	vst v5  }
0x1e1: {  	v11 =	vld.idx.msk [tilespmem:v11+s3+$0x0], $0xffff;
	v5 =	vadd.s32 $0x660, v2;
	[tilespmem:s4+$0xFFFFE100] =	vst v9  }
0x1e2: {  	v0 =	vld.idx.msk [tilespmem:v0+s3+$0x0], $0xffff;
	v9 =	vadd.s32 $0x260, v2;
	[tilespmem:s0+$0xFFFFED80] =	vst v12  }
0x1e3: {  	v7 =	vadd.s32 $0x460, v2;
	v4 =	vld.idx.msk [tilespmem:v4+s3+$0x0], $0xffff;
	[tilespmem:s0+$0xFFFFFE00] =	vst v8  }
0x1e4: {  	v8 =	vadd.s32 $0x60, v2;
	[tilespmem:s0+$0xFFFFF580] =	vst v3;
	v12 =	vld.idx.msk [tilespmem:v13+s3+$0x0], $0xffff  }
0x1e5: {  	v13 =	vadd.s32 $0x560, v1;
	[tilespmem:s4+$0xFFFFF980] =	vst v6;
	v6 =	vld.idx.msk [tilespmem:v14+s3+$0x0], $0xffff  }
0x1e6: {  	[tilespmem:s4+$0xFFFFE980] =	vst v11;
	v5 =	vld.idx.msk [tilespmem:v5+s3+$0x0], $0xffff;
	v11 =	vadd.s32 $0x7A0, v1  }
0x1e7: {  	v14 =	vadd.s32 $0x160, v1;
	v9 =	vld.idx.msk [tilespmem:v9+s3+$0x0], $0xffff;
	[tilespmem:s4+$0xFFFFF180] =	vst v0  }
0x1e8: {  	[tilespmem:s4+$0xFFFFE180] =	vst v4;
	v0 =	vld.idx.msk [tilespmem:v7+s3+$0x0], $0xffff;
	v4 =	vadd.s32 $0x680, v2  }
0x1e9: {  	[tilespmem:s0+$0xFFFFE580] =	vst v10;
	v7 =	vadd.s32 $0x280, v2;
	v8 =	vld.idx.msk [tilespmem:v8+s3+$0x0], $0xffff  }
0x1ea: {  	v3 =	vadd.s32 $0x480, v2;
	v13 =	vld.idx.msk [tilespmem:v13+s3+$0x0], $0xffff;
	[tilespmem:s0+$0xFFFFFE80] =	vst v12  }
0x1eb: {  	v12 =	vadd.s32 $0x80, v2;
	[tilespmem:s0+$0xFFFFEE00] =	vst v6;
	v10 =	vld.idx.msk [tilespmem:v11+s3+$0x0], $0xffff  }
0x1ec: {  	v11 =	vadd.s32 $0x380, v1;
	[tilespmem:s4+$0xFFFFFA00] =	vst v5;
	v5 =	vld.idx.msk [tilespmem:v14+s3+$0x0], $0xffff  }
0x1ed: {  	[tilespmem:s4+$0xFFFFEA00] =	vst v9;
	v9 =	vadd.s32 $0x7C0, v1;
	v4 =	vld.idx.msk [tilespmem:v4+s3+$0x0], $0xffff  }
0x1ee: {  	v14 =	vadd.s32 $0x580, v1;
	v7 =	vld.idx.msk [tilespmem:v7+s3+$0x0], $0xffff;
	[tilespmem:s4+$0xFFFFF200] =	vst v0  }
0x1ef: {  	[tilespmem:s4+$0xFFFFE200] =	vst v8;
	v0 =	vld.idx.msk [tilespmem:v3+s3+$0x0], $0xffff;
	v3 =	vadd.s32 $0x6A0, v2  }
0x1f0: {  	v8 =	vadd.s32 $0x2A0, v2;
	v12 =	vld.idx.msk [tilespmem:v12+s3+$0x0], $0xffff;
	[tilespmem:s0+$0xFFFFF600] =	vst v13  }
0x1f1: {  	v6 =	vadd.s32 $0x4A0, v2;
	v11 =	vld.idx.msk [tilespmem:v11+s3+$0x0], $0xffff;
	[tilespmem:s0+$0xFFFFFF00] =	vst v10  }
0x1f2: {  	v13 =	vadd.s32 $0x180, v1;
	[tilespmem:s0+$0xFFFFE600] =	vst v5;
	v9 =	vld.idx.msk [tilespmem:v9+s3+$0x0], $0xffff  }
0x1f3: {  	v10 =	vadd.s32 $0xA0, v2;
	[tilespmem:s4+$0xFFFFFA80] =	vst v4;
	v4 =	vld.idx.msk [tilespmem:v14+s3+$0x0], $0xffff  }
0x1f4: {  	[tilespmem:s4+$0xFFFFEA80] =	vst v7;
	v7 =	vadd.s32 $0x7E0, v1;
	v3 =	vld.idx.msk [tilespmem:v3+s3+$0x0], $0xffff  }
0x1f5: {  	v14 =	vadd.s32 $0x3A0, v1;
	v8 =	vld.idx.msk [tilespmem:v8+s3+$0x0], $0xffff;
	[tilespmem:s4+$0xFFFFF280] =	vst v0  }
0x1f6: {  	[tilespmem:s4+$0xFFFFE280] =	vst v12;
	v0 =	vld.idx.msk [tilespmem:v6+s3+$0x0], $0xffff;
	v6 =	vadd.s32 $0x6C0, v2  }
0x1f7: {  	v12 =	vadd.s32 $0x2C0, v2;
	v13 =	vld.idx.msk [tilespmem:v13+s3+$0x0], $0xffff;
	[tilespmem:s0+$0xFFFFEE80] =	vst v11  }
0x1f8: {  	v5 =	vadd.s32 $0x4C0, v2;
	v10 =	vld.idx.msk [tilespmem:v10+s3+$0x0], $0xffff;
	[tilespmem:s0+$0xFFFFFF80] =	vst v9  }
0x1f9: {  	v9 =	vadd.s32 $0xC0, v2;
	v7 =	vld.idx.msk [tilespmem:v7+s3+$0x0], $0xffff;
	[tilespmem:s4+$0xFFFFFB00] =	vst v3  }
0x1fa: {  	v11 =	vadd.s32 $0x5A0, v1;
	v3 =	vld.idx.msk [tilespmem:v14+s3+$0x0], $0xffff;
	[tilespmem:s4+$0xFFFFEB00] =	vst v8  }
0x1fb: {  	v14 =	vadd.s32 $0x1A0, v1;
	v6 =	vld.idx.msk [tilespmem:v6+s3+$0x0], $0xffff;
	[tilespmem:s4+$0xFFFFF300] =	vst v0  }
0x1fc: {  	v8 =	vld.idx.msk [tilespmem:v12+s3+$0x0], $0xffff;
	[tilespmem:s0+$0xFFFFE680] =	vst v13;
	v13 =	vadd.s32 $0x3C0, v1  }
0x1fd: {  	v0 =	vadd.s32 $0x6E0, v2;
	[tilespmem:s4+$0xFFFFE300] =	vst v10;
	v5 =	vld.idx.msk [tilespmem:v5+s3+$0x0], $0xffff  }
0x1fe: {  	[tilespmem:s0+$0xFFFFF680] =	vst v4;
	v12 =	vadd.s32 $0x2E0, v2;
	v9 =	vld.idx.msk [tilespmem:v9+s3+$0x0], $0xffff  }
0x1ff: {  	v10 =	vadd.s32 $0x4E0, v2;
	v11 =	vld.idx.msk [tilespmem:v11+s3+$0x0], $0xffff;
	[tilespmem:s0+$0xFFFFEF00] =	vst v3  }
0x200: {  	v4 =	vadd.s32 $0xE0, v2;
	[tilespmem:s4+$0xFFFFFB80] =	vst v6;
	v6 =	vld.idx.msk [tilespmem:v14+s3+$0x0], $0xffff  }
0x201: {  	[tilespmem:s4+$0xFFFFEB80] =	vst v8;
	v13 =	vld.idx.msk [tilespmem:v13+s3+$0x0], $0xffff  }
0x202: {  	v14 =	vadd.s32 $0x5C0, v1;
	v8 =	vld.idx.msk [tilespmem:v0+s3+$0x0], $0xffff;
	[tilespmem:s4+$0xFFFFF380] =	vst v5  }
0x203: {  	v12 =	vld.idx.msk [tilespmem:v12+s3+$0x0], $0xffff;
	[tilespmem:s4+$0xFFFFE380] =	vst v9;
	v9 =	vadd.s32 $0x700, v2  }
0x204: {  	[tilespmem:s0+$0x0] =	vst v7;
	v5 =	vld.idx.msk [tilespmem:v10+s3+$0x0], $0xffff;
	v10 =	vadd.s32 $0x300, v2  }
0x205: {  	s8 =	sadd.s32 $0x10, s8;
	v3 =	vadd.s32 $0x500, v2;
	[tilespmem:s0+$0xFFFFF700] =	vst v11;
	v4 =	vld.idx.msk [tilespmem:v4+s3+$0x0], $0xffff  }
0x206: {  	v11 =	vadd.s32 $0x100, v2;
	v0 =	vld [tilespmem:s8+$0x0];
	[tilespmem:s0+$0xFFFFE700] =	vst v6  }
0x207: {  	v15 =	vadd.s32 $0x1C0, v1;
	v14 =	vld.idx.msk [tilespmem:v14+s3+$0x0], $0xffff;
	[tilespmem:s4+$0xFFFFFC00] =	vst v8  }
0x208: {  	v8 =	vadd.s32 $0x3E0, v1;
	[tilespmem:s4+$0xFFFFEC00] =	vst v12;
	v9 =	vld.idx.msk [tilespmem:v9+s3+$0x0], $0xffff  }
0x209: {  	v12 =	vadd.s32 $0x5E0, v1;
	v10 =	vld.idx.msk [tilespmem:v10+s3+$0x0], $0xffff;
	[tilespmem:s4+$0xFFFFF400] =	vst v5  }
0x20a: {  	[tilespmem:s4+$0xFFFFE400] =	vst v4;
	v3 =	vld.idx.msk [tilespmem:v3+s3+$0x0], $0xffff  }
0x20b: {  	[tilespmem:s0+$0xFFFFEF80] =	vst v13;
	v4 =	vadd.s32 $0x720, v2;
	v5 =	vld.idx.msk [tilespmem:v11+s3+$0x0], $0xffff  }
0x20c: {  	v6 =	vadd.s32 $0x600, v0;
	v11 =	vld.idx.msk [tilespmem:v15+s3+$0x0], $0xffff;
	[tilespmem:s0+$0xFFFFF780] =	vst v14  }
0x20d: {  	v13 =	vadd.s32 $0x200, v0;
	v8 =	vld.idx.msk [tilespmem:v8+s3+$0x0], $0xffff;
	[tilespmem:s4+$0xFFFFFC80] =	vst v9  }
0x20e: {  	v7 =	vadd.s32 $0x520, v2;
	v9 =	vld.idx.msk [tilespmem:v12+s3+$0x0], $0xffff;
	[tilespmem:s4+$0xFFFFEC80] =	vst v10  }
0x20f: {  	v14 =	vadd.s32 $0x400, v0;
	v10 =	vld.idx.msk [tilespmem:v0+s3+$0x0], $0xffff;
	[tilespmem:s4+$0xFFFFF480] =	vst v3  }
0x210: {  	v12 =	vadd.s32 $0x320, v2;
	v4 =	vld.idx.msk [tilespmem:v4+s3+$0x0], $0xffff;
	[tilespmem:s4+$0xFFFFE480] =	vst v5  }
0x211: {  	v15 =	vadd.s32 $0x120, v2;
	v3 =	vld.idx.msk [tilespmem:v6+s3+$0x0], $0xffff;
	[tilespmem:s0+$0xFFFFE780] =	vst v11  }
0x212: {  	v6 =	vadd.s32 $0x740, v2;
	v5 =	vld.idx.msk [tilespmem:v13+s3+$0x0], $0xffff;
	[tilespmem:s0+$0xFFFFF000] =	vst v8  }
0x213: {  	s6 =	simm.s32 $0xABA0;
	v13 =	vadd.s32 $0x620, v0;
	v7 =	vld.idx.msk [tilespmem:v7+s3+$0x0], $0xffff;
	[tilespmem:s0+$0xFFFFF800] =	vst v9  }
0x214: {  	v11 =	vld.idx.msk [tilespmem:v14+s3+$0x0], $0xffff;
	v14 =	vadd.s32 $0x220, v0;
	[tilespmem:s6+$0xFFFFE080] =	vst v10  }
0x215: {  	v8 =	vld.idx.msk [tilespmem:v12+s3+$0x0], $0xffff;
	v12 =	vadd.s32 $0x420, v0;
	[tilespmem:s4+$0xFFFFFD00] =	vst v4  }
0x216: {  	v4 =	vadd.s32 $0x20, v0;
	[tilespmem:s6+$0xFFFFF880] =	vst v3;
	v3 =	vld.idx.msk [tilespmem:v15+s3+$0x0], $0xffff  }
0x217: {  	v9 =	vadd.s32 $0x340, v2;
	v6 =	vld.idx.msk [tilespmem:v6+s3+$0x0], $0xffff;
	[tilespmem:s6+$0xFFFFE880] =	vst v5  }
0x218: {  	v15 =	vadd.s32 $0x540, v2;
	v5 =	vld.idx.msk [tilespmem:v13+s3+$0x0], $0xffff;
	[tilespmem:s4+$0xFFFFF500] =	vst v7  }
0x219: {  	v13 =	vadd.s32 $0x760, v2;
	v14 =	vld.idx.msk [tilespmem:v14+s3+$0x0], $0xffff;
	[tilespmem:s6+$0xFFFFF080] =	vst v11  }
0x21a: {  	v11 =	vadd.s32 $0x640, v0;
	v10 =	vld.idx.msk [tilespmem:v12+s3+$0x0], $0xffff;
	[tilespmem:s4+$0xFFFFED00] =	vst v8  }
0x21b: {  	v12 =	vadd.s32 $0x240, v0;
	v4 =	vld.idx.msk [tilespmem:v4+s3+$0x0], $0xffff;
	[tilespmem:s4+$0xFFFFE500] =	vst v3  }
0x21c: {  	v8 =	vadd.s32 $0x440, v0;
	v9 =	vld.idx.msk [tilespmem:v9+s3+$0x0], $0xffff;
	[tilespmem:s4+$0xFFFFFD80] =	vst v6  }
0x21d: {  	v6 =	vadd.s32 $0x40, v0;
	[tilespmem:s6+$0xFFFFF900] =	vst v5;
	v5 =	vld.idx.msk [tilespmem:v15+s3+$0x0], $0xffff  }
0x21e: {  	v7 =	vld.idx.msk [tilespmem:v13+s3+$0x0], $0xffff;
	v13 =	vadd.s32 $0x140, v2;
	[tilespmem:s6+$0xFFFFE900] =	vst v14  }
0x21f: {  	v15 =	vadd.s32 $0x360, v2;
	v11 =	vld.idx.msk [tilespmem:v11+s3+$0x0], $0xffff;
	[tilespmem:s6+$0xFFFFF100] =	vst v10  }
0x220: {  	v14 =	vadd.s32 $0x780, v2;
	v12 =	vld.idx.msk [tilespmem:v12+s3+$0x0], $0xffff;
	[tilespmem:s6+$0xFFFFE100] =	vst v4  }
0x221: {  	v4 =	vld.idx.msk [tilespmem:v8+s3+$0x0], $0xffff;
	v8 =	vadd.s32 $0x660, v0;
	[tilespmem:s4+$0xFFFFED80] =	vst v9  }
0x222: {  	v10 =	vadd.s32 $0x260, v0;
	v6 =	vld.idx.msk [tilespmem:v6+s3+$0x0], $0xffff;
	[tilespmem:s4+$0xFFFFF580] =	vst v5  }
0x223: {  	v3 =	vadd.s32 $0x460, v0;
	v13 =	vld.idx.msk [tilespmem:v13+s3+$0x0], $0xffff;
	[tilespmem:s4+$0xFFFFFE00] =	vst v7  }
0x224: {  	v7 =	vadd.s32 $0x60, v0;
	[tilespmem:s6+$0xFFFFF980] =	vst v11;
	v11 =	vld.idx.msk [tilespmem:v15+s3+$0x0], $0xffff  }
0x225: {  	v9 =	vld.idx.msk [tilespmem:v14+s3+$0x0], $0xffff;
	v14 =	vadd.s32 $0x560, v2;
	[tilespmem:s6+$0xFFFFE980] =	vst v12  }
0x226: {  	v12 =	vadd.s32 $0x7A0, v2;
	v8 =	vld.idx.msk [tilespmem:v8+s3+$0x0], $0xffff;
	[tilespmem:s6+$0xFFFFF180] =	vst v4  }
0x227: {  	v15 =	vadd.s32 $0x160, v2;
	v10 =	vld.idx.msk [tilespmem:v10+s3+$0x0], $0xffff;
	[tilespmem:s6+$0xFFFFE180] =	vst v6  }
0x228: {  	v4 =	vadd.s32 $0x680, v0;
	v3 =	vld.idx.msk [tilespmem:v3+s3+$0x0], $0xffff;
	[tilespmem:s4+$0xFFFFE580] =	vst v13  }
0x229: {  	v6 =	vadd.s32 $0x280, v0;
	v7 =	vld.idx.msk [tilespmem:v7+s3+$0x0], $0xffff;
	[tilespmem:s4+$0xFFFFEE00] =	vst v11  }
0x22a: {  	v5 =	vadd.s32 $0x480, v0;
	v14 =	vld.idx.msk [tilespmem:v14+s3+$0x0], $0xffff;
	[tilespmem:s4+$0xFFFFFE80] =	vst v9  }
0x22b: {  	v13 =	vadd.s32 $0x380, v2;
	v12 =	vld.idx.msk [tilespmem:v12+s3+$0x0], $0xffff;
	[tilespmem:s6+$0xFFFFFA00] =	vst v8  }
0x22c: {  	v9 =	vadd.s32 $0x80, v0;
	v8 =	vld.idx.msk [tilespmem:v15+s3+$0x0], $0xffff;
	[tilespmem:s6+$0xFFFFEA00] =	vst v10  }
0x22d: {  	v10 =	vadd.s32 $0x7C0, v2;
	v4 =	vld.idx.msk [tilespmem:v4+s3+$0x0], $0xffff;
	[tilespmem:s6+$0xFFFFF200] =	vst v3  }
0x22e: {  	v15 =	vadd.s32 $0x580, v2;
	v6 =	vld.idx.msk [tilespmem:v6+s3+$0x0], $0xffff;
	[tilespmem:s6+$0xFFFFE200] =	vst v7  }
0x22f: {  	v3 =	vld.idx.msk [tilespmem:v5+s3+$0x0], $0xffff;
	v5 =	vadd.s32 $0x6A0, v0;
	[tilespmem:s4+$0xFFFFF600] =	vst v14  }
0x230: {  	v7 =	vadd.s32 $0x2A0, v0;
	v13 =	vld.idx.msk [tilespmem:v13+s3+$0x0], $0xffff;
	[tilespmem:s4+$0xFFFFFF00] =	vst v12  }
0x231: {  	v11 =	vadd.s32 $0x4A0, v0;
	v9 =	vld.idx.msk [tilespmem:v9+s3+$0x0], $0xffff;
	[tilespmem:s4+$0xFFFFE600] =	vst v8  }
0x232: {  	v14 =	vadd.s32 $0x180, v2;
	v10 =	vld.idx.msk [tilespmem:v10+s3+$0x0], $0xffff;
	[tilespmem:s6+$0xFFFFFA80] =	vst v4  }
0x233: {  	v12 =	vadd.s32 $0xA0, v0;
	v15 =	vld.idx.msk [tilespmem:v15+s3+$0x0], $0xffff;
	[tilespmem:s6+$0xFFFFEA80] =	vst v6  }
0x234: {  	v6 =	vadd.s32 $0x3A0, v2;
	v4 =	vld.idx.msk [tilespmem:v5+s3+$0x0], $0xffff;
	[tilespmem:s6+$0xFFFFF280] =	vst v3  }
0x235: {  	v5 =	vadd.s32 $0x7E0, v2;
	v7 =	vld.idx.msk [tilespmem:v7+s3+$0x0], $0xffff;
	[tilespmem:s4+$0xFFFFEE80] =	vst v13  }
0x236: {  	v13 =	vadd.s32 $0x5A0, v2;
	[tilespmem:s6+$0xFFFFE280] =	vst v9;
	v9 =	vld.idx.msk [tilespmem:v11+s3+$0x0], $0xffff  }
0x237: {  	v3 =	vadd.s32 $0x6C0, v0;
	v14 =	vld.idx.msk [tilespmem:v14+s3+$0x0], $0xffff  }
0x238: {  	v11 =	vadd.s32 $0x2C0, v0;
	v12 =	vld.idx.msk [tilespmem:v12+s3+$0x0], $0xffff;
	[tilespmem:s4+$0xFFFFFF80] =	vst v10  }
0x239: {  	v8 =	vadd.s32 $0x4C0, v0;
	[tilespmem:s4+$0xFFFFF680] =	vst v15;
	v24 =	vld.idx.msk [tilespmem:v6+s3+$0x0], $0xffff  }
0x23a: {  	v17 =	vadd.s32 $0x1A0, v2;
	v5 =	vld.idx.msk [tilespmem:v5+s3+$0x0], $0xffff;
	[tilespmem:s6+$0xFFFFFB00] =	vst v4  }
0x23b: {  	v10 =	vadd.s32 $0xC0, v0;
	[tilespmem:s6+$0xFFFFEB00] =	vst v7;
	v63 =	vld.idx.msk [tilespmem:v13+s3+$0x0], $0xffff  }
0x23c: {  	v39 =	vadd.s32 $0x1C0, v2;
	v25 =	vadd.s32 $0x3C0, v2;
	v6 =	vadd.s32 $0x1E0, v1;
	v7 =	vld.idx.msk [tilespmem:v3+s3+$0x0], $0xffff;
	[tilespmem:s6+$0xFFFFF300] =	vst v9  }
0x23d: {  	v40 =	vadd.s32 $0x1E0, v2;
	v43 =	vadd.s32 $0x3E0, v2;
	v11 =	vld.idx.msk [tilespmem:v11+s3+$0x0], $0xffff;
	v9 =	vadd.s32 $0x6E0, v0;
	[tilespmem:s4+$0xFFFFE680] =	vst v14  }
0x23e: {  	v29 =	vadd.s32 $0x5C0, v2;
	v42 =	vadd.s32 $0x5E0, v2;
	[tilespmem:s6+$0xFFFFE300] =	vst v12;
	v8 =	vld.idx.msk [tilespmem:v8+s3+$0x0], $0xffff;
	v12 =	vadd.s32 $0x2E0, v0  }
0x23f: {  	v30 =	vadd.s32 $0xE0, v0;
	v23 =	vadd.s32 $0x100, v0;
	v31 =	vadd.s32 $0x4E0, v0;
	v38 =	vld.idx.msk [tilespmem:v17+s3+$0x0], $0xffff  }
0x240: {  	v16 =	vadd.s32 $0x120, v0;
	v28 =	vadd.s32 $0x300, v0;
	v27 =	vadd.s32 $0x500, v0;
	v26 =	vld.idx.msk [tilespmem:v10+s3+$0x0], $0xffff;
	[tilespmem:s4+$0xFFFFEF00] =	vst v24  }
0x241: {  	v22 =	vadd.s32 $0x320, v0;
	v21 =	vadd.s32 $0x520, v0;
	v50 =	vadd.s32 $0x160, v0;
	v33 =	vld.idx.msk [tilespmem:v6+s3+$0x0], $0xffff;
	[tilespmem:s6+$0xFFFFFB80] =	vst v7  }
0x242: {  	v20 =	vadd.s32 $0x340, v0;
	v19 =	vadd.s32 $0x540, v0;
	v18 =	vadd.s32 $0x560, v0;
	[tilespmem:s6+$0xFFFFEB80] =	vst v11;
	v34 =	vld.idx.msk [tilespmem:v9+s3+$0x0], $0xffff  }
0x243: {  	v44 =	vadd.s32 $0x180, v0;
	v47 =	vadd.s32 $0x580, v0;
	v37 =	vadd.s32 $0x700, v0;
	v32 =	vld.idx.msk [tilespmem:v12+s3+$0x0], $0xffff;
	[tilespmem:s6+$0xFFFFF380] =	vst v8  }
0x244: {  	v15 =	vadd.s32 $0x380, v0;
	v13 =	vadd.s32 $0x5A0, v0;
	v14 =	vadd.s32 $0x140, v0;
	[tilespmem:s4+$0xFFFFF700] =	vst v63;
	v35 =	vld.idx.msk [tilespmem:v31+s3+$0x0], $0xffff  }
0x245: {  	v17 =	vadd.s32 $0x360, v0;
	v10 =	vadd.s32 $0x5C0, v0;
	v24 =	vadd.s32 $0x3E0, v0;
	[tilespmem:s6+$0xFFFFE380] =	vst v26;
	v31 =	vld.idx.msk [tilespmem:v29+s3+$0x0], $0xffff  }
0x246: {  	[tilespmem:s4+$0x0] =	vst v5;
	v11 =	vadd.s32 $0x1A0, v0;
	v7 =	vadd.s32 $0x3C0, v0;
	v12 =	vadd.s32 $0x3A0, v0;
	v36 =	vld.idx.msk [tilespmem:v30+s3+$0x0], $0xffff  }
0x247: {  	s1 =	sor.u32 $0x1, s1;
	s7 =	simm.s32 $0x8;
	s8 =	sadd.s32 $0x10, s8;
	v8 =	vadd.s32 $0x1E0, v0;
	[tilespmem:s4+$0xFFFFE700] =	vst v38;
	v26 =	vadd.s32 $0x1C0, v0;
	v30 =	vld.idx.msk [tilespmem:v25+s3+$0x0], $0xffff;
	v25 =	vadd.s32 $0x5E0, v0  }
.LBB2_5:
0x248: {  	[tilespmem:$0x1FF20] =	vst v12  }
0x249: {  	[tilespmem:s6+$0xFFFFEC00] =	vst v32  }
0x24a: {  	[tilespmem:s6+$0xFFFFF400] =	vst v35;
	v3 =	vmov v26  }
0x24b: {  	v2 =	vmov v24;
	[tilespmem:$0x1FF70] =	vst v3  }
0x24c: {  	v1 =	vmov v25;
	[tilespmem:$0x1FF10] =	vst v2  }
0x24d: {  	v29 =	vld [tilespmem:s8+$0x0];
	[tilespmem:$0x1FF00] =	vst v1  }
0x24e: {  	v28 =	vld.idx.msk [tilespmem:v28+s3+$0x0], $0xffff;
	[tilespmem:s6+$0xFFFFFC00] =	vst v34  }
0x24f: {  	v27 =	vld.idx.msk [tilespmem:v27+s3+$0x0], $0xffff;
	[tilespmem:s6+$0xFFFFE400] =	vst v36  }
0x250: {  	[tilespmem:s4+$0xFFFFEF80] =	vst v30;
	v56 =	vld.idx.msk [tilespmem:v37+s3+$0x0], $0xffff  }
0x251: {  	[tilespmem:s4+$0xFFFFF780] =	vst v31;
	v23 =	vld.idx.msk [tilespmem:v23+s3+$0x0], $0xffff  }
0x252: {  	v39 =	vld.idx.msk [tilespmem:v39+s3+$0x0], $0xffff;
	[tilespmem:s0+$0xFFFFE800] =	vst v33  }
0x253: {  	v57 =	vadd.s32 $0x720, v0;
	v31 =	vld.idx.msk [tilespmem:v43+s3+$0x0], $0xffff;
	[tilespmem:s6+$0xFFFFEC80] =	vst v28  }
0x254: {  	v38 =	vadd.s32 $0x600, v29;
	v24 =	vld.idx.msk [tilespmem:v42+s3+$0x0], $0xffff;
	v1 =	vadd.s32 $0xC0, v29;
	[tilespmem:s6+$0xFFFFF480] =	vst v27  }
0x255: {  	v30 =	vadd.s32 $0x200, v29;
	[tilespmem:$0x1FF30] =	vst v1;
	v1 =	vadd.s32 $0xE0, v29  }
0x256: {  	v58 =	vadd.s32 $0x400, v29;
	[tilespmem:$0x1FF60] =	vst v1  }
0x257: {  	v1 =	vadd.s32 $0x2E0, v29;
	v46 =	vld.idx.msk [tilespmem:v29+s3+$0x0], $0xffff;
	[tilespmem:s6+$0xFFFFFC80] =	vst v56  }
0x258: {  	[tilespmem:$0x1FF40] =	vst v1;
	v25 =	vld.idx.msk [tilespmem:v57+s3+$0x0], $0xffff  }
0x259: {  	v53 =	vadd.s32 $0x740, v0;
	s0 =	smov.u32 s4;
	[tilespmem:s6+$0xFFFFE480] =	vst v23;
	v38 =	vld.idx.msk [tilespmem:v38+s3+$0x0], $0xffff  }
0x25a: {  	v54 =	vld.idx.msk [tilespmem:v30+s3+$0x0], $0xffff;
	[tilespmem:s0+$0xFFFFE780] =	vst v39  }
0x25b: {  	v55 =	vadd.s32 $0x620, v29;
	v39 =	vld.idx.msk [tilespmem:v58+s3+$0x0], $0xffff;
	[tilespmem:s0+$0xFFFFF000] =	vst v31  }
0x25c: {  	v41 =	vadd.s32 $0x220, v29;
	[tilespmem:s0+$0xFFFFF800] =	vst v24;
	v56 =	vld.idx.msk [tilespmem:v22+s3+$0x0], $0xffff  }
0x25d: {  	v45 =	vadd.s32 $0x420, v29;
	s4 =	smov.u32 s6;
	v57 =	vld.idx.msk [tilespmem:v21+s3+$0x0], $0xffff;
	[tilespmem:s6+$0xFFFFFD00] =	vst v25;
	s6 =	sadd.s32 $0x10, s6  }
0x25e: {  	v26 =	vadd.s32 $0x20, v29;
	v25 =	vld.idx.msk [tilespmem:v53+s3+$0x0], $0xffff;
	[tilespmem:s6+$0xFFFFF880] =	vst v38  }
0x25f: {  	v61 =	vld.idx.msk [tilespmem:v16+s3+$0x0], $0xffff;
	[tilespmem:s6+$0xFFFFE880] =	vst v54  }
0x260: {  	v63 =	vadd.s32 $0x760, v0;
	[tilespmem:s6+$0xFFFFF080] =	vst v39;
	v55 =	vld.idx.msk [tilespmem:v55+s3+$0x0], $0xffff  }
0x261: {  	[tilespmem:s6+$0xFFFFE080] =	vst v46;
	v2 =	vld.idx.msk [tilespmem:v41+s3+$0x0], $0xffff  }
0x262: {  	v31 =	vmov v10;
	v10 =	vmov v7;
	v7 =	vadd.s32 $0x640, v29;
	v6 =	vld.idx.msk [tilespmem:v45+s3+$0x0], $0xffff;
	[tilespmem:s4+$0xFFFFED00] =	vst v56  }
0x263: {  	v9 =	vmov v8;
	v49 =	vadd.s32 $0x240, v29;
	v8 =	vld.idx.msk [tilespmem:v26+s3+$0x0], $0xffff;
	[tilespmem:s4+$0xFFFFF500] =	vst v57  }
0x264: {  	v12 =	vmov v50;
	v50 =	vadd.s32 $0x440, v29;
	v56 =	vld.idx.msk [tilespmem:v20+s3+$0x0], $0xffff;
	[tilespmem:s4+$0xFFFFFD80] =	vst v25  }
0x265: {  	v48 =	vadd.s32 $0x40, v29;
	v59 =	vadd.s32 $0x340, v29;
	v57 =	vld.idx.msk [tilespmem:v63+s3+$0x0], $0xffff;
	[tilespmem:s6+$0xFFFFF900] =	vst v55  }
0x266: {  	v20 =	vmov v59;
	v59 =	vld.idx.msk [tilespmem:v19+s3+$0x0], $0xffff;
	[tilespmem:s6+$0xFFFFE900] =	vst v2  }
0x267: {  	[tilespmem:s6+$0xFFFFF100] =	vst v6;
	v2 =	vld.idx.msk [tilespmem:v7+s3+$0x0], $0xffff;
	v7 =	vadd.s32 $0x780, v0  }
0x268: {  	v1 =	vadd.s32 $0x4E0, v29;
	[tilespmem:s6+$0xFFFFE100] =	vst v8;
	v8 =	vadd.s32 $0x660, v29;
	v49 =	vld.idx.msk [tilespmem:v49+s3+$0x0], $0xffff  }
0x269: {  	[tilespmem:$0x1FF50] =	vst v1;
	v6 =	vld.idx.msk [tilespmem:v50+s3+$0x0], $0xffff  }
0x26a: {  	v51 =	vadd.s32 $0x260, v29;
	v48 =	vld.idx.msk [tilespmem:v48+s3+$0x0], $0xffff;
	[tilespmem:s4+$0xFFFFE500] =	vst v61  }
0x26b: {  	v52 =	vadd.s32 $0x460, v29;
	v63 =	vld.idx.msk [tilespmem:v14+s3+$0x0], $0xffff;
	[tilespmem:s4+$0xFFFFFE00] =	vst v57  }
0x26c: {  	v32 =	vmov v47;
	v47 =	vadd.s32 $0x60, v29;
	v7 =	vld.idx.msk [tilespmem:v7+s3+$0x0], $0xffff;
	[tilespmem:s6+$0xFFFFF980] =	vst v2  }
0x26d: {  	v58 =	vadd.s32 $0x140, v29;
	[tilespmem:s4+$0xFFFFED80] =	vst v56;
	v57 =	vadd.s32 $0x7A0, v0;
	v8 =	vld.idx.msk [tilespmem:v8+s3+$0x0], $0xffff  }
0x26e: {  	v14 =	vmov v58;
	v58 =	vadd.s32 $0x680, v29;
	v2 =	vld.idx.msk [tilespmem:v17+s3+$0x0], $0xffff;
	[tilespmem:s6+$0xFFFFE980] =	vst v49  }
0x26f: {  	[tilespmem:s6+$0xFFFFF180] =	vst v6;
	v51 =	vld.idx.msk [tilespmem:v51+s3+$0x0], $0xffff  }
0x270: {  	[tilespmem:s6+$0xFFFFE180] =	vst v48;
	v6 =	vld.idx.msk [tilespmem:v52+s3+$0x0], $0xffff  }
0x271: {  	v42 =	vadd.s32 $0x80, v29;
	v33 =	vmov v44;
	v44 =	vadd.s32 $0x280, v29;
	v47 =	vld.idx.msk [tilespmem:v47+s3+$0x0], $0xffff;
	[tilespmem:s4+$0xFFFFFE80] =	vst v7  }
0x272: {  	v43 =	vadd.s32 $0x480, v29;
	v36 =	vadd.s32 $0xA0, v29;
	v60 =	vadd.s32 $0x540, v29;
	v7 =	vld.idx.msk [tilespmem:v57+s3+$0x0], $0xffff;
	[tilespmem:s6+$0xFFFFFA00] =	vst v8  }
0x273: {  	v37 =	vadd.s32 $0x2A0, v29;
	v34 =	vadd.s32 $0x2C0, v29;
	v19 =	vmovc v60;
	v60 =	vadd.s32 $0x7C0, v0;
	[tilespmem:s4+$0xFFFFF580] =	vst v59;
	v48 =	vld.idx.msk [tilespmem:v58+s3+$0x0], $0xffff  }
0x274: {  	v35 =	vadd.s32 $0x4C0, v29;
	v62 =	vadd.s32 $0x560, v29;
	v61 =	vadd.s32 $0x6A0, v29;
	[tilespmem:s4+$0xFFFFE580] =	vst v63;
	v59 =	vld.idx.msk [tilespmem:v18+s3+$0x0], $0xffff  }
0x275: {  	v3 =	vadd.s32 $0x380, v29;
	v4 =	vadd.s32 $0x580, v29;
	v5 =	vadd.s32 $0x3A0, v29;
	v8 =	vld.idx.msk [tilespmem:v12+s3+$0x0], $0xffff;
	[tilespmem:s6+$0xFFFFEA00] =	vst v51  }
0x276: {  	v28 =	vadd.s32 $0x300, v29;
	v27 =	vadd.s32 $0x500, v29;
	v1 =	vadd.s32 $0x180, v29;
	v44 =	vld.idx.msk [tilespmem:v44+s3+$0x0], $0xffff;
	[tilespmem:s4+$0xFFFFEE00] =	vst v2  }
0x277: {  	v30 =	vmovc v40;
	v40 =	vadd.s32 $0x4A0, v29;
	v23 =	vadd.s32 $0x100, v29;
	v24 =	vadd.s32 $0x120, v29;
	v2 =	vld.idx.msk [tilespmem:v15+s3+$0x0], $0xffff;
	[tilespmem:s4+$0xFFFFFF00] =	vst v7  }
0x278: {  	v22 =	vadd.s32 $0x320, v29;
	v21 =	vadd.s32 $0x520, v29;
	v16 =	vmovc v24;
	v24 =	vadd.s32 $0x3E0, v29;
	v15 =	vmovc v3;
	v3 =	vld.idx.msk [tilespmem:v60+s3+$0x0], $0xffff;
	[tilespmem:s6+$0xFFFFFA80] =	vst v48  }
0x279: {  	v53 =	vadd.s32 $0x160, v29;
	v18 =	vmovc v62;
	v62 =	vadd.s32 $0x7E0, v0;
	v0 =	vmovc v29;
	[tilespmem:s6+$0xFFFFE200] =	vst v47;
	v47 =	vmov v4;
	v4 =	vld.idx.msk [tilespmem:v61+s3+$0x0], $0xffff  }
0x27a: {  	v54 =	vadd.s32 $0x360, v29;
	v38 =	vadd.s32 $0x3C0, v29;
	v63 =	vadd.s32 $0x6C0, v0  }
0x27b: {  	v46 =	vadd.s32 $0x5A0, v29;
	v39 =	vadd.s32 $0x5C0, v29;
	v41 =	vadd.s32 $0x1A0, v29;
	[tilespmem:s6+$0xFFFFEA80] =	vst v44  }
0x27c: {  	v26 =	vadd.s32 $0x1C0, v29;
	v45 =	vadd.s32 $0x1E0, v29;
	v25 =	vadd.s32 $0x5E0, v29;
	v29 =	vld.idx.msk [tilespmem:v37+s3+$0x0], $0xffff;
	[tilespmem:s4+$0xFFFFEE80] =	vst v2  }
0x27d: {  	v2 =	vld [tilespmem:$0x1FF20];
	[tilespmem:s4+$0xFFFFFF80] =	vst v3  }
0x27e: {  	v44 =	vmov v1;
	v1 =	vld.idx.msk [tilespmem:v62+s3+$0x0], $0xffff;
	[tilespmem:s6+$0xFFFFFB00] =	vst v4  }
0x27f: {  	v3 =	vld.idx.msk [tilespmem:v63+s3+$0x0], $0xffff;
	_ =	sdelay $0x2  }
0x280: {  	[tilespmem:s6+$0xFFFFF200] =	vst v6  }
0x281: {  	v6 =	vld.idx.msk [tilespmem:v43+s3+$0x0], $0xffff  }
0x282: {  	[tilespmem:s6+$0xFFFFFB80] =	vst v3;
	v3 =	vld [tilespmem:$0x1FF40]  }
0x283: {  	v2 =	vld.idx.msk [tilespmem:v2+s3+$0x0], $0xffff;
	[tilespmem:s6+$0xFFFFEB00] =	vst v29  }
0x284: {  	v4 =	vld.idx.msk [tilespmem:v34+s3+$0x0], $0xffff  }
0x285: {  	[tilespmem:s4+$0xFFFFF600] =	vst v59  }
0x286: {  	v7 =	vld.idx.msk [tilespmem:v32+s3+$0x0], $0xffff;
	[tilespmem:s6+$0xFFFFF280] =	vst v6  }
0x287: {  	v6 =	vld.idx.msk [tilespmem:v40+s3+$0x0], $0xffff;
	_ =	sdelay $0x1  }
0x288: {  	v42 =	vld.idx.msk [tilespmem:v42+s3+$0x0], $0xffff;
	[tilespmem:s6+$0xFFFFEB80] =	vst v4  }
0x289: {  	v32 =	vld.idx.msk [tilespmem:v3+s3+$0x0], $0xffff  }
0x28a: {  	v3 =	vld [tilespmem:$0x1FF50]  }
0x28b: {  	v43 =	vld [tilespmem:$0x1FF10];
	[tilespmem:s6+$0xFFFFF300] =	vst v6  }
0x28c: {  	v12 =	vmov v5;
	v5 =	vld.idx.msk [tilespmem:v35+s3+$0x0], $0xffff  }
0x28d: {  	v29 =	vld [tilespmem:$0x1FF30]  }
0x28e: {  	[tilespmem:s6+$0xFFFFE280] =	vst v42;
	v42 =	vld [tilespmem:$0x1FF00]  }
0x28f: {  	v36 =	vld.idx.msk [tilespmem:v36+s3+$0x0], $0xffff;
	[tilespmem:s4+$0xFFFFE600] =	vst v8;
	v6 =	vadd.s32 $0x6E0, v0  }
0x290: {  	v8 =	vld.idx.msk [tilespmem:v33+s3+$0x0], $0xffff;
	[tilespmem:s4+$0xFFFFF680] =	vst v7  }
0x291: {  	v7 =	vld.idx.msk [tilespmem:v13+s3+$0x0], $0xffff;
	[tilespmem:s6+$0xFFFFF380] =	vst v5  }
0x292: {  	v35 =	vld.idx.msk [tilespmem:v3+s3+$0x0], $0xffff  }
0x293: {  	[tilespmem:s4+$0x0] =	vst v1;
	v3 =	vld [tilespmem:$0x1FF60]  }
0x294: {  	[tilespmem:s6+$0xFFFFE300] =	vst v36;
	v34 =	vld.idx.msk [tilespmem:v6+s3+$0x0], $0xffff  }
0x295: {  	s7 =	sadd.s32 $0x4, s7;
	v29 =	vld.idx.msk [tilespmem:v29+s3+$0x0], $0xffff;
	[tilespmem:s4+$0xFFFFE680] =	vst v8  }
0x296: {  	p0 =	slt.u32 s7, $0x1C;
	v1 =	vld.idx.msk [tilespmem:v11+s3+$0x0], $0xffff  }
.Ltmp1:
0x297: {  	v33 =	vld.idx.msk [tilespmem:v30+s3+$0x0], $0xffff;
	[tilespmem:s4+$0xFFFFEF00] =	vst v2;
	(pc) =	sbr.rel @p0 .LBB2_5-.Ltmp1, $4  }
0x298: {  	v30 =	vld.idx.msk [tilespmem:v10+s3+$0x0], $0xffff  }
0x299: {  	v10 =	vmov v39;
	v39 =	vld [tilespmem:$0x1FF70];
	[tilespmem:s4+$0xFFFFF700] =	vst v7  }
0x29a: {  	v50 =	vmov v53;
	v17 =	vmov v54;
	v40 =	vmov v9;
	[tilespmem:s6+$0xFFFFE380] =	vst v29;
	v31 =	vld.idx.msk [tilespmem:v31+s3+$0x0], $0xffff  }
0x29b: {  	s8 =	sadd.s32 $0x10, s8;
	v37 =	vadd.s32 $0x700, v0;
	v13 =	vmovc v46;
	v8 =	vmovc v45;
	v11 =	vmov v41;
	v7 =	vmov v38;
	v36 =	vld.idx.msk [tilespmem:v3+s3+$0x0], $0xffff;
	[tilespmem:s4+$0xFFFFE700] =	vst v1  }
0x29c: {  	_ =	sdelay $0x2  }
0x29d: {  	[tilespmem:s6+$0xFFFFFC00] =	vst v34  }
0x29e: {  	[tilespmem:s6+$0xFFFFEC00] =	vst v32;
	v1 =	vld.idx.msk [tilespmem:v37+s3+$0x0], $0xffff  }
0x29f: {  	v2 =	vadd.s32 $0x720, v0;
	[tilespmem:s6+$0xFFFFF400] =	vst v35;
	v3 =	vld.idx.msk [tilespmem:v28+s3+$0x0], $0xffff  }
0x2a0: {  	v4 =	vld.idx.msk [tilespmem:v27+s3+$0x0], $0xffff;
	[tilespmem:s6+$0xFFFFE400] =	vst v36  }
0x2a1: {  	v5 =	vld.idx.msk [tilespmem:v23+s3+$0x0], $0xffff;
	_ =	sdelay $0x1  }
0x2a2: {  	[tilespmem:s6+$0xFFFFFC80] =	vst v1  }
0x2a3: {  	[tilespmem:s6+$0xFFFFEC80] =	vst v3;
	v1 =	vld.idx.msk [tilespmem:v2+s3+$0x0], $0xffff  }
0x2a4: {  	v52 =	vadd.s32 $0x740, v0;
	[tilespmem:s6+$0xFFFFF480] =	vst v4;
	v3 =	vld.idx.msk [tilespmem:v22+s3+$0x0], $0xffff  }
0x2a5: {  	v4 =	vld.idx.msk [tilespmem:v21+s3+$0x0], $0xffff;
	[tilespmem:s6+$0xFFFFE480] =	vst v5  }
0x2a6: {  	v5 =	vld.idx.msk [tilespmem:v16+s3+$0x0], $0xffff;
	_ =	sdelay $0x1  }
0x2a7: {  	[tilespmem:s6+$0xFFFFFD00] =	vst v1  }
0x2a8: {  	[tilespmem:s6+$0xFFFFED00] =	vst v3;
	v1 =	vld.idx.msk [tilespmem:v52+s3+$0x0], $0xffff  }
0x2a9: {  	v53 =	vadd.s32 $0x760, v0;
	[tilespmem:s6+$0xFFFFF500] =	vst v4;
	v3 =	vld.idx.msk [tilespmem:v20+s3+$0x0], $0xffff  }
0x2aa: {  	v4 =	vld.idx.msk [tilespmem:v19+s3+$0x0], $0xffff;
	[tilespmem:s6+$0xFFFFE500] =	vst v5  }
0x2ab: {  	v5 =	vld.idx.msk [tilespmem:v14+s3+$0x0], $0xffff;
	_ =	sdelay $0x1  }
0x2ac: {  	[tilespmem:s6+$0xFFFFFD80] =	vst v1  }
0x2ad: {  	[tilespmem:s6+$0xFFFFED80] =	vst v3;
	v1 =	vld.idx.msk [tilespmem:v53+s3+$0x0], $0xffff  }
0x2ae: {  	v54 =	vadd.s32 $0x780, v0;
	[tilespmem:s6+$0xFFFFF580] =	vst v4;
	v3 =	vld.idx.msk [tilespmem:v17+s3+$0x0], $0xffff  }
0x2af: {  	v4 =	vld.idx.msk [tilespmem:v18+s3+$0x0], $0xffff;
	[tilespmem:s6+$0xFFFFE580] =	vst v5  }
0x2b0: {  	v5 =	vld.idx.msk [tilespmem:v50+s3+$0x0], $0xffff;
	_ =	sdelay $0x1  }
0x2b1: {  	[tilespmem:s6+$0xFFFFFE00] =	vst v1  }
0x2b2: {  	[tilespmem:s6+$0xFFFFEE00] =	vst v3;
	v1 =	vld.idx.msk [tilespmem:v54+s3+$0x0], $0xffff  }
0x2b3: {  	v55 =	vadd.s32 $0x7A0, v0;
	[tilespmem:s6+$0xFFFFF600] =	vst v4;
	v3 =	vld.idx.msk [tilespmem:v15+s3+$0x0], $0xffff  }
0x2b4: {  	v4 =	vld.idx.msk [tilespmem:v47+s3+$0x0], $0xffff;
	[tilespmem:s6+$0xFFFFE600] =	vst v5  }
0x2b5: {  	v5 =	vld.idx.msk [tilespmem:v44+s3+$0x0], $0xffff  }
0x2b6: {  	[tilespmem:s0+$0xFFFFE800] =	vst v33  }
0x2b7: {  	[tilespmem:s6+$0xFFFFFE80] =	vst v1  }
0x2b8: {  	[tilespmem:s6+$0xFFFFEE80] =	vst v3;
	v1 =	vld.idx.msk [tilespmem:v55+s3+$0x0], $0xffff  }
0x2b9: {  	v56 =	vadd.s32 $0x7C0, v0;
	[tilespmem:s6+$0xFFFFF680] =	vst v4;
	v3 =	vld.idx.msk [tilespmem:v12+s3+$0x0], $0xffff  }
0x2ba: {  	v4 =	vld.idx.msk [tilespmem:v13+s3+$0x0], $0xffff;
	[tilespmem:s6+$0xFFFFE680] =	vst v5  }
0x2bb: {  	[tilespmem:s4+$0xFFFFEF80] =	vst v30;
	v5 =	vld.idx.msk [tilespmem:v11+s3+$0x0], $0xffff  }
0x2bc: {  	v6 =	vld.idx.msk [tilespmem:v39+s3+$0x0], $0xffff;
	[tilespmem:s4+$0xFFFFF780] =	vst v31  }
0x2bd: {  	v57 =	vld.idx.msk [tilespmem:v43+s3+$0x0], $0xffff;
	[tilespmem:s6+$0xFFFFFF00] =	vst v1  }
0x2be: {  	[tilespmem:s6+$0xFFFFEF00] =	vst v3;
	v1 =	vld.idx.msk [tilespmem:v56+s3+$0x0], $0xffff  }
0x2bf: {  	v58 =	vadd.s32 $0x7E0, v0;
	[tilespmem:s6+$0xFFFFF700] =	vst v4;
	v3 =	vld.idx.msk [tilespmem:v7+s3+$0x0], $0xffff  }
0x2c0: {  	v4 =	vld.idx.msk [tilespmem:v10+s3+$0x0], $0xffff;
	[tilespmem:s6+$0xFFFFE700] =	vst v5  }
0x2c1: {  	[tilespmem:s4+$0xFFFFE780] =	vst v6;
	v5 =	vld.idx.msk [tilespmem:v26+s3+$0x0], $0xffff  }
0x2c2: {  	v59 =	vld.idx.msk [tilespmem:v42+s3+$0x0], $0xffff;
	[tilespmem:s4+$0xFFFFF000] =	vst v57  }
0x2c3: {  	v60 =	vld.idx.msk [tilespmem:v40+s3+$0x0], $0xffff;
	[tilespmem:s6+$0xFFFFFF80] =	vst v1  }
0x2c4: {  	[tilespmem:s6+$0xFFFFEF80] =	vst v3;
	v0 =	vld.idx.msk [tilespmem:v58+s3+$0x0], $0xffff  }
0x2c5: {  	[tilespmem:s6+$0xFFFFF780] =	vst v4;
	v61 =	vld.idx.msk [tilespmem:v24+s3+$0x0], $0xffff  }
0x2c6: {  	v62 =	vld.idx.msk [tilespmem:v25+s3+$0x0], $0xffff;
	[tilespmem:s6+$0xFFFFE780] =	vst v5  }
0x2c7: {  	[tilespmem:s4+$0xFFFFF800] =	vst v59;
	v63 =	vld.idx.msk [tilespmem:v8+s3+$0x0], $0xffff  }
0x2c8: {  	s7 =	sadd.s32 s5, s1;
	[tilespmem:s4+$0xFFFFE800] =	vst v60  }
0x2c9: {  	s1 =	sshll.u32 s7, $0xA;
	[tilespmem:s6+$0x0] =	vst v0  }
0x2ca: {  	s0 =	sshll.u32 s7, $0x7;
	s1 =	sand.u32 $0x1FFF8000, s1;
	[tilespmem:s6+$0xFFFFF000] =	vst v61  }
0x2cb: {  	s0 =	sand.u32 $0xF80, s0;
	s1 =	sadd.s32 s2, s1;
	[tilespmem:s6+$0xFFFFF800] =	vst v62  }
0x2cc: {  	s0 =	sadd.s32 s0, s1;
	[tilespmem:s6+$0xFFFFE800] =	vst v63  }
0x2cd: {  	[hbm4b:s0+s3] =	stream.linear.scatter [tilespmem:s17], [sflag:$0x2], $0x400, $0x38;
	[tilespmem:$0xAC00] =	vst v63  }
0x2ce: {  	s1 =	sadd.s32 $0x1000, s0  }
0x2cf: {  	[hbm4b:s1+s3] =	stream.linear.scatter [tilespmem:s18], [sflag:$0x2], $0x400, $0x38;
	[tilespmem:$0xAC00] =	vst v63  }
0x2d0: {  	s8 =	sadd.s32 $0x2000, s0  }
0x2d1: {  	[hbm4b:s8+s3] =	stream.linear.scatter [tilespmem:s19], [sflag:$0x2], $0x400, $0x38;
	[tilespmem:$0xAC00] =	vst v63  }
0x2d2: {  	s4 =	sadd.s32 $0x3000, s0  }
0x2d3: {  	[hbm4b:s4+s3] =	stream.linear.scatter [tilespmem:s20], [sflag:$0x2], $0x400, $0x38;
	[tilespmem:$0xAC00] =	vst v63  }
0x2d4: {  	s31 =	sadd.s32 $0x1, s31;
	s6 =	sadd.s32 $0x4000, s0  }
0x2d5: {  	[hbm4b:s6+s3] =	stream.linear.scatter [tilespmem:s21], [sflag:$0x2], $0x400, $0x38;
	[tilespmem:$0xAC00] =	vst v63  }
0x2d6: {  	p0 =	sne.s32 s31, $0x64;
	s7 =	sadd.s32 $0x5000, s0  }
0x2d7: {  	[hbm4b:s7+s3] =	stream.linear.scatter [tilespmem:s22], [sflag:$0x2], $0x400, $0x38;
	[tilespmem:$0xAC00] =	vst v63  }
.Ltmp2:
0x2d8: {  	_ = 	snop;
	(pc) =	sbr.rel @p0 .LBB2_2-.Ltmp2, $4  }
0x2d9: {  	s8 =	sadd.s32 $0x6000, s0  }
0x2da: {  	[hbm4b:s8+s3] =	stream.linear.scatter [tilespmem:s23], [sflag:$0x2], $0x400, $0x38;
	[tilespmem:$0xAC00] =	vst v63  }
0x2db: {  	s29 =	sadd.s32 $0x100, s29;
	s30 =	sadd.s32 $0x100, s30;
	s0 =	sadd.s32 $0x7000, s0  }
0x2dc: {  	[hbm4b:s0+s3] =	stream.linear.scatter [tilespmem:s24], [sflag:$0x2], $0x400, $0x38;
	[tilespmem:$0xAC00] =	vst v63  }
0x2dd: {  	_ =	swait.ge [sflag:s25], $0x400  }
0x2de: {  	[sflag:s25] =	ssyncset.done $0x0  }
0x2df: {  	[sflag:s25] =	ssyncadd.s32 $0xFFFFFC00  }
0x2e0: {  	_ =	swait.ge [sflag:s25], $0x400  }
0x2e1: {  	[sflag:s25] =	ssyncset.done $0x0  }
0x2e2: {  	[sflag:s25] =	ssyncadd.s32 $0xFFFFFC00  }
0x2e3: {  	_ =	swait.ge [sflag:s25], $0x400  }
0x2e4: {  	[sflag:s25] =	ssyncset.done $0x0  }
0x2e5: {  	[sflag:s25] =	ssyncadd.s32 $0xFFFFFC00  }
0x2e6: {  	_ =	swait.ge [sflag:s25], $0x400  }
0x2e7: {  	[sflag:s25] =	ssyncset.done $0x0  }
0x2e8: {  	[sflag:s25] =	ssyncadd.s32 $0xFFFFFC00  }
0x2e9: {  	_ =	swait.ge [sflag:s25], $0x400  }
0x2ea: {  	[sflag:s25] =	ssyncset.done $0x0  }
0x2eb: {  	[sflag:s25] =	ssyncadd.s32 $0xFFFFFC00  }
0x2ec: {  	_ =	swait.ge [sflag:s25], $0x400  }
0x2ed: {  	[sflag:s25] =	ssyncset.done $0x0  }
0x2ee: {  	[sflag:s25] =	ssyncadd.s32 $0xFFFFFC00  }
0x2ef: {  	_ =	swait.ge [sflag:s25], $0x400  }
0x2f0: {  	[sflag:s25] =	ssyncset.done $0x0  }
0x2f1: {  	[sflag:s25] =	ssyncadd.s32 $0xFFFFFC00  }
0x2f2: {  	_ =	swait.ge [sflag:s25], $0x400  }
0x2f3: {  	[sflag:s25] =	ssyncset.done $0x0  }
0x2f4: {  	[sflag:s25] =	ssyncadd.s32 $0xFFFFFC00  }
0x2f5: {  	_ =	swait.ge [sflag:s26], $0x400  }
0x2f6: {  	[sflag:s26] =	ssyncset.done $0x0  }
0x2f7: {  	[sflag:s26] =	ssyncadd.s32 $0xFFFFFC00  }
0x2f8: {  	_ =	swait.ge [sflag:s26], $0x400  }
0x2f9: {  	[sflag:s26] =	ssyncset.done $0x0  }
0x2fa: {  	[sflag:s26] =	ssyncadd.s32 $0xFFFFFC00  }
0x2fb: {  	_ =	swait.ge [sflag:s26], $0x400  }
0x2fc: {  	[sflag:s26] =	ssyncset.done $0x0  }
0x2fd: {  	[sflag:s26] =	ssyncadd.s32 $0xFFFFFC00  }
0x2fe: {  	_ =	swait.ge [sflag:s26], $0x400  }
0x2ff: {  	[sflag:s26] =	ssyncset.done $0x0  }
0x300: {  	[sflag:s26] =	ssyncadd.s32 $0xFFFFFC00  }
0x301: {  	_ =	swait.ge [sflag:s26], $0x400  }
0x302: {  	[sflag:s26] =	ssyncset.done $0x0  }
0x303: {  	[sflag:s26] =	ssyncadd.s32 $0xFFFFFC00  }
0x304: {  	_ =	swait.ge [sflag:s26], $0x400  }
0x305: {  	[sflag:s26] =	ssyncset.done $0x0  }
0x306: {  	[sflag:s26] =	ssyncadd.s32 $0xFFFFFC00  }
0x307: {  	_ =	swait.ge [sflag:s26], $0x400  }
0x308: {  	[sflag:s26] =	ssyncset.done $0x0  }
0x309: {  	[sflag:s26] =	ssyncadd.s32 $0xFFFFFC00  }
0x30a: {  	_ =	swait.ge [sflag:s26], $0x400  }
0x30b: {  	s28 =	sadd.s32 $0x1, s28;
	s0 =	rddreg [dreg:$0x5]  }
0x30c: {  	p0 =	sne.s32 s28, s0  }
.Ltmp3:
0x30d: {  	_ = 	snop;
	(pc) =	sbr.rel @p0 .LBB2_1-.Ltmp3, $3  }
0x30e: {  	_ =	sdelay $0x1  }
0x30f: {  	[sflag:s26] =	ssyncset.done $0x0  }
0x310: {  	[sflag:s26] =	ssyncadd.s32 $0xFFFFFC00  }
0x311: {  	_ =	sfence.sel $0x180000  }
0x312: {  	[bflag:$0x0] =	sbarrier.arrive $0xFFFF  }
0x313: {  	_ =	strace $0x90000047  }
0x314: {  	s0 =	stileid.u32;
	[bflag:$0x2] =	sbarrier.arrive $0xFFFF  }
0x315: {  	p0 =	sne.s32 s0, $0x0;
	s0 =	rddreg [dreg:$0x2]  }
0x316: {  	s0 =	sadd.s32 @!p0 $0x100000, s0  }
0x317: {  	[sflag:s0] =	ssyncadd.tile.s32 @!p0 $0x1;
	_ =	shalt  }
.Lfunc_end2:
_tile_overlayer_lowered:
.L_overlay_start_2:
0x318: {  	(tag) =	ssettag $0x2  }
0x319: {  	s0 =	rddreg [dreg:$0x0];
	s2 =	stileid.u32  }
0x31a: {  	s1 =	rddreg [dreg:$0x1];
	p0 =	sne.s32 s2, $0x0  }
0x31b: {  	s3 =	rddreg [dreg:$0x2];
	[bflag:$0x3] =	sbarrier.arrive $0xFFFF;
	s2 =	simm.s32 @!p0 $0x1C03  }
0x31c: {  	[timem:s3], [sflag:s2] =	dma.local @!p0 [hbm:s0], s1  }
0x31d: {  	s0 =	simm.s32 @!p0 $0x3  }
0x31e: {  	_ =	swait.ge @!p0 [sflag:s0], s1  }
0x31f: {  	s1 =	ssub.s32 @!p0 $0x0, s1;
	[sflag:s0] =	ssyncset.done @!p0 $0x0  }
0x320: {  	[sflag:s0] =	ssyncadd.s32 @!p0 s1  }
0x321: {  	[bflag:$0x3] =	sbarrier.arrive $0xFFFF  }
0x322: {  	_ =	shalt  }

</sc_bundles>
